<compile_context>
chip_gen: v7x
topology: tpu7x:2x2x1
jax: 0.10.2.dev20260603
libtpu: 0.0.44.dev20260713+nightly
codegen_flags: <defaults>
</compile_context>

<pallas_src>
import functools

import jax
import jax.numpy as jnp
from jax import lax
from jax.experimental import pallas as pl
from jax.experimental.pallas import tpu as pltpu
from jax.experimental.pallas import tpu_sc as plsc




def _pre_stage(x, W, al, ar):
    N = x.shape[0]
    Dh = W.shape[1]

    def body(x_ref, w_ref, al_ref, ar_ref, feat_ref, el_ref, er_ref):
        feat = jnp.dot(x_ref[...], w_ref[...], preferred_element_type=jnp.float32)
        feat_ref[...] = feat
        el_ref[...] = jnp.sum(feat * al_ref[...], axis=1)
        er_ref[...] = jnp.sum(feat * ar_ref[...], axis=1)

    return pl.pallas_call(
        body,
        out_shape=[
            jax.ShapeDtypeStruct((N, Dh), jnp.float32),
            jax.ShapeDtypeStruct((N,), jnp.float32),
            jax.ShapeDtypeStruct((N,), jnp.float32),
        ],
    )(x, W, al, ar)


def _bn(h, gamma, beta, eps=1e-5):
    m = jnp.mean(h, axis=0, keepdims=True)
    v = jnp.mean((h - m) ** 2, axis=0, keepdims=True)
    return (h - m) / jnp.sqrt(v + eps) * gamma + beta


def _mid_stage(accf, accw, N, b1, gamma, beta, W2, al2, ar2):
    D = b1.shape[1]
    Do = W2.shape[1]

    def body(accf_ref, accw_ref, b_ref, g_ref, be_ref, w_ref, al_ref, ar_ref,
             feat_ref, el_ref, er_ref):
        a = accf_ref[0, :N] + accf_ref[1, :N]
        denom = accw_ref[0, :N, 0:1] + accw_ref[1, :N, 0:1]
        denom = jnp.where(denom == 0.0, 1.0, denom)
        rst = a / denom + b_ref[...]
        h = jnp.where(rst > 0, rst, jnp.exp(jnp.minimum(rst, 0.0)) - 1.0)
        h = _bn(h, g_ref[...], be_ref[...])
        h = _bn(h, g_ref[...], be_ref[...])
        feat = jnp.dot(h, w_ref[...], preferred_element_type=jnp.float32)
        feat_ref[...] = feat
        el_ref[...] = jnp.sum(feat * al_ref[...], axis=1)
        er_ref[...] = jnp.sum(feat * ar_ref[...], axis=1)

    return pl.pallas_call(
        body,
        out_shape=[
            jax.ShapeDtypeStruct((N, Do), jnp.float32),
            jax.ShapeDtypeStruct((N,), jnp.float32),
            jax.ShapeDtypeStruct((N,), jnp.float32),
        ],
    )(accf, accw, b1, gamma, beta, W2, al2, ar2)


def _final_stage(accf, accw, N, b2):
    D = b2.shape[1]

    def body(accf_ref, accw_ref, b_ref, out_ref):
        a = accf_ref[0, :N] + accf_ref[1, :N]
        denom = accw_ref[0, :N, 0:1] + accw_ref[1, :N, 0:1]
        denom = jnp.where(denom == 0.0, 1.0, denom)
        out_ref[...] = a / denom + b_ref[...]

    return pl.pallas_call(
        body,
        out_shape=jax.ShapeDtypeStruct((N, D), jnp.float32),
    )(accf, accw, b2)




@functools.cache
def _make_edge_kernel(N, Np, E, D, K):
    NBUF = 3
    info = plsc.get_sparse_core_info()
    NC, NS = info.num_cores, info.num_subcores
    NW = NC * NS
    EPT = E // NW
    assert E % NW == 0 and EPT % K == 0 and K % 16 == 0
    NCHUNK = EPT // K
    RPT = Np // NS
    assert Np % NS == 0 and RPT % 8 == 0 and RPT % K == 0
    mesh = plsc.VectorSubcoreMesh(core_axis_name="c", subcore_axis_name="s")

    buf_types = []
    for _ in range(NBUF):
        buf_types += [
            pltpu.VMEM((K,), jnp.int32),
            pltpu.VMEM((K,), jnp.int32),
            pltpu.VMEM((K, D), jnp.float32),
            pltpu.VMEM((K,), jnp.float32),
            pltpu.VMEM((K,), jnp.float32),
            pltpu.VMEM((K, 16), jnp.float32),
            pltpu.SemaphoreType.DMA,
            pltpu.SemaphoreType.DMA,
        ]

    @functools.partial(
        pl.kernel,
        mesh=mesh,
        compiler_params=pltpu.CompilerParams(
            use_tc_tiling_on_sc=False, needs_layout_passes=False),
        out_type=(jax.ShapeDtypeStruct((NC, Np, D), jnp.float32),
                  jax.ShapeDtypeStruct((NC, Np, 16), jnp.float32)),
        scratch_types=buf_types + [
            pltpu.VMEM_SHARED((Np, D), jnp.float32),
            pltpu.VMEM_SHARED((Np, 16), jnp.float32),
        ],
    )
    def edge_kernel(src_h, dst_h, feat_h, el_h, er_h, outf_h, outw_h, *scr):
        bufs = [scr[i * 8:(i + 1) * 8] for i in range(NBUF)]
        accf, accw = scr[NBUF * 8], scr[NBUF * 8 + 1]
        cid = lax.axis_index("c")
        sid = lax.axis_index("s")
        tid = cid * NS + sid
        zeros16 = jnp.zeros((16,), jnp.float32)

        rows0, wbr0 = bufs[0][2], bufs[0][5]

        def zrow(i, carry):
            for j in range(D // 16):
                rows0[i, pl.ds(j * 16, 16)] = zeros16
            wbr0[i, pl.ds(0, 16)] = zeros16
            return carry

        lax.fori_loop(0, K, zrow, 0)
        for q in range(RPT // K):
            pltpu.sync_copy(rows0, accf.at[pl.ds(sid * RPT + q * K, K)])
            pltpu.sync_copy(wbr0, accw.at[pl.ds(sid * RPT + q * K, K)])
        plsc.subcore_barrier()

        def issue_gathers(b, ci):
            sidx, didx, rows, els, erd, wbr, gsem, ssem = bufs[b]
            base = tid * EPT + ci * K
            pltpu.async_copy(src_h.at[pl.ds(base, K)], sidx, gsem)
            pltpu.async_copy(dst_h.at[pl.ds(base, K)], didx, gsem)

        def wait_idx_and_fetch(b):
            sidx, didx, rows, els, erd, wbr, gsem, ssem = bufs[b]
            pltpu.make_async_copy(src_h.at[pl.ds(0, K)], sidx, gsem).wait()
            pltpu.make_async_copy(dst_h.at[pl.ds(0, K)], didx, gsem).wait()
            pltpu.async_copy(feat_h.at[sidx], rows, gsem)
            pltpu.async_copy(el_h.at[sidx], els, gsem)
            pltpu.async_copy(er_h.at[didx], erd, gsem)

        def wait_gathers(b):
            sidx, didx, rows, els, erd, wbr, gsem, ssem = bufs[b]
            pltpu.make_async_copy(feat_h.at[sidx], rows, gsem).wait()
            pltpu.make_async_copy(el_h.at[sidx], els, gsem).wait()
            pltpu.make_async_copy(er_h.at[didx], erd, gsem).wait()

        def compute(b):
            sidx, didx, rows, els, erd, wbr, gsem, ssem = bufs[b]
            for g in range(K // 16):
                e = els[pl.ds(g * 16, 16)] + erd[pl.ds(g * 16, 16)]
                e = jnp.where(e >= 0.0, e, e * 0.2)
                els[pl.ds(g * 16, 16)] = jnp.exp(e)

            @plsc.parallel_loop(0, K, 1, unroll=4)
            def edge(k):
                wv = plsc.load_gather(els, [jnp.full((16,), k, jnp.int32)])
                for j in range(D // 16):
                    rows[k, pl.ds(j * 16, 16)] = rows[k, pl.ds(j * 16, 16)] * wv
                wbr[k, pl.ds(0, 16)] = wv

        def issue_scatter(b):
            sidx, didx, rows, els, erd, wbr, gsem, ssem = bufs[b]
            pltpu.async_copy(rows, accf.at[didx], ssem, add=True)
            pltpu.async_copy(wbr, accw.at[didx], ssem, add=True)

        def wait_scatter(b):
            sidx, didx, rows, els, erd, wbr, gsem, ssem = bufs[b]
            pltpu.make_async_copy(rows, accf.at[didx], ssem).wait()
            pltpu.make_async_copy(wbr, accw.at[didx], ssem).wait()

        issue_gathers(0, 0)
        issue_gathers(1, 1)
        wait_idx_and_fetch(0)
        wait_idx_and_fetch(1)

        def body(ci, carry):
            for r in range(NBUF):
                @pl.when(ci % NBUF == r)
                def _():
                    wait_gathers(r)
                    compute(r)
                    issue_scatter(r)
                    nb = (r + 2) % NBUF

                    @pl.when(ci + 2 < NCHUNK)
                    def _():
                        @pl.when(ci >= 1)
                        def _():
                            wait_scatter(nb)

                        issue_gathers(nb, ci + 2)
                        wait_idx_and_fetch(nb)
            return carry

        assert NCHUNK >= NBUF
        lax.fori_loop(0, NCHUNK, body, 0)
        for r in range(NBUF):
            wait_scatter(r)
        plsc.subcore_barrier()

        pltpu.sync_copy(accf.at[pl.ds(sid * RPT, RPT)],
                        outf_h.at[cid, pl.ds(sid * RPT, RPT)])
        pltpu.sync_copy(accw.at[pl.ds(sid * RPT, RPT)],
                        outw_h.at[cid, pl.ds(sid * RPT, RPT)])

    return edge_kernel




def kernel(x, edge_index, W1, al1, ar1, b1, gamma, beta, W2, al2, ar2, b2):
    N, Din = x.shape
    E = edge_index.shape[1]
    Dh = W1.shape[1]
    Do = W2.shape[1]

    src = edge_index[0].astype(jnp.int32)
    dst = edge_index[1].astype(jnp.int32)

    Np = ((N + 2047) // 2048) * 2048

    feat1, el1, er1 = _pre_stage(x, W1, al1, ar1)

    acc1f, acc1w = _make_edge_kernel(N, Np, E, Dh, 80)(src, dst, feat1, el1, er1)

    feat2, el2, er2 = _mid_stage(acc1f, acc1w, N, b1.reshape(1, Dh),
                                 gamma.reshape(1, Dh), beta.reshape(1, Dh),
                                 W2, al2, ar2)

    acc2f, acc2w = _make_edge_kernel(N, Np, E, Do, 80)(src, dst, feat2, el2, er2)

    return _final_stage(acc2f, acc2w, N, b2.reshape(1, Do))

# --- scband reference (transcript-rebuilt; emitter-appended) ---
"""Pipeline reference for scband-gatencoder-15934328668575 (READ-ONLY COPY).

The authoritative reference and input builder live on the scoring server;
editing this copy changes nothing except your own understanding.
"""

import jax, jax.numpy as jnp
import numpy as np

N = 10000
E = 320000
D_IN = 128
H = 1
D_HID = 128
D_OUT = 64


def setup_inputs(seed: int = 0) -> dict:
    key = jax.random.key(seed)
    ks = jax.random.split(key, 12)
    x = jax.random.normal(ks[0], (N, D_IN), dtype=jnp.float32)
    edge_index = jax.random.randint(ks[1], (2, E), 0, N)
    W1 = jax.random.normal(ks[2], (D_IN, H * D_HID), dtype=jnp.float32) * 0.05
    al1 = jax.random.normal(ks[3], (H, D_HID), dtype=jnp.float32) * 0.05
    ar1 = jax.random.normal(ks[4], (H, D_HID), dtype=jnp.float32) * 0.05
    b1 = jnp.zeros((H * D_HID,), dtype=jnp.float32)
    gamma = jnp.ones((D_HID,), dtype=jnp.float32)
    beta = jnp.zeros((D_HID,), dtype=jnp.float32)
    W2 = jax.random.normal(ks[5], (D_HID, H * D_OUT), dtype=jnp.float32) * 0.05
    al2 = jax.random.normal(ks[6], (H, D_OUT), dtype=jnp.float32) * 0.05
    ar2 = jax.random.normal(ks[7], (H, D_OUT), dtype=jnp.float32) * 0.05
    b2 = jnp.zeros((H * D_OUT,), dtype=jnp.float32)
    return {"x": x, "edge_index": edge_index, "W1": W1, "al1": al1, "ar1": ar1, "b1": b1,
            "gamma": gamma, "beta": beta, "W2": W2, "al2": al2, "ar2": ar2, "b2": b2}


def _gat_conv(x, src, dst, W, al, ar, b, heads, out_feats, apply_elu):
    # DGL GATConv semantics (shared fc for src/dst on homogeneous graph)
    feat = (x @ W).reshape(-1, heads, out_feats)              # [N, H, h]
    el = jnp.sum(feat * al[None, :, :], axis=-1)               # [N, H]
    er = jnp.sum(feat * ar[None, :, :], axis=-1)               # [N, H]
    e = el[src] + er[dst]                                      # [E, H]
    e = jax.nn.leaky_relu(e, negative_slope=0.2)
    # edge softmax over incoming edges of each dst node
    emax = jax.ops.segment_max(e, dst, num_segments=N)
    emax = jnp.where(jnp.isfinite(emax), emax, 0.0)
    emax = jax.lax.stop_gradient(emax)
    ee = jnp.exp(e - emax[dst])                                # [E, H]
    denom = jax.ops.segment_sum(ee, dst, num_segments=N)       # [N, H]
    a = ee / jnp.where(denom[dst] == 0.0, 1.0, denom[dst])     # [E, H]
    msg = feat[src] * a[:, :, None]                            # [E, H, h]
    rst = jax.ops.segment_sum(msg, dst, num_segments=N)        # [N, H, h]
    rst = rst + b.reshape(1, heads, out_feats)
    if apply_elu:
        rst = jax.nn.elu(rst)
    return rst


def _bn(x, gamma, beta, eps=1e-5):
    mean = jnp.mean(x, axis=0)
    var = jnp.mean((x - mean) ** 2, axis=0)  # biased variance (train-mode BN)
    return (x - mean) / jnp.sqrt(var + eps) * gamma + beta


def reference(x, edge_index, W1, al1, ar1, b1, gamma, beta, W2, al2, ar2, b2):
    src = edge_index[0]
    dst = edge_index[1]
    h = _gat_conv(x, src, dst, W1, al1, ar1, b1, H, D_HID, True)   # [N, H, D_HID]
    h = jnp.sum(h, axis=1)                                          # [N, D_HID]
    # original torch code applies the same BatchNorm layer TWICE (and never the ELU) -- kept faithfully
    h = _bn(h, gamma, beta)
    h = _bn(h, gamma, beta)
    out = _gat_conv(h, src, dst, W2, al2, ar2, b2, H, D_OUT, False)  # [N, H, D_OUT]
    mean = jnp.sum(out, axis=1)                                      # [N, D_OUT]
    return mean

if __name__ == "__main__":
    import jax
    _d = setup_inputs()
    print(jax.jit(kernel)(*tuple(_d.values())))

</pallas_src>

<mosaic_0001>
#map = affine_map<(d0, d1) -> (0)>
#map1 = affine_map<(d0, d1) -> (0, 0)>
#map2 = affine_map<(d0, d1) -> (0, 0, 0)>
module attributes {stable_mosaic.version = 14 : i64} {
  func.func @edge_kernel(%arg0: i32, %arg1: i32, %arg2: memref<320000xi32, #tpu.memory_space<hbm>>, %arg3: memref<320000xi32, #tpu.memory_space<hbm>>, %arg4: memref<10000x128xf32, #tpu.memory_space<hbm>>, %arg5: memref<10000xf32, #tpu.memory_space<hbm>>, %arg6: memref<10000xf32, #tpu.memory_space<hbm>>, %arg7: memref<2x10240x128xf32, #tpu.memory_space<hbm>>, %arg8: memref<2x10240x16xf32, #tpu.memory_space<hbm>>, %arg9: memref<80xi32, #tpu.memory_space<vmem>>, %arg10: memref<80xi32, #tpu.memory_space<vmem>>, %arg11: memref<80x128xf32, #tpu.memory_space<vmem>>, %arg12: memref<80xf32, #tpu.memory_space<vmem>>, %arg13: memref<80xf32, #tpu.memory_space<vmem>>, %arg14: memref<80x16xf32, #tpu.memory_space<vmem>>, %arg15: memref<!tpu.dma_semaphore, #tpu.memory_space<semaphore_mem>>, %arg16: memref<!tpu.dma_semaphore, #tpu.memory_space<semaphore_mem>>, %arg17: memref<80xi32, #tpu.memory_space<vmem>>, %arg18: memref<80xi32, #tpu.memory_space<vmem>>, %arg19: memref<80x128xf32, #tpu.memory_space<vmem>>, %arg20: memref<80xf32, #tpu.memory_space<vmem>>, %arg21: memref<80xf32, #tpu.memory_space<vmem>>, %arg22: memref<80x16xf32, #tpu.memory_space<vmem>>, %arg23: memref<!tpu.dma_semaphore, #tpu.memory_space<semaphore_mem>>, %arg24: memref<!tpu.dma_semaphore, #tpu.memory_space<semaphore_mem>>, %arg25: memref<80xi32, #tpu.memory_space<vmem>>, %arg26: memref<80xi32, #tpu.memory_space<vmem>>, %arg27: memref<80x128xf32, #tpu.memory_space<vmem>>, %arg28: memref<80xf32, #tpu.memory_space<vmem>>, %arg29: memref<80xf32, #tpu.memory_space<vmem>>, %arg30: memref<80x16xf32, #tpu.memory_space<vmem>>, %arg31: memref<!tpu.dma_semaphore, #tpu.memory_space<semaphore_mem>>, %arg32: memref<!tpu.dma_semaphore, #tpu.memory_space<semaphore_mem>>, %arg33: memref<10240x128xf32, #tpu.memory_space<vmem_shared>>, %arg34: memref<10240x16xf32, #tpu.memory_space<vmem_shared>>) attributes {dimension_semantics = [#tpu.dimension_semantics<core_parallel>, #tpu.dimension_semantics<subcore_parallel>], iteration_bounds = array<i64: 2, 16>, scalar_prefetch = 0 : i64, scratch_operands = 26 : i64, tpu.core_type = #tpu.core_type<sc_vector_subcore>, window_params = [{transform_indices = #map}, {transform_indices = #map}, {transform_indices = #map1}, {transform_indices = #map}, {transform_indices = #map}, {transform_indices = #map2}, {transform_indices = #map2}]} {
    %mul3A = arith.constant 16 : i32
    %mul3A_0 = arith.muli %arg0, %mul3A : i32
    %add3A = arith.addi %mul3A_0, %arg1 : i32
    %broadcast_in_dim3A = arith.constant 0.000000e+00 : f32
    %broadcast_in_dim3A_1 = vector.broadcast %broadcast_in_dim3A : f32 to vector<16xf32>
    %scan3A = arith.constant 0 : i32
    %scan3A_2 = arith.constant 0 : i32
    %scan3A_3 = arith.constant 80 : i32
    %scan3A_4 = arith.addi %scan3A_2, %scan3A_3 : i32
    %scan3A_5 = arith.constant 1 : i32
    scf.for %scan3A_148 = %scan3A_2 to %scan3A_4 step %scan3A_5  : i32 {
      %swap3A = arith.index_cast %scan3A_148 : i32 to index
      %swap3A_149 = arith.constant 0 : index
      %swap3A_150 = tpu.vector_load %arg11[%swap3A, %swap3A_149] {strides = array<i32>} : memref<80x128xf32, #tpu.memory_space<vmem>>, vector<16xf32>,
      tpu.vector_store %arg11[%swap3A, %swap3A_149], %broadcast_in_dim3A_1 {strides = array<i32>} : memref<80x128xf32, #tpu.memory_space<vmem>>, vector<16xf32>,
      %swap3A_151 = arith.index_cast %scan3A_148 : i32 to index
      %swap3A_152 = arith.constant 16 : index
      %swap3A_153 = tpu.vector_load %arg11[%swap3A_151, %swap3A_152] {strides = array<i32>} : memref<80x128xf32, #tpu.memory_space<vmem>>, vector<16xf32>,
      tpu.vector_store %arg11[%swap3A_151, %swap3A_152], %broadcast_in_dim3A_1 {strides = array<i32>} : memref<80x128xf32, #tpu.memory_space<vmem>>, vector<16xf32>,
      %swap3A_154 = arith.index_cast %scan3A_148 : i32 to index
      %swap3A_155 = arith.constant 32 : index
      %swap3A_156 = tpu.vector_load %arg11[%swap3A_154, %swap3A_155] {strides = array<i32>} : memref<80x128xf32, #tpu.memory_space<vmem>>, vector<16xf32>,
      tpu.vector_store %arg11[%swap3A_154, %swap3A_155], %broadcast_in_dim3A_1 {strides = array<i32>} : memref<80x128xf32, #tpu.memory_space<vmem>>, vector<16xf32>,
      %swap3A_157 = arith.index_cast %scan3A_148 : i32 to index
      %swap3A_158 = arith.constant 48 : index
      %swap3A_159 = tpu.vector_load %arg11[%swap3A_157, %swap3A_158] {strides = array<i32>} : memref<80x128xf32, #tpu.memory_space<vmem>>, vector<16xf32>,
      tpu.vector_store %arg11[%swap3A_157, %swap3A_158], %broadcast_in_dim3A_1 {strides = array<i32>} : memref<80x128xf32, #tpu.memory_space<vmem>>, vector<16xf32>,
      %swap3A_160 = arith.index_cast %scan3A_148 : i32 to index
      %swap3A_161 = arith.constant 64 : index
      %swap3A_162 = tpu.vector_load %arg11[%swap3A_160, %swap3A_161] {strides = array<i32>} : memref<80x128xf32, #tpu.memory_space<vmem>>, vector<16xf32>,
      tpu.vector_store %arg11[%swap3A_160, %swap3A_161], %broadcast_in_dim3A_1 {strides = array<i32>} : memref<80x128xf32, #tpu.memory_space<vmem>>, vector<16xf32>,
      %swap3A_163 = arith.index_cast %scan3A_148 : i32 to index
      %swap3A_164 = arith.constant 80 : index
      %swap3A_165 = tpu.vector_load %arg11[%swap3A_163, %swap3A_164] {strides = array<i32>} : memref<80x128xf32, #tpu.memory_space<vmem>>, vector<16xf32>,
      tpu.vector_store %arg11[%swap3A_163, %swap3A_164], %broadcast_in_dim3A_1 {strides = array<i32>} : memref<80x128xf32, #tpu.memory_space<vmem>>, vector<16xf32>,
      %swap3A_166 = arith.index_cast %scan3A_148 : i32 to index
      %swap3A_167 = arith.constant 96 : index
      %swap3A_168 = tpu.vector_load %arg11[%swap3A_166, %swap3A_167] {strides = array<i32>} : memref<80x128xf32, #tpu.memory_space<vmem>>, vector<16xf32>,
      tpu.vector_store %arg11[%swap3A_166, %swap3A_167], %broadcast_in_dim3A_1 {strides = array<i32>} : memref<80x128xf32, #tpu.memory_space<vmem>>, vector<16xf32>,
      %swap3A_169 = arith.index_cast %scan3A_148 : i32 to index
      %swap3A_170 = arith.constant 112 : index
      %swap3A_171 = tpu.vector_load %arg11[%swap3A_169, %swap3A_170] {strides = array<i32>} : memref<80x128xf32, #tpu.memory_space<vmem>>, vector<16xf32>,
      tpu.vector_store %arg11[%swap3A_169, %swap3A_170], %broadcast_in_dim3A_1 {strides = array<i32>} : memref<80x128xf32, #tpu.memory_space<vmem>>, vector<16xf32>,
      %swap3A_172 = arith.index_cast %scan3A_148 : i32 to index
      %swap3A_173 = arith.constant 0 : index
      %swap3A_174 = tpu.vector_load %arg14[%swap3A_172, %swap3A_173] {strides = array<i32>} : memref<80x16xf32, #tpu.memory_space<vmem>>, vector<16xf32>,
      tpu.vector_store %arg14[%swap3A_172, %swap3A_173], %broadcast_in_dim3A_1 {strides = array<i32>} : memref<80x16xf32, #tpu.memory_space<vmem>>, vector<16xf32>,
    }
    %scan3A_6 = arith.constant 80 : i32
    %mul3A_7 = arith.constant 640 : i32
    %mul3A_8 = arith.muli %arg1, %mul3A_7 : i32
    %add3A_9 = arith.constant 0 : i32
    %add3A_10 = arith.addi %mul3A_8, %add3A_9 : i32
    "tpu.region"() ({
      %run_scoped3A = tpu.sem_alloc : memref<!tpu.dma_semaphore, #tpu.memory_space<semaphore_mem>>
      %dma_start3A_148 = arith.constant 0 : i32
      %dma_start3A_149 = tpu.memref_slice %arg33[%add3A_10, %dma_start3A_148] : memref<10240x128xf32, #tpu.memory_space<vmem_shared>> -> memref<80x128xf32, #tpu.memory_space<vmem_shared>>
      %dma_start3A_150 = arith.constant 0 : i32
      %dma_start3A_151 = tpu.memref_slice %arg33[%add3A_10, %dma_start3A_150] : memref<10240x128xf32, #tpu.memory_space<vmem_shared>> -> memref<80x128xf32, #tpu.memory_space<vmem_shared>>
      tpu.enqueue_dma source(%arg11 : memref<80x128xf32, #tpu.memory_space<vmem>>) target(%dma_start3A_151 : memref<80x128xf32, #tpu.memory_space<vmem_shared>>) target_semaphore(%run_scoped3A : memref<!tpu.dma_semaphore, #tpu.memory_space<semaphore_mem>>)
      %dma_wait3A_152 = arith.constant 0 : i32
      %dma_wait3A_153 = tpu.memref_slice %arg33[%add3A_10, %dma_wait3A_152] : memref<10240x128xf32, #tpu.memory_space<vmem_shared>> -> memref<80x128xf32, #tpu.memory_space<vmem_shared>>
      %dma_wait3A_154 = arith.constant 0 : i32
      %dma_wait3A_155 = tpu.memref_slice %arg33[%add3A_10, %dma_wait3A_154] : memref<10240x128xf32, #tpu.memory_space<vmem_shared>> -> memref<80x128xf32, #tpu.memory_space<vmem_shared>>
      tpu.wait_dma2 semaphore(%run_scoped3A : memref<!tpu.dma_semaphore, #tpu.memory_space<semaphore_mem>>) src(%arg11 : memref<80x128xf32, #tpu.memory_space<vmem>>) dst(%dma_wait3A_155 : memref<80x128xf32, #tpu.memory_space<vmem_shared>>)
      tpu.yield
    }) : () -> ()
    %mul3A_11 = arith.constant 640 : i32
    %mul3A_12 = arith.muli %arg1, %mul3A_11 : i32
    %add3A_13 = arith.constant 0 : i32
    %add3A_14 = arith.addi %mul3A_12, %add3A_13 : i32
    "tpu.region"() ({
      %run_scoped3A = tpu.sem_alloc : memref<!tpu.dma_semaphore, #tpu.memory_space<semaphore_mem>>
      %dma_start3A_148 = arith.constant 0 : i32
      %dma_start3A_149 = tpu.memref_slice %arg34[%add3A_14, %dma_start3A_148] : memref<10240x16xf32, #tpu.memory_space<vmem_shared>> -> memref<80x16xf32, #tpu.memory_space<vmem_shared>>
      %dma_start3A_150 = arith.constant 0 : i32
      %dma_start3A_151 = tpu.memref_slice %arg34[%add3A_14, %dma_start3A_150] : memref<10240x16xf32, #tpu.memory_space<vmem_shared>> -> memref<80x16xf32, #tpu.memory_space<vmem_shared>>
      tpu.enqueue_dma source(%arg14 : memref<80x16xf32, #tpu.memory_space<vmem>>) target(%dma_start3A_151 : memref<80x16xf32, #tpu.memory_space<vmem_shared>>) target_semaphore(%run_scoped3A : memref<!tpu.dma_semaphore, #tpu.memory_space<semaphore_mem>>)
      %dma_wait3A_152 = arith.constant 0 : i32
      %dma_wait3A_153 = tpu.memref_slice %arg34[%add3A_14, %dma_wait3A_152] : memref<10240x16xf32, #tpu.memory_space<vmem_shared>> -> memref<80x16xf32, #tpu.memory_space<vmem_shared>>
      %dma_wait3A_154 = arith.constant 0 : i32
      %dma_wait3A_155 = tpu.memref_slice %arg34[%add3A_14, %dma_wait3A_154] : memref<10240x16xf32, #tpu.memory_space<vmem_shared>> -> memref<80x16xf32, #tpu.memory_space<vmem_shared>>
      tpu.wait_dma2 semaphore(%run_scoped3A : memref<!tpu.dma_semaphore, #tpu.memory_space<semaphore_mem>>) src(%arg14 : memref<80x16xf32, #tpu.memory_space<vmem>>) dst(%dma_wait3A_155 : memref<80x16xf32, #tpu.memory_space<vmem_shared>>)
      tpu.yield
    }) : () -> ()
    %mul3A_15 = arith.constant 640 : i32
    %mul3A_16 = arith.muli %arg1, %mul3A_15 : i32
    %add3A_17 = arith.constant 80 : i32
    %add3A_18 = arith.addi %mul3A_16, %add3A_17 : i32
    "tpu.region"() ({
      %run_scoped3A = tpu.sem_alloc : memref<!tpu.dma_semaphore, #tpu.memory_space<semaphore_mem>>
      %dma_start3A_148 = arith.constant 0 : i32
      %dma_start3A_149 = tpu.memref_slice %arg33[%add3A_18, %dma_start3A_148] : memref<10240x128xf32, #tpu.memory_space<vmem_shared>> -> memref<80x128xf32, #tpu.memory_space<vmem_shared>>
      %dma_start3A_150 = arith.constant 0 : i32
      %dma_start3A_151 = tpu.memref_slice %arg33[%add3A_18, %dma_start3A_150] : memref<10240x128xf32, #tpu.memory_space<vmem_shared>> -> memref<80x128xf32, #tpu.memory_space<vmem_shared>>
      tpu.enqueue_dma source(%arg11 : memref<80x128xf32, #tpu.memory_space<vmem>>) target(%dma_start3A_151 : memref<80x128xf32, #tpu.memory_space<vmem_shared>>) target_semaphore(%run_scoped3A : memref<!tpu.dma_semaphore, #tpu.memory_space<semaphore_mem>>)
      %dma_wait3A_152 = arith.constant 0 : i32
      %dma_wait3A_153 = tpu.memref_slice %arg33[%add3A_18, %dma_wait3A_152] : memref<10240x128xf32, #tpu.memory_space<vmem_shared>> -> memref<80x128xf32, #tpu.memory_space<vmem_shared>>
      %dma_wait3A_154 = arith.constant 0 : i32
      %dma_wait3A_155 = tpu.memref_slice %arg33[%add3A_18, %dma_wait3A_154] : memref<10240x128xf32, #tpu.memory_space<vmem_shared>> -> memref<80x128xf32, #tpu.memory_space<vmem_shared>>
      tpu.wait_dma2 semaphore(%run_scoped3A : memref<!tpu.dma_semaphore, #tpu.memory_space<semaphore_mem>>) src(%arg11 : memref<80x128xf32, #tpu.memory_space<vmem>>) dst(%dma_wait3A_155 : memref<80x128xf32, #tpu.memory_space<vmem_shared>>)
      tpu.yield
    }) : () -> ()
    %mul3A_19 = arith.constant 640 : i32
    %mul3A_20 = arith.muli %arg1, %mul3A_19 : i32
    %add3A_21 = arith.constant 80 : i32
    %add3A_22 = arith.addi %mul3A_20, %add3A_21 : i32
    "tpu.region"() ({
      %run_scoped3A = tpu.sem_alloc : memref<!tpu.dma_semaphore, #tpu.memory_space<semaphore_mem>>
      %dma_start3A_148 = arith.constant 0 : i32
      %dma_start3A_149 = tpu.memref_slice %arg34[%add3A_22, %dma_start3A_148] : memref<10240x16xf32, #tpu.memory_space<vmem_shared>> -> memref<80x16xf32, #tpu.memory_space<vmem_shared>>
      %dma_start3A_150 = arith.constant 0 : i32
      %dma_start3A_151 = tpu.memref_slice %arg34[%add3A_22, %dma_start3A_150] : memref<10240x16xf32, #tpu.memory_space<vmem_shared>> -> memref<80x16xf32, #tpu.memory_space<vmem_shared>>
      tpu.enqueue_dma source(%arg14 : memref<80x16xf32, #tpu.memory_space<vmem>>) target(%dma_start3A_151 : memref<80x16xf32, #tpu.memory_space<vmem_shared>>) target_semaphore(%run_scoped3A : memref<!tpu.dma_semaphore, #tpu.memory_space<semaphore_mem>>)
      %dma_wait3A_152 = arith.constant 0 : i32
      %dma_wait3A_153 = tpu.memref_slice %arg34[%add3A_22, %dma_wait3A_152] : memref<10240x16xf32, #tpu.memory_space<vmem_shared>> -> memref<80x16xf32, #tpu.memory_space<vmem_shared>>
      %dma_wait3A_154 = arith.constant 0 : i32
      %dma_wait3A_155 = tpu.memref_slice %arg34[%add3A_22, %dma_wait3A_154] : memref<10240x16xf32, #tpu.memory_space<vmem_shared>> -> memref<80x16xf32, #tpu.memory_space<vmem_shared>>
      tpu.wait_dma2 semaphore(%run_scoped3A : memref<!tpu.dma_semaphore, #tpu.memory_space<semaphore_mem>>) src(%arg14 : memref<80x16xf32, #tpu.memory_space<vmem>>) dst(%dma_wait3A_155 : memref<80x16xf32, #tpu.memory_space<vmem_shared>>)
      tpu.yield
    }) : () -> ()
    %mul3A_23 = arith.constant 640 : i32
    %mul3A_24 = arith.muli %arg1, %mul3A_23 : i32
    %add3A_25 = arith.constant 160 : i32
    %add3A_26 = arith.addi %mul3A_24, %add3A_25 : i32
    "tpu.region"() ({
      %run_scoped3A = tpu.sem_alloc : memref<!tpu.dma_semaphore, #tpu.memory_space<semaphore_mem>>
      %dma_start3A_148 = arith.constant 0 : i32
      %dma_start3A_149 = tpu.memref_slice %arg33[%add3A_26, %dma_start3A_148] : memref<10240x128xf32, #tpu.memory_space<vmem_shared>> -> memref<80x128xf32, #tpu.memory_space<vmem_shared>>
      %dma_start3A_150 = arith.constant 0 : i32
      %dma_start3A_151 = tpu.memref_slice %arg33[%add3A_26, %dma_start3A_150] : memref<10240x128xf32, #tpu.memory_space<vmem_shared>> -> memref<80x128xf32, #tpu.memory_space<vmem_shared>>
      tpu.enqueue_dma source(%arg11 : memref<80x128xf32, #tpu.memory_space<vmem>>) target(%dma_start3A_151 : memref<80x128xf32, #tpu.memory_space<vmem_shared>>) target_semaphore(%run_scoped3A : memref<!tpu.dma_semaphore, #tpu.memory_space<semaphore_mem>>)
      %dma_wait3A_152 = arith.constant 0 : i32
      %dma_wait3A_153 = tpu.memref_slice %arg33[%add3A_26, %dma_wait3A_152] : memref<10240x128xf32, #tpu.memory_space<vmem_shared>> -> memref<80x128xf32, #tpu.memory_space<vmem_shared>>
      %dma_wait3A_154 = arith.constant 0 : i32
      %dma_wait3A_155 = tpu.memref_slice %arg33[%add3A_26, %dma_wait3A_154] : memref<10240x128xf32, #tpu.memory_space<vmem_shared>> -> memref<80x128xf32, #tpu.memory_space<vmem_shared>>
      tpu.wait_dma2 semaphore(%run_scoped3A : memref<!tpu.dma_semaphore, #tpu.memory_space<semaphore_mem>>) src(%arg11 : memref<80x128xf32, #tpu.memory_space<vmem>>) dst(%dma_wait3A_155 : memref<80x128xf32, #tpu.memory_space<vmem_shared>>)
      tpu.yield
    }) : () -> ()
    %mul3A_27 = arith.constant 640 : i32
    %mul3A_28 = arith.muli %arg1, %mul3A_27 : i32
    %add3A_29 = arith.constant 160 : i32
    %add3A_30 = arith.addi %mul3A_28, %add3A_29 : i32
    "tpu.region"() ({
      %run_scoped3A = tpu.sem_alloc : memref<!tpu.dma_semaphore, #tpu.memory_space<semaphore_mem>>
      %dma_start3A_148 = arith.constant 0 : i32
      %dma_start3A_149 = tpu.memref_slice %arg34[%add3A_30, %dma_start3A_148] : memref<10240x16xf32, #tpu.memory_space<vmem_shared>> -> memref<80x16xf32, #tpu.memory_space<vmem_shared>>
      %dma_start3A_150 = arith.constant 0 : i32
      %dma_start3A_151 = tpu.memref_slice %arg34[%add3A_30, %dma_start3A_150] : memref<10240x16xf32, #tpu.memory_space<vmem_shared>> -> memref<80x16xf32, #tpu.memory_space<vmem_shared>>
      tpu.enqueue_dma source(%arg14 : memref<80x16xf32, #tpu.memory_space<vmem>>) target(%dma_start3A_151 : memref<80x16xf32, #tpu.memory_space<vmem_shared>>) target_semaphore(%run_scoped3A : memref<!tpu.dma_semaphore, #tpu.memory_space<semaphore_mem>>)
      %dma_wait3A_152 = arith.constant 0 : i32
      %dma_wait3A_153 = tpu.memref_slice %arg34[%add3A_30, %dma_wait3A_152] : memref<10240x16xf32, #tpu.memory_space<vmem_shared>> -> memref<80x16xf32, #tpu.memory_space<vmem_shared>>
      %dma_wait3A_154 = arith.constant 0 : i32
      %dma_wait3A_155 = tpu.memref_slice %arg34[%add3A_30, %dma_wait3A_154] : memref<10240x16xf32, #tpu.memory_space<vmem_shared>> -> memref<80x16xf32, #tpu.memory_space<vmem_shared>>
      tpu.wait_dma2 semaphore(%run_scoped3A : memref<!tpu.dma_semaphore, #tpu.memory_space<semaphore_mem>>) src(%arg14 : memref<80x16xf32, #tpu.memory_space<vmem>>) dst(%dma_wait3A_155 : memref<80x16xf32, #tpu.memory_space<vmem_shared>>)
      tpu.yield
    }) : () -> ()
    %mul3A_31 = arith.constant 640 : i32
    %mul3A_32 = arith.muli %arg1, %mul3A_31 : i32
    %add3A_33 = arith.constant 240 : i32
    %add3A_34 = arith.addi %mul3A_32, %add3A_33 : i32
    "tpu.region"() ({
      %run_scoped3A = tpu.sem_alloc : memref<!tpu.dma_semaphore, #tpu.memory_space<semaphore_mem>>
      %dma_start3A_148 = arith.constant 0 : i32
      %dma_start3A_149 = tpu.memref_slice %arg33[%add3A_34, %dma_start3A_148] : memref<10240x128xf32, #tpu.memory_space<vmem_shared>> -> memref<80x128xf32, #tpu.memory_space<vmem_shared>>
      %dma_start3A_150 = arith.constant 0 : i32
      %dma_start3A_151 = tpu.memref_slice %arg33[%add3A_34, %dma_start3A_150] : memref<10240x128xf32, #tpu.memory_space<vmem_shared>> -> memref<80x128xf32, #tpu.memory_space<vmem_shared>>
      tpu.enqueue_dma source(%arg11 : memref<80x128xf32, #tpu.memory_space<vmem>>) target(%dma_start3A_151 : memref<80x128xf32, #tpu.memory_space<vmem_shared>>) target_semaphore(%run_scoped3A : memref<!tpu.dma_semaphore, #tpu.memory_space<semaphore_mem>>)
      %dma_wait3A_152 = arith.constant 0 : i32
      %dma_wait3A_153 = tpu.memref_slice %arg33[%add3A_34, %dma_wait3A_152] : memref<10240x128xf32, #tpu.memory_space<vmem_shared>> -> memref<80x128xf32, #tpu.memory_space<vmem_shared>>
      %dma_wait3A_154 = arith.constant 0 : i32
      %dma_wait3A_155 = tpu.memref_slice %arg33[%add3A_34, %dma_wait3A_154] : memref<10240x128xf32, #tpu.memory_space<vmem_shared>> -> memref<80x128xf32, #tpu.memory_space<vmem_shared>>
      tpu.wait_dma2 semaphore(%run_scoped3A : memref<!tpu.dma_semaphore, #tpu.memory_space<semaphore_mem>>) src(%arg11 : memref<80x128xf32, #tpu.memory_space<vmem>>) dst(%dma_wait3A_155 : memref<80x128xf32, #tpu.memory_space<vmem_shared>>)
      tpu.yield
    }) : () -> ()
    %mul3A_35 = arith.constant 640 : i32
    %mul3A_36 = arith.muli %arg1, %mul3A_35 : i32
    %add3A_37 = arith.constant 240 : i32
    %add3A_38 = arith.addi %mul3A_36, %add3A_37 : i32
    "tpu.region"() ({
      %run_scoped3A = tpu.sem_alloc : memref<!tpu.dma_semaphore, #tpu.memory_space<semaphore_mem>>
      %dma_start3A_148 = arith.constant 0 : i32
      %dma_start3A_149 = tpu.memref_slice %arg34[%add3A_38, %dma_start3A_148] : memref<10240x16xf32, #tpu.memory_space<vmem_shared>> -> memref<80x16xf32, #tpu.memory_space<vmem_shared>>
      %dma_start3A_150 = arith.constant 0 : i32
      %dma_start3A_151 = tpu.memref_slice %arg34[%add3A_38, %dma_start3A_150] : memref<10240x16xf32, #tpu.memory_space<vmem_shared>> -> memref<80x16xf32, #tpu.memory_space<vmem_shared>>
      tpu.enqueue_dma source(%arg14 : memref<80x16xf32, #tpu.memory_space<vmem>>) target(%dma_start3A_151 : memref<80x16xf32, #tpu.memory_space<vmem_shared>>) target_semaphore(%run_scoped3A : memref<!tpu.dma_semaphore, #tpu.memory_space<semaphore_mem>>)
      %dma_wait3A_152 = arith.constant 0 : i32
      %dma_wait3A_153 = tpu.memref_slice %arg34[%add3A_38, %dma_wait3A_152] : memref<10240x16xf32, #tpu.memory_space<vmem_shared>> -> memref<80x16xf32, #tpu.memory_space<vmem_shared>>
      %dma_wait3A_154 = arith.constant 0 : i32
      %dma_wait3A_155 = tpu.memref_slice %arg34[%add3A_38, %dma_wait3A_154] : memref<10240x16xf32, #tpu.memory_space<vmem_shared>> -> memref<80x16xf32, #tpu.memory_space<vmem_shared>>
      tpu.wait_dma2 semaphore(%run_scoped3A : memref<!tpu.dma_semaphore, #tpu.memory_space<semaphore_mem>>) src(%arg14 : memref<80x16xf32, #tpu.memory_space<vmem>>) dst(%dma_wait3A_155 : memref<80x16xf32, #tpu.memory_space<vmem_shared>>)
      tpu.yield
    }) : () -> ()
    %mul3A_39 = arith.constant 640 : i32
    %mul3A_40 = arith.muli %arg1, %mul3A_39 : i32
    %add3A_41 = arith.constant 320 : i32
    %add3A_42 = arith.addi %mul3A_40, %add3A_41 : i32
    "tpu.region"() ({
      %run_scoped3A = tpu.sem_alloc : memref<!tpu.dma_semaphore, #tpu.memory_space<semaphore_mem>>
      %dma_start3A_148 = arith.constant 0 : i32
      %dma_start3A_149 = tpu.memref_slice %arg33[%add3A_42, %dma_start3A_148] : memref<10240x128xf32, #tpu.memory_space<vmem_shared>> -> memref<80x128xf32, #tpu.memory_space<vmem_shared>>
      %dma_start3A_150 = arith.constant 0 : i32
      %dma_start3A_151 = tpu.memref_slice %arg33[%add3A_42, %dma_start3A_150] : memref<10240x128xf32, #tpu.memory_space<vmem_shared>> -> memref<80x128xf32, #tpu.memory_space<vmem_shared>>
      tpu.enqueue_dma source(%arg11 : memref<80x128xf32, #tpu.memory_space<vmem>>) target(%dma_start3A_151 : memref<80x128xf32, #tpu.memory_space<vmem_shared>>) target_semaphore(%run_scoped3A : memref<!tpu.dma_semaphore, #tpu.memory_space<semaphore_mem>>)
      %dma_wait3A_152 = arith.constant 0 : i32
      %dma_wait3A_153 = tpu.memref_slice %arg33[%add3A_42, %dma_wait3A_152] : memref<10240x128xf32, #tpu.memory_space<vmem_shared>> -> memref<80x128xf32, #tpu.memory_space<vmem_shared>>
      %dma_wait3A_154 = arith.constant 0 : i32
      %dma_wait3A_155 = tpu.memref_slice %arg33[%add3A_42, %dma_wait3A_154] : memref<10240x128xf32, #tpu.memory_space<vmem_shared>> -> memref<80x128xf32, #tpu.memory_space<vmem_shared>>
      tpu.wait_dma2 semaphore(%run_scoped3A : memref<!tpu.dma_semaphore, #tpu.memory_space<semaphore_mem>>) src(%arg11 : memref<80x128xf32, #tpu.memory_space<vmem>>) dst(%dma_wait3A_155 : memref<80x128xf32, #tpu.memory_space<vmem_shared>>)
      tpu.yield
    }) : () -> ()
    %mul3A_43 = arith.constant 640 : i32
    %mul3A_44 = arith.muli %arg1, %mul3A_43 : i32
    %add3A_45 = arith.constant 320 : i32
    %add3A_46 = arith.addi %mul3A_44, %add3A_45 : i32
    "tpu.region"() ({
      %run_scoped3A = tpu.sem_alloc : memref<!tpu.dma_semaphore, #tpu.memory_space<semaphore_mem>>
      %dma_start3A_148 = arith.constant 0 : i32
      %dma_start3A_149 = tpu.memref_slice %arg34[%add3A_46, %dma_start3A_148] : memref<10240x16xf32, #tpu.memory_space<vmem_shared>> -> memref<80x16xf32, #tpu.memory_space<vmem_shared>>
      %dma_start3A_150 = arith.constant 0 : i32
      %dma_start3A_151 = tpu.memref_slice %arg34[%add3A_46, %dma_start3A_150] : memref<10240x16xf32, #tpu.memory_space<vmem_shared>> -> memref<80x16xf32, #tpu.memory_space<vmem_shared>>
      tpu.enqueue_dma source(%arg14 : memref<80x16xf32, #tpu.memory_space<vmem>>) target(%dma_start3A_151 : memref<80x16xf32, #tpu.memory_space<vmem_shared>>) target_semaphore(%run_scoped3A : memref<!tpu.dma_semaphore, #tpu.memory_space<semaphore_mem>>)
      %dma_wait3A_152 = arith.constant 0 : i32
      %dma_wait3A_153 = tpu.memref_slice %arg34[%add3A_46, %dma_wait3A_152] : memref<10240x16xf32, #tpu.memory_space<vmem_shared>> -> memref<80x16xf32, #tpu.memory_space<vmem_shared>>
      %dma_wait3A_154 = arith.constant 0 : i32
      %dma_wait3A_155 = tpu.memref_slice %arg34[%add3A_46, %dma_wait3A_154] : memref<10240x16xf32, #tpu.memory_space<vmem_shared>> -> memref<80x16xf32, #tpu.memory_space<vmem_shared>>
      tpu.wait_dma2 semaphore(%run_scoped3A : memref<!tpu.dma_semaphore, #tpu.memory_space<semaphore_mem>>) src(%arg14 : memref<80x16xf32, #tpu.memory_space<vmem>>) dst(%dma_wait3A_155 : memref<80x16xf32, #tpu.memory_space<vmem_shared>>)
      tpu.yield
    }) : () -> ()
    %mul3A_47 = arith.constant 640 : i32
    %mul3A_48 = arith.muli %arg1, %mul3A_47 : i32
    %add3A_49 = arith.constant 400 : i32
    %add3A_50 = arith.addi %mul3A_48, %add3A_49 : i32
    "tpu.region"() ({
      %run_scoped3A = tpu.sem_alloc : memref<!tpu.dma_semaphore, #tpu.memory_space<semaphore_mem>>
      %dma_start3A_148 = arith.constant 0 : i32
      %dma_start3A_149 = tpu.memref_slice %arg33[%add3A_50, %dma_start3A_148] : memref<10240x128xf32, #tpu.memory_space<vmem_shared>> -> memref<80x128xf32, #tpu.memory_space<vmem_shared>>
      %dma_start3A_150 = arith.constant 0 : i32
      %dma_start3A_151 = tpu.memref_slice %arg33[%add3A_50, %dma_start3A_150] : memref<10240x128xf32, #tpu.memory_space<vmem_shared>> -> memref<80x128xf32, #tpu.memory_space<vmem_shared>>
      tpu.enqueue_dma source(%arg11 : memref<80x128xf32, #tpu.memory_space<vmem>>) target(%dma_start3A_151 : memref<80x128xf32, #tpu.memory_space<vmem_shared>>) target_semaphore(%run_scoped3A : memref<!tpu.dma_semaphore, #tpu.memory_space<semaphore_mem>>)
      %dma_wait3A_152 = arith.constant 0 : i32
      %dma_wait3A_153 = tpu.memref_slice %arg33[%add3A_50, %dma_wait3A_152] : memref<10240x128xf32, #tpu.memory_space<vmem_shared>> -> memref<80x128xf32, #tpu.memory_space<vmem_shared>>
      %dma_wait3A_154 = arith.constant 0 : i32
      %dma_wait3A_155 = tpu.memref_slice %arg33[%add3A_50, %dma_wait3A_154] : memref<10240x128xf32, #tpu.memory_space<vmem_shared>> -> memref<80x128xf32, #tpu.memory_space<vmem_shared>>
      tpu.wait_dma2 semaphore(%run_scoped3A : memref<!tpu.dma_semaphore, #tpu.memory_space<semaphore_mem>>) src(%arg11 : memref<80x128xf32, #tpu.memory_space<vmem>>) dst(%dma_wait3A_155 : memref<80x128xf32, #tpu.memory_space<vmem_shared>>)
      tpu.yield
    }) : () -> ()
    %mul3A_51 = arith.constant 640 : i32
    %mul3A_52 = arith.muli %arg1, %mul3A_51 : i32
    %add3A_53 = arith.constant 400 : i32
    %add3A_54 = arith.addi %mul3A_52, %add3A_53 : i32
    "tpu.region"() ({
      %run_scoped3A = tpu.sem_alloc : memref<!tpu.dma_semaphore, #tpu.memory_space<semaphore_mem>>
      %dma_start3A_148 = arith.constant 0 : i32
      %dma_start3A_149 = tpu.memref_slice %arg34[%add3A_54, %dma_start3A_148] : memref<10240x16xf32, #tpu.memory_space<vmem_shared>> -> memref<80x16xf32, #tpu.memory_space<vmem_shared>>
      %dma_start3A_150 = arith.constant 0 : i32
      %dma_start3A_151 = tpu.memref_slice %arg34[%add3A_54, %dma_start3A_150] : memref<10240x16xf32, #tpu.memory_space<vmem_shared>> -> memref<80x16xf32, #tpu.memory_space<vmem_shared>>
      tpu.enqueue_dma source(%arg14 : memref<80x16xf32, #tpu.memory_space<vmem>>) target(%dma_start3A_151 : memref<80x16xf32, #tpu.memory_space<vmem_shared>>) target_semaphore(%run_scoped3A : memref<!tpu.dma_semaphore, #tpu.memory_space<semaphore_mem>>)
      %dma_wait3A_152 = arith.constant 0 : i32
      %dma_wait3A_153 = tpu.memref_slice %arg34[%add3A_54, %dma_wait3A_152] : memref<10240x16xf32, #tpu.memory_space<vmem_shared>> -> memref<80x16xf32, #tpu.memory_space<vmem_shared>>
      %dma_wait3A_154 = arith.constant 0 : i32
      %dma_wait3A_155 = tpu.memref_slice %arg34[%add3A_54, %dma_wait3A_154] : memref<10240x16xf32, #tpu.memory_space<vmem_shared>> -> memref<80x16xf32, #tpu.memory_space<vmem_shared>>
      tpu.wait_dma2 semaphore(%run_scoped3A : memref<!tpu.dma_semaphore, #tpu.memory_space<semaphore_mem>>) src(%arg14 : memref<80x16xf32, #tpu.memory_space<vmem>>) dst(%dma_wait3A_155 : memref<80x16xf32, #tpu.memory_space<vmem_shared>>)
      tpu.yield
    }) : () -> ()
    %mul3A_55 = arith.constant 640 : i32
    %mul3A_56 = arith.muli %arg1, %mul3A_55 : i32
    %add3A_57 = arith.constant 480 : i32
    %add3A_58 = arith.addi %mul3A_56, %add3A_57 : i32
    "tpu.region"() ({
      %run_scoped3A = tpu.sem_alloc : memref<!tpu.dma_semaphore, #tpu.memory_space<semaphore_mem>>
      %dma_start3A_148 = arith.constant 0 : i32
      %dma_start3A_149 = tpu.memref_slice %arg33[%add3A_58, %dma_start3A_148] : memref<10240x128xf32, #tpu.memory_space<vmem_shared>> -> memref<80x128xf32, #tpu.memory_space<vmem_shared>>
      %dma_start3A_150 = arith.constant 0 : i32
      %dma_start3A_151 = tpu.memref_slice %arg33[%add3A_58, %dma_start3A_150] : memref<10240x128xf32, #tpu.memory_space<vmem_shared>> -> memref<80x128xf32, #tpu.memory_space<vmem_shared>>
      tpu.enqueue_dma source(%arg11 : memref<80x128xf32, #tpu.memory_space<vmem>>) target(%dma_start3A_151 : memref<80x128xf32, #tpu.memory_space<vmem_shared>>) target_semaphore(%run_scoped3A : memref<!tpu.dma_semaphore, #tpu.memory_space<semaphore_mem>>)
      %dma_wait3A_152 = arith.constant 0 : i32
      %dma_wait3A_153 = tpu.memref_slice %arg33[%add3A_58, %dma_wait3A_152] : memref<10240x128xf32, #tpu.memory_space<vmem_shared>> -> memref<80x128xf32, #tpu.memory_space<vmem_shared>>
      %dma_wait3A_154 = arith.constant 0 : i32
      %dma_wait3A_155 = tpu.memref_slice %arg33[%add3A_58, %dma_wait3A_154] : memref<10240x128xf32, #tpu.memory_space<vmem_shared>> -> memref<80x128xf32, #tpu.memory_space<vmem_shared>>
      tpu.wait_dma2 semaphore(%run_scoped3A : memref<!tpu.dma_semaphore, #tpu.memory_space<semaphore_mem>>) src(%arg11 : memref<80x128xf32, #tpu.memory_space<vmem>>) dst(%dma_wait3A_155 : memref<80x128xf32, #tpu.memory_space<vmem_shared>>)
      tpu.yield
    }) : () -> ()
    %mul3A_59 = arith.constant 640 : i32
    %mul3A_60 = arith.muli %arg1, %mul3A_59 : i32
    %add3A_61 = arith.constant 480 : i32
    %add3A_62 = arith.addi %mul3A_60, %add3A_61 : i32
    "tpu.region"() ({
      %run_scoped3A = tpu.sem_alloc : memref<!tpu.dma_semaphore, #tpu.memory_space<semaphore_mem>>
      %dma_start3A_148 = arith.constant 0 : i32
      %dma_start3A_149 = tpu.memref_slice %arg34[%add3A_62, %dma_start3A_148] : memref<10240x16xf32, #tpu.memory_space<vmem_shared>> -> memref<80x16xf32, #tpu.memory_space<vmem_shared>>
      %dma_start3A_150 = arith.constant 0 : i32
      %dma_start3A_151 = tpu.memref_slice %arg34[%add3A_62, %dma_start3A_150] : memref<10240x16xf32, #tpu.memory_space<vmem_shared>> -> memref<80x16xf32, #tpu.memory_space<vmem_shared>>
      tpu.enqueue_dma source(%arg14 : memref<80x16xf32, #tpu.memory_space<vmem>>) target(%dma_start3A_151 : memref<80x16xf32, #tpu.memory_space<vmem_shared>>) target_semaphore(%run_scoped3A : memref<!tpu.dma_semaphore, #tpu.memory_space<semaphore_mem>>)
      %dma_wait3A_152 = arith.constant 0 : i32
      %dma_wait3A_153 = tpu.memref_slice %arg34[%add3A_62, %dma_wait3A_152] : memref<10240x16xf32, #tpu.memory_space<vmem_shared>> -> memref<80x16xf32, #tpu.memory_space<vmem_shared>>
      %dma_wait3A_154 = arith.constant 0 : i32
      %dma_wait3A_155 = tpu.memref_slice %arg34[%add3A_62, %dma_wait3A_154] : memref<10240x16xf32, #tpu.memory_space<vmem_shared>> -> memref<80x16xf32, #tpu.memory_space<vmem_shared>>
      tpu.wait_dma2 semaphore(%run_scoped3A : memref<!tpu.dma_semaphore, #tpu.memory_space<semaphore_mem>>) src(%arg14 : memref<80x16xf32, #tpu.memory_space<vmem>>) dst(%dma_wait3A_155 : memref<80x16xf32, #tpu.memory_space<vmem_shared>>)
      tpu.yield
    }) : () -> ()
    %mul3A_63 = arith.constant 640 : i32
    %mul3A_64 = arith.muli %arg1, %mul3A_63 : i32
    %add3A_65 = arith.constant 560 : i32
    %add3A_66 = arith.addi %mul3A_64, %add3A_65 : i32
    "tpu.region"() ({
      %run_scoped3A = tpu.sem_alloc : memref<!tpu.dma_semaphore, #tpu.memory_space<semaphore_mem>>
      %dma_start3A_148 = arith.constant 0 : i32
      %dma_start3A_149 = tpu.memref_slice %arg33[%add3A_66, %dma_start3A_148] : memref<10240x128xf32, #tpu.memory_space<vmem_shared>> -> memref<80x128xf32, #tpu.memory_space<vmem_shared>>
      %dma_start3A_150 = arith.constant 0 : i32
      %dma_start3A_151 = tpu.memref_slice %arg33[%add3A_66, %dma_start3A_150] : memref<10240x128xf32, #tpu.memory_space<vmem_shared>> -> memref<80x128xf32, #tpu.memory_space<vmem_shared>>
      tpu.enqueue_dma source(%arg11 : memref<80x128xf32, #tpu.memory_space<vmem>>) target(%dma_start3A_151 : memref<80x128xf32, #tpu.memory_space<vmem_shared>>) target_semaphore(%run_scoped3A : memref<!tpu.dma_semaphore, #tpu.memory_space<semaphore_mem>>)
      %dma_wait3A_152 = arith.constant 0 : i32
      %dma_wait3A_153 = tpu.memref_slice %arg33[%add3A_66, %dma_wait3A_152] : memref<10240x128xf32, #tpu.memory_space<vmem_shared>> -> memref<80x128xf32, #tpu.memory_space<vmem_shared>>
      %dma_wait3A_154 = arith.constant 0 : i32
      %dma_wait3A_155 = tpu.memref_slice %arg33[%add3A_66, %dma_wait3A_154] : memref<10240x128xf32, #tpu.memory_space<vmem_shared>> -> memref<80x128xf32, #tpu.memory_space<vmem_shared>>
      tpu.wait_dma2 semaphore(%run_scoped3A : memref<!tpu.dma_semaphore, #tpu.memory_space<semaphore_mem>>) src(%arg11 : memref<80x128xf32, #tpu.memory_space<vmem>>) dst(%dma_wait3A_155 : memref<80x128xf32, #tpu.memory_space<vmem_shared>>)
      tpu.yield
    }) : () -> ()
    %mul3A_67 = arith.constant 640 : i32
    %mul3A_68 = arith.muli %arg1, %mul3A_67 : i32
    %add3A_69 = arith.constant 560 : i32
    %add3A_70 = arith.addi %mul3A_68, %add3A_69 : i32
    "tpu.region"() ({
      %run_scoped3A = tpu.sem_alloc : memref<!tpu.dma_semaphore, #tpu.memory_space<semaphore_mem>>
      %dma_start3A_148 = arith.constant 0 : i32
      %dma_start3A_149 = tpu.memref_slice %arg34[%add3A_70, %dma_start3A_148] : memref<10240x16xf32, #tpu.memory_space<vmem_shared>> -> memref<80x16xf32, #tpu.memory_space<vmem_shared>>
      %dma_start3A_150 = arith.constant 0 : i32
      %dma_start3A_151 = tpu.memref_slice %arg34[%add3A_70, %dma_start3A_150] : memref<10240x16xf32, #tpu.memory_space<vmem_shared>> -> memref<80x16xf32, #tpu.memory_space<vmem_shared>>
      tpu.enqueue_dma source(%arg14 : memref<80x16xf32, #tpu.memory_space<vmem>>) target(%dma_start3A_151 : memref<80x16xf32, #tpu.memory_space<vmem_shared>>) target_semaphore(%run_scoped3A : memref<!tpu.dma_semaphore, #tpu.memory_space<semaphore_mem>>)
      %dma_wait3A_152 = arith.constant 0 : i32
      %dma_wait3A_153 = tpu.memref_slice %arg34[%add3A_70, %dma_wait3A_152] : memref<10240x16xf32, #tpu.memory_space<vmem_shared>> -> memref<80x16xf32, #tpu.memory_space<vmem_shared>>
      %dma_wait3A_154 = arith.constant 0 : i32
      %dma_wait3A_155 = tpu.memref_slice %arg34[%add3A_70, %dma_wait3A_154] : memref<10240x16xf32, #tpu.memory_space<vmem_shared>> -> memref<80x16xf32, #tpu.memory_space<vmem_shared>>
      tpu.wait_dma2 semaphore(%run_scoped3A : memref<!tpu.dma_semaphore, #tpu.memory_space<semaphore_mem>>) src(%arg14 : memref<80x16xf32, #tpu.memory_space<vmem>>) dst(%dma_wait3A_155 : memref<80x16xf32, #tpu.memory_space<vmem_shared>>)
      tpu.yield
    }) : () -> ()
    %barrier3A = arith.constant 0 : index
    tpu.barrier barrier_id(%barrier3A)
    %mul3A_71 = arith.constant 10000 : i32
    %mul3A_72 = arith.muli %add3A, %mul3A_71 : i32
    %add3A_73 = arith.constant 0 : i32
    %add3A_74 = arith.addi %mul3A_72, %add3A_73 : i32
    %dma_start3A = tpu.memref_slice %arg2[%add3A_74] : memref<320000xi32, #tpu.memory_space<hbm>> -> memref<80xi32, #tpu.memory_space<hbm>>
    %dma_start3A_75 = tpu.memref_slice %arg2[%add3A_74] : memref<320000xi32, #tpu.memory_space<hbm>> -> memref<80xi32, #tpu.memory_space<hbm>>
    tpu.enqueue_dma source(%dma_start3A_75 : memref<80xi32, #tpu.memory_space<hbm>>) target(%arg9 : memref<80xi32, #tpu.memory_space<vmem>>) target_semaphore(%arg15 : memref<!tpu.dma_semaphore, #tpu.memory_space<semaphore_mem>>)
    %dma_start3A_76 = tpu.memref_slice %arg3[%add3A_74] : memref<320000xi32, #tpu.memory_space<hbm>> -> memref<80xi32, #tpu.memory_space<hbm>>
    %dma_start3A_77 = tpu.memref_slice %arg3[%add3A_74] : memref<320000xi32, #tpu.memory_space<hbm>> -> memref<80xi32, #tpu.memory_space<hbm>>
    tpu.enqueue_dma source(%dma_start3A_77 : memref<80xi32, #tpu.memory_space<hbm>>) target(%arg10 : memref<80xi32, #tpu.memory_space<vmem>>) target_semaphore(%arg15 : memref<!tpu.dma_semaphore, #tpu.memory_space<semaphore_mem>>)
    %mul3A_78 = arith.constant 10000 : i32
    %mul3A_79 = arith.muli %add3A, %mul3A_78 : i32
    %add3A_80 = arith.constant 80 : i32
    %add3A_81 = arith.addi %mul3A_79, %add3A_80 : i32
    %dma_start3A_82 = tpu.memref_slice %arg2[%add3A_81] : memref<320000xi32, #tpu.memory_space<hbm>> -> memref<80xi32, #tpu.memory_space<hbm>>
    %dma_start3A_83 = tpu.memref_slice %arg2[%add3A_81] : memref<320000xi32, #tpu.memory_space<hbm>> -> memref<80xi32, #tpu.memory_space<hbm>>
    tpu.enqueue_dma source(%dma_start3A_83 : memref<80xi32, #tpu.memory_space<hbm>>) target(%arg17 : memref<80xi32, #tpu.memory_space<vmem>>) target_semaphore(%arg23 : memref<!tpu.dma_semaphore, #tpu.memory_space<semaphore_mem>>)
    %dma_start3A_84 = tpu.memref_slice %arg3[%add3A_81] : memref<320000xi32, #tpu.memory_space<hbm>> -> memref<80xi32, #tpu.memory_space<hbm>>
    %dma_start3A_85 = tpu.memref_slice %arg3[%add3A_81] : memref<320000xi32, #tpu.memory_space<hbm>> -> memref<80xi32, #tpu.memory_space<hbm>>
    tpu.enqueue_dma source(%dma_start3A_85 : memref<80xi32, #tpu.memory_space<hbm>>) target(%arg18 : memref<80xi32, #tpu.memory_space<vmem>>) target_semaphore(%arg23 : memref<!tpu.dma_semaphore, #tpu.memory_space<semaphore_mem>>)
    %dma_wait3A = arith.constant 0 : i32
    %dma_wait3A_86 = tpu.memref_slice %arg2[%dma_wait3A] : memref<320000xi32, #tpu.memory_space<hbm>> -> memref<80xi32, #tpu.memory_space<hbm>>
    %dma_wait3A_87 = arith.constant 0 : i32
    %dma_wait3A_88 = tpu.memref_slice %arg2[%dma_wait3A_87] : memref<320000xi32, #tpu.memory_space<hbm>> -> memref<80xi32, #tpu.memory_space<hbm>>
    tpu.wait_dma2 semaphore(%arg15 : memref<!tpu.dma_semaphore, #tpu.memory_space<semaphore_mem>>) src(%dma_wait3A_88 : memref<80xi32, #tpu.memory_space<hbm>>) dst(%arg9 : memref<80xi32, #tpu.memory_space<vmem>>)
    %dma_wait3A_89 = arith.constant 0 : i32
    %dma_wait3A_90 = tpu.memref_slice %arg3[%dma_wait3A_89] : memref<320000xi32, #tpu.memory_space<hbm>> -> memref<80xi32, #tpu.memory_space<hbm>>
    %dma_wait3A_91 = arith.constant 0 : i32
    %dma_wait3A_92 = tpu.memref_slice %arg3[%dma_wait3A_91] : memref<320000xi32, #tpu.memory_space<hbm>> -> memref<80xi32, #tpu.memory_space<hbm>>
    tpu.wait_dma2 semaphore(%arg15 : memref<!tpu.dma_semaphore, #tpu.memory_space<semaphore_mem>>) src(%dma_wait3A_92 : memref<80xi32, #tpu.memory_space<hbm>>) dst(%arg10 : memref<80xi32, #tpu.memory_space<vmem>>)
    %dma_start3A_93 = arith.constant 0 : i32
    %dma_start3A_94 = arith.constant 0 : i32
    %dma_start3A_95 = tpu.memref_slice %arg4[%dma_start3A_93, %dma_start3A_94] : memref<10000x128xf32, #tpu.memory_space<hbm>> -> memref<10000x128xf32, #tpu.memory_space<hbm>>
    tpu.enqueue_indirect_dma source(%dma_start3A_95 : memref<10000x128xf32, #tpu.memory_space<hbm>>) target(%arg11 : memref<80x128xf32, #tpu.memory_space<vmem>>) offsets(%arg9 : memref<80xi32, #tpu.memory_space<vmem>>) semaphore(%arg15 : memref<!tpu.dma_semaphore, #tpu.memory_space<semaphore_mem>>)
    %dma_start3A_96 = arith.constant 0 : i32
    %dma_start3A_97 = tpu.memref_slice %arg5[%dma_start3A_96] : memref<10000xf32, #tpu.memory_space<hbm>> -> memref<10000xf32, #tpu.memory_space<hbm>>
    tpu.enqueue_indirect_dma source(%dma_start3A_97 : memref<10000xf32, #tpu.memory_space<hbm>>) target(%arg12 : memref<80xf32, #tpu.memory_space<vmem>>) offsets(%arg9 : memref<80xi32, #tpu.memory_space<vmem>>) semaphore(%arg15 : memref<!tpu.dma_semaphore, #tpu.memory_space<semaphore_mem>>)
    %dma_start3A_98 = arith.constant 0 : i32
    %dma_start3A_99 = tpu.memref_slice %arg6[%dma_start3A_98] : memref<10000xf32, #tpu.memory_space<hbm>> -> memref<10000xf32, #tpu.memory_space<hbm>>
    tpu.enqueue_indirect_dma source(%dma_start3A_99 : memref<10000xf32, #tpu.memory_space<hbm>>) target(%arg13 : memref<80xf32, #tpu.memory_space<vmem>>) offsets(%arg10 : memref<80xi32, #tpu.memory_space<vmem>>) semaphore(%arg15 : memref<!tpu.dma_semaphore, #tpu.memory_space<semaphore_mem>>)
    %dma_wait3A_100 = arith.constant 0 : i32
    %dma_wait3A_101 = tpu.memref_slice %arg2[%dma_wait3A_100] : memref<320000xi32, #tpu.memory_space<hbm>> -> memref<80xi32, #tpu.memory_space<hbm>>
    %dma_wait3A_102 = arith.constant 0 : i32
    %dma_wait3A_103 = tpu.memref_slice %arg2[%dma_wait3A_102] : memref<320000xi32, #tpu.memory_space<hbm>> -> memref<80xi32, #tpu.memory_space<hbm>>
    tpu.wait_dma2 semaphore(%arg23 : memref<!tpu.dma_semaphore, #tpu.memory_space<semaphore_mem>>) src(%dma_wait3A_103 : memref<80xi32, #tpu.memory_space<hbm>>) dst(%arg17 : memref<80xi32, #tpu.memory_space<vmem>>)
    %dma_wait3A_104 = arith.constant 0 : i32
    %dma_wait3A_105 = tpu.memref_slice %arg3[%dma_wait3A_104] : memref<320000xi32, #tpu.memory_space<hbm>> -> memref<80xi32, #tpu.memory_space<hbm>>
    %dma_wait3A_106 = arith.constant 0 : i32
    %dma_wait3A_107 = tpu.memref_slice %arg3[%dma_wait3A_106] : memref<320000xi32, #tpu.memory_space<hbm>> -> memref<80xi32, #tpu.memory_space<hbm>>
    tpu.wait_dma2 semaphore(%arg23 : memref<!tpu.dma_semaphore, #tpu.memory_space<semaphore_mem>>) src(%dma_wait3A_107 : memref<80xi32, #tpu.memory_space<hbm>>) dst(%arg18 : memref<80xi32, #tpu.memory_space<vmem>>)
    %dma_start3A_108 = arith.constant 0 : i32
    %dma_start3A_109 = arith.constant 0 : i32
    %dma_start3A_110 = tpu.memref_slice %arg4[%dma_start3A_108, %dma_start3A_109] : memref<10000x128xf32, #tpu.memory_space<hbm>> -> memref<10000x128xf32, #tpu.memory_space<hbm>>
    tpu.enqueue_indirect_dma source(%dma_start3A_110 : memref<10000x128xf32, #tpu.memory_space<hbm>>) target(%arg19 : memref<80x128xf32, #tpu.memory_space<vmem>>) offsets(%arg17 : memref<80xi32, #tpu.memory_space<vmem>>) semaphore(%arg23 : memref<!tpu.dma_semaphore, #tpu.memory_space<semaphore_mem>>)
    %dma_start3A_111 = arith.constant 0 : i32
    %dma_start3A_112 = tpu.memref_slice %arg5[%dma_start3A_111] : memref<10000xf32, #tpu.memory_space<hbm>> -> memref<10000xf32, #tpu.memory_space<hbm>>
    tpu.enqueue_indirect_dma source(%dma_start3A_112 : memref<10000xf32, #tpu.memory_space<hbm>>) target(%arg20 : memref<80xf32, #tpu.memory_space<vmem>>) offsets(%arg17 : memref<80xi32, #tpu.memory_space<vmem>>) semaphore(%arg23 : memref<!tpu.dma_semaphore, #tpu.memory_space<semaphore_mem>>)
    %dma_start3A_113 = arith.constant 0 : i32
    %dma_start3A_114 = tpu.memref_slice %arg6[%dma_start3A_113] : memref<10000xf32, #tpu.memory_space<hbm>> -> memref<10000xf32, #tpu.memory_space<hbm>>
    tpu.enqueue_indirect_dma source(%dma_start3A_114 : memref<10000xf32, #tpu.memory_space<hbm>>) target(%arg21 : memref<80xf32, #tpu.memory_space<vmem>>) offsets(%arg18 : memref<80xi32, #tpu.memory_space<vmem>>) semaphore(%arg23 : memref<!tpu.dma_semaphore, #tpu.memory_space<semaphore_mem>>)
    %scan3A_115 = arith.constant 0 : i32
    %scan3A_116 = arith.constant 0 : i32
    %scan3A_117 = arith.constant 125 : i32
    %scan3A_118 = arith.addi %scan3A_116, %scan3A_117 : i32
    %scan3A_119 = arith.constant 1 : i32
    scf.for %scan3A_148 = %scan3A_116 to %scan3A_118 step %scan3A_119  : i32 {
      %jit3A = arith.constant 3 : i32
      %eq3A = arith.constant 0 : i32
      %eq3A_149 = arith.cmpi eq, %jit3A, %eq3A : i32
      %jit3A_150 = arith.constant 1 : i32
      %select_n3A = arith.select %eq3A_149, %jit3A_150, %jit3A : i32
      %rem3A = arith.remsi %scan3A_148, %select_n3A : i32
      %ne3A = arith.constant 0 : i32
      %ne3A_151 = arith.cmpi ne, %rem3A, %ne3A : i32
      %lt3A = arith.constant 0 : i32
      %lt3A_152 = arith.cmpi slt, %rem3A, %lt3A : i32
      %lt3A_153 = arith.constant 0 : i32
      %lt3A_154 = arith.cmpi slt, %select_n3A, %lt3A_153 : i32
      %ne3A_155 = arith.xori %lt3A_152, %lt3A_154 : i1
      %and3A = arith.andi %ne3A_155, %ne3A_151 : i1
      %add3A_156 = arith.addi %rem3A, %select_n3A : i32
      %select_n3A_157 = arith.select %and3A, %add3A_156, %rem3A : i32
      %eq3A_158 = arith.constant 0 : i32
      %eq3A_159 = arith.cmpi eq, %select_n3A_157, %eq3A_158 : i32
      %convert_element_type3A = arith.extui %eq3A_159 : i1 to i32
      %cond3A = arith.constant 0 : i32
      %cond3A_160 = arith.cmpi ne, %convert_element_type3A, %cond3A : i32
      scf.if %cond3A_160 {
        %dma_wait3A_203 = arith.constant 0 : i32
        %dma_wait3A_204 = arith.constant 0 : i32
        %dma_wait3A_205 = tpu.memref_slice %arg4[%dma_wait3A_203, %dma_wait3A_204] : memref<10000x128xf32, #tpu.memory_space<hbm>> -> memref<10000x128xf32, #tpu.memory_space<hbm>>
        tpu.wait_indirect_dma semaphore(%arg15 : memref<!tpu.dma_semaphore, #tpu.memory_space<semaphore_mem>>) src(%dma_wait3A_205 : memref<10000x128xf32, #tpu.memory_space<hbm>>) dst(%arg11 : memref<80x128xf32, #tpu.memory_space<vmem>>)
        %dma_wait3A_206 = arith.constant 0 : i32
        %dma_wait3A_207 = tpu.memref_slice %arg5[%dma_wait3A_206] : memref<10000xf32, #tpu.memory_space<hbm>> -> memref<10000xf32, #tpu.memory_space<hbm>>
        tpu.wait_indirect_dma semaphore(%arg15 : memref<!tpu.dma_semaphore, #tpu.memory_space<semaphore_mem>>) src(%dma_wait3A_207 : memref<10000xf32, #tpu.memory_space<hbm>>) dst(%arg12 : memref<80xf32, #tpu.memory_space<vmem>>)
        %dma_wait3A_208 = arith.constant 0 : i32
        %dma_wait3A_209 = tpu.memref_slice %arg6[%dma_wait3A_208] : memref<10000xf32, #tpu.memory_space<hbm>> -> memref<10000xf32, #tpu.memory_space<hbm>>
        tpu.wait_indirect_dma semaphore(%arg15 : memref<!tpu.dma_semaphore, #tpu.memory_space<semaphore_mem>>) src(%dma_wait3A_209 : memref<10000xf32, #tpu.memory_space<hbm>>) dst(%arg13 : memref<80xf32, #tpu.memory_space<vmem>>)
        %get3A = arith.constant 0 : index
        %get3A_210 = tpu.vector_load %arg12[%get3A] {strides = array<i32>} : memref<80xf32, #tpu.memory_space<vmem>>, vector<16xf32>,
        %get3A_211 = arith.constant 0 : index
        %get3A_212 = tpu.vector_load %arg13[%get3A_211] {strides = array<i32>} : memref<80xf32, #tpu.memory_space<vmem>>, vector<16xf32>,
        %add3A_213 = arith.addf %get3A_210, %get3A_212 : vector<16xf32>
        %ge3A = arith.constant 0.000000e+00 : f32
        %ge3A_214 = vector.broadcast %ge3A : f32 to vector<16xf32>
        %ge3A_215 = arith.cmpf oge, %add3A_213, %ge3A_214 : vector<16xf32>
        %mul3A_216 = arith.constant 2.000000e-01 : f32
        %mul3A_217 = vector.broadcast %mul3A_216 : f32 to vector<16xf32>
        %mul3A_218 = arith.mulf %add3A_213, %mul3A_217 : vector<16xf32>
        %select_n3A_219 = arith.select %ge3A_215, %add3A_213, %mul3A_218 : vector<16xi1>, vector<16xf32>
        %exp3A = math.exp %select_n3A_219 : vector<16xf32>
        %swap3A = arith.constant 0 : index
        %swap3A_220 = tpu.vector_load %arg12[%swap3A] {strides = array<i32>} : memref<80xf32, #tpu.memory_space<vmem>>, vector<16xf32>,
        tpu.vector_store %arg12[%swap3A], %exp3A {strides = array<i32>} : memref<80xf32, #tpu.memory_space<vmem>>, vector<16xf32>,
        %get3A_221 = arith.constant 16 : index
        %get3A_222 = tpu.vector_load %arg12[%get3A_221] {strides = array<i32>} : memref<80xf32, #tpu.memory_space<vmem>>, vector<16xf32>,
        %get3A_223 = arith.constant 16 : index
        %get3A_224 = tpu.vector_load %arg13[%get3A_223] {strides = array<i32>} : memref<80xf32, #tpu.memory_space<vmem>>, vector<16xf32>,
        %add3A_225 = arith.addf %get3A_222, %get3A_224 : vector<16xf32>
        %ge3A_226 = arith.constant 0.000000e+00 : f32
        %ge3A_227 = vector.broadcast %ge3A_226 : f32 to vector<16xf32>
        %ge3A_228 = arith.cmpf oge, %add3A_225, %ge3A_227 : vector<16xf32>
        %mul3A_229 = arith.constant 2.000000e-01 : f32
        %mul3A_230 = vector.broadcast %mul3A_229 : f32 to vector<16xf32>
        %mul3A_231 = arith.mulf %add3A_225, %mul3A_230 : vector<16xf32>
        %select_n3A_232 = arith.select %ge3A_228, %add3A_225, %mul3A_231 : vector<16xi1>, vector<16xf32>
        %exp3A_233 = math.exp %select_n3A_232 : vector<16xf32>
        %swap3A_234 = arith.constant 16 : index
        %swap3A_235 = tpu.vector_load %arg12[%swap3A_234] {strides = array<i32>} : memref<80xf32, #tpu.memory_space<vmem>>, vector<16xf32>,
        tpu.vector_store %arg12[%swap3A_234], %exp3A_233 {strides = array<i32>} : memref<80xf32, #tpu.memory_space<vmem>>, vector<16xf32>,
        %get3A_236 = arith.constant 32 : index
        %get3A_237 = tpu.vector_load %arg12[%get3A_236] {strides = array<i32>} : memref<80xf32, #tpu.memory_space<vmem>>, vector<16xf32>,
        %get3A_238 = arith.constant 32 : index
        %get3A_239 = tpu.vector_load %arg13[%get3A_238] {strides = array<i32>} : memref<80xf32, #tpu.memory_space<vmem>>, vector<16xf32>,
        %add3A_240 = arith.addf %get3A_237, %get3A_239 : vector<16xf32>
        %ge3A_241 = arith.constant 0.000000e+00 : f32
        %ge3A_242 = vector.broadcast %ge3A_241 : f32 to vector<16xf32>
        %ge3A_243 = arith.cmpf oge, %add3A_240, %ge3A_242 : vector<16xf32>
        %mul3A_244 = arith.constant 2.000000e-01 : f32
        %mul3A_245 = vector.broadcast %mul3A_244 : f32 to vector<16xf32>
        %mul3A_246 = arith.mulf %add3A_240, %mul3A_245 : vector<16xf32>
        %select_n3A_247 = arith.select %ge3A_243, %add3A_240, %mul3A_246 : vector<16xi1>, vector<16xf32>
        %exp3A_248 = math.exp %select_n3A_247 : vector<16xf32>
        %swap3A_249 = arith.constant 32 : index
        %swap3A_250 = tpu.vector_load %arg12[%swap3A_249] {strides = array<i32>} : memref<80xf32, #tpu.memory_space<vmem>>, vector<16xf32>,
        tpu.vector_store %arg12[%swap3A_249], %exp3A_248 {strides = array<i32>} : memref<80xf32, #tpu.memory_space<vmem>>, vector<16xf32>,
        %get3A_251 = arith.constant 48 : index
        %get3A_252 = tpu.vector_load %arg12[%get3A_251] {strides = array<i32>} : memref<80xf32, #tpu.memory_space<vmem>>, vector<16xf32>,
        %get3A_253 = arith.constant 48 : index
        %get3A_254 = tpu.vector_load %arg13[%get3A_253] {strides = array<i32>} : memref<80xf32, #tpu.memory_space<vmem>>, vector<16xf32>,
        %add3A_255 = arith.addf %get3A_252, %get3A_254 : vector<16xf32>
        %ge3A_256 = arith.constant 0.000000e+00 : f32
        %ge3A_257 = vector.broadcast %ge3A_256 : f32 to vector<16xf32>
        %ge3A_258 = arith.cmpf oge, %add3A_255, %ge3A_257 : vector<16xf32>
        %mul3A_259 = arith.constant 2.000000e-01 : f32
        %mul3A_260 = vector.broadcast %mul3A_259 : f32 to vector<16xf32>
        %mul3A_261 = arith.mulf %add3A_255, %mul3A_260 : vector<16xf32>
        %select_n3A_262 = arith.select %ge3A_258, %add3A_255, %mul3A_261 : vector<16xi1>, vector<16xf32>
        %exp3A_263 = math.exp %select_n3A_262 : vector<16xf32>
        %swap3A_264 = arith.constant 48 : index
        %swap3A_265 = tpu.vector_load %arg12[%swap3A_264] {strides = array<i32>} : memref<80xf32, #tpu.memory_space<vmem>>, vector<16xf32>,
        tpu.vector_store %arg12[%swap3A_264], %exp3A_263 {strides = array<i32>} : memref<80xf32, #tpu.memory_space<vmem>>, vector<16xf32>,
        %get3A_266 = arith.constant 64 : index
        %get3A_267 = tpu.vector_load %arg12[%get3A_266] {strides = array<i32>} : memref<80xf32, #tpu.memory_space<vmem>>, vector<16xf32>,
        %get3A_268 = arith.constant 64 : index
        %get3A_269 = tpu.vector_load %arg13[%get3A_268] {strides = array<i32>} : memref<80xf32, #tpu.memory_space<vmem>>, vector<16xf32>,
        %add3A_270 = arith.addf %get3A_267, %get3A_269 : vector<16xf32>
        %ge3A_271 = arith.constant 0.000000e+00 : f32
        %ge3A_272 = vector.broadcast %ge3A_271 : f32 to vector<16xf32>
        %ge3A_273 = arith.cmpf oge, %add3A_270, %ge3A_272 : vector<16xf32>
        %mul3A_274 = arith.constant 2.000000e-01 : f32
        %mul3A_275 = vector.broadcast %mul3A_274 : f32 to vector<16xf32>
        %mul3A_276 = arith.mulf %add3A_270, %mul3A_275 : vector<16xf32>
        %select_n3A_277 = arith.select %ge3A_273, %add3A_270, %mul3A_276 : vector<16xi1>, vector<16xf32>
        %exp3A_278 = math.exp %select_n3A_277 : vector<16xf32>
        %swap3A_279 = arith.constant 64 : index
        %swap3A_280 = tpu.vector_load %arg12[%swap3A_279] {strides = array<i32>} : memref<80xf32, #tpu.memory_space<vmem>>, vector<16xf32>,
        tpu.vector_store %arg12[%swap3A_279], %exp3A_278 {strides = array<i32>} : memref<80xf32, #tpu.memory_space<vmem>>, vector<16xf32>,
        %parallel_loop3A = arith.constant 0 : i32
        %parallel_loop3A_281 = arith.constant 80 : i32
        %parallel_loop3A_282 = arith.constant 1 : i32
        scf.for %parallel_loop3A_296 = %parallel_loop3A to %parallel_loop3A_281 step %parallel_loop3A_282  : i32 {
          %parallel_loop3A_297 = vector.broadcast %parallel_loop3A_296 : i32 to vector<16xi32>
          %parallel_loop3A_298 = tpu.vector_load_idx %arg12[%parallel_loop3A_297] : memref<80xf32, #tpu.memory_space<vmem>>[vector<16xi32>], vector<16xf32>,
          %parallel_loop3A_299 = arith.index_cast %parallel_loop3A_296 : i32 to index
          %parallel_loop3A_300 = arith.constant 0 : index
          %parallel_loop3A_301 = tpu.vector_load %arg11[%parallel_loop3A_299, %parallel_loop3A_300] {strides = array<i32>} : memref<80x128xf32, #tpu.memory_space<vmem>>, vector<16xf32>,
          %parallel_loop3A_302 = arith.mulf %parallel_loop3A_301, %parallel_loop3A_298 : vector<16xf32>
          %parallel_loop3A_303 = arith.index_cast %parallel_loop3A_296 : i32 to index
          %parallel_loop3A_304 = arith.constant 0 : index
          %parallel_loop3A_305 = tpu.vector_load %arg11[%parallel_loop3A_303, %parallel_loop3A_304] {strides = array<i32>} : memref<80x128xf32, #tpu.memory_space<vmem>>, vector<16xf32>,
          tpu.vector_store %arg11[%parallel_loop3A_303, %parallel_loop3A_304], %parallel_loop3A_302 {strides = array<i32>} : memref<80x128xf32, #tpu.memory_space<vmem>>, vector<16xf32>,
          %parallel_loop3A_306 = arith.index_cast %parallel_loop3A_296 : i32 to index
          %parallel_loop3A_307 = arith.constant 16 : index
          %parallel_loop3A_308 = tpu.vector_load %arg11[%parallel_loop3A_306, %parallel_loop3A_307] {strides = array<i32>} : memref<80x128xf32, #tpu.memory_space<vmem>>, vector<16xf32>,
          %parallel_loop3A_309 = arith.mulf %parallel_loop3A_308, %parallel_loop3A_298 : vector<16xf32>
          %parallel_loop3A_310 = arith.index_cast %parallel_loop3A_296 : i32 to index
          %parallel_loop3A_311 = arith.constant 16 : index
          %parallel_loop3A_312 = tpu.vector_load %arg11[%parallel_loop3A_310, %parallel_loop3A_311] {strides = array<i32>} : memref<80x128xf32, #tpu.memory_space<vmem>>, vector<16xf32>,
          tpu.vector_store %arg11[%parallel_loop3A_310, %parallel_loop3A_311], %parallel_loop3A_309 {strides = array<i32>} : memref<80x128xf32, #tpu.memory_space<vmem>>, vector<16xf32>,
          %parallel_loop3A_313 = arith.index_cast %parallel_loop3A_296 : i32 to index
          %parallel_loop3A_314 = arith.constant 32 : index
          %parallel_loop3A_315 = tpu.vector_load %arg11[%parallel_loop3A_313, %parallel_loop3A_314] {strides = array<i32>} : memref<80x128xf32, #tpu.memory_space<vmem>>, vector<16xf32>,
          %parallel_loop3A_316 = arith.mulf %parallel_loop3A_315, %parallel_loop3A_298 : vector<16xf32>
          %parallel_loop3A_317 = arith.index_cast %parallel_loop3A_296 : i32 to index
          %parallel_loop3A_318 = arith.constant 32 : index
          %parallel_loop3A_319 = tpu.vector_load %arg11[%parallel_loop3A_317, %parallel_loop3A_318] {strides = array<i32>} : memref<80x128xf32, #tpu.memory_space<vmem>>, vector<16xf32>,
          tpu.vector_store %arg11[%parallel_loop3A_317, %parallel_loop3A_318], %parallel_loop3A_316 {strides = array<i32>} : memref<80x128xf32, #tpu.memory_space<vmem>>, vector<16xf32>,
          %parallel_loop3A_320 = arith.index_cast %parallel_loop3A_296 : i32 to index
          %parallel_loop3A_321 = arith.constant 48 : index
          %parallel_loop3A_322 = tpu.vector_load %arg11[%parallel_loop3A_320, %parallel_loop3A_321] {strides = array<i32>} : memref<80x128xf32, #tpu.memory_space<vmem>>, vector<16xf32>,
          %parallel_loop3A_323 = arith.mulf %parallel_loop3A_322, %parallel_loop3A_298 : vector<16xf32>
          %parallel_loop3A_324 = arith.index_cast %parallel_loop3A_296 : i32 to index
          %parallel_loop3A_325 = arith.constant 48 : index
          %parallel_loop3A_326 = tpu.vector_load %arg11[%parallel_loop3A_324, %parallel_loop3A_325] {strides = array<i32>} : memref<80x128xf32, #tpu.memory_space<vmem>>, vector<16xf32>,
          tpu.vector_store %arg11[%parallel_loop3A_324, %parallel_loop3A_325], %parallel_loop3A_323 {strides = array<i32>} : memref<80x128xf32, #tpu.memory_space<vmem>>, vector<16xf32>,
          %parallel_loop3A_327 = arith.index_cast %parallel_loop3A_296 : i32 to index
          %parallel_loop3A_328 = arith.constant 64 : index
          %parallel_loop3A_329 = tpu.vector_load %arg11[%parallel_loop3A_327, %parallel_loop3A_328] {strides = array<i32>} : memref<80x128xf32, #tpu.memory_space<vmem>>, vector<16xf32>,
          %parallel_loop3A_330 = arith.mulf %parallel_loop3A_329, %parallel_loop3A_298 : vector<16xf32>
          %parallel_loop3A_331 = arith.index_cast %parallel_loop3A_296 : i32 to index
          %parallel_loop3A_332 = arith.constant 64 : index
          %parallel_loop3A_333 = tpu.vector_load %arg11[%parallel_loop3A_331, %parallel_loop3A_332] {strides = array<i32>} : memref<80x128xf32, #tpu.memory_space<vmem>>, vector<16xf32>,
          tpu.vector_store %arg11[%parallel_loop3A_331, %parallel_loop3A_332], %parallel_loop3A_330 {strides = array<i32>} : memref<80x128xf32, #tpu.memory_space<vmem>>, vector<16xf32>,
          %parallel_loop3A_334 = arith.index_cast %parallel_loop3A_296 : i32 to index
          %parallel_loop3A_335 = arith.constant 80 : index
          %parallel_loop3A_336 = tpu.vector_load %arg11[%parallel_loop3A_334, %parallel_loop3A_335] {strides = array<i32>} : memref<80x128xf32, #tpu.memory_space<vmem>>, vector<16xf32>,
          %parallel_loop3A_337 = arith.mulf %parallel_loop3A_336, %parallel_loop3A_298 : vector<16xf32>
          %parallel_loop3A_338 = arith.index_cast %parallel_loop3A_296 : i32 to index
          %parallel_loop3A_339 = arith.constant 80 : index
          %parallel_loop3A_340 = tpu.vector_load %arg11[%parallel_loop3A_338, %parallel_loop3A_339] {strides = array<i32>} : memref<80x128xf32, #tpu.memory_space<vmem>>, vector<16xf32>,
          tpu.vector_store %arg11[%parallel_loop3A_338, %parallel_loop3A_339], %parallel_loop3A_337 {strides = array<i32>} : memref<80x128xf32, #tpu.memory_space<vmem>>, vector<16xf32>,
          %parallel_loop3A_341 = arith.index_cast %parallel_loop3A_296 : i32 to index
          %parallel_loop3A_342 = arith.constant 96 : index
          %parallel_loop3A_343 = tpu.vector_load %arg11[%parallel_loop3A_341, %parallel_loop3A_342] {strides = array<i32>} : memref<80x128xf32, #tpu.memory_space<vmem>>, vector<16xf32>,
          %parallel_loop3A_344 = arith.mulf %parallel_loop3A_343, %parallel_loop3A_298 : vector<16xf32>
          %parallel_loop3A_345 = arith.index_cast %parallel_loop3A_296 : i32 to index
          %parallel_loop3A_346 = arith.constant 96 : index
          %parallel_loop3A_347 = tpu.vector_load %arg11[%parallel_loop3A_345, %parallel_loop3A_346] {strides = array<i32>} : memref<80x128xf32, #tpu.memory_space<vmem>>, vector<16xf32>,
          tpu.vector_store %arg11[%parallel_loop3A_345, %parallel_loop3A_346], %parallel_loop3A_344 {strides = array<i32>} : memref<80x128xf32, #tpu.memory_space<vmem>>, vector<16xf32>,
          %parallel_loop3A_348 = arith.index_cast %parallel_loop3A_296 : i32 to index
          %parallel_loop3A_349 = arith.constant 112 : index
          %parallel_loop3A_350 = tpu.vector_load %arg11[%parallel_loop3A_348, %parallel_loop3A_349] {strides = array<i32>} : memref<80x128xf32, #tpu.memory_space<vmem>>, vector<16xf32>,
          %parallel_loop3A_351 = arith.mulf %parallel_loop3A_350, %parallel_loop3A_298 : vector<16xf32>
          %parallel_loop3A_352 = arith.index_cast %parallel_loop3A_296 : i32 to index
          %parallel_loop3A_353 = arith.constant 112 : index
          %parallel_loop3A_354 = tpu.vector_load %arg11[%parallel_loop3A_352, %parallel_loop3A_353] {strides = array<i32>} : memref<80x128xf32, #tpu.memory_space<vmem>>, vector<16xf32>,
          tpu.vector_store %arg11[%parallel_loop3A_352, %parallel_loop3A_353], %parallel_loop3A_351 {strides = array<i32>} : memref<80x128xf32, #tpu.memory_space<vmem>>, vector<16xf32>,
          %parallel_loop3A_355 = arith.index_cast %parallel_loop3A_296 : i32 to index
          %parallel_loop3A_356 = arith.constant 0 : index
          %parallel_loop3A_357 = tpu.vector_load %arg14[%parallel_loop3A_355, %parallel_loop3A_356] {strides = array<i32>} : memref<80x16xf32, #tpu.memory_space<vmem>>, vector<16xf32>,
          tpu.vector_store %arg14[%parallel_loop3A_355, %parallel_loop3A_356], %parallel_loop3A_298 {strides = array<i32>} : memref<80x16xf32, #tpu.memory_space<vmem>>, vector<16xf32>,
        } {sc.loop_unroll_factor = 4 : i64, sc.parallel_access}
        %dma_start3A_283 = arith.constant 0 : i32
        %dma_start3A_284 = arith.constant 0 : i32
        %dma_start3A_285 = tpu.memref_slice %arg33[%dma_start3A_283, %dma_start3A_284] : memref<10240x128xf32, #tpu.memory_space<vmem_shared>> -> memref<10240x128xf32, #tpu.memory_space<vmem_shared>>
        tpu.enqueue_indirect_dma source(%arg11 : memref<80x128xf32, #tpu.memory_space<vmem>>) target(%dma_start3A_285 : memref<10240x128xf32, #tpu.memory_space<vmem_shared>>) offsets(%arg10 : memref<80xi32, #tpu.memory_space<vmem>>) semaphore(%arg16 : memref<!tpu.dma_semaphore, #tpu.memory_space<semaphore_mem>>) {add = true}
        %dma_start3A_286 = arith.constant 0 : i32
        %dma_start3A_287 = arith.constant 0 : i32
        %dma_start3A_288 = tpu.memref_slice %arg34[%dma_start3A_286, %dma_start3A_287] : memref<10240x16xf32, #tpu.memory_space<vmem_shared>> -> memref<10240x16xf32, #tpu.memory_space<vmem_shared>>
        tpu.enqueue_indirect_dma source(%arg14 : memref<80x16xf32, #tpu.memory_space<vmem>>) target(%dma_start3A_288 : memref<10240x16xf32, #tpu.memory_space<vmem_shared>>) offsets(%arg10 : memref<80xi32, #tpu.memory_space<vmem>>) semaphore(%arg16 : memref<!tpu.dma_semaphore, #tpu.memory_space<semaphore_mem>>) {add = true}
        %add3A_289 = arith.constant 2 : i32
        %add3A_290 = arith.addi %scan3A_148, %add3A_289 : i32
        %lt3A_291 = arith.constant 125 : i32
        %lt3A_292 = arith.cmpi slt, %add3A_290, %lt3A_291 : i32
        %convert_element_type3A_293 = arith.extui %lt3A_292 : i1 to i32
        %cond3A_294 = arith.constant 0 : i32
        %cond3A_295 = arith.cmpi ne, %convert_element_type3A_293, %cond3A_294 : i32
        scf.if %cond3A_295 {
          %ge3A_296 = arith.constant 1 : i32
          %ge3A_297 = arith.cmpi sge, %scan3A_148, %ge3A_296 : i32
          %convert_element_type3A_298 = arith.extui %ge3A_297 : i1 to i32
          %cond3A_299 = arith.constant 0 : i32
          %cond3A_300 = arith.cmpi ne, %convert_element_type3A_298, %cond3A_299 : i32
          scf.if %cond3A_300 {
            %dma_wait3A_327 = arith.constant 0 : i32
            %dma_wait3A_328 = arith.constant 0 : i32
            %dma_wait3A_329 = tpu.memref_slice %arg33[%dma_wait3A_327, %dma_wait3A_328] : memref<10240x128xf32, #tpu.memory_space<vmem_shared>> -> memref<10240x128xf32, #tpu.memory_space<vmem_shared>>
            tpu.wait_indirect_dma semaphore(%arg32 : memref<!tpu.dma_semaphore, #tpu.memory_space<semaphore_mem>>) src(%arg27 : memref<80x128xf32, #tpu.memory_space<vmem>>) dst(%dma_wait3A_329 : memref<10240x128xf32, #tpu.memory_space<vmem_shared>>)
            %dma_wait3A_330 = arith.constant 0 : i32
            %dma_wait3A_331 = arith.constant 0 : i32
            %dma_wait3A_332 = tpu.memref_slice %arg34[%dma_wait3A_330, %dma_wait3A_331] : memref<10240x16xf32, #tpu.memory_space<vmem_shared>> -> memref<10240x16xf32, #tpu.memory_space<vmem_shared>>
            tpu.wait_indirect_dma semaphore(%arg32 : memref<!tpu.dma_semaphore, #tpu.memory_space<semaphore_mem>>) src(%arg30 : memref<80x16xf32, #tpu.memory_space<vmem>>) dst(%dma_wait3A_332 : memref<10240x16xf32, #tpu.memory_space<vmem_shared>>)
          } else {
          }
          %add3A_301 = arith.constant 2 : i32
          %add3A_302 = arith.addi %scan3A_148, %add3A_301 : i32
          %mul3A_303 = arith.constant 10000 : i32
          %mul3A_304 = arith.muli %add3A, %mul3A_303 : i32
          %mul3A_305 = arith.constant 80 : i32
          %mul3A_306 = arith.muli %add3A_302, %mul3A_305 : i32
          %add3A_307 = arith.addi %mul3A_304, %mul3A_306 : i32
          %dma_start3A_308 = tpu.memref_slice %arg2[%add3A_307] : memref<320000xi32, #tpu.memory_space<hbm>> -> memref<80xi32, #tpu.memory_space<hbm>>
          %dma_start3A_309 = tpu.memref_slice %arg2[%add3A_307] : memref<320000xi32, #tpu.memory_space<hbm>> -> memref<80xi32, #tpu.memory_space<hbm>>
          tpu.enqueue_dma source(%dma_start3A_309 : memref<80xi32, #tpu.memory_space<hbm>>) target(%arg25 : memref<80xi32, #tpu.memory_space<vmem>>) target_semaphore(%arg31 : memref<!tpu.dma_semaphore, #tpu.memory_space<semaphore_mem>>)
          %dma_start3A_310 = tpu.memref_slice %arg3[%add3A_307] : memref<320000xi32, #tpu.memory_space<hbm>> -> memref<80xi32, #tpu.memory_space<hbm>>
          %dma_start3A_311 = tpu.memref_slice %arg3[%add3A_307] : memref<320000xi32, #tpu.memory_space<hbm>> -> memref<80xi32, #tpu.memory_space<hbm>>
          tpu.enqueue_dma source(%dma_start3A_311 : memref<80xi32, #tpu.memory_space<hbm>>) target(%arg26 : memref<80xi32, #tpu.memory_space<vmem>>) target_semaphore(%arg31 : memref<!tpu.dma_semaphore, #tpu.memory_space<semaphore_mem>>)
          %dma_wait3A_312 = arith.constant 0 : i32
          %dma_wait3A_313 = tpu.memref_slice %arg2[%dma_wait3A_312] : memref<320000xi32, #tpu.memory_space<hbm>> -> memref<80xi32, #tpu.memory_space<hbm>>
          %dma_wait3A_314 = arith.constant 0 : i32
          %dma_wait3A_315 = tpu.memref_slice %arg2[%dma_wait3A_314] : memref<320000xi32, #tpu.memory_space<hbm>> -> memref<80xi32, #tpu.memory_space<hbm>>
          tpu.wait_dma2 semaphore(%arg31 : memref<!tpu.dma_semaphore, #tpu.memory_space<semaphore_mem>>) src(%dma_wait3A_315 : memref<80xi32, #tpu.memory_space<hbm>>) dst(%arg25 : memref<80xi32, #tpu.memory_space<vmem>>)
          %dma_wait3A_316 = arith.constant 0 : i32
          %dma_wait3A_317 = tpu.memref_slice %arg3[%dma_wait3A_316] : memref<320000xi32, #tpu.memory_space<hbm>> -> memref<80xi32, #tpu.memory_space<hbm>>
          %dma_wait3A_318 = arith.constant 0 : i32
          %dma_wait3A_319 = tpu.memref_slice %arg3[%dma_wait3A_318] : memref<320000xi32, #tpu.memory_space<hbm>> -> memref<80xi32, #tpu.memory_space<hbm>>
          tpu.wait_dma2 semaphore(%arg31 : memref<!tpu.dma_semaphore, #tpu.memory_space<semaphore_mem>>) src(%dma_wait3A_319 : memref<80xi32, #tpu.memory_space<hbm>>) dst(%arg26 : memref<80xi32, #tpu.memory_space<vmem>>)
          %dma_start3A_320 = arith.constant 0 : i32
          %dma_start3A_321 = arith.constant 0 : i32
          %dma_start3A_322 = tpu.memref_slice %arg4[%dma_start3A_320, %dma_start3A_321] : memref<10000x128xf32, #tpu.memory_space<hbm>> -> memref<10000x128xf32, #tpu.memory_space<hbm>>
          tpu.enqueue_indirect_dma source(%dma_start3A_322 : memref<10000x128xf32, #tpu.memory_space<hbm>>) target(%arg27 : memref<80x128xf32, #tpu.memory_space<vmem>>) offsets(%arg25 : memref<80xi32, #tpu.memory_space<vmem>>) semaphore(%arg31 : memref<!tpu.dma_semaphore, #tpu.memory_space<semaphore_mem>>)
          %dma_start3A_323 = arith.constant 0 : i32
          %dma_start3A_324 = tpu.memref_slice %arg5[%dma_start3A_323] : memref<10000xf32, #tpu.memory_space<hbm>> -> memref<10000xf32, #tpu.memory_space<hbm>>
          tpu.enqueue_indirect_dma source(%dma_start3A_324 : memref<10000xf32, #tpu.memory_space<hbm>>) target(%arg28 : memref<80xf32, #tpu.memory_space<vmem>>) offsets(%arg25 : memref<80xi32, #tpu.memory_space<vmem>>) semaphore(%arg31 : memref<!tpu.dma_semaphore, #tpu.memory_space<semaphore_mem>>)
          %dma_start3A_325 = arith.constant 0 : i32
          %dma_start3A_326 = tpu.memref_slice %arg6[%dma_start3A_325] : memref<10000xf32, #tpu.memory_space<hbm>> -> memref<10000xf32, #tpu.memory_space<hbm>>
          tpu.enqueue_indirect_dma source(%dma_start3A_326 : memref<10000xf32, #tpu.memory_space<hbm>>) target(%arg29 : memref<80xf32, #tpu.memory_space<vmem>>) offsets(%arg26 : memref<80xi32, #tpu.memory_space<vmem>>) semaphore(%arg31 : memref<!tpu.dma_semaphore, #tpu.memory_space<semaphore_mem>>)
        } else {
        }
      } else {
      }
      %jit3A_161 = arith.constant 3 : i32
      %eq3A_162 = arith.constant 0 : i32
      %eq3A_163 = arith.cmpi eq, %jit3A_161, %eq3A_162 : i32
      %jit3A_164 = arith.constant 1 : i32
      %select_n3A_165 = arith.select %eq3A_163, %jit3A_164, %jit3A_161 : i32
      %rem3A_166 = arith.remsi %scan3A_148, %select_n3A_165 : i32
      %ne3A_167 = arith.constant 0 : i32
      %ne3A_168 = arith.cmpi ne, %rem3A_166, %ne3A_167 : i32
      %lt3A_169 = arith.constant 0 : i32
      %lt3A_170 = arith.cmpi slt, %rem3A_166, %lt3A_169 : i32
      %lt3A_171 = arith.constant 0 : i32
      %lt3A_172 = arith.cmpi slt, %select_n3A_165, %lt3A_171 : i32
      %ne3A_173 = arith.xori %lt3A_170, %lt3A_172 : i1
      %and3A_174 = arith.andi %ne3A_173, %ne3A_168 : i1
      %add3A_175 = arith.addi %rem3A_166, %select_n3A_165 : i32
      %select_n3A_176 = arith.select %and3A_174, %add3A_175, %rem3A_166 : i32
      %eq3A_177 = arith.constant 1 : i32
      %eq3A_178 = arith.cmpi eq, %select_n3A_176, %eq3A_177 : i32
      %convert_element_type3A_179 = arith.extui %eq3A_178 : i1 to i32
      %cond3A_180 = arith.constant 0 : i32
      %cond3A_181 = arith.cmpi ne, %convert_element_type3A_179, %cond3A_180 : i32
      scf.if %cond3A_181 {
        %dma_wait3A_203 = arith.constant 0 : i32
        %dma_wait3A_204 = arith.constant 0 : i32
        %dma_wait3A_205 = tpu.memref_slice %arg4[%dma_wait3A_203, %dma_wait3A_204] : memref<10000x128xf32, #tpu.memory_space<hbm>> -> memref<10000x128xf32, #tpu.memory_space<hbm>>
        tpu.wait_indirect_dma semaphore(%arg23 : memref<!tpu.dma_semaphore, #tpu.memory_space<semaphore_mem>>) src(%dma_wait3A_205 : memref<10000x128xf32, #tpu.memory_space<hbm>>) dst(%arg19 : memref<80x128xf32, #tpu.memory_space<vmem>>)
        %dma_wait3A_206 = arith.constant 0 : i32
        %dma_wait3A_207 = tpu.memref_slice %arg5[%dma_wait3A_206] : memref<10000xf32, #tpu.memory_space<hbm>> -> memref<10000xf32, #tpu.memory_space<hbm>>
        tpu.wait_indirect_dma semaphore(%arg23 : memref<!tpu.dma_semaphore, #tpu.memory_space<semaphore_mem>>) src(%dma_wait3A_207 : memref<10000xf32, #tpu.memory_space<hbm>>) dst(%arg20 : memref<80xf32, #tpu.memory_space<vmem>>)
        %dma_wait3A_208 = arith.constant 0 : i32
        %dma_wait3A_209 = tpu.memref_slice %arg6[%dma_wait3A_208] : memref<10000xf32, #tpu.memory_space<hbm>> -> memref<10000xf32, #tpu.memory_space<hbm>>
        tpu.wait_indirect_dma semaphore(%arg23 : memref<!tpu.dma_semaphore, #tpu.memory_space<semaphore_mem>>) src(%dma_wait3A_209 : memref<10000xf32, #tpu.memory_space<hbm>>) dst(%arg21 : memref<80xf32, #tpu.memory_space<vmem>>)
        %get3A = arith.constant 0 : index
        %get3A_210 = tpu.vector_load %arg20[%get3A] {strides = array<i32>} : memref<80xf32, #tpu.memory_space<vmem>>, vector<16xf32>,
        %get3A_211 = arith.constant 0 : index
        %get3A_212 = tpu.vector_load %arg21[%get3A_211] {strides = array<i32>} : memref<80xf32, #tpu.memory_space<vmem>>, vector<16xf32>,
        %add3A_213 = arith.addf %get3A_210, %get3A_212 : vector<16xf32>
        %ge3A = arith.constant 0.000000e+00 : f32
        %ge3A_214 = vector.broadcast %ge3A : f32 to vector<16xf32>
        %ge3A_215 = arith.cmpf oge, %add3A_213, %ge3A_214 : vector<16xf32>
        %mul3A_216 = arith.constant 2.000000e-01 : f32
        %mul3A_217 = vector.broadcast %mul3A_216 : f32 to vector<16xf32>
        %mul3A_218 = arith.mulf %add3A_213, %mul3A_217 : vector<16xf32>
        %select_n3A_219 = arith.select %ge3A_215, %add3A_213, %mul3A_218 : vector<16xi1>, vector<16xf32>
        %exp3A = math.exp %select_n3A_219 : vector<16xf32>
        %swap3A = arith.constant 0 : index
        %swap3A_220 = tpu.vector_load %arg20[%swap3A] {strides = array<i32>} : memref<80xf32, #tpu.memory_space<vmem>>, vector<16xf32>,
        tpu.vector_store %arg20[%swap3A], %exp3A {strides = array<i32>} : memref<80xf32, #tpu.memory_space<vmem>>, vector<16xf32>,
        %get3A_221 = arith.constant 16 : index
        %get3A_222 = tpu.vector_load %arg20[%get3A_221] {strides = array<i32>} : memref<80xf32, #tpu.memory_space<vmem>>, vector<16xf32>,
        %get3A_223 = arith.constant 16 : index
        %get3A_224 = tpu.vector_load %arg21[%get3A_223] {strides = array<i32>} : memref<80xf32, #tpu.memory_space<vmem>>, vector<16xf32>,
        %add3A_225 = arith.addf %get3A_222, %get3A_224 : vector<16xf32>
        %ge3A_226 = arith.constant 0.000000e+00 : f32
        %ge3A_227 = vector.broadcast %ge3A_226 : f32 to vector<16xf32>
        %ge3A_228 = arith.cmpf oge, %add3A_225, %ge3A_227 : vector<16xf32>
        %mul3A_229 = arith.constant 2.000000e-01 : f32
        %mul3A_230 = vector.broadcast %mul3A_229 : f32 to vector<16xf32>
        %mul3A_231 = arith.mulf %add3A_225, %mul3A_230 : vector<16xf32>
        %select_n3A_232 = arith.select %ge3A_228, %add3A_225, %mul3A_231 : vector<16xi1>, vector<16xf32>
        %exp3A_233 = math.exp %select_n3A_232 : vector<16xf32>
        %swap3A_234 = arith.constant 16 : index
        %swap3A_235 = tpu.vector_load %arg20[%swap3A_234] {strides = array<i32>} : memref<80xf32, #tpu.memory_space<vmem>>, vector<16xf32>,
        tpu.vector_store %arg20[%swap3A_234], %exp3A_233 {strides = array<i32>} : memref<80xf32, #tpu.memory_space<vmem>>, vector<16xf32>,
        %get3A_236 = arith.constant 32 : index
        %get3A_237 = tpu.vector_load %arg20[%get3A_236] {strides = array<i32>} : memref<80xf32, #tpu.memory_space<vmem>>, vector<16xf32>,
        %get3A_238 = arith.constant 32 : index
        %get3A_239 = tpu.vector_load %arg21[%get3A_238] {strides = array<i32>} : memref<80xf32, #tpu.memory_space<vmem>>, vector<16xf32>,
        %add3A_240 = arith.addf %get3A_237, %get3A_239 : vector<16xf32>
        %ge3A_241 = arith.constant 0.000000e+00 : f32
        %ge3A_242 = vector.broadcast %ge3A_241 : f32 to vector<16xf32>
        %ge3A_243 = arith.cmpf oge, %add3A_240, %ge3A_242 : vector<16xf32>
        %mul3A_244 = arith.constant 2.000000e-01 : f32
        %mul3A_245 = vector.broadcast %mul3A_244 : f32 to vector<16xf32>
        %mul3A_246 = arith.mulf %add3A_240, %mul3A_245 : vector<16xf32>
        %select_n3A_247 = arith.select %ge3A_243, %add3A_240, %mul3A_246 : vector<16xi1>, vector<16xf32>
        %exp3A_248 = math.exp %select_n3A_247 : vector<16xf32>
        %swap3A_249 = arith.constant 32 : index
        %swap3A_250 = tpu.vector_load %arg20[%swap3A_249] {strides = array<i32>} : memref<80xf32, #tpu.memory_space<vmem>>, vector<16xf32>,
        tpu.vector_store %arg20[%swap3A_249], %exp3A_248 {strides = array<i32>} : memref<80xf32, #tpu.memory_space<vmem>>, vector<16xf32>,
        %get3A_251 = arith.constant 48 : index
        %get3A_252 = tpu.vector_load %arg20[%get3A_251] {strides = array<i32>} : memref<80xf32, #tpu.memory_space<vmem>>, vector<16xf32>,
        %get3A_253 = arith.constant 48 : index
        %get3A_254 = tpu.vector_load %arg21[%get3A_253] {strides = array<i32>} : memref<80xf32, #tpu.memory_space<vmem>>, vector<16xf32>,
        %add3A_255 = arith.addf %get3A_252, %get3A_254 : vector<16xf32>
        %ge3A_256 = arith.constant 0.000000e+00 : f32
        %ge3A_257 = vector.broadcast %ge3A_256 : f32 to vector<16xf32>
        %ge3A_258 = arith.cmpf oge, %add3A_255, %ge3A_257 : vector<16xf32>
        %mul3A_259 = arith.constant 2.000000e-01 : f32
        %mul3A_260 = vector.broadcast %mul3A_259 : f32 to vector<16xf32>
        %mul3A_261 = arith.mulf %add3A_255, %mul3A_260 : vector<16xf32>
        %select_n3A_262 = arith.select %ge3A_258, %add3A_255, %mul3A_261 : vector<16xi1>, vector<16xf32>
        %exp3A_263 = math.exp %select_n3A_262 : vector<16xf32>
        %swap3A_264 = arith.constant 48 : index
        %swap3A_265 = tpu.vector_load %arg20[%swap3A_264] {strides = array<i32>} : memref<80xf32, #tpu.memory_space<vmem>>, vector<16xf32>,
        tpu.vector_store %arg20[%swap3A_264], %exp3A_263 {strides = array<i32>} : memref<80xf32, #tpu.memory_space<vmem>>, vector<16xf32>,
        %get3A_266 = arith.constant 64 : index
        %get3A_267 = tpu.vector_load %arg20[%get3A_266] {strides = array<i32>} : memref<80xf32, #tpu.memory_space<vmem>>, vector<16xf32>,
        %get3A_268 = arith.constant 64 : index
        %get3A_269 = tpu.vector_load %arg21[%get3A_268] {strides = array<i32>} : memref<80xf32, #tpu.memory_space<vmem>>, vector<16xf32>,
        %add3A_270 = arith.addf %get3A_267, %get3A_269 : vector<16xf32>
        %ge3A_271 = arith.constant 0.000000e+00 : f32
        %ge3A_272 = vector.broadcast %ge3A_271 : f32 to vector<16xf32>
        %ge3A_273 = arith.cmpf oge, %add3A_270, %ge3A_272 : vector<16xf32>
        %mul3A_274 = arith.constant 2.000000e-01 : f32
        %mul3A_275 = vector.broadcast %mul3A_274 : f32 to vector<16xf32>
        %mul3A_276 = arith.mulf %add3A_270, %mul3A_275 : vector<16xf32>
        %select_n3A_277 = arith.select %ge3A_273, %add3A_270, %mul3A_276 : vector<16xi1>, vector<16xf32>
        %exp3A_278 = math.exp %select_n3A_277 : vector<16xf32>
        %swap3A_279 = arith.constant 64 : index
        %swap3A_280 = tpu.vector_load %arg20[%swap3A_279] {strides = array<i32>} : memref<80xf32, #tpu.memory_space<vmem>>, vector<16xf32>,
        tpu.vector_store %arg20[%swap3A_279], %exp3A_278 {strides = array<i32>} : memref<80xf32, #tpu.memory_space<vmem>>, vector<16xf32>,
        %parallel_loop3A = arith.constant 0 : i32
        %parallel_loop3A_281 = arith.constant 80 : i32
        %parallel_loop3A_282 = arith.constant 1 : i32
        scf.for %parallel_loop3A_296 = %parallel_loop3A to %parallel_loop3A_281 step %parallel_loop3A_282  : i32 {
          %parallel_loop3A_297 = vector.broadcast %parallel_loop3A_296 : i32 to vector<16xi32>
          %parallel_loop3A_298 = tpu.vector_load_idx %arg20[%parallel_loop3A_297] : memref<80xf32, #tpu.memory_space<vmem>>[vector<16xi32>], vector<16xf32>,
          %parallel_loop3A_299 = arith.index_cast %parallel_loop3A_296 : i32 to index
          %parallel_loop3A_300 = arith.constant 0 : index
          %parallel_loop3A_301 = tpu.vector_load %arg19[%parallel_loop3A_299, %parallel_loop3A_300] {strides = array<i32>} : memref<80x128xf32, #tpu.memory_space<vmem>>, vector<16xf32>,
          %parallel_loop3A_302 = arith.mulf %parallel_loop3A_301, %parallel_loop3A_298 : vector<16xf32>
          %parallel_loop3A_303 = arith.index_cast %parallel_loop3A_296 : i32 to index
          %parallel_loop3A_304 = arith.constant 0 : index
          %parallel_loop3A_305 = tpu.vector_load %arg19[%parallel_loop3A_303, %parallel_loop3A_304] {strides = array<i32>} : memref<80x128xf32, #tpu.memory_space<vmem>>, vector<16xf32>,
          tpu.vector_store %arg19[%parallel_loop3A_303, %parallel_loop3A_304], %parallel_loop3A_302 {strides = array<i32>} : memref<80x128xf32, #tpu.memory_space<vmem>>, vector<16xf32>,
          %parallel_loop3A_306 = arith.index_cast %parallel_loop3A_296 : i32 to index
          %parallel_loop3A_307 = arith.constant 16 : index
          %parallel_loop3A_308 = tpu.vector_load %arg19[%parallel_loop3A_306, %parallel_loop3A_307] {strides = array<i32>} : memref<80x128xf32, #tpu.memory_space<vmem>>, vector<16xf32>,
          %parallel_loop3A_309 = arith.mulf %parallel_loop3A_308, %parallel_loop3A_298 : vector<16xf32>
          %parallel_loop3A_310 = arith.index_cast %parallel_loop3A_296 : i32 to index
          %parallel_loop3A_311 = arith.constant 16 : index
          %parallel_loop3A_312 = tpu.vector_load %arg19[%parallel_loop3A_310, %parallel_loop3A_311] {strides = array<i32>} : memref<80x128xf32, #tpu.memory_space<vmem>>, vector<16xf32>,
          tpu.vector_store %arg19[%parallel_loop3A_310, %parallel_loop3A_311], %parallel_loop3A_309 {strides = array<i32>} : memref<80x128xf32, #tpu.memory_space<vmem>>, vector<16xf32>,
          %parallel_loop3A_313 = arith.index_cast %parallel_loop3A_296 : i32 to index
          %parallel_loop3A_314 = arith.constant 32 : index
          %parallel_loop3A_315 = tpu.vector_load %arg19[%parallel_loop3A_313, %parallel_loop3A_314] {strides = array<i32>} : memref<80x128xf32, #tpu.memory_space<vmem>>, vector<16xf32>,
          %parallel_loop3A_316 = arith.mulf %parallel_loop3A_315, %parallel_loop3A_298 : vector<16xf32>
          %parallel_loop3A_317 = arith.index_cast %parallel_loop3A_296 : i32 to index
          %parallel_loop3A_318 = arith.constant 32 : index
          %parallel_loop3A_319 = tpu.vector_load %arg19[%parallel_loop3A_317, %parallel_loop3A_318] {strides = array<i32>} : memref<80x128xf32, #tpu.memory_space<vmem>>, vector<16xf32>,
          tpu.vector_store %arg19[%parallel_loop3A_317, %parallel_loop3A_318], %parallel_loop3A_316 {strides = array<i32>} : memref<80x128xf32, #tpu.memory_space<vmem>>, vector<16xf32>,
          %parallel_loop3A_320 = arith.index_cast %parallel_loop3A_296 : i32 to index
          %parallel_loop3A_321 = arith.constant 48 : index
          %parallel_loop3A_322 = tpu.vector_load %arg19[%parallel_loop3A_320, %parallel_loop3A_321] {strides = array<i32>} : memref<80x128xf32, #tpu.memory_space<vmem>>, vector<16xf32>,
          %parallel_loop3A_323 = arith.mulf %parallel_loop3A_322, %parallel_loop3A_298 : vector<16xf32>
          %parallel_loop3A_324 = arith.index_cast %parallel_loop3A_296 : i32 to index
          %parallel_loop3A_325 = arith.constant 48 : index
          %parallel_loop3A_326 = tpu.vector_load %arg19[%parallel_loop3A_324, %parallel_loop3A_325] {strides = array<i32>} : memref<80x128xf32, #tpu.memory_space<vmem>>, vector<16xf32>,
          tpu.vector_store %arg19[%parallel_loop3A_324, %parallel_loop3A_325], %parallel_loop3A_323 {strides = array<i32>} : memref<80x128xf32, #tpu.memory_space<vmem>>, vector<16xf32>,
          %parallel_loop3A_327 = arith.index_cast %parallel_loop3A_296 : i32 to index
          %parallel_loop3A_328 = arith.constant 64 : index
          %parallel_loop3A_329 = tpu.vector_load %arg19[%parallel_loop3A_327, %parallel_loop3A_328] {strides = array<i32>} : memref<80x128xf32, #tpu.memory_space<vmem>>, vector<16xf32>,
          %parallel_loop3A_330 = arith.mulf %parallel_loop3A_329, %parallel_loop3A_298 : vector<16xf32>
          %parallel_loop3A_331 = arith.index_cast %parallel_loop3A_296 : i32 to index
          %parallel_loop3A_332 = arith.constant 64 : index
          %parallel_loop3A_333 = tpu.vector_load %arg19[%parallel_loop3A_331, %parallel_loop3A_332] {strides = array<i32>} : memref<80x128xf32, #tpu.memory_space<vmem>>, vector<16xf32>,
          tpu.vector_store %arg19[%parallel_loop3A_331, %parallel_loop3A_332], %parallel_loop3A_330 {strides = array<i32>} : memref<80x128xf32, #tpu.memory_space<vmem>>, vector<16xf32>,
          %parallel_loop3A_334 = arith.index_cast %parallel_loop3A_296 : i32 to index
          %parallel_loop3A_335 = arith.constant 80 : index
          %parallel_loop3A_336 = tpu.vector_load %arg19[%parallel_loop3A_334, %parallel_loop3A_335] {strides = array<i32>} : memref<80x128xf32, #tpu.memory_space<vmem>>, vector<16xf32>,
          %parallel_loop3A_337 = arith.mulf %parallel_loop3A_336, %parallel_loop3A_298 : vector<16xf32>
          %parallel_loop3A_338 = arith.index_cast %parallel_loop3A_296 : i32 to index
          %parallel_loop3A_339 = arith.constant 80 : index
          %parallel_loop3A_340 = tpu.vector_load %arg19[%parallel_loop3A_338, %parallel_loop3A_339] {strides = array<i32>} : memref<80x128xf32, #tpu.memory_space<vmem>>, vector<16xf32>,
          tpu.vector_store %arg19[%parallel_loop3A_338, %parallel_loop3A_339], %parallel_loop3A_337 {strides = array<i32>} : memref<80x128xf32, #tpu.memory_space<vmem>>, vector<16xf32>,
          %parallel_loop3A_341 = arith.index_cast %parallel_loop3A_296 : i32 to index
          %parallel_loop3A_342 = arith.constant 96 : index
          %parallel_loop3A_343 = tpu.vector_load %arg19[%parallel_loop3A_341, %parallel_loop3A_342] {strides = array<i32>} : memref<80x128xf32, #tpu.memory_space<vmem>>, vector<16xf32>,
          %parallel_loop3A_344 = arith.mulf %parallel_loop3A_343, %parallel_loop3A_298 : vector<16xf32>
          %parallel_loop3A_345 = arith.index_cast %parallel_loop3A_296 : i32 to index
          %parallel_loop3A_346 = arith.constant 96 : index
          %parallel_loop3A_347 = tpu.vector_load %arg19[%parallel_loop3A_345, %parallel_loop3A_346] {strides = array<i32>} : memref<80x128xf32, #tpu.memory_space<vmem>>, vector<16xf32>,
          tpu.vector_store %arg19[%parallel_loop3A_345, %parallel_loop3A_346], %parallel_loop3A_344 {strides = array<i32>} : memref<80x128xf32, #tpu.memory_space<vmem>>, vector<16xf32>,
          %parallel_loop3A_348 = arith.index_cast %parallel_loop3A_296 : i32 to index
          %parallel_loop3A_349 = arith.constant 112 : index
          %parallel_loop3A_350 = tpu.vector_load %arg19[%parallel_loop3A_348, %parallel_loop3A_349] {strides = array<i32>} : memref<80x128xf32, #tpu.memory_space<vmem>>, vector<16xf32>,
          %parallel_loop3A_351 = arith.mulf %parallel_loop3A_350, %parallel_loop3A_298 : vector<16xf32>
          %parallel_loop3A_352 = arith.index_cast %parallel_loop3A_296 : i32 to index
          %parallel_loop3A_353 = arith.constant 112 : index
          %parallel_loop3A_354 = tpu.vector_load %arg19[%parallel_loop3A_352, %parallel_loop3A_353] {strides = array<i32>} : memref<80x128xf32, #tpu.memory_space<vmem>>, vector<16xf32>,
          tpu.vector_store %arg19[%parallel_loop3A_352, %parallel_loop3A_353], %parallel_loop3A_351 {strides = array<i32>} : memref<80x128xf32, #tpu.memory_space<vmem>>, vector<16xf32>,
          %parallel_loop3A_355 = arith.index_cast %parallel_loop3A_296 : i32 to index
          %parallel_loop3A_356 = arith.constant 0 : index
          %parallel_loop3A_357 = tpu.vector_load %arg22[%parallel_loop3A_355, %parallel_loop3A_356] {strides = array<i32>} : memref<80x16xf32, #tpu.memory_space<vmem>>, vector<16xf32>,
          tpu.vector_store %arg22[%parallel_loop3A_355, %parallel_loop3A_356], %parallel_loop3A_298 {strides = array<i32>} : memref<80x16xf32, #tpu.memory_space<vmem>>, vector<16xf32>,
        } {sc.loop_unroll_factor = 4 : i64, sc.parallel_access}
        %dma_start3A_283 = arith.constant 0 : i32
        %dma_start3A_284 = arith.constant 0 : i32
        %dma_start3A_285 = tpu.memref_slice %arg33[%dma_start3A_283, %dma_start3A_284] : memref<10240x128xf32, #tpu.memory_space<vmem_shared>> -> memref<10240x128xf32, #tpu.memory_space<vmem_shared>>
        tpu.enqueue_indirect_dma source(%arg19 : memref<80x128xf32, #tpu.memory_space<vmem>>) target(%dma_start3A_285 : memref<10240x128xf32, #tpu.memory_space<vmem_shared>>) offsets(%arg18 : memref<80xi32, #tpu.memory_space<vmem>>) semaphore(%arg24 : memref<!tpu.dma_semaphore, #tpu.memory_space<semaphore_mem>>) {add = true}
        %dma_start3A_286 = arith.constant 0 : i32
        %dma_start3A_287 = arith.constant 0 : i32
        %dma_start3A_288 = tpu.memref_slice %arg34[%dma_start3A_286, %dma_start3A_287] : memref<10240x16xf32, #tpu.memory_space<vmem_shared>> -> memref<10240x16xf32, #tpu.memory_space<vmem_shared>>
        tpu.enqueue_indirect_dma source(%arg22 : memref<80x16xf32, #tpu.memory_space<vmem>>) target(%dma_start3A_288 : memref<10240x16xf32, #tpu.memory_space<vmem_shared>>) offsets(%arg18 : memref<80xi32, #tpu.memory_space<vmem>>) semaphore(%arg24 : memref<!tpu.dma_semaphore, #tpu.memory_space<semaphore_mem>>) {add = true}
        %add3A_289 = arith.constant 2 : i32
        %add3A_290 = arith.addi %scan3A_148, %add3A_289 : i32
        %lt3A_291 = arith.constant 125 : i32
        %lt3A_292 = arith.cmpi slt, %add3A_290, %lt3A_291 : i32
        %convert_element_type3A_293 = arith.extui %lt3A_292 : i1 to i32
        %cond3A_294 = arith.constant 0 : i32
        %cond3A_295 = arith.cmpi ne, %convert_element_type3A_293, %cond3A_294 : i32
        scf.if %cond3A_295 {
          %ge3A_296 = arith.constant 1 : i32
          %ge3A_297 = arith.cmpi sge, %scan3A_148, %ge3A_296 : i32
          %convert_element_type3A_298 = arith.extui %ge3A_297 : i1 to i32
          %cond3A_299 = arith.constant 0 : i32
          %cond3A_300 = arith.cmpi ne, %convert_element_type3A_298, %cond3A_299 : i32
          scf.if %cond3A_300 {
            %dma_wait3A_327 = arith.constant 0 : i32
            %dma_wait3A_328 = arith.constant 0 : i32
            %dma_wait3A_329 = tpu.memref_slice %arg33[%dma_wait3A_327, %dma_wait3A_328] : memref<10240x128xf32, #tpu.memory_space<vmem_shared>> -> memref<10240x128xf32, #tpu.memory_space<vmem_shared>>
            tpu.wait_indirect_dma semaphore(%arg16 : memref<!tpu.dma_semaphore, #tpu.memory_space<semaphore_mem>>) src(%arg11 : memref<80x128xf32, #tpu.memory_space<vmem>>) dst(%dma_wait3A_329 : memref<10240x128xf32, #tpu.memory_space<vmem_shared>>)
            %dma_wait3A_330 = arith.constant 0 : i32
            %dma_wait3A_331 = arith.constant 0 : i32
            %dma_wait3A_332 = tpu.memref_slice %arg34[%dma_wait3A_330, %dma_wait3A_331] : memref<10240x16xf32, #tpu.memory_space<vmem_shared>> -> memref<10240x16xf32, #tpu.memory_space<vmem_shared>>
            tpu.wait_indirect_dma semaphore(%arg16 : memref<!tpu.dma_semaphore, #tpu.memory_space<semaphore_mem>>) src(%arg14 : memref<80x16xf32, #tpu.memory_space<vmem>>) dst(%dma_wait3A_332 : memref<10240x16xf32, #tpu.memory_space<vmem_shared>>)
          } else {
          }
          %add3A_301 = arith.constant 2 : i32
          %add3A_302 = arith.addi %scan3A_148, %add3A_301 : i32
          %mul3A_303 = arith.constant 10000 : i32
          %mul3A_304 = arith.muli %add3A, %mul3A_303 : i32
          %mul3A_305 = arith.constant 80 : i32
          %mul3A_306 = arith.muli %add3A_302, %mul3A_305 : i32
          %add3A_307 = arith.addi %mul3A_304, %mul3A_306 : i32
          %dma_start3A_308 = tpu.memref_slice %arg2[%add3A_307] : memref<320000xi32, #tpu.memory_space<hbm>> -> memref<80xi32, #tpu.memory_space<hbm>>
          %dma_start3A_309 = tpu.memref_slice %arg2[%add3A_307] : memref<320000xi32, #tpu.memory_space<hbm>> -> memref<80xi32, #tpu.memory_space<hbm>>
          tpu.enqueue_dma source(%dma_start3A_309 : memref<80xi32, #tpu.memory_space<hbm>>) target(%arg9 : memref<80xi32, #tpu.memory_space<vmem>>) target_semaphore(%arg15 : memref<!tpu.dma_semaphore, #tpu.memory_space<semaphore_mem>>)
          %dma_start3A_310 = tpu.memref_slice %arg3[%add3A_307] : memref<320000xi32, #tpu.memory_space<hbm>> -> memref<80xi32, #tpu.memory_space<hbm>>
          %dma_start3A_311 = tpu.memref_slice %arg3[%add3A_307] : memref<320000xi32, #tpu.memory_space<hbm>> -> memref<80xi32, #tpu.memory_space<hbm>>
          tpu.enqueue_dma source(%dma_start3A_311 : memref<80xi32, #tpu.memory_space<hbm>>) target(%arg10 : memref<80xi32, #tpu.memory_space<vmem>>) target_semaphore(%arg15 : memref<!tpu.dma_semaphore, #tpu.memory_space<semaphore_mem>>)
          %dma_wait3A_312 = arith.constant 0 : i32
          %dma_wait3A_313 = tpu.memref_slice %arg2[%dma_wait3A_312] : memref<320000xi32, #tpu.memory_space<hbm>> -> memref<80xi32, #tpu.memory_space<hbm>>
          %dma_wait3A_314 = arith.constant 0 : i32
          %dma_wait3A_315 = tpu.memref_slice %arg2[%dma_wait3A_314] : memref<320000xi32, #tpu.memory_space<hbm>> -> memref<80xi32, #tpu.memory_space<hbm>>
          tpu.wait_dma2 semaphore(%arg15 : memref<!tpu.dma_semaphore, #tpu.memory_space<semaphore_mem>>) src(%dma_wait3A_315 : memref<80xi32, #tpu.memory_space<hbm>>) dst(%arg9 : memref<80xi32, #tpu.memory_space<vmem>>)
          %dma_wait3A_316 = arith.constant 0 : i32
          %dma_wait3A_317 = tpu.memref_slice %arg3[%dma_wait3A_316] : memref<320000xi32, #tpu.memory_space<hbm>> -> memref<80xi32, #tpu.memory_space<hbm>>
          %dma_wait3A_318 = arith.constant 0 : i32
          %dma_wait3A_319 = tpu.memref_slice %arg3[%dma_wait3A_318] : memref<320000xi32, #tpu.memory_space<hbm>> -> memref<80xi32, #tpu.memory_space<hbm>>
          tpu.wait_dma2 semaphore(%arg15 : memref<!tpu.dma_semaphore, #tpu.memory_space<semaphore_mem>>) src(%dma_wait3A_319 : memref<80xi32, #tpu.memory_space<hbm>>) dst(%arg10 : memref<80xi32, #tpu.memory_space<vmem>>)
          %dma_start3A_320 = arith.constant 0 : i32
          %dma_start3A_321 = arith.constant 0 : i32
          %dma_start3A_322 = tpu.memref_slice %arg4[%dma_start3A_320, %dma_start3A_321] : memref<10000x128xf32, #tpu.memory_space<hbm>> -> memref<10000x128xf32, #tpu.memory_space<hbm>>
          tpu.enqueue_indirect_dma source(%dma_start3A_322 : memref<10000x128xf32, #tpu.memory_space<hbm>>) target(%arg11 : memref<80x128xf32, #tpu.memory_space<vmem>>) offsets(%arg9 : memref<80xi32, #tpu.memory_space<vmem>>) semaphore(%arg15 : memref<!tpu.dma_semaphore, #tpu.memory_space<semaphore_mem>>)
          %dma_start3A_323 = arith.constant 0 : i32
          %dma_start3A_324 = tpu.memref_slice %arg5[%dma_start3A_323] : memref<10000xf32, #tpu.memory_space<hbm>> -> memref<10000xf32, #tpu.memory_space<hbm>>
          tpu.enqueue_indirect_dma source(%dma_start3A_324 : memref<10000xf32, #tpu.memory_space<hbm>>) target(%arg12 : memref<80xf32, #tpu.memory_space<vmem>>) offsets(%arg9 : memref<80xi32, #tpu.memory_space<vmem>>) semaphore(%arg15 : memref<!tpu.dma_semaphore, #tpu.memory_space<semaphore_mem>>)
          %dma_start3A_325 = arith.constant 0 : i32
          %dma_start3A_326 = tpu.memref_slice %arg6[%dma_start3A_325] : memref<10000xf32, #tpu.memory_space<hbm>> -> memref<10000xf32, #tpu.memory_space<hbm>>
          tpu.enqueue_indirect_dma source(%dma_start3A_326 : memref<10000xf32, #tpu.memory_space<hbm>>) target(%arg13 : memref<80xf32, #tpu.memory_space<vmem>>) offsets(%arg10 : memref<80xi32, #tpu.memory_space<vmem>>) semaphore(%arg15 : memref<!tpu.dma_semaphore, #tpu.memory_space<semaphore_mem>>)
        } else {
        }
      } else {
      }
      %jit3A_182 = arith.constant 3 : i32
      %eq3A_183 = arith.constant 0 : i32
      %eq3A_184 = arith.cmpi eq, %jit3A_182, %eq3A_183 : i32
      %jit3A_185 = arith.constant 1 : i32
      %select_n3A_186 = arith.select %eq3A_184, %jit3A_185, %jit3A_182 : i32
      %rem3A_187 = arith.remsi %scan3A_148, %select_n3A_186 : i32
      %ne3A_188 = arith.constant 0 : i32
      %ne3A_189 = arith.cmpi ne, %rem3A_187, %ne3A_188 : i32
      %lt3A_190 = arith.constant 0 : i32
      %lt3A_191 = arith.cmpi slt, %rem3A_187, %lt3A_190 : i32
      %lt3A_192 = arith.constant 0 : i32
      %lt3A_193 = arith.cmpi slt, %select_n3A_186, %lt3A_192 : i32
      %ne3A_194 = arith.xori %lt3A_191, %lt3A_193 : i1
      %and3A_195 = arith.andi %ne3A_194, %ne3A_189 : i1
      %add3A_196 = arith.addi %rem3A_187, %select_n3A_186 : i32
      %select_n3A_197 = arith.select %and3A_195, %add3A_196, %rem3A_187 : i32
      %eq3A_198 = arith.constant 2 : i32
      %eq3A_199 = arith.cmpi eq, %select_n3A_197, %eq3A_198 : i32
      %convert_element_type3A_200 = arith.extui %eq3A_199 : i1 to i32
      %cond3A_201 = arith.constant 0 : i32
      %cond3A_202 = arith.cmpi ne, %convert_element_type3A_200, %cond3A_201 : i32
      scf.if %cond3A_202 {
        %dma_wait3A_203 = arith.constant 0 : i32
        %dma_wait3A_204 = arith.constant 0 : i32
        %dma_wait3A_205 = tpu.memref_slice %arg4[%dma_wait3A_203, %dma_wait3A_204] : memref<10000x128xf32, #tpu.memory_space<hbm>> -> memref<10000x128xf32, #tpu.memory_space<hbm>>
        tpu.wait_indirect_dma semaphore(%arg31 : memref<!tpu.dma_semaphore, #tpu.memory_space<semaphore_mem>>) src(%dma_wait3A_205 : memref<10000x128xf32, #tpu.memory_space<hbm>>) dst(%arg27 : memref<80x128xf32, #tpu.memory_space<vmem>>)
        %dma_wait3A_206 = arith.constant 0 : i32
        %dma_wait3A_207 = tpu.memref_slice %arg5[%dma_wait3A_206] : memref<10000xf32, #tpu.memory_space<hbm>> -> memref<10000xf32, #tpu.memory_space<hbm>>
        tpu.wait_indirect_dma semaphore(%arg31 : memref<!tpu.dma_semaphore, #tpu.memory_space<semaphore_mem>>) src(%dma_wait3A_207 : memref<10000xf32, #tpu.memory_space<hbm>>) dst(%arg28 : memref<80xf32, #tpu.memory_space<vmem>>)
        %dma_wait3A_208 = arith.constant 0 : i32
        %dma_wait3A_209 = tpu.memref_slice %arg6[%dma_wait3A_208] : memref<10000xf32, #tpu.memory_space<hbm>> -> memref<10000xf32, #tpu.memory_space<hbm>>
        tpu.wait_indirect_dma semaphore(%arg31 : memref<!tpu.dma_semaphore, #tpu.memory_space<semaphore_mem>>) src(%dma_wait3A_209 : memref<10000xf32, #tpu.memory_space<hbm>>) dst(%arg29 : memref<80xf32, #tpu.memory_space<vmem>>)
        %get3A = arith.constant 0 : index
        %get3A_210 = tpu.vector_load %arg28[%get3A] {strides = array<i32>} : memref<80xf32, #tpu.memory_space<vmem>>, vector<16xf32>,
        %get3A_211 = arith.constant 0 : index
        %get3A_212 = tpu.vector_load %arg29[%get3A_211] {strides = array<i32>} : memref<80xf32, #tpu.memory_space<vmem>>, vector<16xf32>,
        %add3A_213 = arith.addf %get3A_210, %get3A_212 : vector<16xf32>
        %ge3A = arith.constant 0.000000e+00 : f32
        %ge3A_214 = vector.broadcast %ge3A : f32 to vector<16xf32>
        %ge3A_215 = arith.cmpf oge, %add3A_213, %ge3A_214 : vector<16xf32>
        %mul3A_216 = arith.constant 2.000000e-01 : f32
        %mul3A_217 = vector.broadcast %mul3A_216 : f32 to vector<16xf32>
        %mul3A_218 = arith.mulf %add3A_213, %mul3A_217 : vector<16xf32>
        %select_n3A_219 = arith.select %ge3A_215, %add3A_213, %mul3A_218 : vector<16xi1>, vector<16xf32>
        %exp3A = math.exp %select_n3A_219 : vector<16xf32>
        %swap3A = arith.constant 0 : index
        %swap3A_220 = tpu.vector_load %arg28[%swap3A] {strides = array<i32>} : memref<80xf32, #tpu.memory_space<vmem>>, vector<16xf32>,
        tpu.vector_store %arg28[%swap3A], %exp3A {strides = array<i32>} : memref<80xf32, #tpu.memory_space<vmem>>, vector<16xf32>,
        %get3A_221 = arith.constant 16 : index
        %get3A_222 = tpu.vector_load %arg28[%get3A_221] {strides = array<i32>} : memref<80xf32, #tpu.memory_space<vmem>>, vector<16xf32>,
        %get3A_223 = arith.constant 16 : index
        %get3A_224 = tpu.vector_load %arg29[%get3A_223] {strides = array<i32>} : memref<80xf32, #tpu.memory_space<vmem>>, vector<16xf32>,
        %add3A_225 = arith.addf %get3A_222, %get3A_224 : vector<16xf32>
        %ge3A_226 = arith.constant 0.000000e+00 : f32
        %ge3A_227 = vector.broadcast %ge3A_226 : f32 to vector<16xf32>
        %ge3A_228 = arith.cmpf oge, %add3A_225, %ge3A_227 : vector<16xf32>
        %mul3A_229 = arith.constant 2.000000e-01 : f32
        %mul3A_230 = vector.broadcast %mul3A_229 : f32 to vector<16xf32>
        %mul3A_231 = arith.mulf %add3A_225, %mul3A_230 : vector<16xf32>
        %select_n3A_232 = arith.select %ge3A_228, %add3A_225, %mul3A_231 : vector<16xi1>, vector<16xf32>
        %exp3A_233 = math.exp %select_n3A_232 : vector<16xf32>
        %swap3A_234 = arith.constant 16 : index
        %swap3A_235 = tpu.vector_load %arg28[%swap3A_234] {strides = array<i32>} : memref<80xf32, #tpu.memory_space<vmem>>, vector<16xf32>,
        tpu.vector_store %arg28[%swap3A_234], %exp3A_233 {strides = array<i32>} : memref<80xf32, #tpu.memory_space<vmem>>, vector<16xf32>,
        %get3A_236 = arith.constant 32 : index
        %get3A_237 = tpu.vector_load %arg28[%get3A_236] {strides = array<i32>} : memref<80xf32, #tpu.memory_space<vmem>>, vector<16xf32>,
        %get3A_238 = arith.constant 32 : index
        %get3A_239 = tpu.vector_load %arg29[%get3A_238] {strides = array<i32>} : memref<80xf32, #tpu.memory_space<vmem>>, vector<16xf32>,
        %add3A_240 = arith.addf %get3A_237, %get3A_239 : vector<16xf32>
        %ge3A_241 = arith.constant 0.000000e+00 : f32
        %ge3A_242 = vector.broadcast %ge3A_241 : f32 to vector<16xf32>
        %ge3A_243 = arith.cmpf oge, %add3A_240, %ge3A_242 : vector<16xf32>
        %mul3A_244 = arith.constant 2.000000e-01 : f32
        %mul3A_245 = vector.broadcast %mul3A_244 : f32 to vector<16xf32>
        %mul3A_246 = arith.mulf %add3A_240, %mul3A_245 : vector<16xf32>
        %select_n3A_247 = arith.select %ge3A_243, %add3A_240, %mul3A_246 : vector<16xi1>, vector<16xf32>
        %exp3A_248 = math.exp %select_n3A_247 : vector<16xf32>
        %swap3A_249 = arith.constant 32 : index
        %swap3A_250 = tpu.vector_load %arg28[%swap3A_249] {strides = array<i32>} : memref<80xf32, #tpu.memory_space<vmem>>, vector<16xf32>,
        tpu.vector_store %arg28[%swap3A_249], %exp3A_248 {strides = array<i32>} : memref<80xf32, #tpu.memory_space<vmem>>, vector<16xf32>,
        %get3A_251 = arith.constant 48 : index
        %get3A_252 = tpu.vector_load %arg28[%get3A_251] {strides = array<i32>} : memref<80xf32, #tpu.memory_space<vmem>>, vector<16xf32>,
        %get3A_253 = arith.constant 48 : index
        %get3A_254 = tpu.vector_load %arg29[%get3A_253] {strides = array<i32>} : memref<80xf32, #tpu.memory_space<vmem>>, vector<16xf32>,
        %add3A_255 = arith.addf %get3A_252, %get3A_254 : vector<16xf32>
        %ge3A_256 = arith.constant 0.000000e+00 : f32
        %ge3A_257 = vector.broadcast %ge3A_256 : f32 to vector<16xf32>
        %ge3A_258 = arith.cmpf oge, %add3A_255, %ge3A_257 : vector<16xf32>
        %mul3A_259 = arith.constant 2.000000e-01 : f32
        %mul3A_260 = vector.broadcast %mul3A_259 : f32 to vector<16xf32>
        %mul3A_261 = arith.mulf %add3A_255, %mul3A_260 : vector<16xf32>
        %select_n3A_262 = arith.select %ge3A_258, %add3A_255, %mul3A_261 : vector<16xi1>, vector<16xf32>
        %exp3A_263 = math.exp %select_n3A_262 : vector<16xf32>
        %swap3A_264 = arith.constant 48 : index
        %swap3A_265 = tpu.vector_load %arg28[%swap3A_264] {strides = array<i32>} : memref<80xf32, #tpu.memory_space<vmem>>, vector<16xf32>,
        tpu.vector_store %arg28[%swap3A_264], %exp3A_263 {strides = array<i32>} : memref<80xf32, #tpu.memory_space<vmem>>, vector<16xf32>,
        %get3A_266 = arith.constant 64 : index
        %get3A_267 = tpu.vector_load %arg28[%get3A_266] {strides = array<i32>} : memref<80xf32, #tpu.memory_space<vmem>>, vector<16xf32>,
        %get3A_268 = arith.constant 64 : index
        %get3A_269 = tpu.vector_load %arg29[%get3A_268] {strides = array<i32>} : memref<80xf32, #tpu.memory_space<vmem>>, vector<16xf32>,
        %add3A_270 = arith.addf %get3A_267, %get3A_269 : vector<16xf32>
        %ge3A_271 = arith.constant 0.000000e+00 : f32
        %ge3A_272 = vector.broadcast %ge3A_271 : f32 to vector<16xf32>
        %ge3A_273 = arith.cmpf oge, %add3A_270, %ge3A_272 : vector<16xf32>
        %mul3A_274 = arith.constant 2.000000e-01 : f32
        %mul3A_275 = vector.broadcast %mul3A_274 : f32 to vector<16xf32>
        %mul3A_276 = arith.mulf %add3A_270, %mul3A_275 : vector<16xf32>
        %select_n3A_277 = arith.select %ge3A_273, %add3A_270, %mul3A_276 : vector<16xi1>, vector<16xf32>
        %exp3A_278 = math.exp %select_n3A_277 : vector<16xf32>
        %swap3A_279 = arith.constant 64 : index
        %swap3A_280 = tpu.vector_load %arg28[%swap3A_279] {strides = array<i32>} : memref<80xf32, #tpu.memory_space<vmem>>, vector<16xf32>,
        tpu.vector_store %arg28[%swap3A_279], %exp3A_278 {strides = array<i32>} : memref<80xf32, #tpu.memory_space<vmem>>, vector<16xf32>,
        %parallel_loop3A = arith.constant 0 : i32
        %parallel_loop3A_281 = arith.constant 80 : i32
        %parallel_loop3A_282 = arith.constant 1 : i32
        scf.for %parallel_loop3A_296 = %parallel_loop3A to %parallel_loop3A_281 step %parallel_loop3A_282  : i32 {
          %parallel_loop3A_297 = vector.broadcast %parallel_loop3A_296 : i32 to vector<16xi32>
          %parallel_loop3A_298 = tpu.vector_load_idx %arg28[%parallel_loop3A_297] : memref<80xf32, #tpu.memory_space<vmem>>[vector<16xi32>], vector<16xf32>,
          %parallel_loop3A_299 = arith.index_cast %parallel_loop3A_296 : i32 to index
          %parallel_loop3A_300 = arith.constant 0 : index
          %parallel_loop3A_301 = tpu.vector_load %arg27[%parallel_loop3A_299, %parallel_loop3A_300] {strides = array<i32>} : memref<80x128xf32, #tpu.memory_space<vmem>>, vector<16xf32>,
          %parallel_loop3A_302 = arith.mulf %parallel_loop3A_301, %parallel_loop3A_298 : vector<16xf32>
          %parallel_loop3A_303 = arith.index_cast %parallel_loop3A_296 : i32 to index
          %parallel_loop3A_304 = arith.constant 0 : index
          %parallel_loop3A_305 = tpu.vector_load %arg27[%parallel_loop3A_303, %parallel_loop3A_304] {strides = array<i32>} : memref<80x128xf32, #tpu.memory_space<vmem>>, vector<16xf32>,
          tpu.vector_store %arg27[%parallel_loop3A_303, %parallel_loop3A_304], %parallel_loop3A_302 {strides = array<i32>} : memref<80x128xf32, #tpu.memory_space<vmem>>, vector<16xf32>,
          %parallel_loop3A_306 = arith.index_cast %parallel_loop3A_296 : i32 to index
          %parallel_loop3A_307 = arith.constant 16 : index
          %parallel_loop3A_308 = tpu.vector_load %arg27[%parallel_loop3A_306, %parallel_loop3A_307] {strides = array<i32>} : memref<80x128xf32, #tpu.memory_space<vmem>>, vector<16xf32>,
          %parallel_loop3A_309 = arith.mulf %parallel_loop3A_308, %parallel_loop3A_298 : vector<16xf32>
          %parallel_loop3A_310 = arith.index_cast %parallel_loop3A_296 : i32 to index
          %parallel_loop3A_311 = arith.constant 16 : index
          %parallel_loop3A_312 = tpu.vector_load %arg27[%parallel_loop3A_310, %parallel_loop3A_311] {strides = array<i32>} : memref<80x128xf32, #tpu.memory_space<vmem>>, vector<16xf32>,
          tpu.vector_store %arg27[%parallel_loop3A_310, %parallel_loop3A_311], %parallel_loop3A_309 {strides = array<i32>} : memref<80x128xf32, #tpu.memory_space<vmem>>, vector<16xf32>,
          %parallel_loop3A_313 = arith.index_cast %parallel_loop3A_296 : i32 to index
          %parallel_loop3A_314 = arith.constant 32 : index
          %parallel_loop3A_315 = tpu.vector_load %arg27[%parallel_loop3A_313, %parallel_loop3A_314] {strides = array<i32>} : memref<80x128xf32, #tpu.memory_space<vmem>>, vector<16xf32>,
          %parallel_loop3A_316 = arith.mulf %parallel_loop3A_315, %parallel_loop3A_298 : vector<16xf32>
          %parallel_loop3A_317 = arith.index_cast %parallel_loop3A_296 : i32 to index
          %parallel_loop3A_318 = arith.constant 32 : index
          %parallel_loop3A_319 = tpu.vector_load %arg27[%parallel_loop3A_317, %parallel_loop3A_318] {strides = array<i32>} : memref<80x128xf32, #tpu.memory_space<vmem>>, vector<16xf32>,
          tpu.vector_store %arg27[%parallel_loop3A_317, %parallel_loop3A_318], %parallel_loop3A_316 {strides = array<i32>} : memref<80x128xf32, #tpu.memory_space<vmem>>, vector<16xf32>,
          %parallel_loop3A_320 = arith.index_cast %parallel_loop3A_296 : i32 to index
          %parallel_loop3A_321 = arith.constant 48 : index
          %parallel_loop3A_322 = tpu.vector_load %arg27[%parallel_loop3A_320, %parallel_loop3A_321] {strides = array<i32>} : memref<80x128xf32, #tpu.memory_space<vmem>>, vector<16xf32>,
          %parallel_loop3A_323 = arith.mulf %parallel_loop3A_322, %parallel_loop3A_298 : vector<16xf32>
          %parallel_loop3A_324 = arith.index_cast %parallel_loop3A_296 : i32 to index
          %parallel_loop3A_325 = arith.constant 48 : index
          %parallel_loop3A_326 = tpu.vector_load %arg27[%parallel_loop3A_324, %parallel_loop3A_325] {strides = array<i32>} : memref<80x128xf32, #tpu.memory_space<vmem>>, vector<16xf32>,
          tpu.vector_store %arg27[%parallel_loop3A_324, %parallel_loop3A_325], %parallel_loop3A_323 {strides = array<i32>} : memref<80x128xf32, #tpu.memory_space<vmem>>, vector<16xf32>,
          %parallel_loop3A_327 = arith.index_cast %parallel_loop3A_296 : i32 to index
          %parallel_loop3A_328 = arith.constant 64 : index
          %parallel_loop3A_329 = tpu.vector_load %arg27[%parallel_loop3A_327, %parallel_loop3A_328] {strides = array<i32>} : memref<80x128xf32, #tpu.memory_space<vmem>>, vector<16xf32>,
          %parallel_loop3A_330 = arith.mulf %parallel_loop3A_329, %parallel_loop3A_298 : vector<16xf32>
          %parallel_loop3A_331 = arith.index_cast %parallel_loop3A_296 : i32 to index
          %parallel_loop3A_332 = arith.constant 64 : index
          %parallel_loop3A_333 = tpu.vector_load %arg27[%parallel_loop3A_331, %parallel_loop3A_332] {strides = array<i32>} : memref<80x128xf32, #tpu.memory_space<vmem>>, vector<16xf32>,
          tpu.vector_store %arg27[%parallel_loop3A_331, %parallel_loop3A_332], %parallel_loop3A_330 {strides = array<i32>} : memref<80x128xf32, #tpu.memory_space<vmem>>, vector<16xf32>,
          %parallel_loop3A_334 = arith.index_cast %parallel_loop3A_296 : i32 to index
          %parallel_loop3A_335 = arith.constant 80 : index
          %parallel_loop3A_336 = tpu.vector_load %arg27[%parallel_loop3A_334, %parallel_loop3A_335] {strides = array<i32>} : memref<80x128xf32, #tpu.memory_space<vmem>>, vector<16xf32>,
          %parallel_loop3A_337 = arith.mulf %parallel_loop3A_336, %parallel_loop3A_298 : vector<16xf32>
          %parallel_loop3A_338 = arith.index_cast %parallel_loop3A_296 : i32 to index
          %parallel_loop3A_339 = arith.constant 80 : index
          %parallel_loop3A_340 = tpu.vector_load %arg27[%parallel_loop3A_338, %parallel_loop3A_339] {strides = array<i32>} : memref<80x128xf32, #tpu.memory_space<vmem>>, vector<16xf32>,
          tpu.vector_store %arg27[%parallel_loop3A_338, %parallel_loop3A_339], %parallel_loop3A_337 {strides = array<i32>} : memref<80x128xf32, #tpu.memory_space<vmem>>, vector<16xf32>,
          %parallel_loop3A_341 = arith.index_cast %parallel_loop3A_296 : i32 to index
          %parallel_loop3A_342 = arith.constant 96 : index
          %parallel_loop3A_343 = tpu.vector_load %arg27[%parallel_loop3A_341, %parallel_loop3A_342] {strides = array<i32>} : memref<80x128xf32, #tpu.memory_space<vmem>>, vector<16xf32>,
          %parallel_loop3A_344 = arith.mulf %parallel_loop3A_343, %parallel_loop3A_298 : vector<16xf32>
          %parallel_loop3A_345 = arith.index_cast %parallel_loop3A_296 : i32 to index
          %parallel_loop3A_346 = arith.constant 96 : index
          %parallel_loop3A_347 = tpu.vector_load %arg27[%parallel_loop3A_345, %parallel_loop3A_346] {strides = array<i32>} : memref<80x128xf32, #tpu.memory_space<vmem>>, vector<16xf32>,
          tpu.vector_store %arg27[%parallel_loop3A_345, %parallel_loop3A_346], %parallel_loop3A_344 {strides = array<i32>} : memref<80x128xf32, #tpu.memory_space<vmem>>, vector<16xf32>,
          %parallel_loop3A_348 = arith.index_cast %parallel_loop3A_296 : i32 to index
          %parallel_loop3A_349 = arith.constant 112 : index
          %parallel_loop3A_350 = tpu.vector_load %arg27[%parallel_loop3A_348, %parallel_loop3A_349] {strides = array<i32>} : memref<80x128xf32, #tpu.memory_space<vmem>>, vector<16xf32>,
          %parallel_loop3A_351 = arith.mulf %parallel_loop3A_350, %parallel_loop3A_298 : vector<16xf32>
          %parallel_loop3A_352 = arith.index_cast %parallel_loop3A_296 : i32 to index
          %parallel_loop3A_353 = arith.constant 112 : index
          %parallel_loop3A_354 = tpu.vector_load %arg27[%parallel_loop3A_352, %parallel_loop3A_353] {strides = array<i32>} : memref<80x128xf32, #tpu.memory_space<vmem>>, vector<16xf32>,
          tpu.vector_store %arg27[%parallel_loop3A_352, %parallel_loop3A_353], %parallel_loop3A_351 {strides = array<i32>} : memref<80x128xf32, #tpu.memory_space<vmem>>, vector<16xf32>,
          %parallel_loop3A_355 = arith.index_cast %parallel_loop3A_296 : i32 to index
          %parallel_loop3A_356 = arith.constant 0 : index
          %parallel_loop3A_357 = tpu.vector_load %arg30[%parallel_loop3A_355, %parallel_loop3A_356] {strides = array<i32>} : memref<80x16xf32, #tpu.memory_space<vmem>>, vector<16xf32>,
          tpu.vector_store %arg30[%parallel_loop3A_355, %parallel_loop3A_356], %parallel_loop3A_298 {strides = array<i32>} : memref<80x16xf32, #tpu.memory_space<vmem>>, vector<16xf32>,
        } {sc.loop_unroll_factor = 4 : i64, sc.parallel_access}
        %dma_start3A_283 = arith.constant 0 : i32
        %dma_start3A_284 = arith.constant 0 : i32
        %dma_start3A_285 = tpu.memref_slice %arg33[%dma_start3A_283, %dma_start3A_284] : memref<10240x128xf32, #tpu.memory_space<vmem_shared>> -> memref<10240x128xf32, #tpu.memory_space<vmem_shared>>
        tpu.enqueue_indirect_dma source(%arg27 : memref<80x128xf32, #tpu.memory_space<vmem>>) target(%dma_start3A_285 : memref<10240x128xf32, #tpu.memory_space<vmem_shared>>) offsets(%arg26 : memref<80xi32, #tpu.memory_space<vmem>>) semaphore(%arg32 : memref<!tpu.dma_semaphore, #tpu.memory_space<semaphore_mem>>) {add = true}
        %dma_start3A_286 = arith.constant 0 : i32
        %dma_start3A_287 = arith.constant 0 : i32
        %dma_start3A_288 = tpu.memref_slice %arg34[%dma_start3A_286, %dma_start3A_287] : memref<10240x16xf32, #tpu.memory_space<vmem_shared>> -> memref<10240x16xf32, #tpu.memory_space<vmem_shared>>
        tpu.enqueue_indirect_dma source(%arg30 : memref<80x16xf32, #tpu.memory_space<vmem>>) target(%dma_start3A_288 : memref<10240x16xf32, #tpu.memory_space<vmem_shared>>) offsets(%arg26 : memref<80xi32, #tpu.memory_space<vmem>>) semaphore(%arg32 : memref<!tpu.dma_semaphore, #tpu.memory_space<semaphore_mem>>) {add = true}
        %add3A_289 = arith.constant 2 : i32
        %add3A_290 = arith.addi %scan3A_148, %add3A_289 : i32
        %lt3A_291 = arith.constant 125 : i32
        %lt3A_292 = arith.cmpi slt, %add3A_290, %lt3A_291 : i32
        %convert_element_type3A_293 = arith.extui %lt3A_292 : i1 to i32
        %cond3A_294 = arith.constant 0 : i32
        %cond3A_295 = arith.cmpi ne, %convert_element_type3A_293, %cond3A_294 : i32
        scf.if %cond3A_295 {
          %ge3A_296 = arith.constant 1 : i32
          %ge3A_297 = arith.cmpi sge, %scan3A_148, %ge3A_296 : i32
          %convert_element_type3A_298 = arith.extui %ge3A_297 : i1 to i32
          %cond3A_299 = arith.constant 0 : i32
          %cond3A_300 = arith.cmpi ne, %convert_element_type3A_298, %cond3A_299 : i32
          scf.if %cond3A_300 {
            %dma_wait3A_327 = arith.constant 0 : i32
            %dma_wait3A_328 = arith.constant 0 : i32
            %dma_wait3A_329 = tpu.memref_slice %arg33[%dma_wait3A_327, %dma_wait3A_328] : memref<10240x128xf32, #tpu.memory_space<vmem_shared>> -> memref<10240x128xf32, #tpu.memory_space<vmem_shared>>
            tpu.wait_indirect_dma semaphore(%arg24 : memref<!tpu.dma_semaphore, #tpu.memory_space<semaphore_mem>>) src(%arg19 : memref<80x128xf32, #tpu.memory_space<vmem>>) dst(%dma_wait3A_329 : memref<10240x128xf32, #tpu.memory_space<vmem_shared>>)
            %dma_wait3A_330 = arith.constant 0 : i32
            %dma_wait3A_331 = arith.constant 0 : i32
            %dma_wait3A_332 = tpu.memref_slice %arg34[%dma_wait3A_330, %dma_wait3A_331] : memref<10240x16xf32, #tpu.memory_space<vmem_shared>> -> memref<10240x16xf32, #tpu.memory_space<vmem_shared>>
            tpu.wait_indirect_dma semaphore(%arg24 : memref<!tpu.dma_semaphore, #tpu.memory_space<semaphore_mem>>) src(%arg22 : memref<80x16xf32, #tpu.memory_space<vmem>>) dst(%dma_wait3A_332 : memref<10240x16xf32, #tpu.memory_space<vmem_shared>>)
          } else {
          }
          %add3A_301 = arith.constant 2 : i32
          %add3A_302 = arith.addi %scan3A_148, %add3A_301 : i32
          %mul3A_303 = arith.constant 10000 : i32
          %mul3A_304 = arith.muli %add3A, %mul3A_303 : i32
          %mul3A_305 = arith.constant 80 : i32
          %mul3A_306 = arith.muli %add3A_302, %mul3A_305 : i32
          %add3A_307 = arith.addi %mul3A_304, %mul3A_306 : i32
          %dma_start3A_308 = tpu.memref_slice %arg2[%add3A_307] : memref<320000xi32, #tpu.memory_space<hbm>> -> memref<80xi32, #tpu.memory_space<hbm>>
          %dma_start3A_309 = tpu.memref_slice %arg2[%add3A_307] : memref<320000xi32, #tpu.memory_space<hbm>> -> memref<80xi32, #tpu.memory_space<hbm>>
          tpu.enqueue_dma source(%dma_start3A_309 : memref<80xi32, #tpu.memory_space<hbm>>) target(%arg17 : memref<80xi32, #tpu.memory_space<vmem>>) target_semaphore(%arg23 : memref<!tpu.dma_semaphore, #tpu.memory_space<semaphore_mem>>)
          %dma_start3A_310 = tpu.memref_slice %arg3[%add3A_307] : memref<320000xi32, #tpu.memory_space<hbm>> -> memref<80xi32, #tpu.memory_space<hbm>>
          %dma_start3A_311 = tpu.memref_slice %arg3[%add3A_307] : memref<320000xi32, #tpu.memory_space<hbm>> -> memref<80xi32, #tpu.memory_space<hbm>>
          tpu.enqueue_dma source(%dma_start3A_311 : memref<80xi32, #tpu.memory_space<hbm>>) target(%arg18 : memref<80xi32, #tpu.memory_space<vmem>>) target_semaphore(%arg23 : memref<!tpu.dma_semaphore, #tpu.memory_space<semaphore_mem>>)
          %dma_wait3A_312 = arith.constant 0 : i32
          %dma_wait3A_313 = tpu.memref_slice %arg2[%dma_wait3A_312] : memref<320000xi32, #tpu.memory_space<hbm>> -> memref<80xi32, #tpu.memory_space<hbm>>
          %dma_wait3A_314 = arith.constant 0 : i32
          %dma_wait3A_315 = tpu.memref_slice %arg2[%dma_wait3A_314] : memref<320000xi32, #tpu.memory_space<hbm>> -> memref<80xi32, #tpu.memory_space<hbm>>
          tpu.wait_dma2 semaphore(%arg23 : memref<!tpu.dma_semaphore, #tpu.memory_space<semaphore_mem>>) src(%dma_wait3A_315 : memref<80xi32, #tpu.memory_space<hbm>>) dst(%arg17 : memref<80xi32, #tpu.memory_space<vmem>>)
          %dma_wait3A_316 = arith.constant 0 : i32
          %dma_wait3A_317 = tpu.memref_slice %arg3[%dma_wait3A_316] : memref<320000xi32, #tpu.memory_space<hbm>> -> memref<80xi32, #tpu.memory_space<hbm>>
          %dma_wait3A_318 = arith.constant 0 : i32
          %dma_wait3A_319 = tpu.memref_slice %arg3[%dma_wait3A_318] : memref<320000xi32, #tpu.memory_space<hbm>> -> memref<80xi32, #tpu.memory_space<hbm>>
          tpu.wait_dma2 semaphore(%arg23 : memref<!tpu.dma_semaphore, #tpu.memory_space<semaphore_mem>>) src(%dma_wait3A_319 : memref<80xi32, #tpu.memory_space<hbm>>) dst(%arg18 : memref<80xi32, #tpu.memory_space<vmem>>)
          %dma_start3A_320 = arith.constant 0 : i32
          %dma_start3A_321 = arith.constant 0 : i32
          %dma_start3A_322 = tpu.memref_slice %arg4[%dma_start3A_320, %dma_start3A_321] : memref<10000x128xf32, #tpu.memory_space<hbm>> -> memref<10000x128xf32, #tpu.memory_space<hbm>>
          tpu.enqueue_indirect_dma source(%dma_start3A_322 : memref<10000x128xf32, #tpu.memory_space<hbm>>) target(%arg19 : memref<80x128xf32, #tpu.memory_space<vmem>>) offsets(%arg17 : memref<80xi32, #tpu.memory_space<vmem>>) semaphore(%arg23 : memref<!tpu.dma_semaphore, #tpu.memory_space<semaphore_mem>>)
          %dma_start3A_323 = arith.constant 0 : i32
          %dma_start3A_324 = tpu.memref_slice %arg5[%dma_start3A_323] : memref<10000xf32, #tpu.memory_space<hbm>> -> memref<10000xf32, #tpu.memory_space<hbm>>
          tpu.enqueue_indirect_dma source(%dma_start3A_324 : memref<10000xf32, #tpu.memory_space<hbm>>) target(%arg20 : memref<80xf32, #tpu.memory_space<vmem>>) offsets(%arg17 : memref<80xi32, #tpu.memory_space<vmem>>) semaphore(%arg23 : memref<!tpu.dma_semaphore, #tpu.memory_space<semaphore_mem>>)
          %dma_start3A_325 = arith.constant 0 : i32
          %dma_start3A_326 = tpu.memref_slice %arg6[%dma_start3A_325] : memref<10000xf32, #tpu.memory_space<hbm>> -> memref<10000xf32, #tpu.memory_space<hbm>>
          tpu.enqueue_indirect_dma source(%dma_start3A_326 : memref<10000xf32, #tpu.memory_space<hbm>>) target(%arg21 : memref<80xf32, #tpu.memory_space<vmem>>) offsets(%arg18 : memref<80xi32, #tpu.memory_space<vmem>>) semaphore(%arg23 : memref<!tpu.dma_semaphore, #tpu.memory_space<semaphore_mem>>)
        } else {
        }
      } else {
      }
    }
    %scan3A_120 = arith.constant 125 : i32
    %dma_wait3A_121 = arith.constant 0 : i32
    %dma_wait3A_122 = arith.constant 0 : i32
    %dma_wait3A_123 = tpu.memref_slice %arg33[%dma_wait3A_121, %dma_wait3A_122] : memref<10240x128xf32, #tpu.memory_space<vmem_shared>> -> memref<10240x128xf32, #tpu.memory_space<vmem_shared>>
    tpu.wait_indirect_dma semaphore(%arg16 : memref<!tpu.dma_semaphore, #tpu.memory_space<semaphore_mem>>) src(%arg11 : memref<80x128xf32, #tpu.memory_space<vmem>>) dst(%dma_wait3A_123 : memref<10240x128xf32, #tpu.memory_space<vmem_shared>>)
    %dma_wait3A_124 = arith.constant 0 : i32
    %dma_wait3A_125 = arith.constant 0 : i32
    %dma_wait3A_126 = tpu.memref_slice %arg34[%dma_wait3A_124, %dma_wait3A_125] : memref<10240x16xf32, #tpu.memory_space<vmem_shared>> -> memref<10240x16xf32, #tpu.memory_space<vmem_shared>>
    tpu.wait_indirect_dma semaphore(%arg16 : memref<!tpu.dma_semaphore, #tpu.memory_space<semaphore_mem>>) src(%arg14 : memref<80x16xf32, #tpu.memory_space<vmem>>) dst(%dma_wait3A_126 : memref<10240x16xf32, #tpu.memory_space<vmem_shared>>)
    %dma_wait3A_127 = arith.constant 0 : i32
    %dma_wait3A_128 = arith.constant 0 : i32
    %dma_wait3A_129 = tpu.memref_slice %arg33[%dma_wait3A_127, %dma_wait3A_128] : memref<10240x128xf32, #tpu.memory_space<vmem_shared>> -> memref<10240x128xf32, #tpu.memory_space<vmem_shared>>
    tpu.wait_indirect_dma semaphore(%arg24 : memref<!tpu.dma_semaphore, #tpu.memory_space<semaphore_mem>>) src(%arg19 : memref<80x128xf32, #tpu.memory_space<vmem>>) dst(%dma_wait3A_129 : memref<10240x128xf32, #tpu.memory_space<vmem_shared>>)
    %dma_wait3A_130 = arith.constant 0 : i32
    %dma_wait3A_131 = arith.constant 0 : i32
    %dma_wait3A_132 = tpu.memref_slice %arg34[%dma_wait3A_130, %dma_wait3A_131] : memref<10240x16xf32, #tpu.memory_space<vmem_shared>> -> memref<10240x16xf32, #tpu.memory_space<vmem_shared>>
    tpu.wait_indirect_dma semaphore(%arg24 : memref<!tpu.dma_semaphore, #tpu.memory_space<semaphore_mem>>) src(%arg22 : memref<80x16xf32, #tpu.memory_space<vmem>>) dst(%dma_wait3A_132 : memref<10240x16xf32, #tpu.memory_space<vmem_shared>>)
    %dma_wait3A_133 = arith.constant 0 : i32
    %dma_wait3A_134 = arith.constant 0 : i32
    %dma_wait3A_135 = tpu.memref_slice %arg33[%dma_wait3A_133, %dma_wait3A_134] : memref<10240x128xf32, #tpu.memory_space<vmem_shared>> -> memref<10240x128xf32, #tpu.memory_space<vmem_shared>>
    tpu.wait_indirect_dma semaphore(%arg32 : memref<!tpu.dma_semaphore, #tpu.memory_space<semaphore_mem>>) src(%arg27 : memref<80x128xf32, #tpu.memory_space<vmem>>) dst(%dma_wait3A_135 : memref<10240x128xf32, #tpu.memory_space<vmem_shared>>)
    %dma_wait3A_136 = arith.constant 0 : i32
    %dma_wait3A_137 = arith.constant 0 : i32
    %dma_wait3A_138 = tpu.memref_slice %arg34[%dma_wait3A_136, %dma_wait3A_137] : memref<10240x16xf32, #tpu.memory_space<vmem_shared>> -> memref<10240x16xf32, #tpu.memory_space<vmem_shared>>
    tpu.wait_indirect_dma semaphore(%arg32 : memref<!tpu.dma_semaphore, #tpu.memory_space<semaphore_mem>>) src(%arg30 : memref<80x16xf32, #tpu.memory_space<vmem>>) dst(%dma_wait3A_138 : memref<10240x16xf32, #tpu.memory_space<vmem_shared>>)
    %barrier3A_139 = arith.constant 0 : index
    tpu.barrier barrier_id(%barrier3A_139)
    %mul3A_140 = arith.constant 640 : i32
    %mul3A_141 = arith.muli %arg1, %mul3A_140 : i32
    %mul3A_142 = arith.constant 640 : i32
    %mul3A_143 = arith.muli %arg1, %mul3A_142 : i32
    "tpu.region"() ({
      %run_scoped3A = tpu.sem_alloc : memref<!tpu.dma_semaphore, #tpu.memory_space<semaphore_mem>>
      %dma_start3A_148 = arith.constant 0 : i32
      %dma_start3A_149 = tpu.memref_slice %arg7[%arg0, %mul3A_143, %dma_start3A_148] : memref<2x10240x128xf32, #tpu.memory_space<hbm>> -> memref<1x640x128xf32, #tpu.memory_space<hbm>>
      %dma_start3A_150 = tpu.memref_squeeze %dma_start3A_149 : memref<1x640x128xf32, #tpu.memory_space<hbm>> -> memref<640x128xf32, #tpu.memory_space<hbm>>
      %dma_start3A_151 = arith.constant 0 : i32
      %dma_start3A_152 = tpu.memref_slice %arg33[%mul3A_141, %dma_start3A_151] : memref<10240x128xf32, #tpu.memory_space<vmem_shared>> -> memref<640x128xf32, #tpu.memory_space<vmem_shared>>
      tpu.enqueue_dma source(%dma_start3A_152 : memref<640x128xf32, #tpu.memory_space<vmem_shared>>) target(%dma_start3A_150 : memref<640x128xf32, #tpu.memory_space<hbm>>) target_semaphore(%run_scoped3A : memref<!tpu.dma_semaphore, #tpu.memory_space<semaphore_mem>>)
      %dma_wait3A_153 = arith.constant 0 : i32
      %dma_wait3A_154 = tpu.memref_slice %arg7[%arg0, %mul3A_143, %dma_wait3A_153] : memref<2x10240x128xf32, #tpu.memory_space<hbm>> -> memref<1x640x128xf32, #tpu.memory_space<hbm>>
      %dma_wait3A_155 = tpu.memref_squeeze %dma_wait3A_154 : memref<1x640x128xf32, #tpu.memory_space<hbm>> -> memref<640x128xf32, #tpu.memory_space<hbm>>
      %dma_wait3A_156 = arith.constant 0 : i32
      %dma_wait3A_157 = tpu.memref_slice %arg33[%mul3A_141, %dma_wait3A_156] : memref<10240x128xf32, #tpu.memory_space<vmem_shared>> -> memref<640x128xf32, #tpu.memory_space<vmem_shared>>
      tpu.wait_dma2 semaphore(%run_scoped3A : memref<!tpu.dma_semaphore, #tpu.memory_space<semaphore_mem>>) src(%dma_wait3A_157 : memref<640x128xf32, #tpu.memory_space<vmem_shared>>) dst(%dma_wait3A_155 : memref<640x128xf32, #tpu.memory_space<hbm>>)
      tpu.yield
    }) : () -> ()
    %mul3A_144 = arith.constant 640 : i32
    %mul3A_145 = arith.muli %arg1, %mul3A_144 : i32
    %mul3A_146 = arith.constant 640 : i32
    %mul3A_147 = arith.muli %arg1, %mul3A_146 : i32
    "tpu.region"() ({
      %run_scoped3A = tpu.sem_alloc : memref<!tpu.dma_semaphore, #tpu.memory_space<semaphore_mem>>
      %dma_start3A_148 = arith.constant 0 : i32
      %dma_start3A_149 = tpu.memref_slice %arg8[%arg0, %mul3A_147, %dma_start3A_148] : memref<2x10240x16xf32, #tpu.memory_space<hbm>> -> memref<1x640x16xf32, #tpu.memory_space<hbm>>
      %dma_start3A_150 = tpu.memref_squeeze %dma_start3A_149 : memref<1x640x16xf32, #tpu.memory_space<hbm>> -> memref<640x16xf32, #tpu.memory_space<hbm>>
      %dma_start3A_151 = arith.constant 0 : i32
      %dma_start3A_152 = tpu.memref_slice %arg34[%mul3A_145, %dma_start3A_151] : memref<10240x16xf32, #tpu.memory_space<vmem_shared>> -> memref<640x16xf32, #tpu.memory_space<vmem_shared>>
      tpu.enqueue_dma source(%dma_start3A_152 : memref<640x16xf32, #tpu.memory_space<vmem_shared>>) target(%dma_start3A_150 : memref<640x16xf32, #tpu.memory_space<hbm>>) target_semaphore(%run_scoped3A : memref<!tpu.dma_semaphore, #tpu.memory_space<semaphore_mem>>)
      %dma_wait3A_153 = arith.constant 0 : i32
      %dma_wait3A_154 = tpu.memref_slice %arg8[%arg0, %mul3A_147, %dma_wait3A_153] : memref<2x10240x16xf32, #tpu.memory_space<hbm>> -> memref<1x640x16xf32, #tpu.memory_space<hbm>>
      %dma_wait3A_155 = tpu.memref_squeeze %dma_wait3A_154 : memref<1x640x16xf32, #tpu.memory_space<hbm>> -> memref<640x16xf32, #tpu.memory_space<hbm>>
      %dma_wait3A_156 = arith.constant 0 : i32
      %dma_wait3A_157 = tpu.memref_slice %arg34[%mul3A_145, %dma_wait3A_156] : memref<10240x16xf32, #tpu.memory_space<vmem_shared>> -> memref<640x16xf32, #tpu.memory_space<vmem_shared>>
      tpu.wait_dma2 semaphore(%run_scoped3A : memref<!tpu.dma_semaphore, #tpu.memory_space<semaphore_mem>>) src(%dma_wait3A_157 : memref<640x16xf32, #tpu.memory_space<vmem_shared>>) dst(%dma_wait3A_155 : memref<640x16xf32, #tpu.memory_space<hbm>>)
      tpu.yield
    }) : () -> ()
    return
  }
}

#map = affine_map<(d0, d1) -> (0)>
#map1 = affine_map<(d0, d1) -> (0, 0)>
#map2 = affine_map<(d0, d1) -> (0, 0, 0)>
module attributes {stable_mosaic.version = 14 : i64} {
  func.func @edge_kernel(%arg0: i32, %arg1: i32, %arg2: memref<320000xi32, #tpu.memory_space<hbm>>, %arg3: memref<320000xi32, #tpu.memory_space<hbm>>, %arg4: memref<10000x64xf32, #tpu.memory_space<hbm>>, %arg5: memref<10000xf32, #tpu.memory_space<hbm>>, %arg6: memref<10000xf32, #tpu.memory_space<hbm>>, %arg7: memref<2x10240x64xf32, #tpu.memory_space<hbm>>, %arg8: memref<2x10240x16xf32, #tpu.memory_space<hbm>>, %arg9: memref<80xi32, #tpu.memory_space<vmem>>, %arg10: memref<80xi32, #tpu.memory_space<vmem>>, %arg11: memref<80x64xf32, #tpu.memory_space<vmem>>, %arg12: memref<80xf32, #tpu.memory_space<vmem>>, %arg13: memref<80xf32, #tpu.memory_space<vmem>>, %arg14: memref<80x16xf32, #tpu.memory_space<vmem>>, %arg15: memref<!tpu.dma_semaphore, #tpu.memory_space<semaphore_mem>>, %arg16: memref<!tpu.dma_semaphore, #tpu.memory_space<semaphore_mem>>, %arg17: memref<80xi32, #tpu.memory_space<vmem>>, %arg18: memref<80xi32, #tpu.memory_space<vmem>>, %arg19: memref<80x64xf32, #tpu.memory_space<vmem>>, %arg20: memref<80xf32, #tpu.memory_space<vmem>>, %arg21: memref<80xf32, #tpu.memory_space<vmem>>, %arg22: memref<80x16xf32, #tpu.memory_space<vmem>>, %arg23: memref<!tpu.dma_semaphore, #tpu.memory_space<semaphore_mem>>, %arg24: memref<!tpu.dma_semaphore, #tpu.memory_space<semaphore_mem>>, %arg25: memref<80xi32, #tpu.memory_space<vmem>>, %arg26: memref<80xi32, #tpu.memory_space<vmem>>, %arg27: memref<80x64xf32, #tpu.memory_space<vmem>>, %arg28: memref<80xf32, #tpu.memory_space<vmem>>, %arg29: memref<80xf32, #tpu.memory_space<vmem>>, %arg30: memref<80x16xf32, #tpu.memory_space<vmem>>, %arg31: memref<!tpu.dma_semaphore, #tpu.memory_space<semaphore_mem>>, %arg32: memref<!tpu.dma_semaphore, #tpu.memory_space<semaphore_mem>>, %arg33: memref<10240x64xf32, #tpu.memory_space<vmem_shared>>, %arg34: memref<10240x16xf32, #tpu.memory_space<vmem_shared>>) attributes {dimension_semantics = [#tpu.dimension_semantics<core_parallel>, #tpu.dimension_semantics<subcore_parallel>], iteration_bounds = array<i64: 2, 16>, scalar_prefetch = 0 : i64, scratch_operands = 26 : i64, tpu.core_type = #tpu.core_type<sc_vector_subcore>, window_params = [{transform_indices = #map}, {transform_indices = #map}, {transform_indices = #map1}, {transform_indices = #map}, {transform_indices = #map}, {transform_indices = #map2}, {transform_indices = #map2}]} {
    %mul3A = arith.constant 16 : i32
    %mul3A_0 = arith.muli %arg0, %mul3A : i32
    %add3A = arith.addi %mul3A_0, %arg1 : i32
    %broadcast_in_dim3A = arith.constant 0.000000e+00 : f32
    %broadcast_in_dim3A_1 = vector.broadcast %broadcast_in_dim3A : f32 to vector<16xf32>
    %scan3A = arith.constant 0 : i32
    %scan3A_2 = arith.constant 0 : i32
    %scan3A_3 = arith.constant 80 : i32
    %scan3A_4 = arith.addi %scan3A_2, %scan3A_3 : i32
    %scan3A_5 = arith.constant 1 : i32
    scf.for %scan3A_148 = %scan3A_2 to %scan3A_4 step %scan3A_5  : i32 {
      %swap3A = arith.index_cast %scan3A_148 : i32 to index
      %swap3A_149 = arith.constant 0 : index
      %swap3A_150 = tpu.vector_load %arg11[%swap3A, %swap3A_149] {strides = array<i32>} : memref<80x64xf32, #tpu.memory_space<vmem>>, vector<16xf32>,
      tpu.vector_store %arg11[%swap3A, %swap3A_149], %broadcast_in_dim3A_1 {strides = array<i32>} : memref<80x64xf32, #tpu.memory_space<vmem>>, vector<16xf32>,
      %swap3A_151 = arith.index_cast %scan3A_148 : i32 to index
      %swap3A_152 = arith.constant 16 : index
      %swap3A_153 = tpu.vector_load %arg11[%swap3A_151, %swap3A_152] {strides = array<i32>} : memref<80x64xf32, #tpu.memory_space<vmem>>, vector<16xf32>,
      tpu.vector_store %arg11[%swap3A_151, %swap3A_152], %broadcast_in_dim3A_1 {strides = array<i32>} : memref<80x64xf32, #tpu.memory_space<vmem>>, vector<16xf32>,
      %swap3A_154 = arith.index_cast %scan3A_148 : i32 to index
      %swap3A_155 = arith.constant 32 : index
      %swap3A_156 = tpu.vector_load %arg11[%swap3A_154, %swap3A_155] {strides = array<i32>} : memref<80x64xf32, #tpu.memory_space<vmem>>, vector<16xf32>,
      tpu.vector_store %arg11[%swap3A_154, %swap3A_155], %broadcast_in_dim3A_1 {strides = array<i32>} : memref<80x64xf32, #tpu.memory_space<vmem>>, vector<16xf32>,
      %swap3A_157 = arith.index_cast %scan3A_148 : i32 to index
      %swap3A_158 = arith.constant 48 : index
      %swap3A_159 = tpu.vector_load %arg11[%swap3A_157, %swap3A_158] {strides = array<i32>} : memref<80x64xf32, #tpu.memory_space<vmem>>, vector<16xf32>,
      tpu.vector_store %arg11[%swap3A_157, %swap3A_158], %broadcast_in_dim3A_1 {strides = array<i32>} : memref<80x64xf32, #tpu.memory_space<vmem>>, vector<16xf32>,
      %swap3A_160 = arith.index_cast %scan3A_148 : i32 to index
      %swap3A_161 = arith.constant 0 : index
      %swap3A_162 = tpu.vector_load %arg14[%swap3A_160, %swap3A_161] {strides = array<i32>} : memref<80x16xf32, #tpu.memory_space<vmem>>, vector<16xf32>,
      tpu.vector_store %arg14[%swap3A_160, %swap3A_161], %broadcast_in_dim3A_1 {strides = array<i32>} : memref<80x16xf32, #tpu.memory_space<vmem>>, vector<16xf32>,
    }
    %scan3A_6 = arith.constant 80 : i32
    %mul3A_7 = arith.constant 640 : i32
    %mul3A_8 = arith.muli %arg1, %mul3A_7 : i32
    %add3A_9 = arith.constant 0 : i32
    %add3A_10 = arith.addi %mul3A_8, %add3A_9 : i32
    "tpu.region"() ({
      %run_scoped3A = tpu.sem_alloc : memref<!tpu.dma_semaphore, #tpu.memory_space<semaphore_mem>>
      %dma_start3A_148 = arith.constant 0 : i32
      %dma_start3A_149 = tpu.memref_slice %arg33[%add3A_10, %dma_start3A_148] : memref<10240x64xf32, #tpu.memory_space<vmem_shared>> -> memref<80x64xf32, #tpu.memory_space<vmem_shared>>
      %dma_start3A_150 = arith.constant 0 : i32
      %dma_start3A_151 = tpu.memref_slice %arg33[%add3A_10, %dma_start3A_150] : memref<10240x64xf32, #tpu.memory_space<vmem_shared>> -> memref<80x64xf32, #tpu.memory_space<vmem_shared>>
      tpu.enqueue_dma source(%arg11 : memref<80x64xf32, #tpu.memory_space<vmem>>) target(%dma_start3A_151 : memref<80x64xf32, #tpu.memory_space<vmem_shared>>) target_semaphore(%run_scoped3A : memref<!tpu.dma_semaphore, #tpu.memory_space<semaphore_mem>>)
      %dma_wait3A_152 = arith.constant 0 : i32
      %dma_wait3A_153 = tpu.memref_slice %arg33[%add3A_10, %dma_wait3A_152] : memref<10240x64xf32, #tpu.memory_space<vmem_shared>> -> memref<80x64xf32, #tpu.memory_space<vmem_shared>>
      %dma_wait3A_154 = arith.constant 0 : i32
      %dma_wait3A_155 = tpu.memref_slice %arg33[%add3A_10, %dma_wait3A_154] : memref<10240x64xf32, #tpu.memory_space<vmem_shared>> -> memref<80x64xf32, #tpu.memory_space<vmem_shared>>
      tpu.wait_dma2 semaphore(%run_scoped3A : memref<!tpu.dma_semaphore, #tpu.memory_space<semaphore_mem>>) src(%arg11 : memref<80x64xf32, #tpu.memory_space<vmem>>) dst(%dma_wait3A_155 : memref<80x64xf32, #tpu.memory_space<vmem_shared>>)
      tpu.yield
    }) : () -> ()
    %mul3A_11 = arith.constant 640 : i32
    %mul3A_12 = arith.muli %arg1, %mul3A_11 : i32
    %add3A_13 = arith.constant 0 : i32
    %add3A_14 = arith.addi %mul3A_12, %add3A_13 : i32
    "tpu.region"() ({
      %run_scoped3A = tpu.sem_alloc : memref<!tpu.dma_semaphore, #tpu.memory_space<semaphore_mem>>
      %dma_start3A_148 = arith.constant 0 : i32
      %dma_start3A_149 = tpu.memref_slice %arg34[%add3A_14, %dma_start3A_148] : memref<10240x16xf32, #tpu.memory_space<vmem_shared>> -> memref<80x16xf32, #tpu.memory_space<vmem_shared>>
      %dma_start3A_150 = arith.constant 0 : i32
      %dma_start3A_151 = tpu.memref_slice %arg34[%add3A_14, %dma_start3A_150] : memref<10240x16xf32, #tpu.memory_space<vmem_shared>> -> memref<80x16xf32, #tpu.memory_space<vmem_shared>>
      tpu.enqueue_dma source(%arg14 : memref<80x16xf32, #tpu.memory_space<vmem>>) target(%dma_start3A_151 : memref<80x16xf32, #tpu.memory_space<vmem_shared>>) target_semaphore(%run_scoped3A : memref<!tpu.dma_semaphore, #tpu.memory_space<semaphore_mem>>)
      %dma_wait3A_152 = arith.constant 0 : i32
      %dma_wait3A_153 = tpu.memref_slice %arg34[%add3A_14, %dma_wait3A_152] : memref<10240x16xf32, #tpu.memory_space<vmem_shared>> -> memref<80x16xf32, #tpu.memory_space<vmem_shared>>
      %dma_wait3A_154 = arith.constant 0 : i32
      %dma_wait3A_155 = tpu.memref_slice %arg34[%add3A_14, %dma_wait3A_154] : memref<10240x16xf32, #tpu.memory_space<vmem_shared>> -> memref<80x16xf32, #tpu.memory_space<vmem_shared>>
      tpu.wait_dma2 semaphore(%run_scoped3A : memref<!tpu.dma_semaphore, #tpu.memory_space<semaphore_mem>>) src(%arg14 : memref<80x16xf32, #tpu.memory_space<vmem>>) dst(%dma_wait3A_155 : memref<80x16xf32, #tpu.memory_space<vmem_shared>>)
      tpu.yield
    }) : () -> ()
    %mul3A_15 = arith.constant 640 : i32
    %mul3A_16 = arith.muli %arg1, %mul3A_15 : i32
    %add3A_17 = arith.constant 80 : i32
    %add3A_18 = arith.addi %mul3A_16, %add3A_17 : i32
    "tpu.region"() ({
      %run_scoped3A = tpu.sem_alloc : memref<!tpu.dma_semaphore, #tpu.memory_space<semaphore_mem>>
      %dma_start3A_148 = arith.constant 0 : i32
      %dma_start3A_149 = tpu.memref_slice %arg33[%add3A_18, %dma_start3A_148] : memref<10240x64xf32, #tpu.memory_space<vmem_shared>> -> memref<80x64xf32, #tpu.memory_space<vmem_shared>>
      %dma_start3A_150 = arith.constant 0 : i32
      %dma_start3A_151 = tpu.memref_slice %arg33[%add3A_18, %dma_start3A_150] : memref<10240x64xf32, #tpu.memory_space<vmem_shared>> -> memref<80x64xf32, #tpu.memory_space<vmem_shared>>
      tpu.enqueue_dma source(%arg11 : memref<80x64xf32, #tpu.memory_space<vmem>>) target(%dma_start3A_151 : memref<80x64xf32, #tpu.memory_space<vmem_shared>>) target_semaphore(%run_scoped3A : memref<!tpu.dma_semaphore, #tpu.memory_space<semaphore_mem>>)
      %dma_wait3A_152 = arith.constant 0 : i32
      %dma_wait3A_153 = tpu.memref_slice %arg33[%add3A_18, %dma_wait3A_152] : memref<10240x64xf32, #tpu.memory_space<vmem_shared>> -> memref<80x64xf32, #tpu.memory_space<vmem_shared>>
      %dma_wait3A_154 = arith.constant 0 : i32
      %dma_wait3A_155 = tpu.memref_slice %arg33[%add3A_18, %dma_wait3A_154] : memref<10240x64xf32, #tpu.memory_space<vmem_shared>> -> memref<80x64xf32, #tpu.memory_space<vmem_shared>>
      tpu.wait_dma2 semaphore(%run_scoped3A : memref<!tpu.dma_semaphore, #tpu.memory_space<semaphore_mem>>) src(%arg11 : memref<80x64xf32, #tpu.memory_space<vmem>>) dst(%dma_wait3A_155 : memref<80x64xf32, #tpu.memory_space<vmem_shared>>)
      tpu.yield
    }) : () -> ()
    %mul3A_19 = arith.constant 640 : i32
    %mul3A_20 = arith.muli %arg1, %mul3A_19 : i32
    %add3A_21 = arith.constant 80 : i32
    %add3A_22 = arith.addi %mul3A_20, %add3A_21 : i32
    "tpu.region"() ({
      %run_scoped3A = tpu.sem_alloc : memref<!tpu.dma_semaphore, #tpu.memory_space<semaphore_mem>>
      %dma_start3A_148 = arith.constant 0 : i32
      %dma_start3A_149 = tpu.memref_slice %arg34[%add3A_22, %dma_start3A_148] : memref<10240x16xf32, #tpu.memory_space<vmem_shared>> -> memref<80x16xf32, #tpu.memory_space<vmem_shared>>
      %dma_start3A_150 = arith.constant 0 : i32
      %dma_start3A_151 = tpu.memref_slice %arg34[%add3A_22, %dma_start3A_150] : memref<10240x16xf32, #tpu.memory_space<vmem_shared>> -> memref<80x16xf32, #tpu.memory_space<vmem_shared>>
      tpu.enqueue_dma source(%arg14 : memref<80x16xf32, #tpu.memory_space<vmem>>) target(%dma_start3A_151 : memref<80x16xf32, #tpu.memory_space<vmem_shared>>) target_semaphore(%run_scoped3A : memref<!tpu.dma_semaphore, #tpu.memory_space<semaphore_mem>>)
      %dma_wait3A_152 = arith.constant 0 : i32
      %dma_wait3A_153 = tpu.memref_slice %arg34[%add3A_22, %dma_wait3A_152] : memref<10240x16xf32, #tpu.memory_space<vmem_shared>> -> memref<80x16xf32, #tpu.memory_space<vmem_shared>>
      %dma_wait3A_154 = arith.constant 0 : i32
      %dma_wait3A_155 = tpu.memref_slice %arg34[%add3A_22, %dma_wait3A_154] : memref<10240x16xf32, #tpu.memory_space<vmem_shared>> -> memref<80x16xf32, #tpu.memory_space<vmem_shared>>
      tpu.wait_dma2 semaphore(%run_scoped3A : memref<!tpu.dma_semaphore, #tpu.memory_space<semaphore_mem>>) src(%arg14 : memref<80x16xf32, #tpu.memory_space<vmem>>) dst(%dma_wait3A_155 : memref<80x16xf32, #tpu.memory_space<vmem_shared>>)
      tpu.yield
    }) : () -> ()
    %mul3A_23 = arith.constant 640 : i32
    %mul3A_24 = arith.muli %arg1, %mul3A_23 : i32
    %add3A_25 = arith.constant 160 : i32
    %add3A_26 = arith.addi %mul3A_24, %add3A_25 : i32
    "tpu.region"() ({
      %run_scoped3A = tpu.sem_alloc : memref<!tpu.dma_semaphore, #tpu.memory_space<semaphore_mem>>
      %dma_start3A_148 = arith.constant 0 : i32
      %dma_start3A_149 = tpu.memref_slice %arg33[%add3A_26, %dma_start3A_148] : memref<10240x64xf32, #tpu.memory_space<vmem_shared>> -> memref<80x64xf32, #tpu.memory_space<vmem_shared>>
      %dma_start3A_150 = arith.constant 0 : i32
      %dma_start3A_151 = tpu.memref_slice %arg33[%add3A_26, %dma_start3A_150] : memref<10240x64xf32, #tpu.memory_space<vmem_shared>> -> memref<80x64xf32, #tpu.memory_space<vmem_shared>>
      tpu.enqueue_dma source(%arg11 : memref<80x64xf32, #tpu.memory_space<vmem>>) target(%dma_start3A_151 : memref<80x64xf32, #tpu.memory_space<vmem_shared>>) target_semaphore(%run_scoped3A : memref<!tpu.dma_semaphore, #tpu.memory_space<semaphore_mem>>)
      %dma_wait3A_152 = arith.constant 0 : i32
      %dma_wait3A_153 = tpu.memref_slice %arg33[%add3A_26, %dma_wait3A_152] : memref<10240x64xf32, #tpu.memory_space<vmem_shared>> -> memref<80x64xf32, #tpu.memory_space<vmem_shared>>
      %dma_wait3A_154 = arith.constant 0 : i32
      %dma_wait3A_155 = tpu.memref_slice %arg33[%add3A_26, %dma_wait3A_154] : memref<10240x64xf32, #tpu.memory_space<vmem_shared>> -> memref<80x64xf32, #tpu.memory_space<vmem_shared>>
      tpu.wait_dma2 semaphore(%run_scoped3A : memref<!tpu.dma_semaphore, #tpu.memory_space<semaphore_mem>>) src(%arg11 : memref<80x64xf32, #tpu.memory_space<vmem>>) dst(%dma_wait3A_155 : memref<80x64xf32, #tpu.memory_space<vmem_shared>>)
      tpu.yield
    }) : () -> ()
    %mul3A_27 = arith.constant 640 : i32
    %mul3A_28 = arith.muli %arg1, %mul3A_27 : i32
    %add3A_29 = arith.constant 160 : i32
    %add3A_30 = arith.addi %mul3A_28, %add3A_29 : i32
    "tpu.region"() ({
      %run_scoped3A = tpu.sem_alloc : memref<!tpu.dma_semaphore, #tpu.memory_space<semaphore_mem>>
      %dma_start3A_148 = arith.constant 0 : i32
      %dma_start3A_149 = tpu.memref_slice %arg34[%add3A_30, %dma_start3A_148] : memref<10240x16xf32, #tpu.memory_space<vmem_shared>> -> memref<80x16xf32, #tpu.memory_space<vmem_shared>>
      %dma_start3A_150 = arith.constant 0 : i32
      %dma_start3A_151 = tpu.memref_slice %arg34[%add3A_30, %dma_start3A_150] : memref<10240x16xf32, #tpu.memory_space<vmem_shared>> -> memref<80x16xf32, #tpu.memory_space<vmem_shared>>
      tpu.enqueue_dma source(%arg14 : memref<80x16xf32, #tpu.memory_space<vmem>>) target(%dma_start3A_151 : memref<80x16xf32, #tpu.memory_space<vmem_shared>>) target_semaphore(%run_scoped3A : memref<!tpu.dma_semaphore, #tpu.memory_space<semaphore_mem>>)
      %dma_wait3A_152 = arith.constant 0 : i32
      %dma_wait3A_153 = tpu.memref_slice %arg34[%add3A_30, %dma_wait3A_152] : memref<10240x16xf32, #tpu.memory_space<vmem_shared>> -> memref<80x16xf32, #tpu.memory_space<vmem_shared>>
      %dma_wait3A_154 = arith.constant 0 : i32
      %dma_wait3A_155 = tpu.memref_slice %arg34[%add3A_30, %dma_wait3A_154] : memref<10240x16xf32, #tpu.memory_space<vmem_shared>> -> memref<80x16xf32, #tpu.memory_space<vmem_shared>>
      tpu.wait_dma2 semaphore(%run_scoped3A : memref<!tpu.dma_semaphore, #tpu.memory_space<semaphore_mem>>) src(%arg14 : memref<80x16xf32, #tpu.memory_space<vmem>>) dst(%dma_wait3A_155 : memref<80x16xf32, #tpu.memory_space<vmem_shared>>)
      tpu.yield
    }) : () -> ()
    %mul3A_31 = arith.constant 640 : i32
    %mul3A_32 = arith.muli %arg1, %mul3A_31 : i32
    %add3A_33 = arith.constant 240 : i32
    %add3A_34 = arith.addi %mul3A_32, %add3A_33 : i32
    "tpu.region"() ({
      %run_scoped3A = tpu.sem_alloc : memref<!tpu.dma_semaphore, #tpu.memory_space<semaphore_mem>>
      %dma_start3A_148 = arith.constant 0 : i32
      %dma_start3A_149 = tpu.memref_slice %arg33[%add3A_34, %dma_start3A_148] : memref<10240x64xf32, #tpu.memory_space<vmem_shared>> -> memref<80x64xf32, #tpu.memory_space<vmem_shared>>
      %dma_start3A_150 = arith.constant 0 : i32
      %dma_start3A_151 = tpu.memref_slice %arg33[%add3A_34, %dma_start3A_150] : memref<10240x64xf32, #tpu.memory_space<vmem_shared>> -> memref<80x64xf32, #tpu.memory_space<vmem_shared>>
      tpu.enqueue_dma source(%arg11 : memref<80x64xf32, #tpu.memory_space<vmem>>) target(%dma_start3A_151 : memref<80x64xf32, #tpu.memory_space<vmem_shared>>) target_semaphore(%run_scoped3A : memref<!tpu.dma_semaphore, #tpu.memory_space<semaphore_mem>>)
      %dma_wait3A_152 = arith.constant 0 : i32
      %dma_wait3A_153 = tpu.memref_slice %arg33[%add3A_34, %dma_wait3A_152] : memref<10240x64xf32, #tpu.memory_space<vmem_shared>> -> memref<80x64xf32, #tpu.memory_space<vmem_shared>>
      %dma_wait3A_154 = arith.constant 0 : i32
      %dma_wait3A_155 = tpu.memref_slice %arg33[%add3A_34, %dma_wait3A_154] : memref<10240x64xf32, #tpu.memory_space<vmem_shared>> -> memref<80x64xf32, #tpu.memory_space<vmem_shared>>
      tpu.wait_dma2 semaphore(%run_scoped3A : memref<!tpu.dma_semaphore, #tpu.memory_space<semaphore_mem>>) src(%arg11 : memref<80x64xf32, #tpu.memory_space<vmem>>) dst(%dma_wait3A_155 : memref<80x64xf32, #tpu.memory_space<vmem_shared>>)
      tpu.yield
    }) : () -> ()
    %mul3A_35 = arith.constant 640 : i32
    %mul3A_36 = arith.muli %arg1, %mul3A_35 : i32
    %add3A_37 = arith.constant 240 : i32
    %add3A_38 = arith.addi %mul3A_36, %add3A_37 : i32
    "tpu.region"() ({
      %run_scoped3A = tpu.sem_alloc : memref<!tpu.dma_semaphore, #tpu.memory_space<semaphore_mem>>
      %dma_start3A_148 = arith.constant 0 : i32
      %dma_start3A_149 = tpu.memref_slice %arg34[%add3A_38, %dma_start3A_148] : memref<10240x16xf32, #tpu.memory_space<vmem_shared>> -> memref<80x16xf32, #tpu.memory_space<vmem_shared>>
      %dma_start3A_150 = arith.constant 0 : i32
      %dma_start3A_151 = tpu.memref_slice %arg34[%add3A_38, %dma_start3A_150] : memref<10240x16xf32, #tpu.memory_space<vmem_shared>> -> memref<80x16xf32, #tpu.memory_space<vmem_shared>>
      tpu.enqueue_dma source(%arg14 : memref<80x16xf32, #tpu.memory_space<vmem>>) target(%dma_start3A_151 : memref<80x16xf32, #tpu.memory_space<vmem_shared>>) target_semaphore(%run_scoped3A : memref<!tpu.dma_semaphore, #tpu.memory_space<semaphore_mem>>)
      %dma_wait3A_152 = arith.constant 0 : i32
      %dma_wait3A_153 = tpu.memref_slice %arg34[%add3A_38, %dma_wait3A_152] : memref<10240x16xf32, #tpu.memory_space<vmem_shared>> -> memref<80x16xf32, #tpu.memory_space<vmem_shared>>
      %dma_wait3A_154 = arith.constant 0 : i32
      %dma_wait3A_155 = tpu.memref_slice %arg34[%add3A_38, %dma_wait3A_154] : memref<10240x16xf32, #tpu.memory_space<vmem_shared>> -> memref<80x16xf32, #tpu.memory_space<vmem_shared>>
      tpu.wait_dma2 semaphore(%run_scoped3A : memref<!tpu.dma_semaphore, #tpu.memory_space<semaphore_mem>>) src(%arg14 : memref<80x16xf32, #tpu.memory_space<vmem>>) dst(%dma_wait3A_155 : memref<80x16xf32, #tpu.memory_space<vmem_shared>>)
      tpu.yield
    }) : () -> ()
    %mul3A_39 = arith.constant 640 : i32
    %mul3A_40 = arith.muli %arg1, %mul3A_39 : i32
    %add3A_41 = arith.constant 320 : i32
    %add3A_42 = arith.addi %mul3A_40, %add3A_41 : i32
    "tpu.region"() ({
      %run_scoped3A = tpu.sem_alloc : memref<!tpu.dma_semaphore, #tpu.memory_space<semaphore_mem>>
      %dma_start3A_148 = arith.constant 0 : i32
      %dma_start3A_149 = tpu.memref_slice %arg33[%add3A_42, %dma_start3A_148] : memref<10240x64xf32, #tpu.memory_space<vmem_shared>> -> memref<80x64xf32, #tpu.memory_space<vmem_shared>>
      %dma_start3A_150 = arith.constant 0 : i32
      %dma_start3A_151 = tpu.memref_slice %arg33[%add3A_42, %dma_start3A_150] : memref<10240x64xf32, #tpu.memory_space<vmem_shared>> -> memref<80x64xf32, #tpu.memory_space<vmem_shared>>
      tpu.enqueue_dma source(%arg11 : memref<80x64xf32, #tpu.memory_space<vmem>>) target(%dma_start3A_151 : memref<80x64xf32, #tpu.memory_space<vmem_shared>>) target_semaphore(%run_scoped3A : memref<!tpu.dma_semaphore, #tpu.memory_space<semaphore_mem>>)
      %dma_wait3A_152 = arith.constant 0 : i32
      %dma_wait3A_153 = tpu.memref_slice %arg33[%add3A_42, %dma_wait3A_152] : memref<10240x64xf32, #tpu.memory_space<vmem_shared>> -> memref<80x64xf32, #tpu.memory_space<vmem_shared>>
      %dma_wait3A_154 = arith.constant 0 : i32
      %dma_wait3A_155 = tpu.memref_slice %arg33[%add3A_42, %dma_wait3A_154] : memref<10240x64xf32, #tpu.memory_space<vmem_shared>> -> memref<80x64xf32, #tpu.memory_space<vmem_shared>>
      tpu.wait_dma2 semaphore(%run_scoped3A : memref<!tpu.dma_semaphore, #tpu.memory_space<semaphore_mem>>) src(%arg11 : memref<80x64xf32, #tpu.memory_space<vmem>>) dst(%dma_wait3A_155 : memref<80x64xf32, #tpu.memory_space<vmem_shared>>)
      tpu.yield
    }) : () -> ()
    %mul3A_43 = arith.constant 640 : i32
    %mul3A_44 = arith.muli %arg1, %mul3A_43 : i32
    %add3A_45 = arith.constant 320 : i32
    %add3A_46 = arith.addi %mul3A_44, %add3A_45 : i32
    "tpu.region"() ({
      %run_scoped3A = tpu.sem_alloc : memref<!tpu.dma_semaphore, #tpu.memory_space<semaphore_mem>>
      %dma_start3A_148 = arith.constant 0 : i32
      %dma_start3A_149 = tpu.memref_slice %arg34[%add3A_46, %dma_start3A_148] : memref<10240x16xf32, #tpu.memory_space<vmem_shared>> -> memref<80x16xf32, #tpu.memory_space<vmem_shared>>
      %dma_start3A_150 = arith.constant 0 : i32
      %dma_start3A_151 = tpu.memref_slice %arg34[%add3A_46, %dma_start3A_150] : memref<10240x16xf32, #tpu.memory_space<vmem_shared>> -> memref<80x16xf32, #tpu.memory_space<vmem_shared>>
      tpu.enqueue_dma source(%arg14 : memref<80x16xf32, #tpu.memory_space<vmem>>) target(%dma_start3A_151 : memref<80x16xf32, #tpu.memory_space<vmem_shared>>) target_semaphore(%run_scoped3A : memref<!tpu.dma_semaphore, #tpu.memory_space<semaphore_mem>>)
      %dma_wait3A_152 = arith.constant 0 : i32
      %dma_wait3A_153 = tpu.memref_slice %arg34[%add3A_46, %dma_wait3A_152] : memref<10240x16xf32, #tpu.memory_space<vmem_shared>> -> memref<80x16xf32, #tpu.memory_space<vmem_shared>>
      %dma_wait3A_154 = arith.constant 0 : i32
      %dma_wait3A_155 = tpu.memref_slice %arg34[%add3A_46, %dma_wait3A_154] : memref<10240x16xf32, #tpu.memory_space<vmem_shared>> -> memref<80x16xf32, #tpu.memory_space<vmem_shared>>
      tpu.wait_dma2 semaphore(%run_scoped3A : memref<!tpu.dma_semaphore, #tpu.memory_space<semaphore_mem>>) src(%arg14 : memref<80x16xf32, #tpu.memory_space<vmem>>) dst(%dma_wait3A_155 : memref<80x16xf32, #tpu.memory_space<vmem_shared>>)
      tpu.yield
    }) : () -> ()
    %mul3A_47 = arith.constant 640 : i32
    %mul3A_48 = arith.muli %arg1, %mul3A_47 : i32
    %add3A_49 = arith.constant 400 : i32
    %add3A_50 = arith.addi %mul3A_48, %add3A_49 : i32
    "tpu.region"() ({
      %run_scoped3A = tpu.sem_alloc : memref<!tpu.dma_semaphore, #tpu.memory_space<semaphore_mem>>
      %dma_start3A_148 = arith.constant 0 : i32
      %dma_start3A_149 = tpu.memref_slice %arg33[%add3A_50, %dma_start3A_148] : memref<10240x64xf32, #tpu.memory_space<vmem_shared>> -> memref<80x64xf32, #tpu.memory_space<vmem_shared>>
      %dma_start3A_150 = arith.constant 0 : i32
      %dma_start3A_151 = tpu.memref_slice %arg33[%add3A_50, %dma_start3A_150] : memref<10240x64xf32, #tpu.memory_space<vmem_shared>> -> memref<80x64xf32, #tpu.memory_space<vmem_shared>>
      tpu.enqueue_dma source(%arg11 : memref<80x64xf32, #tpu.memory_space<vmem>>) target(%dma_start3A_151 : memref<80x64xf32, #tpu.memory_space<vmem_shared>>) target_semaphore(%run_scoped3A : memref<!tpu.dma_semaphore, #tpu.memory_space<semaphore_mem>>)
      %dma_wait3A_152 = arith.constant 0 : i32
      %dma_wait3A_153 = tpu.memref_slice %arg33[%add3A_50, %dma_wait3A_152] : memref<10240x64xf32, #tpu.memory_space<vmem_shared>> -> memref<80x64xf32, #tpu.memory_space<vmem_shared>>
      %dma_wait3A_154 = arith.constant 0 : i32
      %dma_wait3A_155 = tpu.memref_slice %arg33[%add3A_50, %dma_wait3A_154] : memref<10240x64xf32, #tpu.memory_space<vmem_shared>> -> memref<80x64xf32, #tpu.memory_space<vmem_shared>>
      tpu.wait_dma2 semaphore(%run_scoped3A : memref<!tpu.dma_semaphore, #tpu.memory_space<semaphore_mem>>) src(%arg11 : memref<80x64xf32, #tpu.memory_space<vmem>>) dst(%dma_wait3A_155 : memref<80x64xf32, #tpu.memory_space<vmem_shared>>)
      tpu.yield
    }) : () -> ()
    %mul3A_51 = arith.constant 640 : i32
    %mul3A_52 = arith.muli %arg1, %mul3A_51 : i32
    %add3A_53 = arith.constant 400 : i32
    %add3A_54 = arith.addi %mul3A_52, %add3A_53 : i32
    "tpu.region"() ({
      %run_scoped3A = tpu.sem_alloc : memref<!tpu.dma_semaphore, #tpu.memory_space<semaphore_mem>>
      %dma_start3A_148 = arith.constant 0 : i32
      %dma_start3A_149 = tpu.memref_slice %arg34[%add3A_54, %dma_start3A_148] : memref<10240x16xf32, #tpu.memory_space<vmem_shared>> -> memref<80x16xf32, #tpu.memory_space<vmem_shared>>
      %dma_start3A_150 = arith.constant 0 : i32
      %dma_start3A_151 = tpu.memref_slice %arg34[%add3A_54, %dma_start3A_150] : memref<10240x16xf32, #tpu.memory_space<vmem_shared>> -> memref<80x16xf32, #tpu.memory_space<vmem_shared>>
      tpu.enqueue_dma source(%arg14 : memref<80x16xf32, #tpu.memory_space<vmem>>) target(%dma_start3A_151 : memref<80x16xf32, #tpu.memory_space<vmem_shared>>) target_semaphore(%run_scoped3A : memref<!tpu.dma_semaphore, #tpu.memory_space<semaphore_mem>>)
      %dma_wait3A_152 = arith.constant 0 : i32
      %dma_wait3A_153 = tpu.memref_slice %arg34[%add3A_54, %dma_wait3A_152] : memref<10240x16xf32, #tpu.memory_space<vmem_shared>> -> memref<80x16xf32, #tpu.memory_space<vmem_shared>>
      %dma_wait3A_154 = arith.constant 0 : i32
      %dma_wait3A_155 = tpu.memref_slice %arg34[%add3A_54, %dma_wait3A_154] : memref<10240x16xf32, #tpu.memory_space<vmem_shared>> -> memref<80x16xf32, #tpu.memory_space<vmem_shared>>
      tpu.wait_dma2 semaphore(%run_scoped3A : memref<!tpu.dma_semaphore, #tpu.memory_space<semaphore_mem>>) src(%arg14 : memref<80x16xf32, #tpu.memory_space<vmem>>) dst(%dma_wait3A_155 : memref<80x16xf32, #tpu.memory_space<vmem_shared>>)
      tpu.yield
    }) : () -> ()
    %mul3A_55 = arith.constant 640 : i32
    %mul3A_56 = arith.muli %arg1, %mul3A_55 : i32
    %add3A_57 = arith.constant 480 : i32
    %add3A_58 = arith.addi %mul3A_56, %add3A_57 : i32
    "tpu.region"() ({
      %run_scoped3A = tpu.sem_alloc : memref<!tpu.dma_semaphore, #tpu.memory_space<semaphore_mem>>
      %dma_start3A_148 = arith.constant 0 : i32
      %dma_start3A_149 = tpu.memref_slice %arg33[%add3A_58, %dma_start3A_148] : memref<10240x64xf32, #tpu.memory_space<vmem_shared>> -> memref<80x64xf32, #tpu.memory_space<vmem_shared>>
      %dma_start3A_150 = arith.constant 0 : i32
      %dma_start3A_151 = tpu.memref_slice %arg33[%add3A_58, %dma_start3A_150] : memref<10240x64xf32, #tpu.memory_space<vmem_shared>> -> memref<80x64xf32, #tpu.memory_space<vmem_shared>>
      tpu.enqueue_dma source(%arg11 : memref<80x64xf32, #tpu.memory_space<vmem>>) target(%dma_start3A_151 : memref<80x64xf32, #tpu.memory_space<vmem_shared>>) target_semaphore(%run_scoped3A : memref<!tpu.dma_semaphore, #tpu.memory_space<semaphore_mem>>)
      %dma_wait3A_152 = arith.constant 0 : i32
      %dma_wait3A_153 = tpu.memref_slice %arg33[%add3A_58, %dma_wait3A_152] : memref<10240x64xf32, #tpu.memory_space<vmem_shared>> -> memref<80x64xf32, #tpu.memory_space<vmem_shared>>
      %dma_wait3A_154 = arith.constant 0 : i32
      %dma_wait3A_155 = tpu.memref_slice %arg33[%add3A_58, %dma_wait3A_154] : memref<10240x64xf32, #tpu.memory_space<vmem_shared>> -> memref<80x64xf32, #tpu.memory_space<vmem_shared>>
      tpu.wait_dma2 semaphore(%run_scoped3A : memref<!tpu.dma_semaphore, #tpu.memory_space<semaphore_mem>>) src(%arg11 : memref<80x64xf32, #tpu.memory_space<vmem>>) dst(%dma_wait3A_155 : memref<80x64xf32, #tpu.memory_space<vmem_shared>>)
      tpu.yield
    }) : () -> ()
    %mul3A_59 = arith.constant 640 : i32
    %mul3A_60 = arith.muli %arg1, %mul3A_59 : i32
    %add3A_61 = arith.constant 480 : i32
    %add3A_62 = arith.addi %mul3A_60, %add3A_61 : i32
    "tpu.region"() ({
      %run_scoped3A = tpu.sem_alloc : memref<!tpu.dma_semaphore, #tpu.memory_space<semaphore_mem>>
      %dma_start3A_148 = arith.constant 0 : i32
      %dma_start3A_149 = tpu.memref_slice %arg34[%add3A_62, %dma_start3A_148] : memref<10240x16xf32, #tpu.memory_space<vmem_shared>> -> memref<80x16xf32, #tpu.memory_space<vmem_shared>>
      %dma_start3A_150 = arith.constant 0 : i32
      %dma_start3A_151 = tpu.memref_slice %arg34[%add3A_62, %dma_start3A_150] : memref<10240x16xf32, #tpu.memory_space<vmem_shared>> -> memref<80x16xf32, #tpu.memory_space<vmem_shared>>
      tpu.enqueue_dma source(%arg14 : memref<80x16xf32, #tpu.memory_space<vmem>>) target(%dma_start3A_151 : memref<80x16xf32, #tpu.memory_space<vmem_shared>>) target_semaphore(%run_scoped3A : memref<!tpu.dma_semaphore, #tpu.memory_space<semaphore_mem>>)
      %dma_wait3A_152 = arith.constant 0 : i32
      %dma_wait3A_153 = tpu.memref_slice %arg34[%add3A_62, %dma_wait3A_152] : memref<10240x16xf32, #tpu.memory_space<vmem_shared>> -> memref<80x16xf32, #tpu.memory_space<vmem_shared>>
      %dma_wait3A_154 = arith.constant 0 : i32
      %dma_wait3A_155 = tpu.memref_slice %arg34[%add3A_62, %dma_wait3A_154] : memref<10240x16xf32, #tpu.memory_space<vmem_shared>> -> memref<80x16xf32, #tpu.memory_space<vmem_shared>>
      tpu.wait_dma2 semaphore(%run_scoped3A : memref<!tpu.dma_semaphore, #tpu.memory_space<semaphore_mem>>) src(%arg14 : memref<80x16xf32, #tpu.memory_space<vmem>>) dst(%dma_wait3A_155 : memref<80x16xf32, #tpu.memory_space<vmem_shared>>)
      tpu.yield
    }) : () -> ()
    %mul3A_63 = arith.constant 640 : i32
    %mul3A_64 = arith.muli %arg1, %mul3A_63 : i32
    %add3A_65 = arith.constant 560 : i32
    %add3A_66 = arith.addi %mul3A_64, %add3A_65 : i32
    "tpu.region"() ({
      %run_scoped3A = tpu.sem_alloc : memref<!tpu.dma_semaphore, #tpu.memory_space<semaphore_mem>>
      %dma_start3A_148 = arith.constant 0 : i32
      %dma_start3A_149 = tpu.memref_slice %arg33[%add3A_66, %dma_start3A_148] : memref<10240x64xf32, #tpu.memory_space<vmem_shared>> -> memref<80x64xf32, #tpu.memory_space<vmem_shared>>
      %dma_start3A_150 = arith.constant 0 : i32
      %dma_start3A_151 = tpu.memref_slice %arg33[%add3A_66, %dma_start3A_150] : memref<10240x64xf32, #tpu.memory_space<vmem_shared>> -> memref<80x64xf32, #tpu.memory_space<vmem_shared>>
      tpu.enqueue_dma source(%arg11 : memref<80x64xf32, #tpu.memory_space<vmem>>) target(%dma_start3A_151 : memref<80x64xf32, #tpu.memory_space<vmem_shared>>) target_semaphore(%run_scoped3A : memref<!tpu.dma_semaphore, #tpu.memory_space<semaphore_mem>>)
      %dma_wait3A_152 = arith.constant 0 : i32
      %dma_wait3A_153 = tpu.memref_slice %arg33[%add3A_66, %dma_wait3A_152] : memref<10240x64xf32, #tpu.memory_space<vmem_shared>> -> memref<80x64xf32, #tpu.memory_space<vmem_shared>>
      %dma_wait3A_154 = arith.constant 0 : i32
      %dma_wait3A_155 = tpu.memref_slice %arg33[%add3A_66, %dma_wait3A_154] : memref<10240x64xf32, #tpu.memory_space<vmem_shared>> -> memref<80x64xf32, #tpu.memory_space<vmem_shared>>
      tpu.wait_dma2 semaphore(%run_scoped3A : memref<!tpu.dma_semaphore, #tpu.memory_space<semaphore_mem>>) src(%arg11 : memref<80x64xf32, #tpu.memory_space<vmem>>) dst(%dma_wait3A_155 : memref<80x64xf32, #tpu.memory_space<vmem_shared>>)
      tpu.yield
    }) : () -> ()
    %mul3A_67 = arith.constant 640 : i32
    %mul3A_68 = arith.muli %arg1, %mul3A_67 : i32
    %add3A_69 = arith.constant 560 : i32
    %add3A_70 = arith.addi %mul3A_68, %add3A_69 : i32
    "tpu.region"() ({
      %run_scoped3A = tpu.sem_alloc : memref<!tpu.dma_semaphore, #tpu.memory_space<semaphore_mem>>
      %dma_start3A_148 = arith.constant 0 : i32
      %dma_start3A_149 = tpu.memref_slice %arg34[%add3A_70, %dma_start3A_148] : memref<10240x16xf32, #tpu.memory_space<vmem_shared>> -> memref<80x16xf32, #tpu.memory_space<vmem_shared>>
      %dma_start3A_150 = arith.constant 0 : i32
      %dma_start3A_151 = tpu.memref_slice %arg34[%add3A_70, %dma_start3A_150] : memref<10240x16xf32, #tpu.memory_space<vmem_shared>> -> memref<80x16xf32, #tpu.memory_space<vmem_shared>>
      tpu.enqueue_dma source(%arg14 : memref<80x16xf32, #tpu.memory_space<vmem>>) target(%dma_start3A_151 : memref<80x16xf32, #tpu.memory_space<vmem_shared>>) target_semaphore(%run_scoped3A : memref<!tpu.dma_semaphore, #tpu.memory_space<semaphore_mem>>)
      %dma_wait3A_152 = arith.constant 0 : i32
      %dma_wait3A_153 = tpu.memref_slice %arg34[%add3A_70, %dma_wait3A_152] : memref<10240x16xf32, #tpu.memory_space<vmem_shared>> -> memref<80x16xf32, #tpu.memory_space<vmem_shared>>
      %dma_wait3A_154 = arith.constant 0 : i32
      %dma_wait3A_155 = tpu.memref_slice %arg34[%add3A_70, %dma_wait3A_154] : memref<10240x16xf32, #tpu.memory_space<vmem_shared>> -> memref<80x16xf32, #tpu.memory_space<vmem_shared>>
      tpu.wait_dma2 semaphore(%run_scoped3A : memref<!tpu.dma_semaphore, #tpu.memory_space<semaphore_mem>>) src(%arg14 : memref<80x16xf32, #tpu.memory_space<vmem>>) dst(%dma_wait3A_155 : memref<80x16xf32, #tpu.memory_space<vmem_shared>>)
      tpu.yield
    }) : () -> ()
    %barrier3A = arith.constant 0 : index
    tpu.barrier barrier_id(%barrier3A)
    %mul3A_71 = arith.constant 10000 : i32
    %mul3A_72 = arith.muli %add3A, %mul3A_71 : i32
    %add3A_73 = arith.constant 0 : i32
    %add3A_74 = arith.addi %mul3A_72, %add3A_73 : i32
    %dma_start3A = tpu.memref_slice %arg2[%add3A_74] : memref<320000xi32, #tpu.memory_space<hbm>> -> memref<80xi32, #tpu.memory_space<hbm>>
    %dma_start3A_75 = tpu.memref_slice %arg2[%add3A_74] : memref<320000xi32, #tpu.memory_space<hbm>> -> memref<80xi32, #tpu.memory_space<hbm>>
    tpu.enqueue_dma source(%dma_start3A_75 : memref<80xi32, #tpu.memory_space<hbm>>) target(%arg9 : memref<80xi32, #tpu.memory_space<vmem>>) target_semaphore(%arg15 : memref<!tpu.dma_semaphore, #tpu.memory_space<semaphore_mem>>)
    %dma_start3A_76 = tpu.memref_slice %arg3[%add3A_74] : memref<320000xi32, #tpu.memory_space<hbm>> -> memref<80xi32, #tpu.memory_space<hbm>>
    %dma_start3A_77 = tpu.memref_slice %arg3[%add3A_74] : memref<320000xi32, #tpu.memory_space<hbm>> -> memref<80xi32, #tpu.memory_space<hbm>>
    tpu.enqueue_dma source(%dma_start3A_77 : memref<80xi32, #tpu.memory_space<hbm>>) target(%arg10 : memref<80xi32, #tpu.memory_space<vmem>>) target_semaphore(%arg15 : memref<!tpu.dma_semaphore, #tpu.memory_space<semaphore_mem>>)
    %mul3A_78 = arith.constant 10000 : i32
    %mul3A_79 = arith.muli %add3A, %mul3A_78 : i32
    %add3A_80 = arith.constant 80 : i32
    %add3A_81 = arith.addi %mul3A_79, %add3A_80 : i32
    %dma_start3A_82 = tpu.memref_slice %arg2[%add3A_81] : memref<320000xi32, #tpu.memory_space<hbm>> -> memref<80xi32, #tpu.memory_space<hbm>>
    %dma_start3A_83 = tpu.memref_slice %arg2[%add3A_81] : memref<320000xi32, #tpu.memory_space<hbm>> -> memref<80xi32, #tpu.memory_space<hbm>>
    tpu.enqueue_dma source(%dma_start3A_83 : memref<80xi32, #tpu.memory_space<hbm>>) target(%arg17 : memref<80xi32, #tpu.memory_space<vmem>>) target_semaphore(%arg23 : memref<!tpu.dma_semaphore, #tpu.memory_space<semaphore_mem>>)
    %dma_start3A_84 = tpu.memref_slice %arg3[%add3A_81] : memref<320000xi32, #tpu.memory_space<hbm>> -> memref<80xi32, #tpu.memory_space<hbm>>
    %dma_start3A_85 = tpu.memref_slice %arg3[%add3A_81] : memref<320000xi32, #tpu.memory_space<hbm>> -> memref<80xi32, #tpu.memory_space<hbm>>
    tpu.enqueue_dma source(%dma_start3A_85 : memref<80xi32, #tpu.memory_space<hbm>>) target(%arg18 : memref<80xi32, #tpu.memory_space<vmem>>) target_semaphore(%arg23 : memref<!tpu.dma_semaphore, #tpu.memory_space<semaphore_mem>>)
    %dma_wait3A = arith.constant 0 : i32
    %dma_wait3A_86 = tpu.memref_slice %arg2[%dma_wait3A] : memref<320000xi32, #tpu.memory_space<hbm>> -> memref<80xi32, #tpu.memory_space<hbm>>
    %dma_wait3A_87 = arith.constant 0 : i32
    %dma_wait3A_88 = tpu.memref_slice %arg2[%dma_wait3A_87] : memref<320000xi32, #tpu.memory_space<hbm>> -> memref<80xi32, #tpu.memory_space<hbm>>
    tpu.wait_dma2 semaphore(%arg15 : memref<!tpu.dma_semaphore, #tpu.memory_space<semaphore_mem>>) src(%dma_wait3A_88 : memref<80xi32, #tpu.memory_space<hbm>>) dst(%arg9 : memref<80xi32, #tpu.memory_space<vmem>>)
    %dma_wait3A_89 = arith.constant 0 : i32
    %dma_wait3A_90 = tpu.memref_slice %arg3[%dma_wait3A_89] : memref<320000xi32, #tpu.memory_space<hbm>> -> memref<80xi32, #tpu.memory_space<hbm>>
    %dma_wait3A_91 = arith.constant 0 : i32
    %dma_wait3A_92 = tpu.memref_slice %arg3[%dma_wait3A_91] : memref<320000xi32, #tpu.memory_space<hbm>> -> memref<80xi32, #tpu.memory_space<hbm>>
    tpu.wait_dma2 semaphore(%arg15 : memref<!tpu.dma_semaphore, #tpu.memory_space<semaphore_mem>>) src(%dma_wait3A_92 : memref<80xi32, #tpu.memory_space<hbm>>) dst(%arg10 : memref<80xi32, #tpu.memory_space<vmem>>)
    %dma_start3A_93 = arith.constant 0 : i32
    %dma_start3A_94 = arith.constant 0 : i32
    %dma_start3A_95 = tpu.memref_slice %arg4[%dma_start3A_93, %dma_start3A_94] : memref<10000x64xf32, #tpu.memory_space<hbm>> -> memref<10000x64xf32, #tpu.memory_space<hbm>>
    tpu.enqueue_indirect_dma source(%dma_start3A_95 : memref<10000x64xf32, #tpu.memory_space<hbm>>) target(%arg11 : memref<80x64xf32, #tpu.memory_space<vmem>>) offsets(%arg9 : memref<80xi32, #tpu.memory_space<vmem>>) semaphore(%arg15 : memref<!tpu.dma_semaphore, #tpu.memory_space<semaphore_mem>>)
    %dma_start3A_96 = arith.constant 0 : i32
    %dma_start3A_97 = tpu.memref_slice %arg5[%dma_start3A_96] : memref<10000xf32, #tpu.memory_space<hbm>> -> memref<10000xf32, #tpu.memory_space<hbm>>
    tpu.enqueue_indirect_dma source(%dma_start3A_97 : memref<10000xf32, #tpu.memory_space<hbm>>) target(%arg12 : memref<80xf32, #tpu.memory_space<vmem>>) offsets(%arg9 : memref<80xi32, #tpu.memory_space<vmem>>) semaphore(%arg15 : memref<!tpu.dma_semaphore, #tpu.memory_space<semaphore_mem>>)
    %dma_start3A_98 = arith.constant 0 : i32
    %dma_start3A_99 = tpu.memref_slice %arg6[%dma_start3A_98] : memref<10000xf32, #tpu.memory_space<hbm>> -> memref<10000xf32, #tpu.memory_space<hbm>>
    tpu.enqueue_indirect_dma source(%dma_start3A_99 : memref<10000xf32, #tpu.memory_space<hbm>>) target(%arg13 : memref<80xf32, #tpu.memory_space<vmem>>) offsets(%arg10 : memref<80xi32, #tpu.memory_space<vmem>>) semaphore(%arg15 : memref<!tpu.dma_semaphore, #tpu.memory_space<semaphore_mem>>)
    %dma_wait3A_100 = arith.constant 0 : i32
    %dma_wait3A_101 = tpu.memref_slice %arg2[%dma_wait3A_100] : memref<320000xi32, #tpu.memory_space<hbm>> -> memref<80xi32, #tpu.memory_space<hbm>>
    %dma_wait3A_102 = arith.constant 0 : i32
    %dma_wait3A_103 = tpu.memref_slice %arg2[%dma_wait3A_102] : memref<320000xi32, #tpu.memory_space<hbm>> -> memref<80xi32, #tpu.memory_space<hbm>>
    tpu.wait_dma2 semaphore(%arg23 : memref<!tpu.dma_semaphore, #tpu.memory_space<semaphore_mem>>) src(%dma_wait3A_103 : memref<80xi32, #tpu.memory_space<hbm>>) dst(%arg17 : memref<80xi32, #tpu.memory_space<vmem>>)
    %dma_wait3A_104 = arith.constant 0 : i32
    %dma_wait3A_105 = tpu.memref_slice %arg3[%dma_wait3A_104] : memref<320000xi32, #tpu.memory_space<hbm>> -> memref<80xi32, #tpu.memory_space<hbm>>
    %dma_wait3A_106 = arith.constant 0 : i32
    %dma_wait3A_107 = tpu.memref_slice %arg3[%dma_wait3A_106] : memref<320000xi32, #tpu.memory_space<hbm>> -> memref<80xi32, #tpu.memory_space<hbm>>
    tpu.wait_dma2 semaphore(%arg23 : memref<!tpu.dma_semaphore, #tpu.memory_space<semaphore_mem>>) src(%dma_wait3A_107 : memref<80xi32, #tpu.memory_space<hbm>>) dst(%arg18 : memref<80xi32, #tpu.memory_space<vmem>>)
    %dma_start3A_108 = arith.constant 0 : i32
    %dma_start3A_109 = arith.constant 0 : i32
    %dma_start3A_110 = tpu.memref_slice %arg4[%dma_start3A_108, %dma_start3A_109] : memref<10000x64xf32, #tpu.memory_space<hbm>> -> memref<10000x64xf32, #tpu.memory_space<hbm>>
    tpu.enqueue_indirect_dma source(%dma_start3A_110 : memref<10000x64xf32, #tpu.memory_space<hbm>>) target(%arg19 : memref<80x64xf32, #tpu.memory_space<vmem>>) offsets(%arg17 : memref<80xi32, #tpu.memory_space<vmem>>) semaphore(%arg23 : memref<!tpu.dma_semaphore, #tpu.memory_space<semaphore_mem>>)
    %dma_start3A_111 = arith.constant 0 : i32
    %dma_start3A_112 = tpu.memref_slice %arg5[%dma_start3A_111] : memref<10000xf32, #tpu.memory_space<hbm>> -> memref<10000xf32, #tpu.memory_space<hbm>>
    tpu.enqueue_indirect_dma source(%dma_start3A_112 : memref<10000xf32, #tpu.memory_space<hbm>>) target(%arg20 : memref<80xf32, #tpu.memory_space<vmem>>) offsets(%arg17 : memref<80xi32, #tpu.memory_space<vmem>>) semaphore(%arg23 : memref<!tpu.dma_semaphore, #tpu.memory_space<semaphore_mem>>)
    %dma_start3A_113 = arith.constant 0 : i32
    %dma_start3A_114 = tpu.memref_slice %arg6[%dma_start3A_113] : memref<10000xf32, #tpu.memory_space<hbm>> -> memref<10000xf32, #tpu.memory_space<hbm>>
    tpu.enqueue_indirect_dma source(%dma_start3A_114 : memref<10000xf32, #tpu.memory_space<hbm>>) target(%arg21 : memref<80xf32, #tpu.memory_space<vmem>>) offsets(%arg18 : memref<80xi32, #tpu.memory_space<vmem>>) semaphore(%arg23 : memref<!tpu.dma_semaphore, #tpu.memory_space<semaphore_mem>>)
    %scan3A_115 = arith.constant 0 : i32
    %scan3A_116 = arith.constant 0 : i32
    %scan3A_117 = arith.constant 125 : i32
    %scan3A_118 = arith.addi %scan3A_116, %scan3A_117 : i32
    %scan3A_119 = arith.constant 1 : i32
    scf.for %scan3A_148 = %scan3A_116 to %scan3A_118 step %scan3A_119  : i32 {
      %jit3A = arith.constant 3 : i32
      %eq3A = arith.constant 0 : i32
      %eq3A_149 = arith.cmpi eq, %jit3A, %eq3A : i32
      %jit3A_150 = arith.constant 1 : i32
      %select_n3A = arith.select %eq3A_149, %jit3A_150, %jit3A : i32
      %rem3A = arith.remsi %scan3A_148, %select_n3A : i32
      %ne3A = arith.constant 0 : i32
      %ne3A_151 = arith.cmpi ne, %rem3A, %ne3A : i32
      %lt3A = arith.constant 0 : i32
      %lt3A_152 = arith.cmpi slt, %rem3A, %lt3A : i32
      %lt3A_153 = arith.constant 0 : i32
      %lt3A_154 = arith.cmpi slt, %select_n3A, %lt3A_153 : i32
      %ne3A_155 = arith.xori %lt3A_152, %lt3A_154 : i1
      %and3A = arith.andi %ne3A_155, %ne3A_151 : i1
      %add3A_156 = arith.addi %rem3A, %select_n3A : i32
      %select_n3A_157 = arith.select %and3A, %add3A_156, %rem3A : i32
      %eq3A_158 = arith.constant 0 : i32
      %eq3A_159 = arith.cmpi eq, %select_n3A_157, %eq3A_158 : i32
      %convert_element_type3A = arith.extui %eq3A_159 : i1 to i32
      %cond3A = arith.constant 0 : i32
      %cond3A_160 = arith.cmpi ne, %convert_element_type3A, %cond3A : i32
      scf.if %cond3A_160 {
        %dma_wait3A_203 = arith.constant 0 : i32
        %dma_wait3A_204 = arith.constant 0 : i32
        %dma_wait3A_205 = tpu.memref_slice %arg4[%dma_wait3A_203, %dma_wait3A_204] : memref<10000x64xf32, #tpu.memory_space<hbm>> -> memref<10000x64xf32, #tpu.memory_space<hbm>>
        tpu.wait_indirect_dma semaphore(%arg15 : memref<!tpu.dma_semaphore, #tpu.memory_space<semaphore_mem>>) src(%dma_wait3A_205 : memref<10000x64xf32, #tpu.memory_space<hbm>>) dst(%arg11 : memref<80x64xf32, #tpu.memory_space<vmem>>)
        %dma_wait3A_206 = arith.constant 0 : i32
        %dma_wait3A_207 = tpu.memref_slice %arg5[%dma_wait3A_206] : memref<10000xf32, #tpu.memory_space<hbm>> -> memref<10000xf32, #tpu.memory_space<hbm>>
        tpu.wait_indirect_dma semaphore(%arg15 : memref<!tpu.dma_semaphore, #tpu.memory_space<semaphore_mem>>) src(%dma_wait3A_207 : memref<10000xf32, #tpu.memory_space<hbm>>) dst(%arg12 : memref<80xf32, #tpu.memory_space<vmem>>)
        %dma_wait3A_208 = arith.constant 0 : i32
        %dma_wait3A_209 = tpu.memref_slice %arg6[%dma_wait3A_208] : memref<10000xf32, #tpu.memory_space<hbm>> -> memref<10000xf32, #tpu.memory_space<hbm>>
        tpu.wait_indirect_dma semaphore(%arg15 : memref<!tpu.dma_semaphore, #tpu.memory_space<semaphore_mem>>) src(%dma_wait3A_209 : memref<10000xf32, #tpu.memory_space<hbm>>) dst(%arg13 : memref<80xf32, #tpu.memory_space<vmem>>)
        %get3A = arith.constant 0 : index
        %get3A_210 = tpu.vector_load %arg12[%get3A] {strides = array<i32>} : memref<80xf32, #tpu.memory_space<vmem>>, vector<16xf32>,
        %get3A_211 = arith.constant 0 : index
        %get3A_212 = tpu.vector_load %arg13[%get3A_211] {strides = array<i32>} : memref<80xf32, #tpu.memory_space<vmem>>, vector<16xf32>,
        %add3A_213 = arith.addf %get3A_210, %get3A_212 : vector<16xf32>
        %ge3A = arith.constant 0.000000e+00 : f32
        %ge3A_214 = vector.broadcast %ge3A : f32 to vector<16xf32>
        %ge3A_215 = arith.cmpf oge, %add3A_213, %ge3A_214 : vector<16xf32>
        %mul3A_216 = arith.constant 2.000000e-01 : f32
        %mul3A_217 = vector.broadcast %mul3A_216 : f32 to vector<16xf32>
        %mul3A_218 = arith.mulf %add3A_213, %mul3A_217 : vector<16xf32>
        %select_n3A_219 = arith.select %ge3A_215, %add3A_213, %mul3A_218 : vector<16xi1>, vector<16xf32>
        %exp3A = math.exp %select_n3A_219 : vector<16xf32>
        %swap3A = arith.constant 0 : index
        %swap3A_220 = tpu.vector_load %arg12[%swap3A] {strides = array<i32>} : memref<80xf32, #tpu.memory_space<vmem>>, vector<16xf32>,
        tpu.vector_store %arg12[%swap3A], %exp3A {strides = array<i32>} : memref<80xf32, #tpu.memory_space<vmem>>, vector<16xf32>,
        %get3A_221 = arith.constant 16 : index
        %get3A_222 = tpu.vector_load %arg12[%get3A_221] {strides = array<i32>} : memref<80xf32, #tpu.memory_space<vmem>>, vector<16xf32>,
        %get3A_223 = arith.constant 16 : index
        %get3A_224 = tpu.vector_load %arg13[%get3A_223] {strides = array<i32>} : memref<80xf32, #tpu.memory_space<vmem>>, vector<16xf32>,
        %add3A_225 = arith.addf %get3A_222, %get3A_224 : vector<16xf32>
        %ge3A_226 = arith.constant 0.000000e+00 : f32
        %ge3A_227 = vector.broadcast %ge3A_226 : f32 to vector<16xf32>
        %ge3A_228 = arith.cmpf oge, %add3A_225, %ge3A_227 : vector<16xf32>
        %mul3A_229 = arith.constant 2.000000e-01 : f32
        %mul3A_230 = vector.broadcast %mul3A_229 : f32 to vector<16xf32>
        %mul3A_231 = arith.mulf %add3A_225, %mul3A_230 : vector<16xf32>
        %select_n3A_232 = arith.select %ge3A_228, %add3A_225, %mul3A_231 : vector<16xi1>, vector<16xf32>
        %exp3A_233 = math.exp %select_n3A_232 : vector<16xf32>
        %swap3A_234 = arith.constant 16 : index
        %swap3A_235 = tpu.vector_load %arg12[%swap3A_234] {strides = array<i32>} : memref<80xf32, #tpu.memory_space<vmem>>, vector<16xf32>,
        tpu.vector_store %arg12[%swap3A_234], %exp3A_233 {strides = array<i32>} : memref<80xf32, #tpu.memory_space<vmem>>, vector<16xf32>,
        %get3A_236 = arith.constant 32 : index
        %get3A_237 = tpu.vector_load %arg12[%get3A_236] {strides = array<i32>} : memref<80xf32, #tpu.memory_space<vmem>>, vector<16xf32>,
        %get3A_238 = arith.constant 32 : index
        %get3A_239 = tpu.vector_load %arg13[%get3A_238] {strides = array<i32>} : memref<80xf32, #tpu.memory_space<vmem>>, vector<16xf32>,
        %add3A_240 = arith.addf %get3A_237, %get3A_239 : vector<16xf32>
        %ge3A_241 = arith.constant 0.000000e+00 : f32
        %ge3A_242 = vector.broadcast %ge3A_241 : f32 to vector<16xf32>
        %ge3A_243 = arith.cmpf oge, %add3A_240, %ge3A_242 : vector<16xf32>
        %mul3A_244 = arith.constant 2.000000e-01 : f32
        %mul3A_245 = vector.broadcast %mul3A_244 : f32 to vector<16xf32>
        %mul3A_246 = arith.mulf %add3A_240, %mul3A_245 : vector<16xf32>
        %select_n3A_247 = arith.select %ge3A_243, %add3A_240, %mul3A_246 : vector<16xi1>, vector<16xf32>
        %exp3A_248 = math.exp %select_n3A_247 : vector<16xf32>
        %swap3A_249 = arith.constant 32 : index
        %swap3A_250 = tpu.vector_load %arg12[%swap3A_249] {strides = array<i32>} : memref<80xf32, #tpu.memory_space<vmem>>, vector<16xf32>,
        tpu.vector_store %arg12[%swap3A_249], %exp3A_248 {strides = array<i32>} : memref<80xf32, #tpu.memory_space<vmem>>, vector<16xf32>,
        %get3A_251 = arith.constant 48 : index
        %get3A_252 = tpu.vector_load %arg12[%get3A_251] {strides = array<i32>} : memref<80xf32, #tpu.memory_space<vmem>>, vector<16xf32>,
        %get3A_253 = arith.constant 48 : index
        %get3A_254 = tpu.vector_load %arg13[%get3A_253] {strides = array<i32>} : memref<80xf32, #tpu.memory_space<vmem>>, vector<16xf32>,
        %add3A_255 = arith.addf %get3A_252, %get3A_254 : vector<16xf32>
        %ge3A_256 = arith.constant 0.000000e+00 : f32
        %ge3A_257 = vector.broadcast %ge3A_256 : f32 to vector<16xf32>
        %ge3A_258 = arith.cmpf oge, %add3A_255, %ge3A_257 : vector<16xf32>
        %mul3A_259 = arith.constant 2.000000e-01 : f32
        %mul3A_260 = vector.broadcast %mul3A_259 : f32 to vector<16xf32>
        %mul3A_261 = arith.mulf %add3A_255, %mul3A_260 : vector<16xf32>
        %select_n3A_262 = arith.select %ge3A_258, %add3A_255, %mul3A_261 : vector<16xi1>, vector<16xf32>
        %exp3A_263 = math.exp %select_n3A_262 : vector<16xf32>
        %swap3A_264 = arith.constant 48 : index
        %swap3A_265 = tpu.vector_load %arg12[%swap3A_264] {strides = array<i32>} : memref<80xf32, #tpu.memory_space<vmem>>, vector<16xf32>,
        tpu.vector_store %arg12[%swap3A_264], %exp3A_263 {strides = array<i32>} : memref<80xf32, #tpu.memory_space<vmem>>, vector<16xf32>,
        %get3A_266 = arith.constant 64 : index
        %get3A_267 = tpu.vector_load %arg12[%get3A_266] {strides = array<i32>} : memref<80xf32, #tpu.memory_space<vmem>>, vector<16xf32>,
        %get3A_268 = arith.constant 64 : index
        %get3A_269 = tpu.vector_load %arg13[%get3A_268] {strides = array<i32>} : memref<80xf32, #tpu.memory_space<vmem>>, vector<16xf32>,
        %add3A_270 = arith.addf %get3A_267, %get3A_269 : vector<16xf32>
        %ge3A_271 = arith.constant 0.000000e+00 : f32
        %ge3A_272 = vector.broadcast %ge3A_271 : f32 to vector<16xf32>
        %ge3A_273 = arith.cmpf oge, %add3A_270, %ge3A_272 : vector<16xf32>
        %mul3A_274 = arith.constant 2.000000e-01 : f32
        %mul3A_275 = vector.broadcast %mul3A_274 : f32 to vector<16xf32>
        %mul3A_276 = arith.mulf %add3A_270, %mul3A_275 : vector<16xf32>
        %select_n3A_277 = arith.select %ge3A_273, %add3A_270, %mul3A_276 : vector<16xi1>, vector<16xf32>
        %exp3A_278 = math.exp %select_n3A_277 : vector<16xf32>
        %swap3A_279 = arith.constant 64 : index
        %swap3A_280 = tpu.vector_load %arg12[%swap3A_279] {strides = array<i32>} : memref<80xf32, #tpu.memory_space<vmem>>, vector<16xf32>,
        tpu.vector_store %arg12[%swap3A_279], %exp3A_278 {strides = array<i32>} : memref<80xf32, #tpu.memory_space<vmem>>, vector<16xf32>,
        %parallel_loop3A = arith.constant 0 : i32
        %parallel_loop3A_281 = arith.constant 80 : i32
        %parallel_loop3A_282 = arith.constant 1 : i32
        scf.for %parallel_loop3A_296 = %parallel_loop3A to %parallel_loop3A_281 step %parallel_loop3A_282  : i32 {
          %parallel_loop3A_297 = vector.broadcast %parallel_loop3A_296 : i32 to vector<16xi32>
          %parallel_loop3A_298 = tpu.vector_load_idx %arg12[%parallel_loop3A_297] : memref<80xf32, #tpu.memory_space<vmem>>[vector<16xi32>], vector<16xf32>,
          %parallel_loop3A_299 = arith.index_cast %parallel_loop3A_296 : i32 to index
          %parallel_loop3A_300 = arith.constant 0 : index
          %parallel_loop3A_301 = tpu.vector_load %arg11[%parallel_loop3A_299, %parallel_loop3A_300] {strides = array<i32>} : memref<80x64xf32, #tpu.memory_space<vmem>>, vector<16xf32>,
          %parallel_loop3A_302 = arith.mulf %parallel_loop3A_301, %parallel_loop3A_298 : vector<16xf32>
          %parallel_loop3A_303 = arith.index_cast %parallel_loop3A_296 : i32 to index
          %parallel_loop3A_304 = arith.constant 0 : index
          %parallel_loop3A_305 = tpu.vector_load %arg11[%parallel_loop3A_303, %parallel_loop3A_304] {strides = array<i32>} : memref<80x64xf32, #tpu.memory_space<vmem>>, vector<16xf32>,
          tpu.vector_store %arg11[%parallel_loop3A_303, %parallel_loop3A_304], %parallel_loop3A_302 {strides = array<i32>} : memref<80x64xf32, #tpu.memory_space<vmem>>, vector<16xf32>,
          %parallel_loop3A_306 = arith.index_cast %parallel_loop3A_296 : i32 to index
          %parallel_loop3A_307 = arith.constant 16 : index
          %parallel_loop3A_308 = tpu.vector_load %arg11[%parallel_loop3A_306, %parallel_loop3A_307] {strides = array<i32>} : memref<80x64xf32, #tpu.memory_space<vmem>>, vector<16xf32>,
          %parallel_loop3A_309 = arith.mulf %parallel_loop3A_308, %parallel_loop3A_298 : vector<16xf32>
          %parallel_loop3A_310 = arith.index_cast %parallel_loop3A_296 : i32 to index
          %parallel_loop3A_311 = arith.constant 16 : index
          %parallel_loop3A_312 = tpu.vector_load %arg11[%parallel_loop3A_310, %parallel_loop3A_311] {strides = array<i32>} : memref<80x64xf32, #tpu.memory_space<vmem>>, vector<16xf32>,
          tpu.vector_store %arg11[%parallel_loop3A_310, %parallel_loop3A_311], %parallel_loop3A_309 {strides = array<i32>} : memref<80x64xf32, #tpu.memory_space<vmem>>, vector<16xf32>,
          %parallel_loop3A_313 = arith.index_cast %parallel_loop3A_296 : i32 to index
          %parallel_loop3A_314 = arith.constant 32 : index
          %parallel_loop3A_315 = tpu.vector_load %arg11[%parallel_loop3A_313, %parallel_loop3A_314] {strides = array<i32>} : memref<80x64xf32, #tpu.memory_space<vmem>>, vector<16xf32>,
          %parallel_loop3A_316 = arith.mulf %parallel_loop3A_315, %parallel_loop3A_298 : vector<16xf32>
          %parallel_loop3A_317 = arith.index_cast %parallel_loop3A_296 : i32 to index
          %parallel_loop3A_318 = arith.constant 32 : index
          %parallel_loop3A_319 = tpu.vector_load %arg11[%parallel_loop3A_317, %parallel_loop3A_318] {strides = array<i32>} : memref<80x64xf32, #tpu.memory_space<vmem>>, vector<16xf32>,
          tpu.vector_store %arg11[%parallel_loop3A_317, %parallel_loop3A_318], %parallel_loop3A_316 {strides = array<i32>} : memref<80x64xf32, #tpu.memory_space<vmem>>, vector<16xf32>,
          %parallel_loop3A_320 = arith.index_cast %parallel_loop3A_296 : i32 to index
          %parallel_loop3A_321 = arith.constant 48 : index
          %parallel_loop3A_322 = tpu.vector_load %arg11[%parallel_loop3A_320, %parallel_loop3A_321] {strides = array<i32>} : memref<80x64xf32, #tpu.memory_space<vmem>>, vector<16xf32>,
          %parallel_loop3A_323 = arith.mulf %parallel_loop3A_322, %parallel_loop3A_298 : vector<16xf32>
          %parallel_loop3A_324 = arith.index_cast %parallel_loop3A_296 : i32 to index
          %parallel_loop3A_325 = arith.constant 48 : index
          %parallel_loop3A_326 = tpu.vector_load %arg11[%parallel_loop3A_324, %parallel_loop3A_325] {strides = array<i32>} : memref<80x64xf32, #tpu.memory_space<vmem>>, vector<16xf32>,
          tpu.vector_store %arg11[%parallel_loop3A_324, %parallel_loop3A_325], %parallel_loop3A_323 {strides = array<i32>} : memref<80x64xf32, #tpu.memory_space<vmem>>, vector<16xf32>,
          %parallel_loop3A_327 = arith.index_cast %parallel_loop3A_296 : i32 to index
          %parallel_loop3A_328 = arith.constant 0 : index
          %parallel_loop3A_329 = tpu.vector_load %arg14[%parallel_loop3A_327, %parallel_loop3A_328] {strides = array<i32>} : memref<80x16xf32, #tpu.memory_space<vmem>>, vector<16xf32>,
          tpu.vector_store %arg14[%parallel_loop3A_327, %parallel_loop3A_328], %parallel_loop3A_298 {strides = array<i32>} : memref<80x16xf32, #tpu.memory_space<vmem>>, vector<16xf32>,
        } {sc.loop_unroll_factor = 4 : i64, sc.parallel_access}
        %dma_start3A_283 = arith.constant 0 : i32
        %dma_start3A_284 = arith.constant 0 : i32
        %dma_start3A_285 = tpu.memref_slice %arg33[%dma_start3A_283, %dma_start3A_284] : memref<10240x64xf32, #tpu.memory_space<vmem_shared>> -> memref<10240x64xf32, #tpu.memory_space<vmem_shared>>
        tpu.enqueue_indirect_dma source(%arg11 : memref<80x64xf32, #tpu.memory_space<vmem>>) target(%dma_start3A_285 : memref<10240x64xf32, #tpu.memory_space<vmem_shared>>) offsets(%arg10 : memref<80xi32, #tpu.memory_space<vmem>>) semaphore(%arg16 : memref<!tpu.dma_semaphore, #tpu.memory_space<semaphore_mem>>) {add = true}
        %dma_start3A_286 = arith.constant 0 : i32
        %dma_start3A_287 = arith.constant 0 : i32
        %dma_start3A_288 = tpu.memref_slice %arg34[%dma_start3A_286, %dma_start3A_287] : memref<10240x16xf32, #tpu.memory_space<vmem_shared>> -> memref<10240x16xf32, #tpu.memory_space<vmem_shared>>
        tpu.enqueue_indirect_dma source(%arg14 : memref<80x16xf32, #tpu.memory_space<vmem>>) target(%dma_start3A_288 : memref<10240x16xf32, #tpu.memory_space<vmem_shared>>) offsets(%arg10 : memref<80xi32, #tpu.memory_space<vmem>>) semaphore(%arg16 : memref<!tpu.dma_semaphore, #tpu.memory_space<semaphore_mem>>) {add = true}
        %add3A_289 = arith.constant 2 : i32
        %add3A_290 = arith.addi %scan3A_148, %add3A_289 : i32
        %lt3A_291 = arith.constant 125 : i32
        %lt3A_292 = arith.cmpi slt, %add3A_290, %lt3A_291 : i32
        %convert_element_type3A_293 = arith.extui %lt3A_292 : i1 to i32
        %cond3A_294 = arith.constant 0 : i32
        %cond3A_295 = arith.cmpi ne, %convert_element_type3A_293, %cond3A_294 : i32
        scf.if %cond3A_295 {
          %ge3A_296 = arith.constant 1 : i32
          %ge3A_297 = arith.cmpi sge, %scan3A_148, %ge3A_296 : i32
          %convert_element_type3A_298 = arith.extui %ge3A_297 : i1 to i32
          %cond3A_299 = arith.constant 0 : i32
          %cond3A_300 = arith.cmpi ne, %convert_element_type3A_298, %cond3A_299 : i32
          scf.if %cond3A_300 {
            %dma_wait3A_327 = arith.constant 0 : i32
            %dma_wait3A_328 = arith.constant 0 : i32
            %dma_wait3A_329 = tpu.memref_slice %arg33[%dma_wait3A_327, %dma_wait3A_328] : memref<10240x64xf32, #tpu.memory_space<vmem_shared>> -> memref<10240x64xf32, #tpu.memory_space<vmem_shared>>
            tpu.wait_indirect_dma semaphore(%arg32 : memref<!tpu.dma_semaphore, #tpu.memory_space<semaphore_mem>>) src(%arg27 : memref<80x64xf32, #tpu.memory_space<vmem>>) dst(%dma_wait3A_329 : memref<10240x64xf32, #tpu.memory_space<vmem_shared>>)
            %dma_wait3A_330 = arith.constant 0 : i32
            %dma_wait3A_331 = arith.constant 0 : i32
            %dma_wait3A_332 = tpu.memref_slice %arg34[%dma_wait3A_330, %dma_wait3A_331] : memref<10240x16xf32, #tpu.memory_space<vmem_shared>> -> memref<10240x16xf32, #tpu.memory_space<vmem_shared>>
            tpu.wait_indirect_dma semaphore(%arg32 : memref<!tpu.dma_semaphore, #tpu.memory_space<semaphore_mem>>) src(%arg30 : memref<80x16xf32, #tpu.memory_space<vmem>>) dst(%dma_wait3A_332 : memref<10240x16xf32, #tpu.memory_space<vmem_shared>>)
          } else {
          }
          %add3A_301 = arith.constant 2 : i32
          %add3A_302 = arith.addi %scan3A_148, %add3A_301 : i32
          %mul3A_303 = arith.constant 10000 : i32
          %mul3A_304 = arith.muli %add3A, %mul3A_303 : i32
          %mul3A_305 = arith.constant 80 : i32
          %mul3A_306 = arith.muli %add3A_302, %mul3A_305 : i32
          %add3A_307 = arith.addi %mul3A_304, %mul3A_306 : i32
          %dma_start3A_308 = tpu.memref_slice %arg2[%add3A_307] : memref<320000xi32, #tpu.memory_space<hbm>> -> memref<80xi32, #tpu.memory_space<hbm>>
          %dma_start3A_309 = tpu.memref_slice %arg2[%add3A_307] : memref<320000xi32, #tpu.memory_space<hbm>> -> memref<80xi32, #tpu.memory_space<hbm>>
          tpu.enqueue_dma source(%dma_start3A_309 : memref<80xi32, #tpu.memory_space<hbm>>) target(%arg25 : memref<80xi32, #tpu.memory_space<vmem>>) target_semaphore(%arg31 : memref<!tpu.dma_semaphore, #tpu.memory_space<semaphore_mem>>)
          %dma_start3A_310 = tpu.memref_slice %arg3[%add3A_307] : memref<320000xi32, #tpu.memory_space<hbm>> -> memref<80xi32, #tpu.memory_space<hbm>>
          %dma_start3A_311 = tpu.memref_slice %arg3[%add3A_307] : memref<320000xi32, #tpu.memory_space<hbm>> -> memref<80xi32, #tpu.memory_space<hbm>>
          tpu.enqueue_dma source(%dma_start3A_311 : memref<80xi32, #tpu.memory_space<hbm>>) target(%arg26 : memref<80xi32, #tpu.memory_space<vmem>>) target_semaphore(%arg31 : memref<!tpu.dma_semaphore, #tpu.memory_space<semaphore_mem>>)
          %dma_wait3A_312 = arith.constant 0 : i32
          %dma_wait3A_313 = tpu.memref_slice %arg2[%dma_wait3A_312] : memref<320000xi32, #tpu.memory_space<hbm>> -> memref<80xi32, #tpu.memory_space<hbm>>
          %dma_wait3A_314 = arith.constant 0 : i32
          %dma_wait3A_315 = tpu.memref_slice %arg2[%dma_wait3A_314] : memref<320000xi32, #tpu.memory_space<hbm>> -> memref<80xi32, #tpu.memory_space<hbm>>
          tpu.wait_dma2 semaphore(%arg31 : memref<!tpu.dma_semaphore, #tpu.memory_space<semaphore_mem>>) src(%dma_wait3A_315 : memref<80xi32, #tpu.memory_space<hbm>>) dst(%arg25 : memref<80xi32, #tpu.memory_space<vmem>>)
          %dma_wait3A_316 = arith.constant 0 : i32
          %dma_wait3A_317 = tpu.memref_slice %arg3[%dma_wait3A_316] : memref<320000xi32, #tpu.memory_space<hbm>> -> memref<80xi32, #tpu.memory_space<hbm>>
          %dma_wait3A_318 = arith.constant 0 : i32
          %dma_wait3A_319 = tpu.memref_slice %arg3[%dma_wait3A_318] : memref<320000xi32, #tpu.memory_space<hbm>> -> memref<80xi32, #tpu.memory_space<hbm>>
          tpu.wait_dma2 semaphore(%arg31 : memref<!tpu.dma_semaphore, #tpu.memory_space<semaphore_mem>>) src(%dma_wait3A_319 : memref<80xi32, #tpu.memory_space<hbm>>) dst(%arg26 : memref<80xi32, #tpu.memory_space<vmem>>)
          %dma_start3A_320 = arith.constant 0 : i32
          %dma_start3A_321 = arith.constant 0 : i32
          %dma_start3A_322 = tpu.memref_slice %arg4[%dma_start3A_320, %dma_start3A_321] : memref<10000x64xf32, #tpu.memory_space<hbm>> -> memref<10000x64xf32, #tpu.memory_space<hbm>>
          tpu.enqueue_indirect_dma source(%dma_start3A_322 : memref<10000x64xf32, #tpu.memory_space<hbm>>) target(%arg27 : memref<80x64xf32, #tpu.memory_space<vmem>>) offsets(%arg25 : memref<80xi32, #tpu.memory_space<vmem>>) semaphore(%arg31 : memref<!tpu.dma_semaphore, #tpu.memory_space<semaphore_mem>>)
          %dma_start3A_323 = arith.constant 0 : i32
          %dma_start3A_324 = tpu.memref_slice %arg5[%dma_start3A_323] : memref<10000xf32, #tpu.memory_space<hbm>> -> memref<10000xf32, #tpu.memory_space<hbm>>
          tpu.enqueue_indirect_dma source(%dma_start3A_324 : memref<10000xf32, #tpu.memory_space<hbm>>) target(%arg28 : memref<80xf32, #tpu.memory_space<vmem>>) offsets(%arg25 : memref<80xi32, #tpu.memory_space<vmem>>) semaphore(%arg31 : memref<!tpu.dma_semaphore, #tpu.memory_space<semaphore_mem>>)
          %dma_start3A_325 = arith.constant 0 : i32
          %dma_start3A_326 = tpu.memref_slice %arg6[%dma_start3A_325] : memref<10000xf32, #tpu.memory_space<hbm>> -> memref<10000xf32, #tpu.memory_space<hbm>>
          tpu.enqueue_indirect_dma source(%dma_start3A_326 : memref<10000xf32, #tpu.memory_space<hbm>>) target(%arg29 : memref<80xf32, #tpu.memory_space<vmem>>) offsets(%arg26 : memref<80xi32, #tpu.memory_space<vmem>>) semaphore(%arg31 : memref<!tpu.dma_semaphore, #tpu.memory_space<semaphore_mem>>)
        } else {
        }
      } else {
      }
      %jit3A_161 = arith.constant 3 : i32
      %eq3A_162 = arith.constant 0 : i32
      %eq3A_163 = arith.cmpi eq, %jit3A_161, %eq3A_162 : i32
      %jit3A_164 = arith.constant 1 : i32
      %select_n3A_165 = arith.select %eq3A_163, %jit3A_164, %jit3A_161 : i32
      %rem3A_166 = arith.remsi %scan3A_148, %select_n3A_165 : i32
      %ne3A_167 = arith.constant 0 : i32
      %ne3A_168 = arith.cmpi ne, %rem3A_166, %ne3A_167 : i32
      %lt3A_169 = arith.constant 0 : i32
      %lt3A_170 = arith.cmpi slt, %rem3A_166, %lt3A_169 : i32
      %lt3A_171 = arith.constant 0 : i32
      %lt3A_172 = arith.cmpi slt, %select_n3A_165, %lt3A_171 : i32
      %ne3A_173 = arith.xori %lt3A_170, %lt3A_172 : i1
      %and3A_174 = arith.andi %ne3A_173, %ne3A_168 : i1
      %add3A_175 = arith.addi %rem3A_166, %select_n3A_165 : i32
      %select_n3A_176 = arith.select %and3A_174, %add3A_175, %rem3A_166 : i32
      %eq3A_177 = arith.constant 1 : i32
      %eq3A_178 = arith.cmpi eq, %select_n3A_176, %eq3A_177 : i32
      %convert_element_type3A_179 = arith.extui %eq3A_178 : i1 to i32
      %cond3A_180 = arith.constant 0 : i32
      %cond3A_181 = arith.cmpi ne, %convert_element_type3A_179, %cond3A_180 : i32
      scf.if %cond3A_181 {
        %dma_wait3A_203 = arith.constant 0 : i32
        %dma_wait3A_204 = arith.constant 0 : i32
        %dma_wait3A_205 = tpu.memref_slice %arg4[%dma_wait3A_203, %dma_wait3A_204] : memref<10000x64xf32, #tpu.memory_space<hbm>> -> memref<10000x64xf32, #tpu.memory_space<hbm>>
        tpu.wait_indirect_dma semaphore(%arg23 : memref<!tpu.dma_semaphore, #tpu.memory_space<semaphore_mem>>) src(%dma_wait3A_205 : memref<10000x64xf32, #tpu.memory_space<hbm>>) dst(%arg19 : memref<80x64xf32, #tpu.memory_space<vmem>>)
        %dma_wait3A_206 = arith.constant 0 : i32
        %dma_wait3A_207 = tpu.memref_slice %arg5[%dma_wait3A_206] : memref<10000xf32, #tpu.memory_space<hbm>> -> memref<10000xf32, #tpu.memory_space<hbm>>
        tpu.wait_indirect_dma semaphore(%arg23 : memref<!tpu.dma_semaphore, #tpu.memory_space<semaphore_mem>>) src(%dma_wait3A_207 : memref<10000xf32, #tpu.memory_space<hbm>>) dst(%arg20 : memref<80xf32, #tpu.memory_space<vmem>>)
        %dma_wait3A_208 = arith.constant 0 : i32
        %dma_wait3A_209 = tpu.memref_slice %arg6[%dma_wait3A_208] : memref<10000xf32, #tpu.memory_space<hbm>> -> memref<10000xf32, #tpu.memory_space<hbm>>
        tpu.wait_indirect_dma semaphore(%arg23 : memref<!tpu.dma_semaphore, #tpu.memory_space<semaphore_mem>>) src(%dma_wait3A_209 : memref<10000xf32, #tpu.memory_space<hbm>>) dst(%arg21 : memref<80xf32, #tpu.memory_space<vmem>>)
        %get3A = arith.constant 0 : index
        %get3A_210 = tpu.vector_load %arg20[%get3A] {strides = array<i32>} : memref<80xf32, #tpu.memory_space<vmem>>, vector<16xf32>,
        %get3A_211 = arith.constant 0 : index
        %get3A_212 = tpu.vector_load %arg21[%get3A_211] {strides = array<i32>} : memref<80xf32, #tpu.memory_space<vmem>>, vector<16xf32>,
        %add3A_213 = arith.addf %get3A_210, %get3A_212 : vector<16xf32>
        %ge3A = arith.constant 0.000000e+00 : f32
        %ge3A_214 = vector.broadcast %ge3A : f32 to vector<16xf32>
        %ge3A_215 = arith.cmpf oge, %add3A_213, %ge3A_214 : vector<16xf32>
        %mul3A_216 = arith.constant 2.000000e-01 : f32
        %mul3A_217 = vector.broadcast %mul3A_216 : f32 to vector<16xf32>
        %mul3A_218 = arith.mulf %add3A_213, %mul3A_217 : vector<16xf32>
        %select_n3A_219 = arith.select %ge3A_215, %add3A_213, %mul3A_218 : vector<16xi1>, vector<16xf32>
        %exp3A = math.exp %select_n3A_219 : vector<16xf32>
        %swap3A = arith.constant 0 : index
        %swap3A_220 = tpu.vector_load %arg20[%swap3A] {strides = array<i32>} : memref<80xf32, #tpu.memory_space<vmem>>, vector<16xf32>,
        tpu.vector_store %arg20[%swap3A], %exp3A {strides = array<i32>} : memref<80xf32, #tpu.memory_space<vmem>>, vector<16xf32>,
        %get3A_221 = arith.constant 16 : index
        %get3A_222 = tpu.vector_load %arg20[%get3A_221] {strides = array<i32>} : memref<80xf32, #tpu.memory_space<vmem>>, vector<16xf32>,
        %get3A_223 = arith.constant 16 : index
        %get3A_224 = tpu.vector_load %arg21[%get3A_223] {strides = array<i32>} : memref<80xf32, #tpu.memory_space<vmem>>, vector<16xf32>,
        %add3A_225 = arith.addf %get3A_222, %get3A_224 : vector<16xf32>
        %ge3A_226 = arith.constant 0.000000e+00 : f32
        %ge3A_227 = vector.broadcast %ge3A_226 : f32 to vector<16xf32>
        %ge3A_228 = arith.cmpf oge, %add3A_225, %ge3A_227 : vector<16xf32>
        %mul3A_229 = arith.constant 2.000000e-01 : f32
        %mul3A_230 = vector.broadcast %mul3A_229 : f32 to vector<16xf32>
        %mul3A_231 = arith.mulf %add3A_225, %mul3A_230 : vector<16xf32>
        %select_n3A_232 = arith.select %ge3A_228, %add3A_225, %mul3A_231 : vector<16xi1>, vector<16xf32>
        %exp3A_233 = math.exp %select_n3A_232 : vector<16xf32>
        %swap3A_234 = arith.constant 16 : index
        %swap3A_235 = tpu.vector_load %arg20[%swap3A_234] {strides = array<i32>} : memref<80xf32, #tpu.memory_space<vmem>>, vector<16xf32>,
        tpu.vector_store %arg20[%swap3A_234], %exp3A_233 {strides = array<i32>} : memref<80xf32, #tpu.memory_space<vmem>>, vector<16xf32>,
        %get3A_236 = arith.constant 32 : index
        %get3A_237 = tpu.vector_load %arg20[%get3A_236] {strides = array<i32>} : memref<80xf32, #tpu.memory_space<vmem>>, vector<16xf32>,
        %get3A_238 = arith.constant 32 : index
        %get3A_239 = tpu.vector_load %arg21[%get3A_238] {strides = array<i32>} : memref<80xf32, #tpu.memory_space<vmem>>, vector<16xf32>,
        %add3A_240 = arith.addf %get3A_237, %get3A_239 : vector<16xf32>
        %ge3A_241 = arith.constant 0.000000e+00 : f32
        %ge3A_242 = vector.broadcast %ge3A_241 : f32 to vector<16xf32>
        %ge3A_243 = arith.cmpf oge, %add3A_240, %ge3A_242 : vector<16xf32>
        %mul3A_244 = arith.constant 2.000000e-01 : f32
        %mul3A_245 = vector.broadcast %mul3A_244 : f32 to vector<16xf32>
        %mul3A_246 = arith.mulf %add3A_240, %mul3A_245 : vector<16xf32>
        %select_n3A_247 = arith.select %ge3A_243, %add3A_240, %mul3A_246 : vector<16xi1>, vector<16xf32>
        %exp3A_248 = math.exp %select_n3A_247 : vector<16xf32>
        %swap3A_249 = arith.constant 32 : index
        %swap3A_250 = tpu.vector_load %arg20[%swap3A_249] {strides = array<i32>} : memref<80xf32, #tpu.memory_space<vmem>>, vector<16xf32>,
        tpu.vector_store %arg20[%swap3A_249], %exp3A_248 {strides = array<i32>} : memref<80xf32, #tpu.memory_space<vmem>>, vector<16xf32>,
        %get3A_251 = arith.constant 48 : index
        %get3A_252 = tpu.vector_load %arg20[%get3A_251] {strides = array<i32>} : memref<80xf32, #tpu.memory_space<vmem>>, vector<16xf32>,
        %get3A_253 = arith.constant 48 : index
        %get3A_254 = tpu.vector_load %arg21[%get3A_253] {strides = array<i32>} : memref<80xf32, #tpu.memory_space<vmem>>, vector<16xf32>,
        %add3A_255 = arith.addf %get3A_252, %get3A_254 : vector<16xf32>
        %ge3A_256 = arith.constant 0.000000e+00 : f32
        %ge3A_257 = vector.broadcast %ge3A_256 : f32 to vector<16xf32>
        %ge3A_258 = arith.cmpf oge, %add3A_255, %ge3A_257 : vector<16xf32>
        %mul3A_259 = arith.constant 2.000000e-01 : f32
        %mul3A_260 = vector.broadcast %mul3A_259 : f32 to vector<16xf32>
        %mul3A_261 = arith.mulf %add3A_255, %mul3A_260 : vector<16xf32>
        %select_n3A_262 = arith.select %ge3A_258, %add3A_255, %mul3A_261 : vector<16xi1>, vector<16xf32>
        %exp3A_263 = math.exp %select_n3A_262 : vector<16xf32>
        %swap3A_264 = arith.constant 48 : index
        %swap3A_265 = tpu.vector_load %arg20[%swap3A_264] {strides = array<i32>} : memref<80xf32, #tpu.memory_space<vmem>>, vector<16xf32>,
        tpu.vector_store %arg20[%swap3A_264], %exp3A_263 {strides = array<i32>} : memref<80xf32, #tpu.memory_space<vmem>>, vector<16xf32>,
        %get3A_266 = arith.constant 64 : index
        %get3A_267 = tpu.vector_load %arg20[%get3A_266] {strides = array<i32>} : memref<80xf32, #tpu.memory_space<vmem>>, vector<16xf32>,
        %get3A_268 = arith.constant 64 : index
        %get3A_269 = tpu.vector_load %arg21[%get3A_268] {strides = array<i32>} : memref<80xf32, #tpu.memory_space<vmem>>, vector<16xf32>,
        %add3A_270 = arith.addf %get3A_267, %get3A_269 : vector<16xf32>
        %ge3A_271 = arith.constant 0.000000e+00 : f32
        %ge3A_272 = vector.broadcast %ge3A_271 : f32 to vector<16xf32>
        %ge3A_273 = arith.cmpf oge, %add3A_270, %ge3A_272 : vector<16xf32>
        %mul3A_274 = arith.constant 2.000000e-01 : f32
        %mul3A_275 = vector.broadcast %mul3A_274 : f32 to vector<16xf32>
        %mul3A_276 = arith.mulf %add3A_270, %mul3A_275 : vector<16xf32>
        %select_n3A_277 = arith.select %ge3A_273, %add3A_270, %mul3A_276 : vector<16xi1>, vector<16xf32>
        %exp3A_278 = math.exp %select_n3A_277 : vector<16xf32>
        %swap3A_279 = arith.constant 64 : index
        %swap3A_280 = tpu.vector_load %arg20[%swap3A_279] {strides = array<i32>} : memref<80xf32, #tpu.memory_space<vmem>>, vector<16xf32>,
        tpu.vector_store %arg20[%swap3A_279], %exp3A_278 {strides = array<i32>} : memref<80xf32, #tpu.memory_space<vmem>>, vector<16xf32>,
        %parallel_loop3A = arith.constant 0 : i32
        %parallel_loop3A_281 = arith.constant 80 : i32
        %parallel_loop3A_282 = arith.constant 1 : i32
        scf.for %parallel_loop3A_296 = %parallel_loop3A to %parallel_loop3A_281 step %parallel_loop3A_282  : i32 {
          %parallel_loop3A_297 = vector.broadcast %parallel_loop3A_296 : i32 to vector<16xi32>
          %parallel_loop3A_298 = tpu.vector_load_idx %arg20[%parallel_loop3A_297] : memref<80xf32, #tpu.memory_space<vmem>>[vector<16xi32>], vector<16xf32>,
          %parallel_loop3A_299 = arith.index_cast %parallel_loop3A_296 : i32 to index
          %parallel_loop3A_300 = arith.constant 0 : index
          %parallel_loop3A_301 = tpu.vector_load %arg19[%parallel_loop3A_299, %parallel_loop3A_300] {strides = array<i32>} : memref<80x64xf32, #tpu.memory_space<vmem>>, vector<16xf32>,
          %parallel_loop3A_302 = arith.mulf %parallel_loop3A_301, %parallel_loop3A_298 : vector<16xf32>
          %parallel_loop3A_303 = arith.index_cast %parallel_loop3A_296 : i32 to index
          %parallel_loop3A_304 = arith.constant 0 : index
          %parallel_loop3A_305 = tpu.vector_load %arg19[%parallel_loop3A_303, %parallel_loop3A_304] {strides = array<i32>} : memref<80x64xf32, #tpu.memory_space<vmem>>, vector<16xf32>,
          tpu.vector_store %arg19[%parallel_loop3A_303, %parallel_loop3A_304], %parallel_loop3A_302 {strides = array<i32>} : memref<80x64xf32, #tpu.memory_space<vmem>>, vector<16xf32>,
          %parallel_loop3A_306 = arith.index_cast %parallel_loop3A_296 : i32 to index
          %parallel_loop3A_307 = arith.constant 16 : index
          %parallel_loop3A_308 = tpu.vector_load %arg19[%parallel_loop3A_306, %parallel_loop3A_307] {strides = array<i32>} : memref<80x64xf32, #tpu.memory_space<vmem>>, vector<16xf32>,
          %parallel_loop3A_309 = arith.mulf %parallel_loop3A_308, %parallel_loop3A_298 : vector<16xf32>
          %parallel_loop3A_310 = arith.index_cast %parallel_loop3A_296 : i32 to index
          %parallel_loop3A_311 = arith.constant 16 : index
          %parallel_loop3A_312 = tpu.vector_load %arg19[%parallel_loop3A_310, %parallel_loop3A_311] {strides = array<i32>} : memref<80x64xf32, #tpu.memory_space<vmem>>, vector<16xf32>,
          tpu.vector_store %arg19[%parallel_loop3A_310, %parallel_loop3A_311], %parallel_loop3A_309 {strides = array<i32>} : memref<80x64xf32, #tpu.memory_space<vmem>>, vector<16xf32>,
          %parallel_loop3A_313 = arith.index_cast %parallel_loop3A_296 : i32 to index
          %parallel_loop3A_314 = arith.constant 32 : index
          %parallel_loop3A_315 = tpu.vector_load %arg19[%parallel_loop3A_313, %parallel_loop3A_314] {strides = array<i32>} : memref<80x64xf32, #tpu.memory_space<vmem>>, vector<16xf32>,
          %parallel_loop3A_316 = arith.mulf %parallel_loop3A_315, %parallel_loop3A_298 : vector<16xf32>
          %parallel_loop3A_317 = arith.index_cast %parallel_loop3A_296 : i32 to index
          %parallel_loop3A_318 = arith.constant 32 : index
          %parallel_loop3A_319 = tpu.vector_load %arg19[%parallel_loop3A_317, %parallel_loop3A_318] {strides = array<i32>} : memref<80x64xf32, #tpu.memory_space<vmem>>, vector<16xf32>,
          tpu.vector_store %arg19[%parallel_loop3A_317, %parallel_loop3A_318], %parallel_loop3A_316 {strides = array<i32>} : memref<80x64xf32, #tpu.memory_space<vmem>>, vector<16xf32>,
          %parallel_loop3A_320 = arith.index_cast %parallel_loop3A_296 : i32 to index
          %parallel_loop3A_321 = arith.constant 48 : index
          %parallel_loop3A_322 = tpu.vector_load %arg19[%parallel_loop3A_320, %parallel_loop3A_321] {strides = array<i32>} : memref<80x64xf32, #tpu.memory_space<vmem>>, vector<16xf32>,
          %parallel_loop3A_323 = arith.mulf %parallel_loop3A_322, %parallel_loop3A_298 : vector<16xf32>
          %parallel_loop3A_324 = arith.index_cast %parallel_loop3A_296 : i32 to index
          %parallel_loop3A_325 = arith.constant 48 : index
          %parallel_loop3A_326 = tpu.vector_load %arg19[%parallel_loop3A_324, %parallel_loop3A_325] {strides = array<i32>} : memref<80x64xf32, #tpu.memory_space<vmem>>, vector<16xf32>,
          tpu.vector_store %arg19[%parallel_loop3A_324, %parallel_loop3A_325], %parallel_loop3A_323 {strides = array<i32>} : memref<80x64xf32, #tpu.memory_space<vmem>>, vector<16xf32>,
          %parallel_loop3A_327 = arith.index_cast %parallel_loop3A_296 : i32 to index
          %parallel_loop3A_328 = arith.constant 0 : index
          %parallel_loop3A_329 = tpu.vector_load %arg22[%parallel_loop3A_327, %parallel_loop3A_328] {strides = array<i32>} : memref<80x16xf32, #tpu.memory_space<vmem>>, vector<16xf32>,
          tpu.vector_store %arg22[%parallel_loop3A_327, %parallel_loop3A_328], %parallel_loop3A_298 {strides = array<i32>} : memref<80x16xf32, #tpu.memory_space<vmem>>, vector<16xf32>,
        } {sc.loop_unroll_factor = 4 : i64, sc.parallel_access}
        %dma_start3A_283 = arith.constant 0 : i32
        %dma_start3A_284 = arith.constant 0 : i32
        %dma_start3A_285 = tpu.memref_slice %arg33[%dma_start3A_283, %dma_start3A_284] : memref<10240x64xf32, #tpu.memory_space<vmem_shared>> -> memref<10240x64xf32, #tpu.memory_space<vmem_shared>>
        tpu.enqueue_indirect_dma source(%arg19 : memref<80x64xf32, #tpu.memory_space<vmem>>) target(%dma_start3A_285 : memref<10240x64xf32, #tpu.memory_space<vmem_shared>>) offsets(%arg18 : memref<80xi32, #tpu.memory_space<vmem>>) semaphore(%arg24 : memref<!tpu.dma_semaphore, #tpu.memory_space<semaphore_mem>>) {add = true}
        %dma_start3A_286 = arith.constant 0 : i32
        %dma_start3A_287 = arith.constant 0 : i32
        %dma_start3A_288 = tpu.memref_slice %arg34[%dma_start3A_286, %dma_start3A_287] : memref<10240x16xf32, #tpu.memory_space<vmem_shared>> -> memref<10240x16xf32, #tpu.memory_space<vmem_shared>>
        tpu.enqueue_indirect_dma source(%arg22 : memref<80x16xf32, #tpu.memory_space<vmem>>) target(%dma_start3A_288 : memref<10240x16xf32, #tpu.memory_space<vmem_shared>>) offsets(%arg18 : memref<80xi32, #tpu.memory_space<vmem>>) semaphore(%arg24 : memref<!tpu.dma_semaphore, #tpu.memory_space<semaphore_mem>>) {add = true}
        %add3A_289 = arith.constant 2 : i32
        %add3A_290 = arith.addi %scan3A_148, %add3A_289 : i32
        %lt3A_291 = arith.constant 125 : i32
        %lt3A_292 = arith.cmpi slt, %add3A_290, %lt3A_291 : i32
        %convert_element_type3A_293 = arith.extui %lt3A_292 : i1 to i32
        %cond3A_294 = arith.constant 0 : i32
        %cond3A_295 = arith.cmpi ne, %convert_element_type3A_293, %cond3A_294 : i32
        scf.if %cond3A_295 {
          %ge3A_296 = arith.constant 1 : i32
          %ge3A_297 = arith.cmpi sge, %scan3A_148, %ge3A_296 : i32
          %convert_element_type3A_298 = arith.extui %ge3A_297 : i1 to i32
          %cond3A_299 = arith.constant 0 : i32
          %cond3A_300 = arith.cmpi ne, %convert_element_type3A_298, %cond3A_299 : i32
          scf.if %cond3A_300 {
            %dma_wait3A_327 = arith.constant 0 : i32
            %dma_wait3A_328 = arith.constant 0 : i32
            %dma_wait3A_329 = tpu.memref_slice %arg33[%dma_wait3A_327, %dma_wait3A_328] : memref<10240x64xf32, #tpu.memory_space<vmem_shared>> -> memref<10240x64xf32, #tpu.memory_space<vmem_shared>>
            tpu.wait_indirect_dma semaphore(%arg16 : memref<!tpu.dma_semaphore, #tpu.memory_space<semaphore_mem>>) src(%arg11 : memref<80x64xf32, #tpu.memory_space<vmem>>) dst(%dma_wait3A_329 : memref<10240x64xf32, #tpu.memory_space<vmem_shared>>)
            %dma_wait3A_330 = arith.constant 0 : i32
            %dma_wait3A_331 = arith.constant 0 : i32
            %dma_wait3A_332 = tpu.memref_slice %arg34[%dma_wait3A_330, %dma_wait3A_331] : memref<10240x16xf32, #tpu.memory_space<vmem_shared>> -> memref<10240x16xf32, #tpu.memory_space<vmem_shared>>
            tpu.wait_indirect_dma semaphore(%arg16 : memref<!tpu.dma_semaphore, #tpu.memory_space<semaphore_mem>>) src(%arg14 : memref<80x16xf32, #tpu.memory_space<vmem>>) dst(%dma_wait3A_332 : memref<10240x16xf32, #tpu.memory_space<vmem_shared>>)
          } else {
          }
          %add3A_301 = arith.constant 2 : i32
          %add3A_302 = arith.addi %scan3A_148, %add3A_301 : i32
          %mul3A_303 = arith.constant 10000 : i32
          %mul3A_304 = arith.muli %add3A, %mul3A_303 : i32
          %mul3A_305 = arith.constant 80 : i32
          %mul3A_306 = arith.muli %add3A_302, %mul3A_305 : i32
          %add3A_307 = arith.addi %mul3A_304, %mul3A_306 : i32
          %dma_start3A_308 = tpu.memref_slice %arg2[%add3A_307] : memref<320000xi32, #tpu.memory_space<hbm>> -> memref<80xi32, #tpu.memory_space<hbm>>
          %dma_start3A_309 = tpu.memref_slice %arg2[%add3A_307] : memref<320000xi32, #tpu.memory_space<hbm>> -> memref<80xi32, #tpu.memory_space<hbm>>
          tpu.enqueue_dma source(%dma_start3A_309 : memref<80xi32, #tpu.memory_space<hbm>>) target(%arg9 : memref<80xi32, #tpu.memory_space<vmem>>) target_semaphore(%arg15 : memref<!tpu.dma_semaphore, #tpu.memory_space<semaphore_mem>>)
          %dma_start3A_310 = tpu.memref_slice %arg3[%add3A_307] : memref<320000xi32, #tpu.memory_space<hbm>> -> memref<80xi32, #tpu.memory_space<hbm>>
          %dma_start3A_311 = tpu.memref_slice %arg3[%add3A_307] : memref<320000xi32, #tpu.memory_space<hbm>> -> memref<80xi32, #tpu.memory_space<hbm>>
          tpu.enqueue_dma source(%dma_start3A_311 : memref<80xi32, #tpu.memory_space<hbm>>) target(%arg10 : memref<80xi32, #tpu.memory_space<vmem>>) target_semaphore(%arg15 : memref<!tpu.dma_semaphore, #tpu.memory_space<semaphore_mem>>)
          %dma_wait3A_312 = arith.constant 0 : i32
          %dma_wait3A_313 = tpu.memref_slice %arg2[%dma_wait3A_312] : memref<320000xi32, #tpu.memory_space<hbm>> -> memref<80xi32, #tpu.memory_space<hbm>>
          %dma_wait3A_314 = arith.constant 0 : i32
          %dma_wait3A_315 = tpu.memref_slice %arg2[%dma_wait3A_314] : memref<320000xi32, #tpu.memory_space<hbm>> -> memref<80xi32, #tpu.memory_space<hbm>>
          tpu.wait_dma2 semaphore(%arg15 : memref<!tpu.dma_semaphore, #tpu.memory_space<semaphore_mem>>) src(%dma_wait3A_315 : memref<80xi32, #tpu.memory_space<hbm>>) dst(%arg9 : memref<80xi32, #tpu.memory_space<vmem>>)
          %dma_wait3A_316 = arith.constant 0 : i32
          %dma_wait3A_317 = tpu.memref_slice %arg3[%dma_wait3A_316] : memref<320000xi32, #tpu.memory_space<hbm>> -> memref<80xi32, #tpu.memory_space<hbm>>
          %dma_wait3A_318 = arith.constant 0 : i32
          %dma_wait3A_319 = tpu.memref_slice %arg3[%dma_wait3A_318] : memref<320000xi32, #tpu.memory_space<hbm>> -> memref<80xi32, #tpu.memory_space<hbm>>
          tpu.wait_dma2 semaphore(%arg15 : memref<!tpu.dma_semaphore, #tpu.memory_space<semaphore_mem>>) src(%dma_wait3A_319 : memref<80xi32, #tpu.memory_space<hbm>>) dst(%arg10 : memref<80xi32, #tpu.memory_space<vmem>>)
          %dma_start3A_320 = arith.constant 0 : i32
          %dma_start3A_321 = arith.constant 0 : i32
          %dma_start3A_322 = tpu.memref_slice %arg4[%dma_start3A_320, %dma_start3A_321] : memref<10000x64xf32, #tpu.memory_space<hbm>> -> memref<10000x64xf32, #tpu.memory_space<hbm>>
          tpu.enqueue_indirect_dma source(%dma_start3A_322 : memref<10000x64xf32, #tpu.memory_space<hbm>>) target(%arg11 : memref<80x64xf32, #tpu.memory_space<vmem>>) offsets(%arg9 : memref<80xi32, #tpu.memory_space<vmem>>) semaphore(%arg15 : memref<!tpu.dma_semaphore, #tpu.memory_space<semaphore_mem>>)
          %dma_start3A_323 = arith.constant 0 : i32
          %dma_start3A_324 = tpu.memref_slice %arg5[%dma_start3A_323] : memref<10000xf32, #tpu.memory_space<hbm>> -> memref<10000xf32, #tpu.memory_space<hbm>>
          tpu.enqueue_indirect_dma source(%dma_start3A_324 : memref<10000xf32, #tpu.memory_space<hbm>>) target(%arg12 : memref<80xf32, #tpu.memory_space<vmem>>) offsets(%arg9 : memref<80xi32, #tpu.memory_space<vmem>>) semaphore(%arg15 : memref<!tpu.dma_semaphore, #tpu.memory_space<semaphore_mem>>)
          %dma_start3A_325 = arith.constant 0 : i32
          %dma_start3A_326 = tpu.memref_slice %arg6[%dma_start3A_325] : memref<10000xf32, #tpu.memory_space<hbm>> -> memref<10000xf32, #tpu.memory_space<hbm>>
          tpu.enqueue_indirect_dma source(%dma_start3A_326 : memref<10000xf32, #tpu.memory_space<hbm>>) target(%arg13 : memref<80xf32, #tpu.memory_space<vmem>>) offsets(%arg10 : memref<80xi32, #tpu.memory_space<vmem>>) semaphore(%arg15 : memref<!tpu.dma_semaphore, #tpu.memory_space<semaphore_mem>>)
        } else {
        }
      } else {
      }
      %jit3A_182 = arith.constant 3 : i32
      %eq3A_183 = arith.constant 0 : i32
      %eq3A_184 = arith.cmpi eq, %jit3A_182, %eq3A_183 : i32
      %jit3A_185 = arith.constant 1 : i32
      %select_n3A_186 = arith.select %eq3A_184, %jit3A_185, %jit3A_182 : i32
      %rem3A_187 = arith.remsi %scan3A_148, %select_n3A_186 : i32
      %ne3A_188 = arith.constant 0 : i32
      %ne3A_189 = arith.cmpi ne, %rem3A_187, %ne3A_188 : i32
      %lt3A_190 = arith.constant 0 : i32
      %lt3A_191 = arith.cmpi slt, %rem3A_187, %lt3A_190 : i32
      %lt3A_192 = arith.constant 0 : i32
      %lt3A_193 = arith.cmpi slt, %select_n3A_186, %lt3A_192 : i32
      %ne3A_194 = arith.xori %lt3A_191, %lt3A_193 : i1
      %and3A_195 = arith.andi %ne3A_194, %ne3A_189 : i1
      %add3A_196 = arith.addi %rem3A_187, %select_n3A_186 : i32
      %select_n3A_197 = arith.select %and3A_195, %add3A_196, %rem3A_187 : i32
      %eq3A_198 = arith.constant 2 : i32
      %eq3A_199 = arith.cmpi eq, %select_n3A_197, %eq3A_198 : i32
      %convert_element_type3A_200 = arith.extui %eq3A_199 : i1 to i32
      %cond3A_201 = arith.constant 0 : i32
      %cond3A_202 = arith.cmpi ne, %convert_element_type3A_200, %cond3A_201 : i32
      scf.if %cond3A_202 {
        %dma_wait3A_203 = arith.constant 0 : i32
        %dma_wait3A_204 = arith.constant 0 : i32
        %dma_wait3A_205 = tpu.memref_slice %arg4[%dma_wait3A_203, %dma_wait3A_204] : memref<10000x64xf32, #tpu.memory_space<hbm>> -> memref<10000x64xf32, #tpu.memory_space<hbm>>
        tpu.wait_indirect_dma semaphore(%arg31 : memref<!tpu.dma_semaphore, #tpu.memory_space<semaphore_mem>>) src(%dma_wait3A_205 : memref<10000x64xf32, #tpu.memory_space<hbm>>) dst(%arg27 : memref<80x64xf32, #tpu.memory_space<vmem>>)
        %dma_wait3A_206 = arith.constant 0 : i32
        %dma_wait3A_207 = tpu.memref_slice %arg5[%dma_wait3A_206] : memref<10000xf32, #tpu.memory_space<hbm>> -> memref<10000xf32, #tpu.memory_space<hbm>>
        tpu.wait_indirect_dma semaphore(%arg31 : memref<!tpu.dma_semaphore, #tpu.memory_space<semaphore_mem>>) src(%dma_wait3A_207 : memref<10000xf32, #tpu.memory_space<hbm>>) dst(%arg28 : memref<80xf32, #tpu.memory_space<vmem>>)
        %dma_wait3A_208 = arith.constant 0 : i32
        %dma_wait3A_209 = tpu.memref_slice %arg6[%dma_wait3A_208] : memref<10000xf32, #tpu.memory_space<hbm>> -> memref<10000xf32, #tpu.memory_space<hbm>>
        tpu.wait_indirect_dma semaphore(%arg31 : memref<!tpu.dma_semaphore, #tpu.memory_space<semaphore_mem>>) src(%dma_wait3A_209 : memref<10000xf32, #tpu.memory_space<hbm>>) dst(%arg29 : memref<80xf32, #tpu.memory_space<vmem>>)
        %get3A = arith.constant 0 : index
        %get3A_210 = tpu.vector_load %arg28[%get3A] {strides = array<i32>} : memref<80xf32, #tpu.memory_space<vmem>>, vector<16xf32>,
        %get3A_211 = arith.constant 0 : index
        %get3A_212 = tpu.vector_load %arg29[%get3A_211] {strides = array<i32>} : memref<80xf32, #tpu.memory_space<vmem>>, vector<16xf32>,
        %add3A_213 = arith.addf %get3A_210, %get3A_212 : vector<16xf32>
        %ge3A = arith.constant 0.000000e+00 : f32
        %ge3A_214 = vector.broadcast %ge3A : f32 to vector<16xf32>
        %ge3A_215 = arith.cmpf oge, %add3A_213, %ge3A_214 : vector<16xf32>
        %mul3A_216 = arith.constant 2.000000e-01 : f32
        %mul3A_217 = vector.broadcast %mul3A_216 : f32 to vector<16xf32>
        %mul3A_218 = arith.mulf %add3A_213, %mul3A_217 : vector<16xf32>
        %select_n3A_219 = arith.select %ge3A_215, %add3A_213, %mul3A_218 : vector<16xi1>, vector<16xf32>
        %exp3A = math.exp %select_n3A_219 : vector<16xf32>
        %swap3A = arith.constant 0 : index
        %swap3A_220 = tpu.vector_load %arg28[%swap3A] {strides = array<i32>} : memref<80xf32, #tpu.memory_space<vmem>>, vector<16xf32>,
        tpu.vector_store %arg28[%swap3A], %exp3A {strides = array<i32>} : memref<80xf32, #tpu.memory_space<vmem>>, vector<16xf32>,
        %get3A_221 = arith.constant 16 : index
        %get3A_222 = tpu.vector_load %arg28[%get3A_221] {strides = array<i32>} : memref<80xf32, #tpu.memory_space<vmem>>, vector<16xf32>,
        %get3A_223 = arith.constant 16 : index
        %get3A_224 = tpu.vector_load %arg29[%get3A_223] {strides = array<i32>} : memref<80xf32, #tpu.memory_space<vmem>>, vector<16xf32>,
        %add3A_225 = arith.addf %get3A_222, %get3A_224 : vector<16xf32>
        %ge3A_226 = arith.constant 0.000000e+00 : f32
        %ge3A_227 = vector.broadcast %ge3A_226 : f32 to vector<16xf32>
        %ge3A_228 = arith.cmpf oge, %add3A_225, %ge3A_227 : vector<16xf32>
        %mul3A_229 = arith.constant 2.000000e-01 : f32
        %mul3A_230 = vector.broadcast %mul3A_229 : f32 to vector<16xf32>
        %mul3A_231 = arith.mulf %add3A_225, %mul3A_230 : vector<16xf32>
        %select_n3A_232 = arith.select %ge3A_228, %add3A_225, %mul3A_231 : vector<16xi1>, vector<16xf32>
        %exp3A_233 = math.exp %select_n3A_232 : vector<16xf32>
        %swap3A_234 = arith.constant 16 : index
        %swap3A_235 = tpu.vector_load %arg28[%swap3A_234] {strides = array<i32>} : memref<80xf32, #tpu.memory_space<vmem>>, vector<16xf32>,
        tpu.vector_store %arg28[%swap3A_234], %exp3A_233 {strides = array<i32>} : memref<80xf32, #tpu.memory_space<vmem>>, vector<16xf32>,
        %get3A_236 = arith.constant 32 : index
        %get3A_237 = tpu.vector_load %arg28[%get3A_236] {strides = array<i32>} : memref<80xf32, #tpu.memory_space<vmem>>, vector<16xf32>,
        %get3A_238 = arith.constant 32 : index
        %get3A_239 = tpu.vector_load %arg29[%get3A_238] {strides = array<i32>} : memref<80xf32, #tpu.memory_space<vmem>>, vector<16xf32>,
        %add3A_240 = arith.addf %get3A_237, %get3A_239 : vector<16xf32>
        %ge3A_241 = arith.constant 0.000000e+00 : f32
        %ge3A_242 = vector.broadcast %ge3A_241 : f32 to vector<16xf32>
        %ge3A_243 = arith.cmpf oge, %add3A_240, %ge3A_242 : vector<16xf32>
        %mul3A_244 = arith.constant 2.000000e-01 : f32
        %mul3A_245 = vector.broadcast %mul3A_244 : f32 to vector<16xf32>
        %mul3A_246 = arith.mulf %add3A_240, %mul3A_245 : vector<16xf32>
        %select_n3A_247 = arith.select %ge3A_243, %add3A_240, %mul3A_246 : vector<16xi1>, vector<16xf32>
        %exp3A_248 = math.exp %select_n3A_247 : vector<16xf32>
        %swap3A_249 = arith.constant 32 : index
        %swap3A_250 = tpu.vector_load %arg28[%swap3A_249] {strides = array<i32>} : memref<80xf32, #tpu.memory_space<vmem>>, vector<16xf32>,
        tpu.vector_store %arg28[%swap3A_249], %exp3A_248 {strides = array<i32>} : memref<80xf32, #tpu.memory_space<vmem>>, vector<16xf32>,
        %get3A_251 = arith.constant 48 : index
        %get3A_252 = tpu.vector_load %arg28[%get3A_251] {strides = array<i32>} : memref<80xf32, #tpu.memory_space<vmem>>, vector<16xf32>,
        %get3A_253 = arith.constant 48 : index
        %get3A_254 = tpu.vector_load %arg29[%get3A_253] {strides = array<i32>} : memref<80xf32, #tpu.memory_space<vmem>>, vector<16xf32>,
        %add3A_255 = arith.addf %get3A_252, %get3A_254 : vector<16xf32>
        %ge3A_256 = arith.constant 0.000000e+00 : f32
        %ge3A_257 = vector.broadcast %ge3A_256 : f32 to vector<16xf32>
        %ge3A_258 = arith.cmpf oge, %add3A_255, %ge3A_257 : vector<16xf32>
        %mul3A_259 = arith.constant 2.000000e-01 : f32
        %mul3A_260 = vector.broadcast %mul3A_259 : f32 to vector<16xf32>
        %mul3A_261 = arith.mulf %add3A_255, %mul3A_260 : vector<16xf32>
        %select_n3A_262 = arith.select %ge3A_258, %add3A_255, %mul3A_261 : vector<16xi1>, vector<16xf32>
        %exp3A_263 = math.exp %select_n3A_262 : vector<16xf32>
        %swap3A_264 = arith.constant 48 : index
        %swap3A_265 = tpu.vector_load %arg28[%swap3A_264] {strides = array<i32>} : memref<80xf32, #tpu.memory_space<vmem>>, vector<16xf32>,
        tpu.vector_store %arg28[%swap3A_264], %exp3A_263 {strides = array<i32>} : memref<80xf32, #tpu.memory_space<vmem>>, vector<16xf32>,
        %get3A_266 = arith.constant 64 : index
        %get3A_267 = tpu.vector_load %arg28[%get3A_266] {strides = array<i32>} : memref<80xf32, #tpu.memory_space<vmem>>, vector<16xf32>,
        %get3A_268 = arith.constant 64 : index
        %get3A_269 = tpu.vector_load %arg29[%get3A_268] {strides = array<i32>} : memref<80xf32, #tpu.memory_space<vmem>>, vector<16xf32>,
        %add3A_270 = arith.addf %get3A_267, %get3A_269 : vector<16xf32>
        %ge3A_271 = arith.constant 0.000000e+00 : f32
        %ge3A_272 = vector.broadcast %ge3A_271 : f32 to vector<16xf32>
        %ge3A_273 = arith.cmpf oge, %add3A_270, %ge3A_272 : vector<16xf32>
        %mul3A_274 = arith.constant 2.000000e-01 : f32
        %mul3A_275 = vector.broadcast %mul3A_274 : f32 to vector<16xf32>
        %mul3A_276 = arith.mulf %add3A_270, %mul3A_275 : vector<16xf32>
        %select_n3A_277 = arith.select %ge3A_273, %add3A_270, %mul3A_276 : vector<16xi1>, vector<16xf32>
        %exp3A_278 = math.exp %select_n3A_277 : vector<16xf32>
        %swap3A_279 = arith.constant 64 : index
        %swap3A_280 = tpu.vector_load %arg28[%swap3A_279] {strides = array<i32>} : memref<80xf32, #tpu.memory_space<vmem>>, vector<16xf32>,
        tpu.vector_store %arg28[%swap3A_279], %exp3A_278 {strides = array<i32>} : memref<80xf32, #tpu.memory_space<vmem>>, vector<16xf32>,
        %parallel_loop3A = arith.constant 0 : i32
        %parallel_loop3A_281 = arith.constant 80 : i32
        %parallel_loop3A_282 = arith.constant 1 : i32
        scf.for %parallel_loop3A_296 = %parallel_loop3A to %parallel_loop3A_281 step %parallel_loop3A_282  : i32 {
          %parallel_loop3A_297 = vector.broadcast %parallel_loop3A_296 : i32 to vector<16xi32>
          %parallel_loop3A_298 = tpu.vector_load_idx %arg28[%parallel_loop3A_297] : memref<80xf32, #tpu.memory_space<vmem>>[vector<16xi32>], vector<16xf32>,
          %parallel_loop3A_299 = arith.index_cast %parallel_loop3A_296 : i32 to index
          %parallel_loop3A_300 = arith.constant 0 : index
          %parallel_loop3A_301 = tpu.vector_load %arg27[%parallel_loop3A_299, %parallel_loop3A_300] {strides = array<i32>} : memref<80x64xf32, #tpu.memory_space<vmem>>, vector<16xf32>,
          %parallel_loop3A_302 = arith.mulf %parallel_loop3A_301, %parallel_loop3A_298 : vector<16xf32>
          %parallel_loop3A_303 = arith.index_cast %parallel_loop3A_296 : i32 to index
          %parallel_loop3A_304 = arith.constant 0 : index
          %parallel_loop3A_305 = tpu.vector_load %arg27[%parallel_loop3A_303, %parallel_loop3A_304] {strides = array<i32>} : memref<80x64xf32, #tpu.memory_space<vmem>>, vector<16xf32>,
          tpu.vector_store %arg27[%parallel_loop3A_303, %parallel_loop3A_304], %parallel_loop3A_302 {strides = array<i32>} : memref<80x64xf32, #tpu.memory_space<vmem>>, vector<16xf32>,
          %parallel_loop3A_306 = arith.index_cast %parallel_loop3A_296 : i32 to index
          %parallel_loop3A_307 = arith.constant 16 : index
          %parallel_loop3A_308 = tpu.vector_load %arg27[%parallel_loop3A_306, %parallel_loop3A_307] {strides = array<i32>} : memref<80x64xf32, #tpu.memory_space<vmem>>, vector<16xf32>,
          %parallel_loop3A_309 = arith.mulf %parallel_loop3A_308, %parallel_loop3A_298 : vector<16xf32>
          %parallel_loop3A_310 = arith.index_cast %parallel_loop3A_296 : i32 to index
          %parallel_loop3A_311 = arith.constant 16 : index
          %parallel_loop3A_312 = tpu.vector_load %arg27[%parallel_loop3A_310, %parallel_loop3A_311] {strides = array<i32>} : memref<80x64xf32, #tpu.memory_space<vmem>>, vector<16xf32>,
          tpu.vector_store %arg27[%parallel_loop3A_310, %parallel_loop3A_311], %parallel_loop3A_309 {strides = array<i32>} : memref<80x64xf32, #tpu.memory_space<vmem>>, vector<16xf32>,
          %parallel_loop3A_313 = arith.index_cast %parallel_loop3A_296 : i32 to index
          %parallel_loop3A_314 = arith.constant 32 : index
          %parallel_loop3A_315 = tpu.vector_load %arg27[%parallel_loop3A_313, %parallel_loop3A_314] {strides = array<i32>} : memref<80x64xf32, #tpu.memory_space<vmem>>, vector<16xf32>,
          %parallel_loop3A_316 = arith.mulf %parallel_loop3A_315, %parallel_loop3A_298 : vector<16xf32>
          %parallel_loop3A_317 = arith.index_cast %parallel_loop3A_296 : i32 to index
          %parallel_loop3A_318 = arith.constant 32 : index
          %parallel_loop3A_319 = tpu.vector_load %arg27[%parallel_loop3A_317, %parallel_loop3A_318] {strides = array<i32>} : memref<80x64xf32, #tpu.memory_space<vmem>>, vector<16xf32>,
          tpu.vector_store %arg27[%parallel_loop3A_317, %parallel_loop3A_318], %parallel_loop3A_316 {strides = array<i32>} : memref<80x64xf32, #tpu.memory_space<vmem>>, vector<16xf32>,
          %parallel_loop3A_320 = arith.index_cast %parallel_loop3A_296 : i32 to index
          %parallel_loop3A_321 = arith.constant 48 : index
          %parallel_loop3A_322 = tpu.vector_load %arg27[%parallel_loop3A_320, %parallel_loop3A_321] {strides = array<i32>} : memref<80x64xf32, #tpu.memory_space<vmem>>, vector<16xf32>,
          %parallel_loop3A_323 = arith.mulf %parallel_loop3A_322, %parallel_loop3A_298 : vector<16xf32>
          %parallel_loop3A_324 = arith.index_cast %parallel_loop3A_296 : i32 to index
          %parallel_loop3A_325 = arith.constant 48 : index
          %parallel_loop3A_326 = tpu.vector_load %arg27[%parallel_loop3A_324, %parallel_loop3A_325] {strides = array<i32>} : memref<80x64xf32, #tpu.memory_space<vmem>>, vector<16xf32>,
          tpu.vector_store %arg27[%parallel_loop3A_324, %parallel_loop3A_325], %parallel_loop3A_323 {strides = array<i32>} : memref<80x64xf32, #tpu.memory_space<vmem>>, vector<16xf32>,
          %parallel_loop3A_327 = arith.index_cast %parallel_loop3A_296 : i32 to index
          %parallel_loop3A_328 = arith.constant 0 : index
          %parallel_loop3A_329 = tpu.vector_load %arg30[%parallel_loop3A_327, %parallel_loop3A_328] {strides = array<i32>} : memref<80x16xf32, #tpu.memory_space<vmem>>, vector<16xf32>,
          tpu.vector_store %arg30[%parallel_loop3A_327, %parallel_loop3A_328], %parallel_loop3A_298 {strides = array<i32>} : memref<80x16xf32, #tpu.memory_space<vmem>>, vector<16xf32>,
        } {sc.loop_unroll_factor = 4 : i64, sc.parallel_access}
        %dma_start3A_283 = arith.constant 0 : i32
        %dma_start3A_284 = arith.constant 0 : i32
        %dma_start3A_285 = tpu.memref_slice %arg33[%dma_start3A_283, %dma_start3A_284] : memref<10240x64xf32, #tpu.memory_space<vmem_shared>> -> memref<10240x64xf32, #tpu.memory_space<vmem_shared>>
        tpu.enqueue_indirect_dma source(%arg27 : memref<80x64xf32, #tpu.memory_space<vmem>>) target(%dma_start3A_285 : memref<10240x64xf32, #tpu.memory_space<vmem_shared>>) offsets(%arg26 : memref<80xi32, #tpu.memory_space<vmem>>) semaphore(%arg32 : memref<!tpu.dma_semaphore, #tpu.memory_space<semaphore_mem>>) {add = true}
        %dma_start3A_286 = arith.constant 0 : i32
        %dma_start3A_287 = arith.constant 0 : i32
        %dma_start3A_288 = tpu.memref_slice %arg34[%dma_start3A_286, %dma_start3A_287] : memref<10240x16xf32, #tpu.memory_space<vmem_shared>> -> memref<10240x16xf32, #tpu.memory_space<vmem_shared>>
        tpu.enqueue_indirect_dma source(%arg30 : memref<80x16xf32, #tpu.memory_space<vmem>>) target(%dma_start3A_288 : memref<10240x16xf32, #tpu.memory_space<vmem_shared>>) offsets(%arg26 : memref<80xi32, #tpu.memory_space<vmem>>) semaphore(%arg32 : memref<!tpu.dma_semaphore, #tpu.memory_space<semaphore_mem>>) {add = true}
        %add3A_289 = arith.constant 2 : i32
        %add3A_290 = arith.addi %scan3A_148, %add3A_289 : i32
        %lt3A_291 = arith.constant 125 : i32
        %lt3A_292 = arith.cmpi slt, %add3A_290, %lt3A_291 : i32
        %convert_element_type3A_293 = arith.extui %lt3A_292 : i1 to i32
        %cond3A_294 = arith.constant 0 : i32
        %cond3A_295 = arith.cmpi ne, %convert_element_type3A_293, %cond3A_294 : i32
        scf.if %cond3A_295 {
          %ge3A_296 = arith.constant 1 : i32
          %ge3A_297 = arith.cmpi sge, %scan3A_148, %ge3A_296 : i32
          %convert_element_type3A_298 = arith.extui %ge3A_297 : i1 to i32
          %cond3A_299 = arith.constant 0 : i32
          %cond3A_300 = arith.cmpi ne, %convert_element_type3A_298, %cond3A_299 : i32
          scf.if %cond3A_300 {
            %dma_wait3A_327 = arith.constant 0 : i32
            %dma_wait3A_328 = arith.constant 0 : i32
            %dma_wait3A_329 = tpu.memref_slice %arg33[%dma_wait3A_327, %dma_wait3A_328] : memref<10240x64xf32, #tpu.memory_space<vmem_shared>> -> memref<10240x64xf32, #tpu.memory_space<vmem_shared>>
            tpu.wait_indirect_dma semaphore(%arg24 : memref<!tpu.dma_semaphore, #tpu.memory_space<semaphore_mem>>) src(%arg19 : memref<80x64xf32, #tpu.memory_space<vmem>>) dst(%dma_wait3A_329 : memref<10240x64xf32, #tpu.memory_space<vmem_shared>>)
            %dma_wait3A_330 = arith.constant 0 : i32
            %dma_wait3A_331 = arith.constant 0 : i32
            %dma_wait3A_332 = tpu.memref_slice %arg34[%dma_wait3A_330, %dma_wait3A_331] : memref<10240x16xf32, #tpu.memory_space<vmem_shared>> -> memref<10240x16xf32, #tpu.memory_space<vmem_shared>>
            tpu.wait_indirect_dma semaphore(%arg24 : memref<!tpu.dma_semaphore, #tpu.memory_space<semaphore_mem>>) src(%arg22 : memref<80x16xf32, #tpu.memory_space<vmem>>) dst(%dma_wait3A_332 : memref<10240x16xf32, #tpu.memory_space<vmem_shared>>)
          } else {
          }
          %add3A_301 = arith.constant 2 : i32
          %add3A_302 = arith.addi %scan3A_148, %add3A_301 : i32
          %mul3A_303 = arith.constant 10000 : i32
          %mul3A_304 = arith.muli %add3A, %mul3A_303 : i32
          %mul3A_305 = arith.constant 80 : i32
          %mul3A_306 = arith.muli %add3A_302, %mul3A_305 : i32
          %add3A_307 = arith.addi %mul3A_304, %mul3A_306 : i32
          %dma_start3A_308 = tpu.memref_slice %arg2[%add3A_307] : memref<320000xi32, #tpu.memory_space<hbm>> -> memref<80xi32, #tpu.memory_space<hbm>>
          %dma_start3A_309 = tpu.memref_slice %arg2[%add3A_307] : memref<320000xi32, #tpu.memory_space<hbm>> -> memref<80xi32, #tpu.memory_space<hbm>>
          tpu.enqueue_dma source(%dma_start3A_309 : memref<80xi32, #tpu.memory_space<hbm>>) target(%arg17 : memref<80xi32, #tpu.memory_space<vmem>>) target_semaphore(%arg23 : memref<!tpu.dma_semaphore, #tpu.memory_space<semaphore_mem>>)
          %dma_start3A_310 = tpu.memref_slice %arg3[%add3A_307] : memref<320000xi32, #tpu.memory_space<hbm>> -> memref<80xi32, #tpu.memory_space<hbm>>
          %dma_start3A_311 = tpu.memref_slice %arg3[%add3A_307] : memref<320000xi32, #tpu.memory_space<hbm>> -> memref<80xi32, #tpu.memory_space<hbm>>
          tpu.enqueue_dma source(%dma_start3A_311 : memref<80xi32, #tpu.memory_space<hbm>>) target(%arg18 : memref<80xi32, #tpu.memory_space<vmem>>) target_semaphore(%arg23 : memref<!tpu.dma_semaphore, #tpu.memory_space<semaphore_mem>>)
          %dma_wait3A_312 = arith.constant 0 : i32
          %dma_wait3A_313 = tpu.memref_slice %arg2[%dma_wait3A_312] : memref<320000xi32, #tpu.memory_space<hbm>> -> memref<80xi32, #tpu.memory_space<hbm>>
          %dma_wait3A_314 = arith.constant 0 : i32
          %dma_wait3A_315 = tpu.memref_slice %arg2[%dma_wait3A_314] : memref<320000xi32, #tpu.memory_space<hbm>> -> memref<80xi32, #tpu.memory_space<hbm>>
          tpu.wait_dma2 semaphore(%arg23 : memref<!tpu.dma_semaphore, #tpu.memory_space<semaphore_mem>>) src(%dma_wait3A_315 : memref<80xi32, #tpu.memory_space<hbm>>) dst(%arg17 : memref<80xi32, #tpu.memory_space<vmem>>)
          %dma_wait3A_316 = arith.constant 0 : i32
          %dma_wait3A_317 = tpu.memref_slice %arg3[%dma_wait3A_316] : memref<320000xi32, #tpu.memory_space<hbm>> -> memref<80xi32, #tpu.memory_space<hbm>>
          %dma_wait3A_318 = arith.constant 0 : i32
          %dma_wait3A_319 = tpu.memref_slice %arg3[%dma_wait3A_318] : memref<320000xi32, #tpu.memory_space<hbm>> -> memref<80xi32, #tpu.memory_space<hbm>>
          tpu.wait_dma2 semaphore(%arg23 : memref<!tpu.dma_semaphore, #tpu.memory_space<semaphore_mem>>) src(%dma_wait3A_319 : memref<80xi32, #tpu.memory_space<hbm>>) dst(%arg18 : memref<80xi32, #tpu.memory_space<vmem>>)
          %dma_start3A_320 = arith.constant 0 : i32
          %dma_start3A_321 = arith.constant 0 : i32
          %dma_start3A_322 = tpu.memref_slice %arg4[%dma_start3A_320, %dma_start3A_321] : memref<10000x64xf32, #tpu.memory_space<hbm>> -> memref<10000x64xf32, #tpu.memory_space<hbm>>
          tpu.enqueue_indirect_dma source(%dma_start3A_322 : memref<10000x64xf32, #tpu.memory_space<hbm>>) target(%arg19 : memref<80x64xf32, #tpu.memory_space<vmem>>) offsets(%arg17 : memref<80xi32, #tpu.memory_space<vmem>>) semaphore(%arg23 : memref<!tpu.dma_semaphore, #tpu.memory_space<semaphore_mem>>)
          %dma_start3A_323 = arith.constant 0 : i32
          %dma_start3A_324 = tpu.memref_slice %arg5[%dma_start3A_323] : memref<10000xf32, #tpu.memory_space<hbm>> -> memref<10000xf32, #tpu.memory_space<hbm>>
          tpu.enqueue_indirect_dma source(%dma_start3A_324 : memref<10000xf32, #tpu.memory_space<hbm>>) target(%arg20 : memref<80xf32, #tpu.memory_space<vmem>>) offsets(%arg17 : memref<80xi32, #tpu.memory_space<vmem>>) semaphore(%arg23 : memref<!tpu.dma_semaphore, #tpu.memory_space<semaphore_mem>>)
          %dma_start3A_325 = arith.constant 0 : i32
          %dma_start3A_326 = tpu.memref_slice %arg6[%dma_start3A_325] : memref<10000xf32, #tpu.memory_space<hbm>> -> memref<10000xf32, #tpu.memory_space<hbm>>
          tpu.enqueue_indirect_dma source(%dma_start3A_326 : memref<10000xf32, #tpu.memory_space<hbm>>) target(%arg21 : memref<80xf32, #tpu.memory_space<vmem>>) offsets(%arg18 : memref<80xi32, #tpu.memory_space<vmem>>) semaphore(%arg23 : memref<!tpu.dma_semaphore, #tpu.memory_space<semaphore_mem>>)
        } else {
        }
      } else {
      }
    }
    %scan3A_120 = arith.constant 125 : i32
    %dma_wait3A_121 = arith.constant 0 : i32
    %dma_wait3A_122 = arith.constant 0 : i32
    %dma_wait3A_123 = tpu.memref_slice %arg33[%dma_wait3A_121, %dma_wait3A_122] : memref<10240x64xf32, #tpu.memory_space<vmem_shared>> -> memref<10240x64xf32, #tpu.memory_space<vmem_shared>>
    tpu.wait_indirect_dma semaphore(%arg16 : memref<!tpu.dma_semaphore, #tpu.memory_space<semaphore_mem>>) src(%arg11 : memref<80x64xf32, #tpu.memory_space<vmem>>) dst(%dma_wait3A_123 : memref<10240x64xf32, #tpu.memory_space<vmem_shared>>)
    %dma_wait3A_124 = arith.constant 0 : i32
    %dma_wait3A_125 = arith.constant 0 : i32
    %dma_wait3A_126 = tpu.memref_slice %arg34[%dma_wait3A_124, %dma_wait3A_125] : memref<10240x16xf32, #tpu.memory_space<vmem_shared>> -> memref<10240x16xf32, #tpu.memory_space<vmem_shared>>
    tpu.wait_indirect_dma semaphore(%arg16 : memref<!tpu.dma_semaphore, #tpu.memory_space<semaphore_mem>>) src(%arg14 : memref<80x16xf32, #tpu.memory_space<vmem>>) dst(%dma_wait3A_126 : memref<10240x16xf32, #tpu.memory_space<vmem_shared>>)
    %dma_wait3A_127 = arith.constant 0 : i32
    %dma_wait3A_128 = arith.constant 0 : i32
    %dma_wait3A_129 = tpu.memref_slice %arg33[%dma_wait3A_127, %dma_wait3A_128] : memref<10240x64xf32, #tpu.memory_space<vmem_shared>> -> memref<10240x64xf32, #tpu.memory_space<vmem_shared>>
    tpu.wait_indirect_dma semaphore(%arg24 : memref<!tpu.dma_semaphore, #tpu.memory_space<semaphore_mem>>) src(%arg19 : memref<80x64xf32, #tpu.memory_space<vmem>>) dst(%dma_wait3A_129 : memref<10240x64xf32, #tpu.memory_space<vmem_shared>>)
    %dma_wait3A_130 = arith.constant 0 : i32
    %dma_wait3A_131 = arith.constant 0 : i32
    %dma_wait3A_132 = tpu.memref_slice %arg34[%dma_wait3A_130, %dma_wait3A_131] : memref<10240x16xf32, #tpu.memory_space<vmem_shared>> -> memref<10240x16xf32, #tpu.memory_space<vmem_shared>>
    tpu.wait_indirect_dma semaphore(%arg24 : memref<!tpu.dma_semaphore, #tpu.memory_space<semaphore_mem>>) src(%arg22 : memref<80x16xf32, #tpu.memory_space<vmem>>) dst(%dma_wait3A_132 : memref<10240x16xf32, #tpu.memory_space<vmem_shared>>)
    %dma_wait3A_133 = arith.constant 0 : i32
    %dma_wait3A_134 = arith.constant 0 : i32
    %dma_wait3A_135 = tpu.memref_slice %arg33[%dma_wait3A_133, %dma_wait3A_134] : memref<10240x64xf32, #tpu.memory_space<vmem_shared>> -> memref<10240x64xf32, #tpu.memory_space<vmem_shared>>
    tpu.wait_indirect_dma semaphore(%arg32 : memref<!tpu.dma_semaphore, #tpu.memory_space<semaphore_mem>>) src(%arg27 : memref<80x64xf32, #tpu.memory_space<vmem>>) dst(%dma_wait3A_135 : memref<10240x64xf32, #tpu.memory_space<vmem_shared>>)
    %dma_wait3A_136 = arith.constant 0 : i32
    %dma_wait3A_137 = arith.constant 0 : i32
    %dma_wait3A_138 = tpu.memref_slice %arg34[%dma_wait3A_136, %dma_wait3A_137] : memref<10240x16xf32, #tpu.memory_space<vmem_shared>> -> memref<10240x16xf32, #tpu.memory_space<vmem_shared>>
    tpu.wait_indirect_dma semaphore(%arg32 : memref<!tpu.dma_semaphore, #tpu.memory_space<semaphore_mem>>) src(%arg30 : memref<80x16xf32, #tpu.memory_space<vmem>>) dst(%dma_wait3A_138 : memref<10240x16xf32, #tpu.memory_space<vmem_shared>>)
    %barrier3A_139 = arith.constant 0 : index
    tpu.barrier barrier_id(%barrier3A_139)
    %mul3A_140 = arith.constant 640 : i32
    %mul3A_141 = arith.muli %arg1, %mul3A_140 : i32
    %mul3A_142 = arith.constant 640 : i32
    %mul3A_143 = arith.muli %arg1, %mul3A_142 : i32
    "tpu.region"() ({
      %run_scoped3A = tpu.sem_alloc : memref<!tpu.dma_semaphore, #tpu.memory_space<semaphore_mem>>
      %dma_start3A_148 = arith.constant 0 : i32
      %dma_start3A_149 = tpu.memref_slice %arg7[%arg0, %mul3A_143, %dma_start3A_148] : memref<2x10240x64xf32, #tpu.memory_space<hbm>> -> memref<1x640x64xf32, #tpu.memory_space<hbm>>
      %dma_start3A_150 = tpu.memref_squeeze %dma_start3A_149 : memref<1x640x64xf32, #tpu.memory_space<hbm>> -> memref<640x64xf32, #tpu.memory_space<hbm>>
      %dma_start3A_151 = arith.constant 0 : i32
      %dma_start3A_152 = tpu.memref_slice %arg33[%mul3A_141, %dma_start3A_151] : memref<10240x64xf32, #tpu.memory_space<vmem_shared>> -> memref<640x64xf32, #tpu.memory_space<vmem_shared>>
      tpu.enqueue_dma source(%dma_start3A_152 : memref<640x64xf32, #tpu.memory_space<vmem_shared>>) target(%dma_start3A_150 : memref<640x64xf32, #tpu.memory_space<hbm>>) target_semaphore(%run_scoped3A : memref<!tpu.dma_semaphore, #tpu.memory_space<semaphore_mem>>)
      %dma_wait3A_153 = arith.constant 0 : i32
      %dma_wait3A_154 = tpu.memref_slice %arg7[%arg0, %mul3A_143, %dma_wait3A_153] : memref<2x10240x64xf32, #tpu.memory_space<hbm>> -> memref<1x640x64xf32, #tpu.memory_space<hbm>>
      %dma_wait3A_155 = tpu.memref_squeeze %dma_wait3A_154 : memref<1x640x64xf32, #tpu.memory_space<hbm>> -> memref<640x64xf32, #tpu.memory_space<hbm>>
      %dma_wait3A_156 = arith.constant 0 : i32
      %dma_wait3A_157 = tpu.memref_slice %arg33[%mul3A_141, %dma_wait3A_156] : memref<10240x64xf32, #tpu.memory_space<vmem_shared>> -> memref<640x64xf32, #tpu.memory_space<vmem_shared>>
      tpu.wait_dma2 semaphore(%run_scoped3A : memref<!tpu.dma_semaphore, #tpu.memory_space<semaphore_mem>>) src(%dma_wait3A_157 : memref<640x64xf32, #tpu.memory_space<vmem_shared>>) dst(%dma_wait3A_155 : memref<640x64xf32, #tpu.memory_space<hbm>>)
      tpu.yield
    }) : () -> ()
    %mul3A_144 = arith.constant 640 : i32
    %mul3A_145 = arith.muli %arg1, %mul3A_144 : i32
    %mul3A_146 = arith.constant 640 : i32
    %mul3A_147 = arith.muli %arg1, %mul3A_146 : i32
    "tpu.region"() ({
      %run_scoped3A = tpu.sem_alloc : memref<!tpu.dma_semaphore, #tpu.memory_space<semaphore_mem>>
      %dma_start3A_148 = arith.constant 0 : i32
      %dma_start3A_149 = tpu.memref_slice %arg8[%arg0, %mul3A_147, %dma_start3A_148] : memref<2x10240x16xf32, #tpu.memory_space<hbm>> -> memref<1x640x16xf32, #tpu.memory_space<hbm>>
      %dma_start3A_150 = tpu.memref_squeeze %dma_start3A_149 : memref<1x640x16xf32, #tpu.memory_space<hbm>> -> memref<640x16xf32, #tpu.memory_space<hbm>>
      %dma_start3A_151 = arith.constant 0 : i32
      %dma_start3A_152 = tpu.memref_slice %arg34[%mul3A_145, %dma_start3A_151] : memref<10240x16xf32, #tpu.memory_space<vmem_shared>> -> memref<640x16xf32, #tpu.memory_space<vmem_shared>>
      tpu.enqueue_dma source(%dma_start3A_152 : memref<640x16xf32, #tpu.memory_space<vmem_shared>>) target(%dma_start3A_150 : memref<640x16xf32, #tpu.memory_space<hbm>>) target_semaphore(%run_scoped3A : memref<!tpu.dma_semaphore, #tpu.memory_space<semaphore_mem>>)
      %dma_wait3A_153 = arith.constant 0 : i32
      %dma_wait3A_154 = tpu.memref_slice %arg8[%arg0, %mul3A_147, %dma_wait3A_153] : memref<2x10240x16xf32, #tpu.memory_space<hbm>> -> memref<1x640x16xf32, #tpu.memory_space<hbm>>
      %dma_wait3A_155 = tpu.memref_squeeze %dma_wait3A_154 : memref<1x640x16xf32, #tpu.memory_space<hbm>> -> memref<640x16xf32, #tpu.memory_space<hbm>>
      %dma_wait3A_156 = arith.constant 0 : i32
      %dma_wait3A_157 = tpu.memref_slice %arg34[%mul3A_145, %dma_wait3A_156] : memref<10240x16xf32, #tpu.memory_space<vmem_shared>> -> memref<640x16xf32, #tpu.memory_space<vmem_shared>>
      tpu.wait_dma2 semaphore(%run_scoped3A : memref<!tpu.dma_semaphore, #tpu.memory_space<semaphore_mem>>) src(%dma_wait3A_157 : memref<640x16xf32, #tpu.memory_space<vmem_shared>>) dst(%dma_wait3A_155 : memref<640x16xf32, #tpu.memory_space<hbm>>)
      tpu.yield
    }) : () -> ()
    return
  }
}

module attributes {stable_mosaic.version = 14 : i64} {
  func.func @body(%arg0: memref<10000x128xf32, #tpu.memory_space<vmem>>, %arg1: memref<128x128xf32, #tpu.memory_space<vmem>>, %arg2: memref<1x128xf32, #tpu.memory_space<vmem>>, %arg3: memref<1x128xf32, #tpu.memory_space<vmem>>, %arg4: memref<10000x128xf32, #tpu.memory_space<vmem>>, %arg5: memref<10000xf32, #tpu.memory_space<vmem>>, %arg6: memref<10000xf32, #tpu.memory_space<vmem>>) attributes {dimension_semantics = [], scalar_prefetch = 0 : i64, scratch_operands = 0 : i64, tpu.core_type = #tpu.core_type<tc>} {
    %get3A = arith.constant 0 : index
    %get3A_0 = arith.constant 0 : index
    %get3A_1 = vector.load %arg0[%get3A, %get3A_0] : memref<10000x128xf32, #tpu.memory_space<vmem>>, vector<10000x128xf32>
    %get3A_2 = arith.constant 0 : index
    %get3A_3 = arith.constant 0 : index
    %get3A_4 = vector.load %arg1[%get3A_2, %get3A_3] : memref<128x128xf32, #tpu.memory_space<vmem>>, vector<128x128xf32>
    %dot_general3A = arith.constant dense<0.000000e+00> : vector<10000x128xf32>
    %dot_general3A_5 = tpu.matmul %get3A_1, %get3A_4, %dot_general3A {dimension_numbers = #tpu.dot_dimension_numbers<[1], [0], [0], [1], [0, 0, 1, 1], [], []>, transpose_lhs_hint = false} : vector<10000x128xf32>, vector<128x128xf32>, vector<10000x128xf32> -> vector<10000x128xf32>
    %swap3A = arith.constant 0 : index
    %swap3A_6 = arith.constant 0 : index
    %swap3A_7 = vector.load %arg4[%swap3A, %swap3A_6] : memref<10000x128xf32, #tpu.memory_space<vmem>>, vector<10000x128xf32>
    tpu.vector_store %arg4[%swap3A, %swap3A_6], %dot_general3A_5 {strides = array<i32>} : memref<10000x128xf32, #tpu.memory_space<vmem>>, vector<10000x128xf32>,
    %get3A_8 = arith.constant 0 : index
    %get3A_9 = arith.constant 0 : index
    %get3A_10 = vector.load %arg2[%get3A_8, %get3A_9] : memref<1x128xf32, #tpu.memory_space<vmem>>, vector<1x128xf32>
    %mul3A = vector.broadcast %get3A_10 : vector<1x128xf32> to vector<10000x128xf32>
    %mul3A_11 = arith.mulf %dot_general3A_5, %mul3A : vector<10000x128xf32>
    %reduce_sum3A = arith.constant dense<0.000000e+00> : vector<10000xf32>
    %reduce_sum3A_12 = vector.multi_reduction <add>, %mul3A_11, %reduce_sum3A [1] : vector<10000x128xf32> to vector<10000xf32>
    %swap3A_13 = arith.constant 0 : index
    %swap3A_14 = vector.load %arg5[%swap3A_13] : memref<10000xf32, #tpu.memory_space<vmem>>, vector<10000xf32>
    tpu.vector_store %arg5[%swap3A_13], %reduce_sum3A_12 {strides = array<i32>} : memref<10000xf32, #tpu.memory_space<vmem>>, vector<10000xf32>,
    %get3A_15 = arith.constant 0 : index
    %get3A_16 = arith.constant 0 : index
    %get3A_17 = vector.load %arg3[%get3A_15, %get3A_16] : memref<1x128xf32, #tpu.memory_space<vmem>>, vector<1x128xf32>
    %mul3A_18 = vector.broadcast %get3A_17 : vector<1x128xf32> to vector<10000x128xf32>
    %mul3A_19 = arith.mulf %dot_general3A_5, %mul3A_18 : vector<10000x128xf32>
    %reduce_sum3A_20 = arith.constant dense<0.000000e+00> : vector<10000xf32>
    %reduce_sum3A_21 = vector.multi_reduction <add>, %mul3A_19, %reduce_sum3A_20 [1] : vector<10000x128xf32> to vector<10000xf32>
    %swap3A_22 = arith.constant 0 : index
    %swap3A_23 = vector.load %arg6[%swap3A_22] : memref<10000xf32, #tpu.memory_space<vmem>>, vector<10000xf32>
    tpu.vector_store %arg6[%swap3A_22], %reduce_sum3A_21 {strides = array<i32>} : memref<10000xf32, #tpu.memory_space<vmem>>, vector<10000xf32>,
    return
  }
}

module attributes {stable_mosaic.version = 14 : i64} {
  func.func @body(%arg0: memref<2x10240x128xf32, #tpu.memory_space<vmem>>, %arg1: memref<2x10240x16xf32, #tpu.memory_space<vmem>>, %arg2: memref<1x128xf32, #tpu.memory_space<vmem>>, %arg3: memref<1x128xf32, #tpu.memory_space<vmem>>, %arg4: memref<1x128xf32, #tpu.memory_space<vmem>>, %arg5: memref<128x64xf32, #tpu.memory_space<vmem>>, %arg6: memref<1x64xf32, #tpu.memory_space<vmem>>, %arg7: memref<1x64xf32, #tpu.memory_space<vmem>>, %arg8: memref<10000x64xf32, #tpu.memory_space<vmem>>, %arg9: memref<10000xf32, #tpu.memory_space<vmem>>, %arg10: memref<10000xf32, #tpu.memory_space<vmem>>) attributes {dimension_semantics = [], scalar_prefetch = 0 : i64, scratch_operands = 0 : i64, tpu.core_type = #tpu.core_type<tc>} {
    %get3A = arith.constant 0 : index
    %get3A_0 = arith.constant 0 : index
    %get3A_1 = arith.constant 0 : index
    %get3A_2 = vector.load %arg0[%get3A, %get3A_0, %get3A_1] : memref<2x10240x128xf32, #tpu.memory_space<vmem>>, vector<1x10000x128xf32>
    %get3A_3 = vector.shape_cast %get3A_2 : vector<1x10000x128xf32> to vector<10000x128xf32>
    %get3A_4 = arith.constant 1 : index
    %get3A_5 = arith.constant 0 : index
    %get3A_6 = arith.constant 0 : index
    %get3A_7 = vector.load %arg0[%get3A_4, %get3A_5, %get3A_6] : memref<2x10240x128xf32, #tpu.memory_space<vmem>>, vector<1x10000x128xf32>
    %get3A_8 = vector.shape_cast %get3A_7 : vector<1x10000x128xf32> to vector<10000x128xf32>
    %add3A = arith.addf %get3A_3, %get3A_8 : vector<10000x128xf32>
    %get3A_9 = arith.constant 0 : index
    %get3A_10 = arith.constant 0 : index
    %get3A_11 = arith.constant 0 : index
    %get3A_12 = vector.load %arg1[%get3A_9, %get3A_10, %get3A_11] : memref<2x10240x16xf32, #tpu.memory_space<vmem>>, vector<1x10000x1xf32>
    %get3A_13 = vector.shape_cast %get3A_12 : vector<1x10000x1xf32> to vector<10000x1xf32>
    %get3A_14 = arith.constant 1 : index
    %get3A_15 = arith.constant 0 : index
    %get3A_16 = arith.constant 0 : index
    %get3A_17 = vector.load %arg1[%get3A_14, %get3A_15, %get3A_16] : memref<2x10240x16xf32, #tpu.memory_space<vmem>>, vector<1x10000x1xf32>
    %get3A_18 = vector.shape_cast %get3A_17 : vector<1x10000x1xf32> to vector<10000x1xf32>
    %add3A_19 = arith.addf %get3A_13, %get3A_18 : vector<10000x1xf32>
    %eq3A = arith.constant 0.000000e+00 : f32
    %eq3A_20 = vector.broadcast %eq3A : f32 to vector<10000x1xf32>
    %eq3A_21 = arith.cmpf oeq, %add3A_19, %eq3A_20 : vector<10000x1xf32>
    %jit3A = arith.constant 1.000000e+00 : f32
    %broadcast_in_dim3A = vector.broadcast %jit3A : f32 to vector<10000x1xf32>
    %select_n3A = arith.select %eq3A_21, %broadcast_in_dim3A, %add3A_19 : vector<10000x1xi1>, vector<10000x1xf32>
    %div3A = vector.broadcast %select_n3A : vector<10000x1xf32> to vector<10000x128xf32>
    %div3A_22 = arith.divf %add3A, %div3A : vector<10000x128xf32>
    %get3A_23 = arith.constant 0 : index
    %get3A_24 = arith.constant 0 : index
    %get3A_25 = vector.load %arg2[%get3A_23, %get3A_24] : memref<1x128xf32, #tpu.memory_space<vmem>>, vector<1x128xf32>
    %add3A_26 = vector.broadcast %get3A_25 : vector<1x128xf32> to vector<10000x128xf32>
    %add3A_27 = arith.addf %div3A_22, %add3A_26 : vector<10000x128xf32>
    %gt3A = arith.constant 0.000000e+00 : f32
    %gt3A_28 = vector.broadcast %gt3A : f32 to vector<10000x128xf32>
    %gt3A_29 = arith.cmpf ogt, %add3A_27, %gt3A_28 : vector<10000x128xf32>
    %min3A = arith.constant 0.000000e+00 : f32
    %min3A_30 = vector.broadcast %min3A : f32 to vector<10000x128xf32>
    %min3A_31 = arith.minimumf %add3A_27, %min3A_30 : vector<10000x128xf32>
    %exp3A = math.exp %min3A_31 : vector<10000x128xf32>
    %sub3A = arith.constant 1.000000e+00 : f32
    %sub3A_32 = vector.broadcast %sub3A : f32 to vector<10000x128xf32>
    %sub3A_33 = arith.subf %exp3A, %sub3A_32 : vector<10000x128xf32>
    %select_n3A_34 = arith.select %gt3A_29, %add3A_27, %sub3A_33 : vector<10000x128xi1>, vector<10000x128xf32>
    %get3A_35 = arith.constant 0 : index
    %get3A_36 = arith.constant 0 : index
    %get3A_37 = vector.load %arg3[%get3A_35, %get3A_36] : memref<1x128xf32, #tpu.memory_space<vmem>>, vector<1x128xf32>
    %get3A_38 = arith.constant 0 : index
    %get3A_39 = arith.constant 0 : index
    %get3A_40 = vector.load %arg4[%get3A_38, %get3A_39] : memref<1x128xf32, #tpu.memory_space<vmem>>, vector<1x128xf32>
    %reduce_sum3A = arith.constant dense<0.000000e+00> : vector<128xf32>
    %reduce_sum3A_41 = vector.multi_reduction <add>, %select_n3A_34, %reduce_sum3A [0] : vector<10000x128xf32> to vector<128xf32>
    %div3A_42 = arith.constant 1.000000e+04 : f32
    %div3A_43 = vector.broadcast %div3A_42 : f32 to vector<128xf32>
    %div3A_44 = arith.divf %reduce_sum3A_41, %div3A_43 : vector<128xf32>
    %broadcast_in_dim3A_45 = vector.shape_cast %div3A_44 : vector<128xf32> to vector<1x128xf32>
    %sub3A_46 = vector.broadcast %broadcast_in_dim3A_45 : vector<1x128xf32> to vector<10000x128xf32>
    %sub3A_47 = arith.subf %select_n3A_34, %sub3A_46 : vector<10000x128xf32>
    %integer_pow3A = arith.mulf %sub3A_47, %sub3A_47 : vector<10000x128xf32>
    %reduce_sum3A_48 = arith.constant dense<0.000000e+00> : vector<128xf32>
    %reduce_sum3A_49 = vector.multi_reduction <add>, %integer_pow3A, %reduce_sum3A_48 [0] : vector<10000x128xf32> to vector<128xf32>
    %div3A_50 = arith.constant 1.000000e+04 : f32
    %div3A_51 = vector.broadcast %div3A_50 : f32 to vector<128xf32>
    %div3A_52 = arith.divf %reduce_sum3A_49, %div3A_51 : vector<128xf32>
    %broadcast_in_dim3A_53 = vector.shape_cast %div3A_44 : vector<128xf32> to vector<1x128xf32>
    %sub3A_54 = vector.broadcast %broadcast_in_dim3A_53 : vector<1x128xf32> to vector<10000x128xf32>
    %sub3A_55 = arith.subf %select_n3A_34, %sub3A_54 : vector<10000x128xf32>
    %add3A_56 = arith.constant 9.99999974E-6 : f32
    %add3A_57 = vector.broadcast %add3A_56 : f32 to vector<128xf32>
    %add3A_58 = arith.addf %div3A_52, %add3A_57 : vector<128xf32>
    %sqrt3A = math.sqrt %add3A_58 : vector<128xf32>
    %broadcast_in_dim3A_59 = vector.shape_cast %sqrt3A : vector<128xf32> to vector<1x128xf32>
    %div3A_60 = vector.broadcast %broadcast_in_dim3A_59 : vector<1x128xf32> to vector<10000x128xf32>
    %div3A_61 = arith.divf %sub3A_55, %div3A_60 : vector<10000x128xf32>
    %mul3A = vector.broadcast %get3A_37 : vector<1x128xf32> to vector<10000x128xf32>
    %mul3A_62 = arith.mulf %div3A_61, %mul3A : vector<10000x128xf32>
    %add3A_63 = vector.broadcast %get3A_40 : vector<1x128xf32> to vector<10000x128xf32>
    %add3A_64 = arith.addf %mul3A_62, %add3A_63 : vector<10000x128xf32>
    %get3A_65 = arith.constant 0 : index
    %get3A_66 = arith.constant 0 : index
    %get3A_67 = vector.load %arg3[%get3A_65, %get3A_66] : memref<1x128xf32, #tpu.memory_space<vmem>>, vector<1x128xf32>
    %get3A_68 = arith.constant 0 : index
    %get3A_69 = arith.constant 0 : index
    %get3A_70 = vector.load %arg4[%get3A_68, %get3A_69] : memref<1x128xf32, #tpu.memory_space<vmem>>, vector<1x128xf32>
    %reduce_sum3A_71 = arith.constant dense<0.000000e+00> : vector<128xf32>
    %reduce_sum3A_72 = vector.multi_reduction <add>, %add3A_64, %reduce_sum3A_71 [0] : vector<10000x128xf32> to vector<128xf32>
    %div3A_73 = arith.constant 1.000000e+04 : f32
    %div3A_74 = vector.broadcast %div3A_73 : f32 to vector<128xf32>
    %div3A_75 = arith.divf %reduce_sum3A_72, %div3A_74 : vector<128xf32>
    %broadcast_in_dim3A_76 = vector.shape_cast %div3A_75 : vector<128xf32> to vector<1x128xf32>
    %sub3A_77 = vector.broadcast %broadcast_in_dim3A_76 : vector<1x128xf32> to vector<10000x128xf32>
    %sub3A_78 = arith.subf %add3A_64, %sub3A_77 : vector<10000x128xf32>
    %integer_pow3A_79 = arith.mulf %sub3A_78, %sub3A_78 : vector<10000x128xf32>
    %reduce_sum3A_80 = arith.constant dense<0.000000e+00> : vector<128xf32>
    %reduce_sum3A_81 = vector.multi_reduction <add>, %integer_pow3A_79, %reduce_sum3A_80 [0] : vector<10000x128xf32> to vector<128xf32>
    %div3A_82 = arith.constant 1.000000e+04 : f32
    %div3A_83 = vector.broadcast %div3A_82 : f32 to vector<128xf32>
    %div3A_84 = arith.divf %reduce_sum3A_81, %div3A_83 : vector<128xf32>
    %broadcast_in_dim3A_85 = vector.shape_cast %div3A_75 : vector<128xf32> to vector<1x128xf32>
    %sub3A_86 = vector.broadcast %broadcast_in_dim3A_85 : vector<1x128xf32> to vector<10000x128xf32>
    %sub3A_87 = arith.subf %add3A_64, %sub3A_86 : vector<10000x128xf32>
    %add3A_88 = arith.constant 9.99999974E-6 : f32
    %add3A_89 = vector.broadcast %add3A_88 : f32 to vector<128xf32>
    %add3A_90 = arith.addf %div3A_84, %add3A_89 : vector<128xf32>
    %sqrt3A_91 = math.sqrt %add3A_90 : vector<128xf32>
    %broadcast_in_dim3A_92 = vector.shape_cast %sqrt3A_91 : vector<128xf32> to vector<1x128xf32>
    %div3A_93 = vector.broadcast %broadcast_in_dim3A_92 : vector<1x128xf32> to vector<10000x128xf32>
    %div3A_94 = arith.divf %sub3A_87, %div3A_93 : vector<10000x128xf32>
    %mul3A_95 = vector.broadcast %get3A_67 : vector<1x128xf32> to vector<10000x128xf32>
    %mul3A_96 = arith.mulf %div3A_94, %mul3A_95 : vector<10000x128xf32>
    %add3A_97 = vector.broadcast %get3A_70 : vector<1x128xf32> to vector<10000x128xf32>
    %add3A_98 = arith.addf %mul3A_96, %add3A_97 : vector<10000x128xf32>
    %get3A_99 = arith.constant 0 : index
    %get3A_100 = arith.constant 0 : index
    %get3A_101 = vector.load %arg5[%get3A_99, %get3A_100] : memref<128x64xf32, #tpu.memory_space<vmem>>, vector<128x64xf32>
    %dot_general3A = arith.constant dense<0.000000e+00> : vector<10000x64xf32>
    %dot_general3A_102 = tpu.matmul %add3A_98, %get3A_101, %dot_general3A {dimension_numbers = #tpu.dot_dimension_numbers<[1], [0], [0], [1], [0, 0, 1, 1], [], []>, transpose_lhs_hint = false} : vector<10000x128xf32>, vector<128x64xf32>, vector<10000x64xf32> -> vector<10000x64xf32>
    %swap3A = arith.constant 0 : index
    %swap3A_103 = arith.constant 0 : index
    %swap3A_104 = vector.load %arg8[%swap3A, %swap3A_103] : memref<10000x64xf32, #tpu.memory_space<vmem>>, vector<10000x64xf32>
    tpu.vector_store %arg8[%swap3A, %swap3A_103], %dot_general3A_102 {strides = array<i32>} : memref<10000x64xf32, #tpu.memory_space<vmem>>, vector<10000x64xf32>,
    %get3A_105 = arith.constant 0 : index
    %get3A_106 = arith.constant 0 : index
    %get3A_107 = vector.load %arg6[%get3A_105, %get3A_106] : memref<1x64xf32, #tpu.memory_space<vmem>>, vector<1x64xf32>
    %mul3A_108 = vector.broadcast %get3A_107 : vector<1x64xf32> to vector<10000x64xf32>
    %mul3A_109 = arith.mulf %dot_general3A_102, %mul3A_108 : vector<10000x64xf32>
    %reduce_sum3A_110 = arith.constant dense<0.000000e+00> : vector<10000xf32>
    %reduce_sum3A_111 = vector.multi_reduction <add>, %mul3A_109, %reduce_sum3A_110 [1] : vector<10000x64xf32> to vector<10000xf32>
    %swap3A_112 = arith.constant 0 : index
    %swap3A_113 = vector.load %arg9[%swap3A_112] : memref<10000xf32, #tpu.memory_space<vmem>>, vector<10000xf32>
    tpu.vector_store %arg9[%swap3A_112], %reduce_sum3A_111 {strides = array<i32>} : memref<10000xf32, #tpu.memory_space<vmem>>, vector<10000xf32>,
    %get3A_114 = arith.constant 0 : index
    %get3A_115 = arith.constant 0 : index
    %get3A_116 = vector.load %arg7[%get3A_114, %get3A_115] : memref<1x64xf32, #tpu.memory_space<vmem>>, vector<1x64xf32>
    %mul3A_117 = vector.broadcast %get3A_116 : vector<1x64xf32> to vector<10000x64xf32>
    %mul3A_118 = arith.mulf %dot_general3A_102, %mul3A_117 : vector<10000x64xf32>
    %reduce_sum3A_119 = arith.constant dense<0.000000e+00> : vector<10000xf32>
    %reduce_sum3A_120 = vector.multi_reduction <add>, %mul3A_118, %reduce_sum3A_119 [1] : vector<10000x64xf32> to vector<10000xf32>
    %swap3A_121 = arith.constant 0 : index
    %swap3A_122 = vector.load %arg10[%swap3A_121] : memref<10000xf32, #tpu.memory_space<vmem>>, vector<10000xf32>
    tpu.vector_store %arg10[%swap3A_121], %reduce_sum3A_120 {strides = array<i32>} : memref<10000xf32, #tpu.memory_space<vmem>>, vector<10000xf32>,
    return
  }
}

module attributes {stable_mosaic.version = 14 : i64} {
  func.func @body(%arg0: memref<2x10240x64xf32, #tpu.memory_space<vmem>>, %arg1: memref<2x10240x16xf32, #tpu.memory_space<vmem>>, %arg2: memref<1x64xf32, #tpu.memory_space<vmem>>, %arg3: memref<10000x64xf32, #tpu.memory_space<vmem>>) attributes {dimension_semantics = [], scalar_prefetch = 0 : i64, scratch_operands = 0 : i64, tpu.core_type = #tpu.core_type<tc>} {
    %get3A = arith.constant 0 : index
    %get3A_0 = arith.constant 0 : index
    %get3A_1 = arith.constant 0 : index
    %get3A_2 = vector.load %arg0[%get3A, %get3A_0, %get3A_1] : memref<2x10240x64xf32, #tpu.memory_space<vmem>>, vector<1x10000x64xf32>
    %get3A_3 = vector.shape_cast %get3A_2 : vector<1x10000x64xf32> to vector<10000x64xf32>
    %get3A_4 = arith.constant 1 : index
    %get3A_5 = arith.constant 0 : index
    %get3A_6 = arith.constant 0 : index
    %get3A_7 = vector.load %arg0[%get3A_4, %get3A_5, %get3A_6] : memref<2x10240x64xf32, #tpu.memory_space<vmem>>, vector<1x10000x64xf32>
    %get3A_8 = vector.shape_cast %get3A_7 : vector<1x10000x64xf32> to vector<10000x64xf32>
    %add3A = arith.addf %get3A_3, %get3A_8 : vector<10000x64xf32>
    %get3A_9 = arith.constant 0 : index
    %get3A_10 = arith.constant 0 : index
    %get3A_11 = arith.constant 0 : index
    %get3A_12 = vector.load %arg1[%get3A_9, %get3A_10, %get3A_11] : memref<2x10240x16xf32, #tpu.memory_space<vmem>>, vector<1x10000x1xf32>
    %get3A_13 = vector.shape_cast %get3A_12 : vector<1x10000x1xf32> to vector<10000x1xf32>
    %get3A_14 = arith.constant 1 : index
    %get3A_15 = arith.constant 0 : index
    %get3A_16 = arith.constant 0 : index
    %get3A_17 = vector.load %arg1[%get3A_14, %get3A_15, %get3A_16] : memref<2x10240x16xf32, #tpu.memory_space<vmem>>, vector<1x10000x1xf32>
    %get3A_18 = vector.shape_cast %get3A_17 : vector<1x10000x1xf32> to vector<10000x1xf32>
    %add3A_19 = arith.addf %get3A_13, %get3A_18 : vector<10000x1xf32>
    %eq3A = arith.constant 0.000000e+00 : f32
    %eq3A_20 = vector.broadcast %eq3A : f32 to vector<10000x1xf32>
    %eq3A_21 = arith.cmpf oeq, %add3A_19, %eq3A_20 : vector<10000x1xf32>
    %jit3A = arith.constant 1.000000e+00 : f32
    %broadcast_in_dim3A = vector.broadcast %jit3A : f32 to vector<10000x1xf32>
    %select_n3A = arith.select %eq3A_21, %broadcast_in_dim3A, %add3A_19 : vector<10000x1xi1>, vector<10000x1xf32>
    %div3A = vector.broadcast %select_n3A : vector<10000x1xf32> to vector<10000x64xf32>
    %div3A_22 = arith.divf %add3A, %div3A : vector<10000x64xf32>
    %get3A_23 = arith.constant 0 : index
    %get3A_24 = arith.constant 0 : index
    %get3A_25 = vector.load %arg2[%get3A_23, %get3A_24] : memref<1x64xf32, #tpu.memory_space<vmem>>, vector<1x64xf32>
    %add3A_26 = vector.broadcast %get3A_25 : vector<1x64xf32> to vector<10000x64xf32>
    %add3A_27 = arith.addf %div3A_22, %add3A_26 : vector<10000x64xf32>
    %swap3A = arith.constant 0 : index
    %swap3A_28 = arith.constant 0 : index
    %swap3A_29 = vector.load %arg3[%swap3A, %swap3A_28] : memref<10000x64xf32, #tpu.memory_space<vmem>>, vector<10000x64xf32>
    tpu.vector_store %arg3[%swap3A, %swap3A_28], %add3A_27 {strides = array<i32>} : memref<10000x64xf32, #tpu.memory_space<vmem>>, vector<10000x64xf32>,
    return
  }
}

</mosaic_0001>

<sc_bundles>
// kernel: kernel.10.cloned.1.call-start
scs
__scs_entry_jumppad:
0x0: {  	(pc) =	sbr.rel $0x88, $3  }
0x1: {  	(tag) =	ssettag $0x0;
	lr =	simm.s32 $0x1  }
0x2: {  	[smem:$0x3F95] =	sst lr;
	_ =	strace $0xD0000000  }
0x3: {  	_ = 	snop  }
0x4: {  	_ = 	snop  }
0x5: {  	_ = 	snop  }
0x6: {  	_ = 	snop  }
0x7: {  	_ = 	snop  }
__scs_overlays_trampoline_lowered:
0x8: {  	[smem:$0x3FA4] =	sst s0  }
0x9: {  	[smem:$0x3FA5] =	sst s1  }
0xa: {  	[smem:$0x3FA6] =	sst s2  }
0xb: {  	[smem:$0x3FA7] =	sst s3  }
0xc: {  	[smem:$0x3FA8] =	sst s4  }
0xd: {  	[smem:$0x3FA9] =	sst s5  }
0xe: {  	[smem:$0x3FAA] =	sst s6  }
0xf: {  	[smem:$0x3FAB] =	sst s7  }
0x10: {  	[smem:$0x3FAC] =	sst s8  }
0x11: {  	[smem:$0x3FAD] =	sst s9;
	s0 =	simm.s32 @!p0 $0x0  }
0x12: {  	s1 =	sld [smem:$0x3F93];
	s0 =	simm.s32 @p0 $0x1  }
0x13: {  	[smem:$0x3FAE] =	sst s0;
	s0 =	simm.s32 @!p1 $0x0  }
0x14: {  	s2 =	sld [smem:$0x3F92];
	s0 =	simm.s32 @p1 $0x1  }
0x15: {  	[smem:$0x3FAF] =	sst s0;
	s0 =	simm.s32 @!p2 $0x0  }
0x16: {  	s3 =	sld [smem:$0x3FDB];
	s0 =	simm.s32 @p2 $0x1  }
0x17: {  	s4 =	simm.s32 $0x1BF5;
	[smem:$0x3FB1] =	sst s0  }
0x18: {  	s0 =	sld [smem:$0x3F94];
	_ =	swait.ge [sflag:s4], $0x0  }
0x19: {  	s7 =	sld [smem:$0x3F95]  }
0x1a: {  	s8 =	sadd.s32 $0xFFFFE003, lr  }
0x1b: {  	s9 =	sadd.s32 $0xFFFFFEF7, lr;
	s5 =	simm.s32 $0xFFFFFFFF;
	p2 =	slt.u32 s8, $0xFFFFF086  }
0x1c: {  	p1 =	slt.u32 s9, $0xF7A;
	s5 =	simm.s32 @!p2 $0x0  }
0x1d: {  	s5 =	simm.s32 @p1 $0x1;
	p0 =	seq.s32 s7, s2  }
0x1e: {  	s7 =	smul.u32 @!p0 $0xF7A, s2;
	p2 =	seq.s32 @!p0 s5, $0x0  }
0x1f: {  	s9 =	smul.u32 $0xF7A, s1;
	s8 =	simm.s32 @!p0 $0x1BF5;
	p2 =	por !p2, p0  }
0x20: {  	[sflag:s8] =	ssyncset.s32 @!p0 $0xFFFFF086;
	s6 =	sadd.s32 @!p0 s3, s7;
	s7 =	simm.s32 @!p0 $0x108  }
0x21: {  	s3 =	sadd.s32 s3, s9;
	s6 =	sadd.s32 @!p0 $0x88, s6;
	s7 =	simm.s32 @p2 $0x1082  }
0x22: {  	[simem:s7], [sflag:s8] =	dma.local @!p0 [hbm:s6], $0xF7A  }
0x23: {  	s9 =	sor.u32 $0xD0000000, s2;
	s6 =	simm.s32 $0x108;
	_ =	swait.ge @!p0 [sflag:s8], $0x0  }
0x24: {  	s3 =	sadd.s32 $0x88, s3;
	s6 =	simm.s32 @!p1 $0x1082;
	[sflag:s4] =	ssyncset.s32 $0xFFFFF086  }
0x25: {  	[simem:s6], [sflag:s4] =	dma.local [hbm:s3], $0xF7A  }
0x26: {  	[smem:$0x3F95] =	sst s1;
	(tag) =	ssettag s2;
	_ =	strace s9  }
0x27: {  	s1 =	sld [smem:$0x3FA5]  }
0x28: {  	s2 =	sld [smem:$0x3FA6]  }
0x29: {  	s4 =	sld [smem:$0x3FA8]  }
0x2a: {  	p0 =	seq.s32 s5, $0x0;
	s5 =	sld [smem:$0x3FA9]  }
0x2b: {  	s6 =	sld [smem:$0x3FAA]  }
0x2c: {  	s7 =	sld [smem:$0x3FAB]  }
0x2d: {  	s3 =	simm.s32 $0x108;
	s8 =	sld [smem:$0x3FAC]  }
0x2e: {  	s3 =	simm.s32 @!p0 $0x1082;
	s9 =	sld [smem:$0x3FAD]  }
0x2f: {  	lr =	sadd.s32 s0, s3;
	s0 =	sld [smem:$0x3FA4]  }
0x30: {  	s3 =	sld [smem:$0x3FA7]  }
0x31: {  	[smem:$0x3FB0] =	sst s10  }
0x32: {  	s10 =	sld [smem:$0x3FAE];
	_ =	sdelay $0x3  }
0x33: {  	p0 =	seq.s32 s10, $0x1;
	s10 =	sld [smem:$0x3FB0];
	_ =	sdelay $0x3  }
0x34: {  	[smem:$0x3FB0] =	sst s10  }
0x35: {  	s10 =	sld [smem:$0x3FAF];
	_ =	sdelay $0x3  }
0x36: {  	p1 =	seq.s32 s10, $0x1;
	s10 =	sld [smem:$0x3FB0];
	_ =	sdelay $0x3  }
0x37: {  	[smem:$0x3FB0] =	sst s10  }
0x38: {  	s10 =	sld [smem:$0x3FB1]  }
0x39: {  	_ = 	snop;
	(pc) =	sbr.ind lr, $3  }
0x3a: {  	_ = 	snop  }
0x3b: {  	_ = 	snop  }
0x3c: {  	p2 =	seq.s32 s10, $0x1;
	s10 =	sld [smem:$0x3FB0]  }
0x3d: {  	_ =	shalt  }
0x3e: {  	_ =	shalt  }
0x3f: {  	_ =	shalt  }
0x40: {  	_ =	shalt  }
0x41: {  	_ =	shalt  }
0x42: {  	_ =	shalt  }
0x43: {  	_ =	shalt  }
0x44: {  	_ =	shalt  }
0x45: {  	_ =	shalt  }
0x46: {  	_ =	shalt  }
0x47: {  	_ =	shalt  }
0x48: {  	_ =	shalt  }
0x49: {  	_ =	shalt  }
0x4a: {  	_ =	shalt  }
0x4b: {  	_ =	shalt  }
0x4c: {  	_ =	shalt  }
0x4d: {  	_ =	shalt  }
0x4e: {  	_ =	shalt  }
0x4f: {  	_ =	shalt  }
0x50: {  	_ =	shalt  }
0x51: {  	_ =	shalt  }
0x52: {  	_ =	shalt  }
0x53: {  	_ =	shalt  }
0x54: {  	_ =	shalt  }
0x55: {  	_ =	shalt  }
0x56: {  	_ =	shalt  }
0x57: {  	_ =	shalt  }
0x58: {  	_ =	shalt  }
0x59: {  	_ =	shalt  }
0x5a: {  	_ =	shalt  }
0x5b: {  	_ =	shalt  }
0x5c: {  	_ =	shalt  }
0x5d: {  	_ =	shalt  }
0x5e: {  	_ =	shalt  }
0x5f: {  	_ =	shalt  }
0x60: {  	_ =	shalt  }
0x61: {  	_ =	shalt  }
0x62: {  	_ =	shalt  }
0x63: {  	_ =	shalt  }
0x64: {  	_ =	shalt  }
0x65: {  	_ =	shalt  }
0x66: {  	_ =	shalt  }
0x67: {  	_ =	shalt  }
0x68: {  	_ =	shalt  }
0x69: {  	_ =	shalt  }
0x6a: {  	_ =	shalt  }
0x6b: {  	_ =	shalt  }
0x6c: {  	_ =	shalt  }
0x6d: {  	_ =	shalt  }
0x6e: {  	_ =	shalt  }
0x6f: {  	_ =	shalt  }
0x70: {  	_ =	shalt  }
0x71: {  	_ =	shalt  }
0x72: {  	_ =	shalt  }
0x73: {  	_ =	shalt  }
0x74: {  	_ =	shalt  }
0x75: {  	_ =	shalt  }
0x76: {  	_ =	shalt  }
0x77: {  	_ =	shalt  }
0x78: {  	_ =	shalt  }
0x79: {  	_ =	shalt  }
0x7a: {  	_ =	shalt  }
0x7b: {  	_ =	shalt  }
0x7c: {  	_ =	shalt  }
0x7d: {  	_ =	shalt  }
0x7e: {  	_ =	shalt  }
0x7f: {  	_ =	shalt  }
0x80: {  	_ =	shalt  }
0x81: {  	_ =	shalt  }
0x82: {  	_ =	shalt  }
0x83: {  	_ =	shalt  }
0x84: {  	_ =	shalt  }
0x85: {  	_ =	shalt  }
0x86: {  	_ =	shalt  }
0x87: {  	_ =	shalt  }
.Lfunc_end0:
.L_simem_size_0:
called_computation.1_lowered:
.L_overlay_start_0:
0x88: {  	s2 =	sld [smem:$0x3FD9]  }
0x89: {  	s3 =	sld [smem:$0x3FFE];
	_ =	sdelay $0x1  }
0x8a: {  	s1 =	srdreg.scid  }
0x8b: {  	s0 =	sand.u32 $0x1, s1  }
0x8c: {  	s17 =	sshll.u32 s0, $0xA;
	s2 =	sadd.s32 s3, s2  }
0x8d: {  	s2 =	sadd.s32 s2, s17  }
0x8e: {  	[smem:$0x3FBC] =	sst s2  }
0x8f: {  	_ = 	snop  }
0x90: {  	s2 =	sld [smem:$0x3FD0];
	(tm) =	ssettm $0x1  }
0x91: {  	s18 =	sld [smem:$0x3FFB];
	_ =	sdelay $0x3  }
0x92: {  	_ =	strace s18  }
0x93: {  	s3 =	sld [smem:$0x3FFC];
	_ =	sdelay $0x3  }
0x94: {  	_ =	strace s3  }
0x95: {  	s3 =	sld [smem:$0x3FFD];
	_ =	sdelay $0x3  }
0x96: {  	_ =	strace s3  }
0x97: {  	_ =	strace $0x8FFFFFFF  }
0x98: {  	s19 =	sld [smem:$0x3FDB];
	_ =	sdelay $0x1  }
0x99: {  	s4 =	simm.s32 $_scs_section_size  }
0x9a: {  	s5 =	simm.s32 $_size__tile_overlayer_lowered;
	s6 =	simm.s32 $_tile_overlayer_lowered  }
0x9b: {  	s22 =	simm.s32 $0x1BFF;
	s21 =	sshll.u32 s6, $0x1;
	s3 =	sadd.s32 s4, s19  }
0x9c: {  	s7 =	simm.s32 $0x0;
	s20 =	sshll.u32 s5, $0x1;
	s5 =	sadd.s32 s21, s3  }
0x9d: {  	[timem:s7], [sflag:s22] =	dma.local [hbm:s5], s20  }
0x9e: {  	_ =	swait.ge [sflag:s22], s20  }
0x9f: {  	s4 =	ssub.s32 $0x0, s20;
	[sflag:s22] =	ssyncset.done $0x0  }
0xa0: {  	[sflag:s22] =	ssyncadd.s32 s4;
	_ =	sdelay $0x1  }
0xa1: {  	s23 =	simm.s32 $0x1B8B  }
0xa2: {  	_ =	swait.ge [sflag:s23], $0x1  }
0xa3: {  	[sflag:s23] =	ssyncset.done $0x0  }
0xa4: {  	s25 =	simm.s32 $0x1B8E;
	s24 =	sld [smem:$0x3FFE];
	[sflag:s23] =	ssyncadd.s32 $0xFFFFFFFF  }
0xa5: {  	s26 =	simm.s32 $execute0_lowered;
	[smem:$0x3FD2] =	sst s25  }
0xa6: {  	s5 =	sshll.u32 s26, $0x1;
	_ =	strace $0x80000049;
	[dreg:$0x1] =	wrdreg $0xFFFFFFFF  }
0xa7: {  	s28 =	simm.s32 $_size_execute0_lowered;
	s3 =	sadd.s32 s3, s5;
	[dreg:$0x0] =	wrdreg $0x0  }
0xa8: {  	s5 =	sshll.u32 s28, $0x1;
	[dreg:$0x2] =	wrdreg s3  }
0xa9: {  	[dreg:$0x3] =	wrdreg s5  }
0xaa: {  	[dreg:$0x4] =	wrdreg $0xC0  }
0xab: {  	_ =	task [dreg:s7], $0x5FFFF  }
0xac: {  	[dreg:$0x1] =	wrdreg $0xFFFFFFFF  }
0xad: {  	[dreg:$0x0] =	wrdreg $0x60  }
0xae: {  	[dreg:$0x2] =	wrdreg s24  }
0xaf: {  	[dreg:$0x3] =	wrdreg s2  }
0xb0: {  	[dreg:$0x4] =	wrdreg $0x4EC00  }
0xb1: {  	[dreg:$0x5] =	wrdreg $0xEEC00  }
0xb2: {  	[dreg:$0x6] =	wrdreg $0x9  }
0xb3: {  	_ =	task.clear_ibuf [dreg:s7], $0x7FFFF;
	_ =	strace $0x90000049  }
0xb4: {  	s29 =	simm.s32 $0x9;
	_ =	strace $0x8000004B  }
0xb5: {  	_ =	swait.ge [sflag:s29], $0x1  }
0xb6: {  	[sflag:s29] =	ssyncadd.s32 $0xFFFFFFFF  }
0xb7: {  	_ =	strace $0x9000004B  }
0xb8: {  	_ =	sfence  }
0xb9: {  	s30 =	sld [smem:$0x0];
	_ =	sdelay $0x2  }
0xba: {  	s31 =	sshll.u32 s1, $0xD;
	s1 =	sshrl.u32 s1, $0x2  }
0xbb: {  	s3 =	sand.u32 $0x4000, s31;
	s1 =	sadd.s32 s1, s30  }
0xbc: {  	s0 =	sor.u32 s3, s0;
	s1 =	sshll.u32 s1, $0x11  }
0xbd: {  	s0 =	sor.u32 s1, s0  }
0xbe: {  	s0 =	sadd.s32 $0x8F2B, s0  }
0xbf: {  	[sflag:s0] =	ssyncadd.remote.s32 $0x1  }
0xc0: {  	_ =	sfence.sel $0xFFFF  }
0xc1: {  	[dreg:$0x0] =	wrdreg $0xFFFFFFFF;
	(pc) =	sbr.abs _section_cstart, $3  }
0xc2: {  	[dreg:$0x1] =	wrdreg $0xFFFFFFFF  }
0xc3: {  	_ =	task.clear_ibuf [dreg:s7], $0x2FFFF;
	_ =	strace $0x9FFFFFFF  }
0xc4: {  	(tm) =	ssettm $0x7FFFFFFF  }
0xc5: {  	_ =	shalt  }
tec
execute0_lowered:
.L_overlay_start_1:
0x0: {  	(tag) =	ssettag $0x1  }
0x1: {  	s0 =	rddreg [dreg:$0x0]  }
0x2: {  	s1 =	rddreg [dreg:$0x1]  }
0x3: {  	s3 =	rddreg [dreg:$0x2]  }
0x4: {  	s4 =	rddreg [dreg:$0x3]  }
0x5: {  	s2 =	srdreg.scid;
	s16 =	stileid.u32  }
0x6: {  	s5 =	simm.s32 $0x0;
	s29 =	simm.s32 $0x49C0;
	s10 =	smul.u32 $0xA000, s16  }
0x7: {  	s2 =	sand.u32 $0x1, s2;
	[smem:$0x7FF] =	sst s5;
	s11 =	smul.u32 $0x2800, s16  }
0x8: {  	s6 =	sadd.s32 $0xCE00, s0;
	s8 =	sadd.s32 $0x16C00, s0;
	s15 =	smul.u32 $0x280, s16  }
0x9: {  	s7 =	smul.u32 $0xA0000, s2;
	_ =	strace $0x8000004A;
	s14 =	ssub.s32 $0x2, s2  }
0xa: {  	s12 =	smul.u32 $0x28000, s2;
	s2 =	sshll.u32 s2, $0x4;
	s28 =	sshrl.u32 s14, $0x1  }
0xb: {  	s2 =	sor.u32 s16, s2;
	s30 =	sor.u32 $0x50, s15;
	s17 =	sadd.s32 s10, s3  }
0xc: {  	s16 =	sadd.s32 s11, s4;
	s20 =	sadd.s32 $0xA0, s15;
	s23 =	sadd.s32 $0xF0, s15  }
0xd: {  	s25 =	sadd.s32 $0x140, s15;
	s9 =	sadd.s32 s10, s7;
	s7 =	sadd.s32 $0x3000, s0  }
0xe: {  	s12 =	sadd.s32 s11, s12;
	[dreg:$0x6] =	wrdreg s16;
	s18 =	sshll.u32 s30, $0x6  }
0xf: {  	s19 =	sshll.u32 s30, $0x4;
	s21 =	sshll.u32 s20, $0x6;
	s11 =	sshll.u32 s20, $0x4  }
0x10: {  	s24 =	sshll.u32 s23, $0x6;
	s26 =	sshll.u32 s25, $0x6;
	s30 =	sadd.s32 $0x190, s15  }
0x11: {  	s2 =	smul.u32 $0x2710, s2;
	s20 =	sadd.s32 $0x230, s15;
	[dreg:$0x5] =	wrdreg s17  }
0x12: {  	s13 =	sshrl.u32 s9, $0x3;
	s9 =	sadd.s32 $0x17200, s0;
	s12 =	sshrl.u32 s12, $0x3  }
0x13: {  	s10 =	sadd.s32 s18, s3;
	s22 =	sadd.s32 s11, s4;
	s11 =	sadd.s32 s24, s3  }
0x14: {  	s18 =	sadd.s32 $0x1E0, s15;
	s15 =	simm.s32 $0x1540;
	[dreg:$0x7] =	wrdreg s10  }
0x15: {  	s13 =	sadd.s32 s13, s0;
	s0 =	sadd.s32 s12, s0;
	[dreg:$0xa] =	wrdreg s22  }
0x16: {  	s12 =	ssub.s32 s14, s28;
	s10 =	sadd.s32 s19, s4;
	[dreg:$0xb] =	wrdreg s11  }
0x17: {  	s28 =	sshll.u32 s25, $0x4;
	s14 =	sshll.u32 s30, $0x6;
	s11 =	sshll.u32 s30, $0x4  }
0x18: {  	s19 =	sshll.u32 s18, $0x6;
	[dreg:$0x8] =	wrdreg s10;
	s10 =	sadd.s32 s21, s3  }
0x19: {  	s22 =	sshrl.u32 s2, $0x3;
	s16 =	sadd.s32 s11, s4;
	[dreg:$0x9] =	wrdreg s10  }
0x1a: {  	s31 =	sadd.s32 $0xA0, s2;
	s11 =	sadd.s32 s19, s3;
	[dreg:$0x10] =	wrdreg s16  }
0x1b: {  	s21 =	sshll.u32 s20, $0x6;
	s24 =	sadd.s32 s6, s22;
	[dreg:$0x11] =	wrdreg s11  }
0x1c: {  	s25 =	sadd.s32 s7, s22;
	s0 =	sadd.s32 $0x3F800, s0;
	[dreg:$0x15] =	wrdreg s24  }
0x1d: {  	s30 =	smax.u32 s12, $0x1;
	s19 =	simm.s32 $0x1;
	[dreg:$0x16] =	wrdreg s25  }
0x1e: {  	s12 =	simm.s32 $0x2F80;
	s10 =	sshll.u32 s23, $0x4;
	[dreg:$0x1a] =	wrdreg s0  }
0x1f: {  	s11 =	sadd.s32 s21, s3;
	s23 =	sadd.s32 $0xA, s22;
	[dreg:$0x1b] =	wrdreg s30  }
0x20: {  	s16 =	simm.s32 $0x50;
	s10 =	sadd.s32 s10, s4;
	[dreg:$0x13] =	wrdreg s11  }
0x21: {  	s21 =	simm.s32 $0x3;
	[dreg:$0xc] =	wrdreg s10;
	s10 =	sadd.s32 s26, s3  }
0x22: {  	s22 =	simm.s32 $0x1AE0;
	s26 =	sadd.s32 s6, s23;
	[dreg:$0xd] =	wrdreg s10  }
0x23: {  	s24 =	simm.s32 $0x5;
	s10 =	sadd.s32 s28, s4;
	[dreg:$0x17] =	wrdreg s26  }
0x24: {  	s25 =	simm.s32 $0x4920;
	[dreg:$0xe] =	wrdreg s10;
	s10 =	sadd.s32 s14, s3  }
0x25: {  	s28 =	sadd.s32 $0x17800, s13;
	[dreg:$0xf] =	wrdreg s10;
	s10 =	sshll.u32 s18, $0x4  }
.Ltmp0:
0x26: {  	s13 =	simm.s32 $0xA0;
	s10 =	sadd.s32 s10, s4;
	(pc) =	sbr.rel .LBB2_1-.Ltmp0, $4  }
0x27: {  	s26 =	simm.s32 $0x34D0;
	[dreg:$0x12] =	wrdreg s10;
	s10 =	sshll.u32 s20, $0x4  }
0x28: {  	[dreg:$0x19] =	wrdreg s28;
	s14 =	simm.s32 $0x7;
	s10 =	sadd.s32 s10, s4  }
0x29: {  	s18 =	simm.s32 $0x1A90;
	[dreg:$0x14] =	wrdreg s10;
	s10 =	sadd.s32 s7, s23  }
0x2a: {  	v0 =	vimm.f32 $0.0e+00;
	s20 =	simm.s32 $0x14A0;
	s23 =	simm.s32 $0x2EE0;
	[dreg:$0x18] =	wrdreg s10  }
.LBB2_16:
0x2b: {  	s0 =	simm.s32 $0x2  }
0x2c: {  	_ =	swait.ge [sflag:s0], $0x1400  }
0x2d: {  	[sflag:s0] =	ssyncset.done $0x0  }
0x2e: {  	[sflag:s0] =	ssyncadd.s32 $0xFFFFEC00  }
0x2f: {  	_ =	swait.ge [sflag:s0], $0x500  }
0x30: {  	[sflag:s0] =	ssyncset.done $0x0  }
0x31: {  	s30 =	simm.s32 $0x4;
	[sflag:s0] =	ssyncadd.s32 $0xFFFFFB00  }
0x32: {  	_ =	swait.ge [sflag:s30], $0x1400  }
0x33: {  	[sflag:s30] =	ssyncset.done $0x0  }
0x34: {  	[sflag:s30] =	ssyncadd.s32 $0xFFFFEC00  }
0x35: {  	_ =	swait.ge [sflag:s30], $0x500  }
0x36: {  	[sflag:s30] =	ssyncset.done $0x0  }
0x37: {  	s2 =	simm.s32 $0x6;
	[sflag:s30] =	ssyncadd.s32 $0xFFFFFB00  }
0x38: {  	_ =	swait.ge [sflag:s2], $0x1400  }
0x39: {  	[sflag:s2] =	ssyncset.done $0x0  }
0x3a: {  	[sflag:s2] =	ssyncadd.s32 $0xFFFFEC00  }
0x3b: {  	_ =	swait.ge [sflag:s2], $0x500  }
0x3c: {  	[sflag:s2] =	ssyncset.done $0x0  }
0x3d: {  	[sflag:s2] =	ssyncadd.s32 $0xFFFFFB00  }
0x3e: {  	s10 =	stileid.u32;
	[bflag:$0x0] =	sbarrier.arrive $0xFFFF  }
0x3f: {  	s0 =	sshll.u32 s10, $0x6;
	s17 =	rddreg [dreg:$0x5]  }
0x40: {  	s0 =	sor.u32 $0x1C07, s0;
	s10 =	rddreg [dreg:$0x19];
	s2 =	sshrl.u32 s17, $0x3  }
0x41: {  	[hbm:s10], [sflag:s0] =	dma.local [spmem:s2], $0x1400  }
0x42: {  	_ =	swait.ge [sflag:s14], $0x1400  }
0x43: {  	[sflag:s14] =	ssyncset.done $0x0;
	s11 =	rddreg [dreg:$0x6]  }
0x44: {  	s28 =	rddreg [dreg:$0x1a];
	[sflag:s14] =	ssyncadd.s32 $0xFFFFEC00;
	s2 =	sshrl.u32 s11, $0x3  }
0x45: {  	[hbm:s28], [sflag:s0] =	dma.local [spmem:s2], $0x500  }
0x46: {  	_ =	swait.ge [sflag:s14], $0x500  }
0x47: {  	s5 =	sadd.s32 $0x1, s5;
	s30 =	rddreg [dreg:$0x1b]  }
0x48: {  	p0 =	sne.s32 s5, s30  }
.Ltmp1:
0x49: {  	_ = 	snop;
	(pc) =	sbr.rel @!p0 .LBB2_17-.Ltmp1, $3  }
0x4a: {  	_ =	sdelay $0x1  }
0x4b: {  	[sflag:s14] =	ssyncset.done $0x0  }
0x4c: {  	[sflag:s14] =	ssyncadd.s32 $0xFFFFFB00  }
.LBB2_1:
0x4d: {  	s0 =	simm.s32 $0xC0  }
0x4e: {  	[tilespmem:s0+$0x0] =	vst v0  }
0x4f: {  	[tilespmem:s0+$0xFFFFFFE0] =	vst v0  }
0x50: {  	[tilespmem:s0+$0x10] =	vst v0  }
0x51: {  	s10 =	simm.s32 $0x40;
	s11 =	simm.s32 $0x0;
	[tilespmem:s0+$0xFFFFFFF0] =	vst v0  }
.LBB2_2:
0x52: {  	p0 =	sne.s32 s10, $0x13C0  }
0x53: {  	[tilespmem:s11+$0x1540] =	vst v0;
	s0 =	sadd.s32 $0x40, s0;
	s11 =	smov.u32 s10;
	s10 =	sadd.s32 $0x40, s10  }
.Ltmp2:
0x54: {  	[tilespmem:s0+$0x0] =	vst v0;
	(pc) =	sbr.rel @p0 .LBB2_2-.Ltmp2, $4  }
0x55: {  	_ = 	snop  }
0x56: {  	[tilespmem:s0+$0xFFFFFFE0] =	vst v0  }
0x57: {  	[tilespmem:s0+$0x10] =	vst v0  }
0x58: {  	s11 =	sshra.s32 s11, $0x2;
	[tilespmem:s0+$0xFFFFFFF0] =	vst v0  }
0x59: {  	[tilespmem:s11+$0x1540] =	vst v0  }
0x5a: {  	[spmem:s17] =	stream.linear.scatter [tilespmem:s13], [sflag:$0x7], $0x1400, $0x38;
	[tilespmem:$0x116C0] =	vst v63  }
0x5b: {  	_ =	swait.ge [sflag:s14], $0x1400  }
0x5c: {  	[sflag:s14] =	ssyncset.done $0x0  }
0x5d: {  	s0 =	rddreg [dreg:$0x6];
	[sflag:s14] =	ssyncadd.s32 $0xFFFFEC00  }
0x5e: {  	[spmem:s0] =	stream.linear.scatter [tilespmem:s15], [sflag:$0x7], $0x500, $0x38;
	[tilespmem:$0x116C0] =	vst v63  }
0x5f: {  	_ =	swait.ge [sflag:s14], $0x500  }
0x60: {  	[sflag:s14] =	ssyncset.done $0x0  }
0x61: {  	s17 =	rddreg [dreg:$0x7];
	[sflag:s14] =	ssyncadd.s32 $0xFFFFFB00  }
0x62: {  	[spmem:s17] =	stream.linear.scatter [tilespmem:s13], [sflag:$0x7], $0x1400, $0x38;
	[tilespmem:$0x116C0] =	vst v63  }
0x63: {  	_ =	swait.ge [sflag:s14], $0x1400  }
0x64: {  	[sflag:s14] =	ssyncset.done $0x0  }
0x65: {  	s28 =	rddreg [dreg:$0x8];
	[sflag:s14] =	ssyncadd.s32 $0xFFFFEC00  }
0x66: {  	[spmem:s28] =	stream.linear.scatter [tilespmem:s15], [sflag:$0x7], $0x500, $0x38;
	[tilespmem:$0x116C0] =	vst v63  }
0x67: {  	_ =	swait.ge [sflag:s14], $0x500  }
0x68: {  	[sflag:s14] =	ssyncset.done $0x0  }
0x69: {  	s30 =	rddreg [dreg:$0x9];
	[sflag:s14] =	ssyncadd.s32 $0xFFFFFB00  }
0x6a: {  	[spmem:s30] =	stream.linear.scatter [tilespmem:s13], [sflag:$0x7], $0x1400, $0x38;
	[tilespmem:$0x116C0] =	vst v63  }
0x6b: {  	_ =	swait.ge [sflag:s14], $0x1400  }
0x6c: {  	[sflag:s14] =	ssyncset.done $0x0  }
0x6d: {  	s2 =	rddreg [dreg:$0xa];
	[sflag:s14] =	ssyncadd.s32 $0xFFFFEC00  }
0x6e: {  	[spmem:s2] =	stream.linear.scatter [tilespmem:s15], [sflag:$0x7], $0x500, $0x38;
	[tilespmem:$0x116C0] =	vst v63  }
0x6f: {  	_ =	swait.ge [sflag:s14], $0x500  }
0x70: {  	[sflag:s14] =	ssyncset.done $0x0  }
0x71: {  	s10 =	rddreg [dreg:$0xb];
	[sflag:s14] =	ssyncadd.s32 $0xFFFFFB00  }
0x72: {  	[spmem:s10] =	stream.linear.scatter [tilespmem:s13], [sflag:$0x7], $0x1400, $0x38;
	[tilespmem:$0x116C0] =	vst v63  }
0x73: {  	_ =	swait.ge [sflag:s14], $0x1400  }
0x74: {  	[sflag:s14] =	ssyncset.done $0x0  }
0x75: {  	s11 =	rddreg [dreg:$0xc];
	[sflag:s14] =	ssyncadd.s32 $0xFFFFEC00  }
0x76: {  	[spmem:s11] =	stream.linear.scatter [tilespmem:s15], [sflag:$0x7], $0x500, $0x38;
	[tilespmem:$0x116C0] =	vst v63  }
0x77: {  	_ =	swait.ge [sflag:s14], $0x500  }
0x78: {  	[sflag:s14] =	ssyncset.done $0x0  }
0x79: {  	s17 =	rddreg [dreg:$0xd];
	[sflag:s14] =	ssyncadd.s32 $0xFFFFFB00  }
0x7a: {  	[spmem:s17] =	stream.linear.scatter [tilespmem:s13], [sflag:$0x7], $0x1400, $0x38;
	[tilespmem:$0x116C0] =	vst v63  }
0x7b: {  	_ =	swait.ge [sflag:s14], $0x1400  }
0x7c: {  	[sflag:s14] =	ssyncset.done $0x0  }
0x7d: {  	s28 =	rddreg [dreg:$0xe];
	[sflag:s14] =	ssyncadd.s32 $0xFFFFEC00  }
0x7e: {  	[spmem:s28] =	stream.linear.scatter [tilespmem:s15], [sflag:$0x7], $0x500, $0x38;
	[tilespmem:$0x116C0] =	vst v63  }
0x7f: {  	_ =	swait.ge [sflag:s14], $0x500  }
0x80: {  	[sflag:s14] =	ssyncset.done $0x0  }
0x81: {  	s30 =	rddreg [dreg:$0xf];
	[sflag:s14] =	ssyncadd.s32 $0xFFFFFB00  }
0x82: {  	[spmem:s30] =	stream.linear.scatter [tilespmem:s13], [sflag:$0x7], $0x1400, $0x38;
	[tilespmem:$0x116C0] =	vst v63  }
0x83: {  	_ =	swait.ge [sflag:s14], $0x1400  }
0x84: {  	[sflag:s14] =	ssyncset.done $0x0  }
0x85: {  	s2 =	rddreg [dreg:$0x10];
	[sflag:s14] =	ssyncadd.s32 $0xFFFFEC00  }
0x86: {  	[spmem:s2] =	stream.linear.scatter [tilespmem:s15], [sflag:$0x7], $0x500, $0x38;
	[tilespmem:$0x116C0] =	vst v63  }
0x87: {  	_ =	swait.ge [sflag:s14], $0x500  }
0x88: {  	[sflag:s14] =	ssyncset.done $0x0  }
0x89: {  	s10 =	rddreg [dreg:$0x11];
	[sflag:s14] =	ssyncadd.s32 $0xFFFFFB00  }
0x8a: {  	[spmem:s10] =	stream.linear.scatter [tilespmem:s13], [sflag:$0x7], $0x1400, $0x38;
	[tilespmem:$0x116C0] =	vst v63  }
0x8b: {  	_ =	swait.ge [sflag:s14], $0x1400  }
0x8c: {  	[sflag:s14] =	ssyncset.done $0x0  }
0x8d: {  	s11 =	rddreg [dreg:$0x12];
	[sflag:s14] =	ssyncadd.s32 $0xFFFFEC00  }
0x8e: {  	[spmem:s11] =	stream.linear.scatter [tilespmem:s15], [sflag:$0x7], $0x500, $0x38;
	[tilespmem:$0x116C0] =	vst v63  }
0x8f: {  	_ =	swait.ge [sflag:s14], $0x500  }
0x90: {  	[sflag:s14] =	ssyncset.done $0x0  }
0x91: {  	s17 =	rddreg [dreg:$0x13];
	[sflag:s14] =	ssyncadd.s32 $0xFFFFFB00  }
0x92: {  	[spmem:s17] =	stream.linear.scatter [tilespmem:s13], [sflag:$0x7], $0x1400, $0x38;
	[tilespmem:$0x116C0] =	vst v63  }
0x93: {  	_ =	swait.ge [sflag:s14], $0x1400  }
0x94: {  	[sflag:s14] =	ssyncset.done $0x0  }
0x95: {  	s28 =	rddreg [dreg:$0x14];
	[sflag:s14] =	ssyncadd.s32 $0xFFFFEC00  }
0x96: {  	[spmem:s28] =	stream.linear.scatter [tilespmem:s15], [sflag:$0x7], $0x500, $0x38;
	[tilespmem:$0x116C0] =	vst v63  }
0x97: {  	_ =	swait.ge [sflag:s14], $0x500  }
0x98: {  	[sflag:s14] =	ssyncset.done $0x0  }
0x99: {  	[sflag:s14] =	ssyncadd.s32 $0xFFFFFB00  }
0x9a: {  	[bflag:$0x0] =	sbarrier.arrive $0xFFFF  }
0x9b: {  	s17 =	simm.s32 $0x0;
	s30 =	rddreg [dreg:$0x15]  }
0x9c: {  	[tilespmem:s17], [sflag:$0x1] =	stream.linear.gather [hbm4b:s30+s17], $0x50, $0x38;
	[tilespmem:$0x116C0] =	vst v63  }
0x9d: {  	s2 =	rddreg [dreg:$0x16]  }
0x9e: {  	[tilespmem:s16], [sflag:$0x1] =	stream.linear.gather [hbm4b:s2+s17], $0x50, $0x38;
	[tilespmem:$0x116C0] =	vst v63  }
0x9f: {  	s10 =	rddreg [dreg:$0x17];
	s2 =	simm.s32 $0x1A40  }
0xa0: {  	[tilespmem:s2], [sflag:$0x3] =	stream.linear.gather [hbm4b:s10+s17], $0x50, $0x38;
	[tilespmem:$0x116C0] =	vst v63  }
0xa1: {  	s11 =	rddreg [dreg:$0x18]  }
0xa2: {  	[tilespmem:s18], [sflag:$0x3] =	stream.linear.gather [hbm4b:s11+s17], $0x50, $0x38;
	[tilespmem:$0x116C0] =	vst v63  }
0xa3: {  	_ =	swait.ge [sflag:s19], $0x50  }
0xa4: {  	[sflag:s19] =	ssyncset.done $0x0  }
0xa5: {  	[sflag:s19] =	ssyncadd.s32 $0xFFFFFFB0  }
0xa6: {  	_ =	swait.ge [sflag:s19], $0x50  }
0xa7: {  	[sflag:s19] =	ssyncset.done $0x0  }
0xa8: {  	[sflag:s19] =	ssyncadd.s32 $0xFFFFFFB0  }
0xa9: {  	[tilespmem:s13], [sflag:$0x1] =	stream.indirect.gather [hbm4b:s1+s16], $0x40, s17, s16, $0xb8;
	[tilespmem:$0x116C0] =	vst v63  }
0xaa: {  	_ = 	snop  }
0xab: {  	[tilespmem:s20], [sflag:$0x1] =	stream.indirect.gather [hbm4b:s8+s16], $0x1, s17, s16, $0xb8;
	[tilespmem:$0x116C0] =	vst v63  }
0xac: {  	s28 =	simm.s32 $0x14F0  }
0xad: {  	[tilespmem:s28], [sflag:$0x1] =	stream.indirect.gather [hbm4b:s9+s16], $0x1, s16, s16, $0xb8;
	[tilespmem:$0x116C0] =	vst v63  }
0xae: {  	_ =	swait.ge [sflag:s21], $0x50  }
0xaf: {  	[sflag:s21] =	ssyncset.done $0x0  }
0xb0: {  	[sflag:s21] =	ssyncadd.s32 $0xFFFFFFB0  }
0xb1: {  	_ =	swait.ge [sflag:s21], $0x50  }
0xb2: {  	[sflag:s21] =	ssyncset.done $0x0  }
0xb3: {  	[sflag:s21] =	ssyncadd.s32 $0xFFFFFFB0  }
0xb4: {  	[tilespmem:s22], [sflag:$0x3] =	stream.indirect.gather [hbm4b:s1+s16], $0x40, s2, s16, $0xb8;
	[tilespmem:$0x116C0] =	vst v63  }
.Ltmp3:
0xb5: {  	_ = 	snop;
	(pc) =	sbr.rel .LBB2_4-.Ltmp3, $4  }
0xb6: {  	_ = 	snop  }
0xb7: {  	[tilespmem:s23], [sflag:$0x3] =	stream.indirect.gather [hbm4b:s8+s16], $0x1, s2, s16, $0xb8;
	[tilespmem:$0x116C0] =	vst v63  }
0xb8: {  	s30 =	simm.s32 $0x2F30  }
0xb9: {  	[tilespmem:s30], [sflag:$0x3] =	stream.indirect.gather [hbm4b:s9+s16], $0x1, s18, s16, $0xb8;
	[tilespmem:$0x116C0] =	vst v63  }
.LBB2_15:
0xba: {  	s17 =	sadd.s32 $0x1, s17  }
0xbb: {  	p0 =	sne.s32 s17, $0x7D  }
.Ltmp4:
0xbc: {  	_ = 	snop;
	(pc) =	sbr.rel @!p0 .LBB2_16-.Ltmp4, $1  }
0xbd: {  	_ =	sdelay $0x3  }
.LBB2_4:
0xbe: {  	s0 =	smul.u32 $0xAB, s17;
	_ =	sdelay $0x1  }
0xbf: {  	s0 =	sshrl.u32 s0, $0x9  }
0xc0: {  	s0 =	sand.u32 $0x7F, s0  }
0xc1: {  	s0 =	smul.u32 $0x3, s0;
	_ =	sdelay $0x1  }
0xc2: {  	s0 =	ssub.s32 s17, s0  }
0xc3: {  	s0 =	sand.u32 $0xFF, s0  }
0xc4: {  	p0 =	seq.s32 s0, $0x2  }
.Ltmp5:
0xc5: {  	_ = 	snop;
	(pc) =	sbr.rel @p0 .LBB2_12-.Ltmp5, $1  }
0xc6: {  	_ =	sdelay $0x3  }
0xc7: {  	p0 =	seq.s32 s0, $0x1  }
.Ltmp6:
0xc8: {  	_ = 	snop;
	(pc) =	sbr.rel @!p0 .LBB2_6-.Ltmp6, $1  }
0xc9: {  	_ =	sdelay $0x3  }
0xca: {  	_ =	swait.ge [sflag:s21], $0x1400  }
0xcb: {  	[sflag:s21] =	ssyncset.done $0x0  }
0xcc: {  	[sflag:s21] =	ssyncadd.s32 $0xFFFFEC00  }
0xcd: {  	_ =	swait.ge [sflag:s21], $0x50  }
0xce: {  	[sflag:s21] =	ssyncset.done $0x0  }
0xcf: {  	[sflag:s21] =	ssyncadd.s32 $0xFFFFFFB0  }
0xd0: {  	_ =	swait.ge [sflag:s21], $0x50  }
0xd1: {  	[sflag:s21] =	ssyncset.done $0x0  }
0xd2: {  	[sflag:s21] =	ssyncadd.s32 $0xFFFFFFB0  }
0xd3: {  	v1 =	vld [tilespmem:$0x2EE0]  }
0xd4: {  	v2 =	vld [tilespmem:$0x2F30];
	_ =	sdelay $0x1  }
0xd5: {  	v3 =	vld [tilespmem:$0x2EF0]  }
0xd6: {  	v4 =	vld [tilespmem:$0x2F40]  }
0xd7: {  	v5 =	vld [tilespmem:$0x2F00]  }
0xd8: {  	v6 =	vld [tilespmem:$0x2F50];
	v1 =	vadd.f32 v2, v1  }
0xd9: {  	v7 =	vld [tilespmem:$0x2F60]  }
0xda: {  	v9 =	vld [tilespmem:$0x2F20];
	v8 =	vmul.f32 $2.000000030e-01, v1  }
0xdb: {  	v2 =	vld [tilespmem:$0x2F10];
	vm0 =	vge.f32 v1, $0.0e+00  }
0xdc: {  	v10 =	vld [tilespmem:$0x2F70];
	v3 =	vadd.f32 v4, v3;
	v1 =	vsel vm0, v1, v8  }
0xdd: {  	v1 =	vmul.f32 $1.442695020e+00, v1  }
0xde: {  	v5 =	vadd.f32 v6, v5;
	v4 =	vmul.f32 $2.000000030e-01, v3  }
0xdf: {  	vm12 =	vge.f32 v3, $0.0e+00;
	(erf) = vpow2.f32 v1  }
0xe0: {  	v1 =	vadd.f32 v7, v2;
	v2 =	vsel vm12, v3, v4;
	v3 =	vmul.f32 $2.000000030e-01, v5  }
0xe1: {  	vm13 =	vge.f32 v5, $0.0e+00;
	v4 =	vadd.f32 v10, v9  }
0xe2: {  	v2 =	vmul.f32 $1.442695020e+00, v2;
	v6 =	vmul.f32 $2.000000030e-01, v1;
	v3 =	vsel vm13, v5, v3  }
0xe3: {  	vm14 =	vge.f32 v1, $0.0e+00;
	v5 =	vmul.f32 $2.000000030e-01, v4;
	vm15 =	vge.f32 v4, $0.0e+00  }
0xe4: {  	v3 =	vmul.f32 $1.442695020e+00, v3;
	(erf) = vpow2.f32 v2;
	v1 =	vsel vm14, v1, v6  }
0xe5: {  	v2 =	vsel vm15, v4, v5;
	v1 =	vmul.f32 $1.442695020e+00, v1  }
0xe6: {  	(erf) = vpow2.f32 v3;
	v2 =	vmul.f32 $1.442695020e+00, v2  }
0xe7: {  	(erf) = vpow2.f32 v1  }
0xe8: {  	(erf) = vpow2.f32 v2;
	_ =	sdelay $0x1  }
0xe9: {  	s0 =	simm.s32 $0x0  }
0xea: {  	s2 =	simm.s32 $0x1;
	v1 =	vmov s0  }
0xeb: {  	v4 =	vmov s2;
	s2 =	simm.s32 $0x2;
	v1 =	vand.u32 $0xFFFFFFFC, v1;
	v2 =	vpop (erf)  }
0xec: {  	s28 =	simm.s32 $0x3;
	[tilespmem:$0x2EE0] =	vst v2;
	v2 =	vbroadcast v1, $0x0;
	v1 =	vand.u32 $0xFFFFFFFD, v4;
	v4 =	vmov s2;
	v5 =	vpop (erf)  }
0xed: {  	v3 =	vmov s28;
	[tilespmem:$0x2EF0] =	vst v5;
	v5 =	vbroadcast v1, $0x0;
	v1 =	vand.u32 $0xFFFFFFFE, v4  }
0xee: {  	v6 =	vpop (erf)  }
0xef: {  	[tilespmem:$0x2F00] =	vst v6;
	v6 =	vbroadcast v1, $0x0;
	v4 =	vpop (erf)  }
0xf0: {  	[tilespmem:$0x2F10] =	vst v4;
	v1 =	vpop (erf)  }
0xf1: {  	[tilespmem:$0x2F20] =	vst v1  }
0xf2: {  	v1 =	vld.idx.msk [tilespmem:v3+s23+$0x0], $0xffff  }
0xf3: {  	s11 =	simm.s32 $0x1B60;
	v3 =	vld.idx.msk [tilespmem:v5+s23+$0x0], $0xffff  }
0xf4: {  	v5 =	vld [tilespmem:s11+$0x0]  }
0xf5: {  	v4 =	vld.idx.msk [tilespmem:v6+s23+$0x0], $0xffff  }
0xf6: {  	v6 =	vld [tilespmem:s11+$0x10]  }
0xf7: {  	v7 =	vld [tilespmem:s11+$0x20]  }
0xf8: {  	v8 =	vld [tilespmem:s11+$0x30]  }
0xf9: {  	v2 =	vld.idx.msk [tilespmem:v2+s23+$0x0], $0xffff  }
0xfa: {  	v9 =	vld [tilespmem:s11+$0xFFFFFF80];
	v5 =	vmul.f32 v5, v4  }
0xfb: {  	s10 =	simm.s32 $0x4;
	v10 =	vld [tilespmem:s11+$0xFFFFFF90];
	v6 =	vmul.f32 v6, v4  }
0xfc: {  	v11 =	vld [tilespmem:s11+$0xFFFFFFA0];
	[tilespmem:s11+$0x0] =	vst v5;
	v5 =	vmul.f32 v7, v4;
	v7 =	vmov s10  }
0xfd: {  	s28 =	simm.s32 $0x5;
	v12 =	vld [tilespmem:s11+$0xFFFFFFB0];
	[tilespmem:s11+$0x10] =	vst v6;
	v6 =	vmul.f32 v8, v4;
	v7 =	vand.u32 $0xFFFFFFFC, v7  }
0xfe: {  	s2 =	simm.s32 $0x6;
	v13 =	vld [tilespmem:s11+$0xFFFFFFC0];
	[tilespmem:s11+$0x20] =	vst v5;
	v5 =	vbroadcast v7, $0x0;
	v7 =	vmov s28  }
0xff: {  	v15 =	vld [tilespmem:s11+$0xFFFFFFD0];
	s10 =	simm.s32 $0x2FA0;
	[tilespmem:s11+$0x30] =	vst v6;
	v6 =	vand.u32 $0xFFFFFFFD, v7;
	v7 =	vmov s2  }
0x100: {  	v14 =	vmul.f32 v9, v2;
	v16 =	vmul.f32 v10, v2;
	v8 =	vld [tilespmem:s11+$0xFFFFFFE0];
	s28 =	simm.s32 $0x7;
	[tilespmem:s10+$0x0] =	vst v4;
	v4 =	vand.u32 $0xFFFFFFFE, v7  }
0x101: {  	v9 =	vld [tilespmem:s11+$0xFFFFFFF0];
	v17 =	vmul.f32 v11, v2;
	v11 =	vbroadcast v4, $0x0;
	v4 =	vmov s28  }
0x102: {  	v10 =	vld [tilespmem:s11+$0x40];
	[tilespmem:s11+$0xFFFFFF80] =	vst v14;
	v6 =	vbroadcast v6, $0x0  }
0x103: {  	[tilespmem:s11+$0xFFFFFF90] =	vst v16;
	v14 =	vmul.f32 v13, v3;
	v7 =	vmul.f32 v12, v2;
	v12 =	vld [tilespmem:s11+$0x50]  }
0x104: {  	s30 =	simm.s32 $0x1B60;
	s0 =	simm.s32 $0x8;
	v15 =	vmul.f32 v15, v3;
	[tilespmem:s11+$0xFFFFFFA0] =	vst v17;
	v13 =	vld [tilespmem:s11+$0x60]  }
.LBB2_10:
0x105: {  	p0 =	slt.u32 s0, $0x4C;
	[tilespmem:s11+$0xFFFFFFC0] =	vst v14;
	v8 =	vmul.f32 v8, v3;
	v14 =	vld [tilespmem:s11+$0x70]  }
0x106: {  	v4 =	vld.idx.msk [tilespmem:v4+s23+$0x0], $0xffff;
	[tilespmem:s11+$0xFFFFFFD0] =	vst v15;
	v9 =	vmul.f32 v9, v3  }
0x107: {  	v5 =	vld.idx.msk [tilespmem:v5+s23+$0x0], $0xffff;
	[tilespmem:s11+$0xFFFFFFE0] =	vst v8;
	v8 =	vmul.f32 v10, v1  }
0x108: {  	v6 =	vld.idx.msk [tilespmem:v6+s23+$0x0], $0xffff;
	[tilespmem:s11+$0xFFFFFFF0] =	vst v9;
	v9 =	vmul.f32 v12, v1  }
0x109: {  	s11 =	sadd.s32 $0x100, s11;
	v10 =	vld.idx.msk [tilespmem:v11+s23+$0x0], $0xffff;
	[tilespmem:s10+$0xFFFFFFF0] =	vst v3;
	v3 =	vmul.f32 v13, v1  }
0x10a: {  	v11 =	vld [tilespmem:s11+$0x0];
	[tilespmem:s30+$0xFFFFFFB0] =	vst v7;
	v7 =	vmul.f32 v14, v1  }
0x10b: {  	v12 =	vld [tilespmem:s11+$0x10];
	[tilespmem:s10+$0xFFFFFFE0] =	vst v2  }
0x10c: {  	v13 =	vld [tilespmem:s11+$0x20];
	[tilespmem:s30+$0x40] =	vst v8  }
0x10d: {  	v2 =	vmov v5;
	v8 =	vld [tilespmem:s11+$0x30];
	[tilespmem:s30+$0x50] =	vst v9  }
0x10e: {  	v5 =	vld [tilespmem:s11+$0xFFFFFF80];
	[tilespmem:s30+$0x60] =	vst v3;
	v3 =	vmov v6  }
0x10f: {  	v6 =	vld [tilespmem:s11+$0xFFFFFF90];
	v9 =	vmul.f32 v11, v10;
	[tilespmem:s30+$0x70] =	vst v7;
	s30 =	smov.u32 s11  }
0x110: {  	v7 =	vld [tilespmem:s11+$0xFFFFFFA0];
	v11 =	vmul.f32 v12, v10;
	[tilespmem:s10+$0x10] =	vst v1;
	v1 =	vmov v4  }
0x111: {  	v12 =	vld [tilespmem:s11+$0xFFFFFFB0];
	[tilespmem:s11+$0x0] =	vst v9;
	v9 =	vmul.f32 v13, v10  }
0x112: {  	s2 =	sadd.s32 $0x3, s0;
	v4 =	vmov s0;
	v13 =	vld [tilespmem:s11+$0xFFFFFFC0];
	[tilespmem:s11+$0x10] =	vst v11;
	v11 =	vmul.f32 v8, v10  }
0x113: {  	s28 =	sadd.s32 $0x1, s0;
	v8 =	vand.u32 $0xFFFFFFFC, v4;
	v4 =	vmov s2;
	v14 =	vmul.f32 v5, v2;
	v15 =	vld [tilespmem:s11+$0xFFFFFFD0];
	[tilespmem:s11+$0x20] =	vst v9  }
.Ltmp7:
0x114: {  	s10 =	sadd.s32 $0x40, s10;
	s2 =	sadd.s32 $0x2, s0;
	v5 =	vbroadcast v8, $0x0;
	v9 =	vmov s28;
	v16 =	vmul.f32 v6, v2;
	v8 =	vld [tilespmem:s11+$0xFFFFFFE0];
	[tilespmem:s11+$0x30] =	vst v11;
	(pc) =	sbr.rel @p0 .LBB2_10-.Ltmp7, $4  }
0x115: {  	v6 =	vand.u32 $0xFFFFFFFD, v9;
	v11 =	vmov s2;
	v17 =	vmul.f32 v7, v2;
	v9 =	vld [tilespmem:s11+$0xFFFFFFF0];
	[tilespmem:s10+$0x0] =	vst v10  }
0x116: {  	v6 =	vbroadcast v6, $0x0;
	v11 =	vand.u32 $0xFFFFFFFE, v11;
	[tilespmem:s11+$0xFFFFFF80] =	vst v14;
	v7 =	vmul.f32 v12, v2;
	v10 =	vld [tilespmem:s11+$0x40]  }
0x117: {  	v11 =	vbroadcast v11, $0x0;
	[tilespmem:s11+$0xFFFFFF90] =	vst v16;
	v14 =	vmul.f32 v13, v3;
	v12 =	vld [tilespmem:s11+$0x50]  }
0x118: {  	s0 =	sadd.s32 $0x4, s0;
	[tilespmem:s11+$0xFFFFFFA0] =	vst v17;
	v15 =	vmul.f32 v15, v3;
	v13 =	vld [tilespmem:s11+$0x60]  }
0x119: {  	_ =	sdelay $0x1  }
0x11a: {  	[tilespmem:s11+$0xFFFFFFC0] =	vst v14  }
0x11b: {  	v45 =	vld [tilespmem:s11+$0x70];
	[tilespmem:s30+$0xFFFFFFB0] =	vst v7  }
0x11c: {  	v8 =	vmul.f32 v8, v3;
	v5 =	vld.idx.msk [tilespmem:v5+s23+$0x0], $0xffff;
	[tilespmem:s11+$0xFFFFFFD0] =	vst v15  }
0x11d: {  	v46 =	vld.idx.msk [tilespmem:v11+s23+$0x0], $0xffff;
	s0 =	sadd.s32 $0x100, s11;
	v9 =	vmul.f32 v9, v3;
	[tilespmem:s10+$0xFFFFFFE0] =	vst v2  }
0x11e: {  	v47 =	vld [tilespmem:s0+$0x0];
	[tilespmem:s11+$0xFFFFFFE0] =	vst v8  }
0x11f: {  	v49 =	vld [tilespmem:s0+$0x10];
	[tilespmem:s11+$0xFFFFFFF0] =	vst v9;
	v48 =	vmul.f32 v12, v1  }
0x120: {  	v4 =	vld.idx.msk [tilespmem:v4+s23+$0x0], $0xffff;
	[tilespmem:s10+$0xFFFFFFF0] =	vst v3;
	v3 =	vmul.f32 v10, v1  }
0x121: {  	v50 =	vld [tilespmem:s0+$0x20];
	v2 =	vmul.f32 v13, v1;
	[tilespmem:s30+$0x50] =	vst v48  }
0x122: {  	v51 =	vld [tilespmem:s0+$0x30];
	[tilespmem:s30+$0x40] =	vst v3;
	v3 =	vmul.f32 v45, v1  }
0x123: {  	v62 =	vld [tilespmem:s0+$0x60];
	[tilespmem:s30+$0x60] =	vst v2;
	v52 =	vmul.f32 v47, v46  }
0x124: {  	v6 =	vld.idx.msk [tilespmem:v6+s23+$0x0], $0xffff;
	v53 =	vmul.f32 v49, v46;
	[tilespmem:s30+$0x70] =	vst v3  }
0x125: {  	v2 =	vld [tilespmem:s0+$0xFFFFFF80];
	[tilespmem:s0+$0x0] =	vst v52  }
0x126: {  	v54 =	vmul.f32 v50, v46;
	v3 =	vld [tilespmem:s0+$0xFFFFFF90];
	[tilespmem:s0+$0x10] =	vst v53  }
0x127: {  	v56 =	vmul.f32 v51, v46;
	[tilespmem:s10+$0x10] =	vst v1;
	v1 =	vld [tilespmem:s0+$0xFFFFFFA0]  }
0x128: {  	v55 =	vld [tilespmem:s0+$0xFFFFFFC0];
	v63 =	vmul.f32 v62, v4;
	[tilespmem:s0+$0x20] =	vst v54  }
0x129: {  	v57 =	vld [tilespmem:s0+$0xFFFFFFD0];
	[tilespmem:s0+$0x30] =	vst v56  }
0x12a: {  	s2 =	sadd.s32 $0x40, s10;
	v58 =	vld [tilespmem:s0+$0xFFFFFFE0];
	[tilespmem:s0+$0x60] =	vst v63;
	v2 =	vmul.f32 v2, v5  }
0x12b: {  	v59 =	vld [tilespmem:s0+$0xFFFFFFF0];
	[tilespmem:s2+$0x0] =	vst v46;
	v3 =	vmul.f32 v3, v5  }
0x12c: {  	[tilespmem:s0+$0xFFFFFF80] =	vst v2;
	v2 =	vld [tilespmem:s0+$0xFFFFFFB0];
	v1 =	vmul.f32 v1, v5  }
0x12d: {  	[tilespmem:s0+$0xFFFFFF90] =	vst v3;
	v3 =	vmul.f32 v55, v6  }
0x12e: {  	[tilespmem:s0+$0xFFFFFFA0] =	vst v1;
	v1 =	vmul.f32 v57, v6  }
0x12f: {  	v60 =	vld [tilespmem:s0+$0x40];
	[tilespmem:s0+$0xFFFFFFC0] =	vst v3;
	v3 =	vmul.f32 v58, v6  }
0x130: {  	v61 =	vld [tilespmem:s0+$0x50];
	[tilespmem:s0+$0xFFFFFFD0] =	vst v1;
	v1 =	vmul.f32 v59, v6  }
0x131: {  	v2 =	vmul.f32 v2, v5;
	[tilespmem:s0+$0xFFFFFFE0] =	vst v3;
	v3 =	vld [tilespmem:s0+$0x70]  }
0x132: {  	[tilespmem:s0+$0xFFFFFFF0] =	vst v1  }
0x133: {  	[tilespmem:s0+$0xFFFFFFB0] =	vst v2  }
0x134: {  	v1 =	vmul.f32 v60, v4;
	[tilespmem:s2+$0xFFFFFFF0] =	vst v6  }
0x135: {  	v2 =	vmul.f32 v61, v4;
	[tilespmem:s2+$0xFFFFFFE0] =	vst v5  }
0x136: {  	[tilespmem:s0+$0x40] =	vst v1;
	v1 =	vmul.f32 v3, v4  }
0x137: {  	[tilespmem:s0+$0x50] =	vst v2  }
0x138: {  	[tilespmem:s0+$0x70] =	vst v1  }
0x139: {  	p0 =	sgt.u32 s17, $0x7A;
	[tilespmem:s2+$0x10] =	vst v4  }
0x13a: {  	[spmem:s3] =	stream.indirect.scatter.add.f32 [tilespmem:s22], [sflag:$0x4], $0x40, s18, s16, $0xb8;
	[tilespmem:$0x116C0] =	vst v63  }
0x13b: {  	s0 =	simm.s32 @!p0 $0x2  }
0x13c: {  	[spmem:s4] =	stream.indirect.scatter.add.f32 [tilespmem:s12], [sflag:$0x4], $0x10, s18, s16, $0xb8;
	[tilespmem:$0x116C0] =	vst v63  }
0x13d: {  	_ =	swait.ge @!p0 [sflag:s0], $0x1400  }
0x13e: {  	s2 =	smul.u32 @!p0 $0x50, s17;
	[sflag:s0] =	ssyncset.done @!p0 $0x0  }
0x13f: {  	[sflag:s0] =	ssyncadd.s32 @!p0 $0xFFFFEC00  }
0x140: {  	s2 =	sadd.s32 @!p0 s2, s31;
	_ =	swait.ge @!p0 [sflag:s0], $0x500  }
0x141: {  	s2 =	sshrl.u32 @!p0 s2, $0x3;
	[sflag:s0] =	ssyncset.done @!p0 $0x0  }
0x142: {  	s10 =	simm.s32 @!p0 $0x0;
	[sflag:s0] =	ssyncadd.s32 @!p0 $0xFFFFFB00;
	s0 =	sadd.s32 @!p0 s6, s2  }
0x143: {  	[tilespmem:s10], [sflag:$0x1] =	stream.linear.gather @!p0 [hbm4b:s0+s10], $0x50, $0x38;
	[tilespmem:$0x116C0] =	vst v63  }
0x144: {  	s0 =	sadd.s32 @!p0 s7, s2;
	s2 =	simm.s32 @!p0 $0x50  }
0x145: {  	[tilespmem:s2], [sflag:$0x1] =	stream.linear.gather @!p0 [hbm4b:s0+s10], $0x50, $0x38;
	[tilespmem:$0x116C0] =	vst v63  }
0x146: {  	s0 =	simm.s32 @!p0 $0x1  }
0x147: {  	_ =	swait.ge @!p0 [sflag:s0], $0x50  }
0x148: {  	[sflag:s0] =	ssyncset.done @!p0 $0x0  }
0x149: {  	[sflag:s0] =	ssyncadd.s32 @!p0 $0xFFFFFFB0  }
0x14a: {  	_ =	swait.ge @!p0 [sflag:s0], $0x50  }
0x14b: {  	[sflag:s0] =	ssyncset.done @!p0 $0x0  }
0x14c: {  	[sflag:s0] =	ssyncadd.s32 @!p0 $0xFFFFFFB0;
	s0 =	simm.s32 @!p0 $0xA0  }
0x14d: {  	[tilespmem:s0], [sflag:$0x1] =	stream.indirect.gather @!p0 [hbm4b:s1+s2], $0x40, s10, s2, $0xb8;
	[tilespmem:$0x116C0] =	vst v63  }
.Ltmp8:
0x14e: {  	_ = 	snop;
	(pc) =	sbr.rel .LBB2_15-.Ltmp8, $4  }
0x14f: {  	s0 =	simm.s32 @!p0 $0x14A0  }
0x150: {  	[tilespmem:s0], [sflag:$0x1] =	stream.indirect.gather @!p0 [hbm4b:s8+s2], $0x1, s10, s2, $0xb8;
	[tilespmem:$0x116C0] =	vst v63  }
0x151: {  	s0 =	simm.s32 @!p0 $0x14F0  }
0x152: {  	[tilespmem:s0], [sflag:$0x1] =	stream.indirect.gather @!p0 [hbm4b:s9+s2], $0x1, s2, s2, $0xb8;
	[tilespmem:$0x116C0] =	vst v63  }
.LBB2_12:
0x153: {  	_ =	swait.ge [sflag:s24], $0x1400  }
0x154: {  	[sflag:s24] =	ssyncset.done $0x0  }
0x155: {  	[sflag:s24] =	ssyncadd.s32 $0xFFFFEC00  }
0x156: {  	_ =	swait.ge [sflag:s24], $0x50  }
0x157: {  	[sflag:s24] =	ssyncset.done $0x0  }
0x158: {  	[sflag:s24] =	ssyncadd.s32 $0xFFFFFFB0  }
0x159: {  	_ =	swait.ge [sflag:s24], $0x50  }
0x15a: {  	[sflag:s24] =	ssyncset.done $0x0  }
0x15b: {  	[sflag:s24] =	ssyncadd.s32 $0xFFFFFFB0  }
0x15c: {  	v1 =	vld [tilespmem:$0x4920]  }
0x15d: {  	v2 =	vld [tilespmem:$0x4970];
	_ =	sdelay $0x1  }
0x15e: {  	v3 =	vld [tilespmem:$0x4930]  }
0x15f: {  	v4 =	vld [tilespmem:$0x4980]  }
0x160: {  	v5 =	vld [tilespmem:$0x4940]  }
0x161: {  	v6 =	vld [tilespmem:$0x4990];
	v1 =	vadd.f32 v2, v1  }
0x162: {  	v7 =	vld [tilespmem:$0x49A0]  }
0x163: {  	v9 =	vld [tilespmem:$0x4960];
	v8 =	vmul.f32 $2.000000030e-01, v1  }
0x164: {  	v2 =	vld [tilespmem:$0x4950];
	vm0 =	vge.f32 v1, $0.0e+00  }
0x165: {  	v10 =	vld [tilespmem:$0x49B0];
	v3 =	vadd.f32 v4, v3;
	v1 =	vsel vm0, v1, v8  }
0x166: {  	v1 =	vmul.f32 $1.442695020e+00, v1  }
0x167: {  	v5 =	vadd.f32 v6, v5;
	v4 =	vmul.f32 $2.000000030e-01, v3  }
0x168: {  	vm12 =	vge.f32 v3, $0.0e+00;
	(erf) = vpow2.f32 v1  }
0x169: {  	v1 =	vadd.f32 v7, v2;
	v2 =	vsel vm12, v3, v4;
	v3 =	vmul.f32 $2.000000030e-01, v5  }
0x16a: {  	vm13 =	vge.f32 v5, $0.0e+00;
	v4 =	vadd.f32 v10, v9  }
0x16b: {  	v2 =	vmul.f32 $1.442695020e+00, v2;
	v6 =	vmul.f32 $2.000000030e-01, v1;
	v3 =	vsel vm13, v5, v3  }
0x16c: {  	vm14 =	vge.f32 v1, $0.0e+00;
	v5 =	vmul.f32 $2.000000030e-01, v4;
	vm15 =	vge.f32 v4, $0.0e+00  }
0x16d: {  	v3 =	vmul.f32 $1.442695020e+00, v3;
	(erf) = vpow2.f32 v2;
	v1 =	vsel vm14, v1, v6  }
0x16e: {  	v2 =	vsel vm15, v4, v5;
	v1 =	vmul.f32 $1.442695020e+00, v1  }
0x16f: {  	(erf) = vpow2.f32 v3;
	v2 =	vmul.f32 $1.442695020e+00, v2  }
0x170: {  	(erf) = vpow2.f32 v1  }
0x171: {  	(erf) = vpow2.f32 v2;
	_ =	sdelay $0x1  }
0x172: {  	s0 =	simm.s32 $0x0  }
0x173: {  	s2 =	simm.s32 $0x1;
	v1 =	vmov s0  }
0x174: {  	v4 =	vmov s2;
	s2 =	simm.s32 $0x2;
	v1 =	vand.u32 $0xFFFFFFFC, v1;
	v2 =	vpop (erf)  }
0x175: {  	s28 =	simm.s32 $0x3;
	[tilespmem:$0x4920] =	vst v2;
	v2 =	vbroadcast v1, $0x0;
	v1 =	vand.u32 $0xFFFFFFFD, v4;
	v4 =	vmov s2;
	v5 =	vpop (erf)  }
0x176: {  	v3 =	vmov s28;
	[tilespmem:$0x4930] =	vst v5;
	v5 =	vbroadcast v1, $0x0;
	v1 =	vand.u32 $0xFFFFFFFE, v4  }
0x177: {  	v6 =	vpop (erf)  }
0x178: {  	[tilespmem:$0x4940] =	vst v6;
	v6 =	vbroadcast v1, $0x0;
	v4 =	vpop (erf)  }
0x179: {  	[tilespmem:$0x4950] =	vst v4;
	v1 =	vpop (erf)  }
0x17a: {  	[tilespmem:$0x4960] =	vst v1  }
0x17b: {  	v1 =	vld.idx.msk [tilespmem:v3+s25+$0x0], $0xffff  }
0x17c: {  	s11 =	simm.s32 $0x35A0;
	v3 =	vld.idx.msk [tilespmem:v5+s25+$0x0], $0xffff  }
0x17d: {  	v5 =	vld [tilespmem:s11+$0x0]  }
0x17e: {  	v4 =	vld.idx.msk [tilespmem:v6+s25+$0x0], $0xffff  }
0x17f: {  	v6 =	vld [tilespmem:s11+$0x10]  }
0x180: {  	v7 =	vld [tilespmem:s11+$0x20]  }
0x181: {  	v8 =	vld [tilespmem:s11+$0x30]  }
0x182: {  	v2 =	vld.idx.msk [tilespmem:v2+s25+$0x0], $0xffff  }
0x183: {  	v9 =	vld [tilespmem:s11+$0xFFFFFF80];
	v5 =	vmul.f32 v5, v4  }
0x184: {  	s10 =	simm.s32 $0x4;
	v10 =	vld [tilespmem:s11+$0xFFFFFF90];
	v6 =	vmul.f32 v6, v4  }
0x185: {  	v11 =	vld [tilespmem:s11+$0xFFFFFFA0];
	[tilespmem:s11+$0x0] =	vst v5;
	v5 =	vmul.f32 v7, v4;
	v7 =	vmov s10  }
0x186: {  	s28 =	simm.s32 $0x5;
	v12 =	vld [tilespmem:s11+$0xFFFFFFB0];
	[tilespmem:s11+$0x10] =	vst v6;
	v6 =	vmul.f32 v8, v4;
	v7 =	vand.u32 $0xFFFFFFFC, v7  }
0x187: {  	s2 =	simm.s32 $0x6;
	v13 =	vld [tilespmem:s11+$0xFFFFFFC0];
	[tilespmem:s11+$0x20] =	vst v5;
	v5 =	vbroadcast v7, $0x0;
	v7 =	vmov s28  }
0x188: {  	v15 =	vld [tilespmem:s11+$0xFFFFFFD0];
	s10 =	simm.s32 $0x49E0;
	[tilespmem:s11+$0x30] =	vst v6;
	v6 =	vand.u32 $0xFFFFFFFD, v7;
	v7 =	vmov s2  }
0x189: {  	v14 =	vmul.f32 v9, v2;
	v16 =	vmul.f32 v10, v2;
	v8 =	vld [tilespmem:s11+$0xFFFFFFE0];
	s28 =	simm.s32 $0x7;
	[tilespmem:s10+$0x0] =	vst v4;
	v4 =	vand.u32 $0xFFFFFFFE, v7  }
0x18a: {  	v9 =	vld [tilespmem:s11+$0xFFFFFFF0];
	v17 =	vmul.f32 v11, v2;
	v11 =	vbroadcast v4, $0x0;
	v4 =	vmov s28  }
0x18b: {  	v10 =	vld [tilespmem:s11+$0x40];
	[tilespmem:s11+$0xFFFFFF80] =	vst v14;
	v6 =	vbroadcast v6, $0x0  }
0x18c: {  	[tilespmem:s11+$0xFFFFFF90] =	vst v16;
	v14 =	vmul.f32 v13, v3;
	v7 =	vmul.f32 v12, v2;
	v12 =	vld [tilespmem:s11+$0x50]  }
0x18d: {  	s30 =	simm.s32 $0x35A0;
	s0 =	simm.s32 $0x8;
	v15 =	vmul.f32 v15, v3;
	[tilespmem:s11+$0xFFFFFFA0] =	vst v17;
	v13 =	vld [tilespmem:s11+$0x60]  }
.LBB2_13:
0x18e: {  	p0 =	slt.u32 s0, $0x4C;
	[tilespmem:s11+$0xFFFFFFC0] =	vst v14;
	v8 =	vmul.f32 v8, v3;
	v14 =	vld [tilespmem:s11+$0x70]  }
0x18f: {  	v4 =	vld.idx.msk [tilespmem:v4+s25+$0x0], $0xffff;
	[tilespmem:s11+$0xFFFFFFD0] =	vst v15;
	v9 =	vmul.f32 v9, v3  }
0x190: {  	v5 =	vld.idx.msk [tilespmem:v5+s25+$0x0], $0xffff;
	[tilespmem:s11+$0xFFFFFFE0] =	vst v8;
	v8 =	vmul.f32 v10, v1  }
0x191: {  	v6 =	vld.idx.msk [tilespmem:v6+s25+$0x0], $0xffff;
	[tilespmem:s11+$0xFFFFFFF0] =	vst v9;
	v9 =	vmul.f32 v12, v1  }
0x192: {  	s11 =	sadd.s32 $0x100, s11;
	v10 =	vld.idx.msk [tilespmem:v11+s25+$0x0], $0xffff;
	[tilespmem:s10+$0xFFFFFFF0] =	vst v3;
	v3 =	vmul.f32 v13, v1  }
0x193: {  	v11 =	vld [tilespmem:s11+$0x0];
	[tilespmem:s30+$0xFFFFFFB0] =	vst v7;
	v7 =	vmul.f32 v14, v1  }
0x194: {  	v12 =	vld [tilespmem:s11+$0x10];
	[tilespmem:s10+$0xFFFFFFE0] =	vst v2  }
0x195: {  	v13 =	vld [tilespmem:s11+$0x20];
	[tilespmem:s30+$0x40] =	vst v8  }
0x196: {  	v2 =	vmov v5;
	v8 =	vld [tilespmem:s11+$0x30];
	[tilespmem:s30+$0x50] =	vst v9  }
0x197: {  	v5 =	vld [tilespmem:s11+$0xFFFFFF80];
	[tilespmem:s30+$0x60] =	vst v3;
	v3 =	vmov v6  }
0x198: {  	v6 =	vld [tilespmem:s11+$0xFFFFFF90];
	v9 =	vmul.f32 v11, v10;
	[tilespmem:s30+$0x70] =	vst v7;
	s30 =	smov.u32 s11  }
0x199: {  	v7 =	vld [tilespmem:s11+$0xFFFFFFA0];
	v11 =	vmul.f32 v12, v10;
	[tilespmem:s10+$0x10] =	vst v1;
	v1 =	vmov v4  }
0x19a: {  	v12 =	vld [tilespmem:s11+$0xFFFFFFB0];
	[tilespmem:s11+$0x0] =	vst v9;
	v9 =	vmul.f32 v13, v10  }
0x19b: {  	s2 =	sadd.s32 $0x3, s0;
	v4 =	vmov s0;
	v13 =	vld [tilespmem:s11+$0xFFFFFFC0];
	[tilespmem:s11+$0x10] =	vst v11;
	v11 =	vmul.f32 v8, v10  }
0x19c: {  	s28 =	sadd.s32 $0x1, s0;
	v8 =	vand.u32 $0xFFFFFFFC, v4;
	v4 =	vmov s2;
	v14 =	vmul.f32 v5, v2;
	v15 =	vld [tilespmem:s11+$0xFFFFFFD0];
	[tilespmem:s11+$0x20] =	vst v9  }
.Ltmp9:
0x19d: {  	s10 =	sadd.s32 $0x40, s10;
	s2 =	sadd.s32 $0x2, s0;
	v5 =	vbroadcast v8, $0x0;
	v9 =	vmov s28;
	v16 =	vmul.f32 v6, v2;
	v8 =	vld [tilespmem:s11+$0xFFFFFFE0];
	[tilespmem:s11+$0x30] =	vst v11;
	(pc) =	sbr.rel @p0 .LBB2_13-.Ltmp9, $4  }
0x19e: {  	v6 =	vand.u32 $0xFFFFFFFD, v9;
	v11 =	vmov s2;
	v17 =	vmul.f32 v7, v2;
	v9 =	vld [tilespmem:s11+$0xFFFFFFF0];
	[tilespmem:s10+$0x0] =	vst v10  }
0x19f: {  	v6 =	vbroadcast v6, $0x0;
	v11 =	vand.u32 $0xFFFFFFFE, v11;
	[tilespmem:s11+$0xFFFFFF80] =	vst v14;
	v7 =	vmul.f32 v12, v2;
	v10 =	vld [tilespmem:s11+$0x40]  }
0x1a0: {  	v11 =	vbroadcast v11, $0x0;
	[tilespmem:s11+$0xFFFFFF90] =	vst v16;
	v14 =	vmul.f32 v13, v3;
	v12 =	vld [tilespmem:s11+$0x50]  }
0x1a1: {  	s0 =	sadd.s32 $0x4, s0;
	[tilespmem:s11+$0xFFFFFFA0] =	vst v17;
	v15 =	vmul.f32 v15, v3;
	v13 =	vld [tilespmem:s11+$0x60]  }
0x1a2: {  	_ =	sdelay $0x1  }
0x1a3: {  	[tilespmem:s11+$0xFFFFFFC0] =	vst v14  }
0x1a4: {  	v45 =	vld [tilespmem:s11+$0x70];
	[tilespmem:s30+$0xFFFFFFB0] =	vst v7  }
0x1a5: {  	v8 =	vmul.f32 v8, v3;
	v5 =	vld.idx.msk [tilespmem:v5+s25+$0x0], $0xffff;
	[tilespmem:s11+$0xFFFFFFD0] =	vst v15  }
0x1a6: {  	v46 =	vld.idx.msk [tilespmem:v11+s25+$0x0], $0xffff;
	s0 =	sadd.s32 $0x100, s11;
	v9 =	vmul.f32 v9, v3;
	[tilespmem:s10+$0xFFFFFFE0] =	vst v2  }
0x1a7: {  	v47 =	vld [tilespmem:s0+$0x0];
	[tilespmem:s11+$0xFFFFFFE0] =	vst v8  }
0x1a8: {  	v49 =	vld [tilespmem:s0+$0x10];
	[tilespmem:s11+$0xFFFFFFF0] =	vst v9;
	v48 =	vmul.f32 v12, v1  }
0x1a9: {  	v4 =	vld.idx.msk [tilespmem:v4+s25+$0x0], $0xffff;
	[tilespmem:s10+$0xFFFFFFF0] =	vst v3;
	v3 =	vmul.f32 v10, v1  }
0x1aa: {  	v50 =	vld [tilespmem:s0+$0x20];
	v2 =	vmul.f32 v13, v1;
	[tilespmem:s30+$0x50] =	vst v48  }
0x1ab: {  	v51 =	vld [tilespmem:s0+$0x30];
	[tilespmem:s30+$0x40] =	vst v3;
	v3 =	vmul.f32 v45, v1  }
0x1ac: {  	v62 =	vld [tilespmem:s0+$0x60];
	[tilespmem:s30+$0x60] =	vst v2;
	v52 =	vmul.f32 v47, v46  }
0x1ad: {  	v6 =	vld.idx.msk [tilespmem:v6+s25+$0x0], $0xffff;
	v53 =	vmul.f32 v49, v46;
	[tilespmem:s30+$0x70] =	vst v3  }
0x1ae: {  	v2 =	vld [tilespmem:s0+$0xFFFFFF80];
	[tilespmem:s0+$0x0] =	vst v52  }
0x1af: {  	v54 =	vmul.f32 v50, v46;
	v3 =	vld [tilespmem:s0+$0xFFFFFF90];
	[tilespmem:s0+$0x10] =	vst v53  }
0x1b0: {  	v56 =	vmul.f32 v51, v46;
	[tilespmem:s10+$0x10] =	vst v1;
	v1 =	vld [tilespmem:s0+$0xFFFFFFA0]  }
0x1b1: {  	v55 =	vld [tilespmem:s0+$0xFFFFFFC0];
	v63 =	vmul.f32 v62, v4;
	[tilespmem:s0+$0x20] =	vst v54  }
0x1b2: {  	v57 =	vld [tilespmem:s0+$0xFFFFFFD0];
	[tilespmem:s0+$0x30] =	vst v56  }
0x1b3: {  	s2 =	sadd.s32 $0x40, s10;
	v58 =	vld [tilespmem:s0+$0xFFFFFFE0];
	[tilespmem:s0+$0x60] =	vst v63;
	v2 =	vmul.f32 v2, v5  }
0x1b4: {  	v59 =	vld [tilespmem:s0+$0xFFFFFFF0];
	[tilespmem:s2+$0x0] =	vst v46;
	v3 =	vmul.f32 v3, v5  }
0x1b5: {  	[tilespmem:s0+$0xFFFFFF80] =	vst v2;
	v2 =	vld [tilespmem:s0+$0xFFFFFFB0];
	v1 =	vmul.f32 v1, v5  }
0x1b6: {  	[tilespmem:s0+$0xFFFFFF90] =	vst v3;
	v3 =	vmul.f32 v55, v6  }
0x1b7: {  	[tilespmem:s0+$0xFFFFFFA0] =	vst v1;
	v1 =	vmul.f32 v57, v6  }
0x1b8: {  	v60 =	vld [tilespmem:s0+$0x40];
	[tilespmem:s0+$0xFFFFFFC0] =	vst v3;
	v3 =	vmul.f32 v58, v6  }
0x1b9: {  	v61 =	vld [tilespmem:s0+$0x50];
	[tilespmem:s0+$0xFFFFFFD0] =	vst v1;
	v1 =	vmul.f32 v59, v6  }
0x1ba: {  	v2 =	vmul.f32 v2, v5;
	[tilespmem:s0+$0xFFFFFFE0] =	vst v3;
	v3 =	vld [tilespmem:s0+$0x70]  }
0x1bb: {  	[tilespmem:s0+$0xFFFFFFF0] =	vst v1  }
0x1bc: {  	[tilespmem:s0+$0xFFFFFFB0] =	vst v2  }
0x1bd: {  	v1 =	vmul.f32 v60, v4;
	[tilespmem:s2+$0xFFFFFFF0] =	vst v6  }
0x1be: {  	v2 =	vmul.f32 v61, v4;
	[tilespmem:s2+$0xFFFFFFE0] =	vst v5  }
0x1bf: {  	[tilespmem:s0+$0x40] =	vst v1;
	v1 =	vmul.f32 v3, v4  }
0x1c0: {  	p0 =	sgt.u32 s17, $0x7A;
	[tilespmem:s0+$0x50] =	vst v2  }
0x1c1: {  	p1 =	seq.s32 @!p0 s17, $0x0;
	[tilespmem:s0+$0x70] =	vst v1  }
0x1c2: {  	p1 =	por p1, p0;
	s30 =	simm.s32 $0x3520;
	[tilespmem:s2+$0x10] =	vst v4  }
0x1c3: {  	[spmem:s3] =	stream.indirect.scatter.add.f32 [tilespmem:s30], [sflag:$0x6], $0x40, s26, s16, $0xb8;
	[tilespmem:$0x116C0] =	vst v63  }
0x1c4: {  	s0 =	simm.s32 @!p1 $0x4  }
0x1c5: {  	[spmem:s4] =	stream.indirect.scatter.add.f32 [tilespmem:s29], [sflag:$0x6], $0x10, s26, s16, $0xb8;
	[tilespmem:$0x116C0] =	vst v63  }
0x1c6: {  	_ =	swait.ge @!p1 [sflag:s0], $0x1400  }
0x1c7: {  	[sflag:s0] =	ssyncset.done @!p1 $0x0  }
0x1c8: {  	s2 =	smul.u32 @!p0 $0x50, s17;
	[sflag:s0] =	ssyncadd.s32 @!p1 $0xFFFFEC00  }
0x1c9: {  	_ =	swait.ge @!p1 [sflag:s0], $0x500  }
0x1ca: {  	s2 =	sadd.s32 @!p0 s2, s31;
	[sflag:s0] =	ssyncset.done @!p1 $0x0  }
0x1cb: {  	[sflag:s0] =	ssyncadd.s32 @!p1 $0xFFFFFB00;
	s0 =	sshrl.u32 @!p0 s2, $0x3  }
0x1cc: {  	s11 =	simm.s32 @!p0 $0x1A40;
	s10 =	simm.s32 @!p0 $0x0;
	s2 =	sadd.s32 @!p0 s6, s0  }
0x1cd: {  	[tilespmem:s11], [sflag:$0x3] =	stream.linear.gather @!p0 [hbm4b:s2+s10], $0x50, $0x38;
	[tilespmem:$0x116C0] =	vst v63  }
0x1ce: {  	s0 =	sadd.s32 @!p0 s7, s0;
	s2 =	simm.s32 @!p0 $0x1A90  }
0x1cf: {  	[tilespmem:s2], [sflag:$0x3] =	stream.linear.gather @!p0 [hbm4b:s0+s10], $0x50, $0x38;
	[tilespmem:$0x116C0] =	vst v63  }
0x1d0: {  	s0 =	simm.s32 @!p0 $0x3  }
0x1d1: {  	_ =	swait.ge @!p0 [sflag:s0], $0x50  }
0x1d2: {  	[sflag:s0] =	ssyncset.done @!p0 $0x0  }
0x1d3: {  	[sflag:s0] =	ssyncadd.s32 @!p0 $0xFFFFFFB0  }
0x1d4: {  	_ =	swait.ge @!p0 [sflag:s0], $0x50  }
0x1d5: {  	[sflag:s0] =	ssyncset.done @!p0 $0x0  }
0x1d6: {  	s10 =	simm.s32 @!p0 $0x1AE0;
	[sflag:s0] =	ssyncadd.s32 @!p0 $0xFFFFFFB0;
	s0 =	simm.s32 @!p0 $0x50  }
0x1d7: {  	[tilespmem:s10], [sflag:$0x3] =	stream.indirect.gather @!p0 [hbm4b:s1+s0], $0x40, s11, s0, $0xb8;
	[tilespmem:$0x116C0] =	vst v63  }
.Ltmp10:
0x1d8: {  	_ = 	snop;
	(pc) =	sbr.rel .LBB2_15-.Ltmp10, $4  }
0x1d9: {  	s10 =	simm.s32 @!p0 $0x2EE0  }
0x1da: {  	[tilespmem:s10], [sflag:$0x3] =	stream.indirect.gather @!p0 [hbm4b:s8+s0], $0x1, s11, s0, $0xb8;
	[tilespmem:$0x116C0] =	vst v63  }
0x1db: {  	s10 =	simm.s32 @!p0 $0x2F30  }
0x1dc: {  	[tilespmem:s10], [sflag:$0x3] =	stream.indirect.gather @!p0 [hbm4b:s9+s0], $0x1, s2, s0, $0xb8;
	[tilespmem:$0x116C0] =	vst v63  }
.LBB2_6:
0x1dd: {  	_ =	swait.ge [sflag:s19], $0x1400  }
0x1de: {  	[sflag:s19] =	ssyncset.done $0x0  }
0x1df: {  	[sflag:s19] =	ssyncadd.s32 $0xFFFFEC00  }
0x1e0: {  	_ =	swait.ge [sflag:s19], $0x50  }
0x1e1: {  	[sflag:s19] =	ssyncset.done $0x0  }
0x1e2: {  	[sflag:s19] =	ssyncadd.s32 $0xFFFFFFB0  }
0x1e3: {  	_ =	swait.ge [sflag:s19], $0x50  }
0x1e4: {  	[sflag:s19] =	ssyncset.done $0x0  }
0x1e5: {  	[sflag:s19] =	ssyncadd.s32 $0xFFFFFFB0  }
0x1e6: {  	v1 =	vld [tilespmem:$0x14A0]  }
0x1e7: {  	v2 =	vld [tilespmem:$0x14F0];
	_ =	sdelay $0x1  }
0x1e8: {  	v3 =	vld [tilespmem:$0x14B0]  }
0x1e9: {  	v4 =	vld [tilespmem:$0x1500]  }
0x1ea: {  	v5 =	vld [tilespmem:$0x14C0]  }
0x1eb: {  	v6 =	vld [tilespmem:$0x1510];
	v1 =	vadd.f32 v2, v1  }
0x1ec: {  	v7 =	vld [tilespmem:$0x1520]  }
0x1ed: {  	v9 =	vld [tilespmem:$0x14E0];
	v8 =	vmul.f32 $2.000000030e-01, v1  }
0x1ee: {  	v2 =	vld [tilespmem:$0x14D0];
	vm0 =	vge.f32 v1, $0.0e+00  }
0x1ef: {  	v10 =	vld [tilespmem:$0x1530];
	v3 =	vadd.f32 v4, v3;
	v1 =	vsel vm0, v1, v8  }
0x1f0: {  	v1 =	vmul.f32 $1.442695020e+00, v1  }
0x1f1: {  	v5 =	vadd.f32 v6, v5;
	v4 =	vmul.f32 $2.000000030e-01, v3  }
0x1f2: {  	vm12 =	vge.f32 v3, $0.0e+00;
	(erf) = vpow2.f32 v1  }
0x1f3: {  	v1 =	vadd.f32 v7, v2;
	v2 =	vsel vm12, v3, v4;
	v3 =	vmul.f32 $2.000000030e-01, v5  }
0x1f4: {  	vm13 =	vge.f32 v5, $0.0e+00;
	v4 =	vadd.f32 v10, v9  }
0x1f5: {  	v2 =	vmul.f32 $1.442695020e+00, v2;
	v6 =	vmul.f32 $2.000000030e-01, v1;
	v3 =	vsel vm13, v5, v3  }
0x1f6: {  	vm14 =	vge.f32 v1, $0.0e+00;
	v5 =	vmul.f32 $2.000000030e-01, v4;
	vm15 =	vge.f32 v4, $0.0e+00  }
0x1f7: {  	v3 =	vmul.f32 $1.442695020e+00, v3;
	(erf) = vpow2.f32 v2;
	v1 =	vsel vm14, v1, v6  }
0x1f8: {  	v2 =	vsel vm15, v4, v5;
	v1 =	vmul.f32 $1.442695020e+00, v1  }
0x1f9: {  	(erf) = vpow2.f32 v3;
	v2 =	vmul.f32 $1.442695020e+00, v2  }
0x1fa: {  	(erf) = vpow2.f32 v1  }
0x1fb: {  	(erf) = vpow2.f32 v2;
	_ =	sdelay $0x1  }
0x1fc: {  	s0 =	simm.s32 $0x0  }
0x1fd: {  	s10 =	simm.s32 $0x1;
	v1 =	vmov s0  }
0x1fe: {  	s2 =	simm.s32 $0x2;
	v4 =	vmov s10;
	v1 =	vand.u32 $0xFFFFFFFC, v1;
	v2 =	vpop (erf)  }
0x1ff: {  	s28 =	simm.s32 $0x3;
	[tilespmem:$0x14A0] =	vst v2;
	v2 =	vbroadcast v1, $0x0;
	v1 =	vand.u32 $0xFFFFFFFD, v4;
	v4 =	vmov s2;
	v5 =	vpop (erf)  }
0x200: {  	v3 =	vmov s28;
	[tilespmem:$0x14B0] =	vst v5;
	v5 =	vbroadcast v1, $0x0;
	v1 =	vand.u32 $0xFFFFFFFE, v4  }
0x201: {  	v6 =	vpop (erf)  }
0x202: {  	[tilespmem:$0x14C0] =	vst v6;
	v6 =	vbroadcast v1, $0x0;
	v4 =	vpop (erf)  }
0x203: {  	[tilespmem:$0x14D0] =	vst v4;
	v1 =	vpop (erf)  }
0x204: {  	[tilespmem:$0x14E0] =	vst v1  }
0x205: {  	v1 =	vld.idx.msk [tilespmem:v3+s20+$0x0], $0xffff  }
0x206: {  	s11 =	simm.s32 $0x120;
	v3 =	vld.idx.msk [tilespmem:v5+s20+$0x0], $0xffff  }
0x207: {  	v5 =	vld [tilespmem:s11+$0x0]  }
0x208: {  	v4 =	vld.idx.msk [tilespmem:v6+s20+$0x0], $0xffff  }
0x209: {  	v6 =	vld [tilespmem:s11+$0x10]  }
0x20a: {  	v7 =	vld [tilespmem:s11+$0x20]  }
0x20b: {  	v8 =	vld [tilespmem:s11+$0x30]  }
0x20c: {  	v2 =	vld.idx.msk [tilespmem:v2+s20+$0x0], $0xffff  }
0x20d: {  	v9 =	vld [tilespmem:s11+$0xFFFFFF80];
	v5 =	vmul.f32 v5, v4  }
0x20e: {  	s10 =	simm.s32 $0x4;
	v10 =	vld [tilespmem:s11+$0xFFFFFF90];
	v6 =	vmul.f32 v6, v4  }
0x20f: {  	v11 =	vld [tilespmem:s11+$0xFFFFFFA0];
	[tilespmem:s11+$0x0] =	vst v5;
	v5 =	vmul.f32 v7, v4;
	v7 =	vmov s10  }
0x210: {  	s28 =	simm.s32 $0x5;
	v12 =	vld [tilespmem:s11+$0xFFFFFFB0];
	[tilespmem:s11+$0x10] =	vst v6;
	v6 =	vmul.f32 v8, v4;
	v7 =	vand.u32 $0xFFFFFFFC, v7  }
0x211: {  	s2 =	simm.s32 $0x6;
	v13 =	vld [tilespmem:s11+$0xFFFFFFC0];
	[tilespmem:s11+$0x20] =	vst v5;
	v5 =	vbroadcast v7, $0x0;
	v7 =	vmov s28  }
0x212: {  	v15 =	vld [tilespmem:s11+$0xFFFFFFD0];
	s10 =	simm.s32 $0x1560;
	[tilespmem:s11+$0x30] =	vst v6;
	v6 =	vand.u32 $0xFFFFFFFD, v7;
	v7 =	vmov s2  }
0x213: {  	v14 =	vmul.f32 v9, v2;
	v16 =	vmul.f32 v10, v2;
	v8 =	vld [tilespmem:s11+$0xFFFFFFE0];
	s28 =	simm.s32 $0x7;
	[tilespmem:s10+$0x0] =	vst v4;
	v4 =	vand.u32 $0xFFFFFFFE, v7  }
0x214: {  	v9 =	vld [tilespmem:s11+$0xFFFFFFF0];
	v17 =	vmul.f32 v11, v2;
	v11 =	vbroadcast v4, $0x0;
	v4 =	vmov s28  }
0x215: {  	v10 =	vld [tilespmem:s11+$0x40];
	[tilespmem:s11+$0xFFFFFF80] =	vst v14;
	v6 =	vbroadcast v6, $0x0  }
0x216: {  	[tilespmem:s11+$0xFFFFFF90] =	vst v16;
	v14 =	vmul.f32 v13, v3;
	v7 =	vmul.f32 v12, v2;
	v12 =	vld [tilespmem:s11+$0x50]  }
0x217: {  	s30 =	simm.s32 $0x120;
	s0 =	simm.s32 $0x8;
	v15 =	vmul.f32 v15, v3;
	[tilespmem:s11+$0xFFFFFFA0] =	vst v17;
	v13 =	vld [tilespmem:s11+$0x60]  }
.LBB2_7:
0x218: {  	p0 =	slt.u32 s0, $0x4C;
	[tilespmem:s11+$0xFFFFFFC0] =	vst v14;
	v8 =	vmul.f32 v8, v3;
	v14 =	vld [tilespmem:s11+$0x70]  }
0x219: {  	v4 =	vld.idx.msk [tilespmem:v4+s20+$0x0], $0xffff;
	[tilespmem:s11+$0xFFFFFFD0] =	vst v15;
	v9 =	vmul.f32 v9, v3  }
0x21a: {  	v5 =	vld.idx.msk [tilespmem:v5+s20+$0x0], $0xffff;
	[tilespmem:s11+$0xFFFFFFE0] =	vst v8;
	v8 =	vmul.f32 v10, v1  }
0x21b: {  	v6 =	vld.idx.msk [tilespmem:v6+s20+$0x0], $0xffff;
	[tilespmem:s11+$0xFFFFFFF0] =	vst v9;
	v9 =	vmul.f32 v12, v1  }
0x21c: {  	s11 =	sadd.s32 $0x100, s11;
	v10 =	vld.idx.msk [tilespmem:v11+s20+$0x0], $0xffff;
	[tilespmem:s10+$0xFFFFFFF0] =	vst v3;
	v3 =	vmul.f32 v13, v1  }
0x21d: {  	v11 =	vld [tilespmem:s11+$0x0];
	[tilespmem:s30+$0xFFFFFFB0] =	vst v7;
	v7 =	vmul.f32 v14, v1  }
0x21e: {  	v12 =	vld [tilespmem:s11+$0x10];
	[tilespmem:s10+$0xFFFFFFE0] =	vst v2  }
0x21f: {  	v13 =	vld [tilespmem:s11+$0x20];
	[tilespmem:s30+$0x40] =	vst v8  }
0x220: {  	v2 =	vmov v5;
	v8 =	vld [tilespmem:s11+$0x30];
	[tilespmem:s30+$0x50] =	vst v9  }
0x221: {  	v5 =	vld [tilespmem:s11+$0xFFFFFF80];
	[tilespmem:s30+$0x60] =	vst v3;
	v3 =	vmov v6  }
0x222: {  	v6 =	vld [tilespmem:s11+$0xFFFFFF90];
	v9 =	vmul.f32 v11, v10;
	[tilespmem:s30+$0x70] =	vst v7;
	s30 =	smov.u32 s11  }
0x223: {  	v7 =	vld [tilespmem:s11+$0xFFFFFFA0];
	v11 =	vmul.f32 v12, v10;
	[tilespmem:s10+$0x10] =	vst v1;
	v1 =	vmov v4  }
0x224: {  	v12 =	vld [tilespmem:s11+$0xFFFFFFB0];
	[tilespmem:s11+$0x0] =	vst v9;
	v9 =	vmul.f32 v13, v10  }
0x225: {  	s2 =	sadd.s32 $0x3, s0;
	v4 =	vmov s0;
	v13 =	vld [tilespmem:s11+$0xFFFFFFC0];
	[tilespmem:s11+$0x10] =	vst v11;
	v11 =	vmul.f32 v8, v10  }
0x226: {  	s28 =	sadd.s32 $0x1, s0;
	v8 =	vand.u32 $0xFFFFFFFC, v4;
	v4 =	vmov s2;
	v14 =	vmul.f32 v5, v2;
	v15 =	vld [tilespmem:s11+$0xFFFFFFD0];
	[tilespmem:s11+$0x20] =	vst v9  }
.Ltmp11:
0x227: {  	s10 =	sadd.s32 $0x40, s10;
	s2 =	sadd.s32 $0x2, s0;
	v5 =	vbroadcast v8, $0x0;
	v9 =	vmov s28;
	v16 =	vmul.f32 v6, v2;
	v8 =	vld [tilespmem:s11+$0xFFFFFFE0];
	[tilespmem:s11+$0x30] =	vst v11;
	(pc) =	sbr.rel @p0 .LBB2_7-.Ltmp11, $4  }
0x228: {  	v6 =	vand.u32 $0xFFFFFFFD, v9;
	v11 =	vmov s2;
	v17 =	vmul.f32 v7, v2;
	v9 =	vld [tilespmem:s11+$0xFFFFFFF0];
	[tilespmem:s10+$0x0] =	vst v10  }
0x229: {  	v6 =	vbroadcast v6, $0x0;
	v11 =	vand.u32 $0xFFFFFFFE, v11;
	[tilespmem:s11+$0xFFFFFF80] =	vst v14;
	v7 =	vmul.f32 v12, v2;
	v10 =	vld [tilespmem:s11+$0x40]  }
0x22a: {  	v11 =	vbroadcast v11, $0x0;
	[tilespmem:s11+$0xFFFFFF90] =	vst v16;
	v14 =	vmul.f32 v13, v3;
	v12 =	vld [tilespmem:s11+$0x50]  }
0x22b: {  	s0 =	sadd.s32 $0x4, s0;
	[tilespmem:s11+$0xFFFFFFA0] =	vst v17;
	v15 =	vmul.f32 v15, v3;
	v13 =	vld [tilespmem:s11+$0x60]  }
0x22c: {  	_ =	sdelay $0x1  }
0x22d: {  	[tilespmem:s11+$0xFFFFFFC0] =	vst v14  }
0x22e: {  	v45 =	vld [tilespmem:s11+$0x70];
	[tilespmem:s30+$0xFFFFFFB0] =	vst v7  }
0x22f: {  	v8 =	vmul.f32 v8, v3;
	v5 =	vld.idx.msk [tilespmem:v5+s20+$0x0], $0xffff;
	[tilespmem:s11+$0xFFFFFFD0] =	vst v15  }
0x230: {  	v46 =	vld.idx.msk [tilespmem:v11+s20+$0x0], $0xffff;
	s0 =	sadd.s32 $0x100, s11;
	v9 =	vmul.f32 v9, v3;
	[tilespmem:s10+$0xFFFFFFE0] =	vst v2  }
0x231: {  	v47 =	vld [tilespmem:s0+$0x0];
	[tilespmem:s11+$0xFFFFFFE0] =	vst v8  }
0x232: {  	v49 =	vld [tilespmem:s0+$0x10];
	[tilespmem:s11+$0xFFFFFFF0] =	vst v9;
	v48 =	vmul.f32 v12, v1  }
0x233: {  	v4 =	vld.idx.msk [tilespmem:v4+s20+$0x0], $0xffff;
	[tilespmem:s10+$0xFFFFFFF0] =	vst v3;
	v3 =	vmul.f32 v10, v1  }
0x234: {  	v50 =	vld [tilespmem:s0+$0x20];
	v2 =	vmul.f32 v13, v1;
	[tilespmem:s30+$0x50] =	vst v48  }
0x235: {  	v51 =	vld [tilespmem:s0+$0x30];
	[tilespmem:s30+$0x40] =	vst v3;
	v3 =	vmul.f32 v45, v1  }
0x236: {  	v62 =	vld [tilespmem:s0+$0x60];
	[tilespmem:s30+$0x60] =	vst v2;
	v52 =	vmul.f32 v47, v46  }
0x237: {  	v6 =	vld.idx.msk [tilespmem:v6+s20+$0x0], $0xffff;
	v53 =	vmul.f32 v49, v46;
	[tilespmem:s30+$0x70] =	vst v3  }
0x238: {  	v2 =	vld [tilespmem:s0+$0xFFFFFF80];
	[tilespmem:s0+$0x0] =	vst v52  }
0x239: {  	v54 =	vmul.f32 v50, v46;
	v3 =	vld [tilespmem:s0+$0xFFFFFF90];
	[tilespmem:s0+$0x10] =	vst v53  }
0x23a: {  	v56 =	vmul.f32 v51, v46;
	[tilespmem:s10+$0x10] =	vst v1;
	v1 =	vld [tilespmem:s0+$0xFFFFFFA0]  }
0x23b: {  	v55 =	vld [tilespmem:s0+$0xFFFFFFC0];
	v63 =	vmul.f32 v62, v4;
	[tilespmem:s0+$0x20] =	vst v54  }
0x23c: {  	v57 =	vld [tilespmem:s0+$0xFFFFFFD0];
	[tilespmem:s0+$0x30] =	vst v56  }
0x23d: {  	s2 =	sadd.s32 $0x40, s10;
	v58 =	vld [tilespmem:s0+$0xFFFFFFE0];
	[tilespmem:s0+$0x60] =	vst v63;
	v2 =	vmul.f32 v2, v5  }
0x23e: {  	v59 =	vld [tilespmem:s0+$0xFFFFFFF0];
	[tilespmem:s2+$0x0] =	vst v46;
	v3 =	vmul.f32 v3, v5  }
0x23f: {  	[tilespmem:s0+$0xFFFFFF80] =	vst v2;
	v2 =	vld [tilespmem:s0+$0xFFFFFFB0];
	v1 =	vmul.f32 v1, v5  }
0x240: {  	[tilespmem:s0+$0xFFFFFF90] =	vst v3;
	v3 =	vmul.f32 v55, v6  }
0x241: {  	[tilespmem:s0+$0xFFFFFFA0] =	vst v1;
	v1 =	vmul.f32 v57, v6  }
0x242: {  	v60 =	vld [tilespmem:s0+$0x40];
	[tilespmem:s0+$0xFFFFFFC0] =	vst v3;
	v3 =	vmul.f32 v58, v6  }
0x243: {  	v61 =	vld [tilespmem:s0+$0x50];
	[tilespmem:s0+$0xFFFFFFD0] =	vst v1;
	v1 =	vmul.f32 v59, v6  }
0x244: {  	v2 =	vmul.f32 v2, v5;
	[tilespmem:s0+$0xFFFFFFE0] =	vst v3;
	v3 =	vld [tilespmem:s0+$0x70]  }
0x245: {  	[tilespmem:s0+$0xFFFFFFF0] =	vst v1  }
0x246: {  	[tilespmem:s0+$0xFFFFFFB0] =	vst v2  }
0x247: {  	v1 =	vmul.f32 v60, v4;
	[tilespmem:s2+$0xFFFFFFF0] =	vst v6  }
0x248: {  	v2 =	vmul.f32 v61, v4;
	[tilespmem:s2+$0xFFFFFFE0] =	vst v5  }
0x249: {  	[tilespmem:s0+$0x40] =	vst v1;
	v1 =	vmul.f32 v3, v4  }
0x24a: {  	p0 =	sgt.u32 s17, $0x7A;
	[tilespmem:s0+$0x50] =	vst v2  }
0x24b: {  	p1 =	seq.s32 @!p0 s17, $0x0;
	[tilespmem:s0+$0x70] =	vst v1  }
0x24c: {  	p1 =	por p1, p0;
	[tilespmem:s2+$0x10] =	vst v4  }
0x24d: {  	[spmem:s3] =	stream.indirect.scatter.add.f32 [tilespmem:s13], [sflag:$0x2], $0x40, s16, s16, $0xb8;
	[tilespmem:$0x116C0] =	vst v63  }
0x24e: {  	s0 =	simm.s32 @!p1 $0x6  }
0x24f: {  	[spmem:s4] =	stream.indirect.scatter.add.f32 [tilespmem:s15], [sflag:$0x2], $0x10, s16, s16, $0xb8;
	[tilespmem:$0x116C0] =	vst v63  }
0x250: {  	_ =	swait.ge @!p1 [sflag:s0], $0x1400  }
0x251: {  	[sflag:s0] =	ssyncset.done @!p1 $0x0  }
0x252: {  	s2 =	smul.u32 @!p0 $0x50, s17;
	[sflag:s0] =	ssyncadd.s32 @!p1 $0xFFFFEC00  }
0x253: {  	_ =	swait.ge @!p1 [sflag:s0], $0x500  }
0x254: {  	s2 =	sadd.s32 @!p0 s2, s31;
	[sflag:s0] =	ssyncset.done @!p1 $0x0  }
0x255: {  	[sflag:s0] =	ssyncadd.s32 @!p1 $0xFFFFFB00;
	s0 =	sshrl.u32 @!p0 s2, $0x3  }
0x256: {  	s11 =	simm.s32 @!p0 $0x3480;
	s10 =	simm.s32 @!p0 $0x0;
	s2 =	sadd.s32 @!p0 s6, s0  }
0x257: {  	[tilespmem:s11], [sflag:$0x5] =	stream.linear.gather @!p0 [hbm4b:s2+s10], $0x50, $0x38;
	[tilespmem:$0x116C0] =	vst v63  }
0x258: {  	s0 =	sadd.s32 @!p0 s7, s0;
	s2 =	simm.s32 @!p0 $0x34D0  }
0x259: {  	[tilespmem:s2], [sflag:$0x5] =	stream.linear.gather @!p0 [hbm4b:s0+s10], $0x50, $0x38;
	[tilespmem:$0x116C0] =	vst v63  }
0x25a: {  	s0 =	simm.s32 @!p0 $0x5  }
0x25b: {  	_ =	swait.ge @!p0 [sflag:s0], $0x50  }
0x25c: {  	[sflag:s0] =	ssyncset.done @!p0 $0x0  }
0x25d: {  	[sflag:s0] =	ssyncadd.s32 @!p0 $0xFFFFFFB0  }
0x25e: {  	_ =	swait.ge @!p0 [sflag:s0], $0x50  }
0x25f: {  	[sflag:s0] =	ssyncset.done @!p0 $0x0  }
0x260: {  	s10 =	simm.s32 @!p0 $0x3520;
	[sflag:s0] =	ssyncadd.s32 @!p0 $0xFFFFFFB0;
	s0 =	simm.s32 @!p0 $0x50  }
0x261: {  	[tilespmem:s10], [sflag:$0x5] =	stream.indirect.gather @!p0 [hbm4b:s1+s0], $0x40, s11, s0, $0xb8;
	[tilespmem:$0x116C0] =	vst v63  }
.Ltmp12:
0x262: {  	_ = 	snop;
	(pc) =	sbr.rel .LBB2_15-.Ltmp12, $4  }
0x263: {  	s10 =	simm.s32 @!p0 $0x4920  }
0x264: {  	[tilespmem:s10], [sflag:$0x5] =	stream.indirect.gather @!p0 [hbm4b:s8+s0], $0x1, s11, s0, $0xb8;
	[tilespmem:$0x116C0] =	vst v63  }
0x265: {  	s10 =	simm.s32 @!p0 $0x4970  }
0x266: {  	[tilespmem:s10], [sflag:$0x5] =	stream.indirect.gather @!p0 [hbm4b:s9+s0], $0x1, s2, s0, $0xb8;
	[tilespmem:$0x116C0] =	vst v63  }
.LBB2_17:
0x267: {  	_ =	sfence.sel $0x180000  }
0x268: {  	[bflag:$0x0] =	sbarrier.arrive $0xFFFF  }
0x269: {  	_ =	strace $0x9000004A  }
0x26a: {  	s0 =	stileid.u32;
	[bflag:$0x2] =	sbarrier.arrive $0xFFFF  }
0x26b: {  	p0 =	sne.s32 s0, $0x0;
	s0 =	rddreg [dreg:$0x4]  }
0x26c: {  	s0 =	sadd.s32 @!p0 $0x100000, s0  }
0x26d: {  	[sflag:s0] =	ssyncadd.tile.s32 @!p0 $0x1;
	_ =	shalt  }
.Lfunc_end2:
_tile_overlayer_lowered:
.L_overlay_start_2:
0x26e: {  	(tag) =	ssettag $0x2  }
0x26f: {  	s0 =	rddreg [dreg:$0x0];
	s2 =	stileid.u32  }
0x270: {  	s1 =	rddreg [dreg:$0x1];
	p0 =	sne.s32 s2, $0x0  }
0x271: {  	s3 =	rddreg [dreg:$0x2];
	[bflag:$0x3] =	sbarrier.arrive $0xFFFF;
	s2 =	simm.s32 @!p0 $0x1C07  }
0x272: {  	[timem:s3], [sflag:s2] =	dma.local @!p0 [hbm:s0], s1  }
0x273: {  	s0 =	simm.s32 @!p0 $0x7  }
0x274: {  	_ =	swait.ge @!p0 [sflag:s0], s1  }
0x275: {  	s1 =	ssub.s32 @!p0 $0x0, s1;
	[sflag:s0] =	ssyncset.done @!p0 $0x0  }
0x276: {  	[sflag:s0] =	ssyncadd.s32 @!p0 s1  }
0x277: {  	[bflag:$0x3] =	sbarrier.arrive $0xFFFF  }
0x278: {  	_ =	shalt  }

// kernel: kernel.7.cloned.1.call-start
scs
__scs_entry_jumppad:
0x0: {  	(pc) =	sbr.rel $0x88, $3  }
0x1: {  	(tag) =	ssettag $0x0;
	lr =	simm.s32 $0x1  }
0x2: {  	[smem:$0x3F95] =	sst lr;
	_ =	strace $0xD0000000  }
0x3: {  	_ = 	snop  }
0x4: {  	_ = 	snop  }
0x5: {  	_ = 	snop  }
0x6: {  	_ = 	snop  }
0x7: {  	_ = 	snop  }
__scs_overlays_trampoline_lowered:
0x8: {  	[smem:$0x3FA4] =	sst s0  }
0x9: {  	[smem:$0x3FA5] =	sst s1  }
0xa: {  	[smem:$0x3FA6] =	sst s2  }
0xb: {  	[smem:$0x3FA7] =	sst s3  }
0xc: {  	[smem:$0x3FA8] =	sst s4  }
0xd: {  	[smem:$0x3FA9] =	sst s5  }
0xe: {  	[smem:$0x3FAA] =	sst s6  }
0xf: {  	[smem:$0x3FAB] =	sst s7  }
0x10: {  	[smem:$0x3FAC] =	sst s8  }
0x11: {  	[smem:$0x3FAD] =	sst s9;
	s0 =	simm.s32 @!p0 $0x0  }
0x12: {  	s1 =	sld [smem:$0x3F93];
	s0 =	simm.s32 @p0 $0x1  }
0x13: {  	[smem:$0x3FAE] =	sst s0;
	s0 =	simm.s32 @!p1 $0x0  }
0x14: {  	s2 =	sld [smem:$0x3F92];
	s0 =	simm.s32 @p1 $0x1  }
0x15: {  	[smem:$0x3FAF] =	sst s0;
	s0 =	simm.s32 @!p2 $0x0  }
0x16: {  	s3 =	sld [smem:$0x3FDB];
	s0 =	simm.s32 @p2 $0x1  }
0x17: {  	s4 =	simm.s32 $0x1BF5;
	[smem:$0x3FB1] =	sst s0  }
0x18: {  	s0 =	sld [smem:$0x3F94];
	_ =	swait.ge [sflag:s4], $0x0  }
0x19: {  	s7 =	sld [smem:$0x3F95]  }
0x1a: {  	s8 =	sadd.s32 $0xFFFFE003, lr  }
0x1b: {  	s9 =	sadd.s32 $0xFFFFFEF7, lr;
	s5 =	simm.s32 $0xFFFFFFFF;
	p2 =	slt.u32 s8, $0xFFFFF086  }
0x1c: {  	p1 =	slt.u32 s9, $0xF7A;
	s5 =	simm.s32 @!p2 $0x0  }
0x1d: {  	s5 =	simm.s32 @p1 $0x1;
	p0 =	seq.s32 s7, s2  }
0x1e: {  	s7 =	smul.u32 @!p0 $0xF7A, s2;
	p2 =	seq.s32 @!p0 s5, $0x0  }
0x1f: {  	s9 =	smul.u32 $0xF7A, s1;
	s8 =	simm.s32 @!p0 $0x1BF5;
	p2 =	por !p2, p0  }
0x20: {  	[sflag:s8] =	ssyncset.s32 @!p0 $0xFFFFF086;
	s6 =	sadd.s32 @!p0 s3, s7;
	s7 =	simm.s32 @!p0 $0x108  }
0x21: {  	s3 =	sadd.s32 s3, s9;
	s6 =	sadd.s32 @!p0 $0x88, s6;
	s7 =	simm.s32 @p2 $0x1082  }
0x22: {  	[simem:s7], [sflag:s8] =	dma.local @!p0 [hbm:s6], $0xF7A  }
0x23: {  	s9 =	sor.u32 $0xD0000000, s2;
	s6 =	simm.s32 $0x108;
	_ =	swait.ge @!p0 [sflag:s8], $0x0  }
0x24: {  	s3 =	sadd.s32 $0x88, s3;
	s6 =	simm.s32 @!p1 $0x1082;
	[sflag:s4] =	ssyncset.s32 $0xFFFFF086  }
0x25: {  	[simem:s6], [sflag:s4] =	dma.local [hbm:s3], $0xF7A  }
0x26: {  	[smem:$0x3F95] =	sst s1;
	(tag) =	ssettag s2;
	_ =	strace s9  }
0x27: {  	s1 =	sld [smem:$0x3FA5]  }
0x28: {  	s2 =	sld [smem:$0x3FA6]  }
0x29: {  	s4 =	sld [smem:$0x3FA8]  }
0x2a: {  	p0 =	seq.s32 s5, $0x0;
	s5 =	sld [smem:$0x3FA9]  }
0x2b: {  	s6 =	sld [smem:$0x3FAA]  }
0x2c: {  	s7 =	sld [smem:$0x3FAB]  }
0x2d: {  	s3 =	simm.s32 $0x108;
	s8 =	sld [smem:$0x3FAC]  }
0x2e: {  	s3 =	simm.s32 @!p0 $0x1082;
	s9 =	sld [smem:$0x3FAD]  }
0x2f: {  	lr =	sadd.s32 s0, s3;
	s0 =	sld [smem:$0x3FA4]  }
0x30: {  	s3 =	sld [smem:$0x3FA7]  }
0x31: {  	[smem:$0x3FB0] =	sst s10  }
0x32: {  	s10 =	sld [smem:$0x3FAE];
	_ =	sdelay $0x3  }
0x33: {  	p0 =	seq.s32 s10, $0x1;
	s10 =	sld [smem:$0x3FB0];
	_ =	sdelay $0x3  }
0x34: {  	[smem:$0x3FB0] =	sst s10  }
0x35: {  	s10 =	sld [smem:$0x3FAF];
	_ =	sdelay $0x3  }
0x36: {  	p1 =	seq.s32 s10, $0x1;
	s10 =	sld [smem:$0x3FB0];
	_ =	sdelay $0x3  }
0x37: {  	[smem:$0x3FB0] =	sst s10  }
0x38: {  	s10 =	sld [smem:$0x3FB1]  }
0x39: {  	_ = 	snop;
	(pc) =	sbr.ind lr, $3  }
0x3a: {  	_ = 	snop  }
0x3b: {  	_ = 	snop  }
0x3c: {  	p2 =	seq.s32 s10, $0x1;
	s10 =	sld [smem:$0x3FB0]  }
0x3d: {  	_ =	shalt  }
0x3e: {  	_ =	shalt  }
0x3f: {  	_ =	shalt  }
0x40: {  	_ =	shalt  }
0x41: {  	_ =	shalt  }
0x42: {  	_ =	shalt  }
0x43: {  	_ =	shalt  }
0x44: {  	_ =	shalt  }
0x45: {  	_ =	shalt  }
0x46: {  	_ =	shalt  }
0x47: {  	_ =	shalt  }
0x48: {  	_ =	shalt  }
0x49: {  	_ =	shalt  }
0x4a: {  	_ =	shalt  }
0x4b: {  	_ =	shalt  }
0x4c: {  	_ =	shalt  }
0x4d: {  	_ =	shalt  }
0x4e: {  	_ =	shalt  }
0x4f: {  	_ =	shalt  }
0x50: {  	_ =	shalt  }
0x51: {  	_ =	shalt  }
0x52: {  	_ =	shalt  }
0x53: {  	_ =	shalt  }
0x54: {  	_ =	shalt  }
0x55: {  	_ =	shalt  }
0x56: {  	_ =	shalt  }
0x57: {  	_ =	shalt  }
0x58: {  	_ =	shalt  }
0x59: {  	_ =	shalt  }
0x5a: {  	_ =	shalt  }
0x5b: {  	_ =	shalt  }
0x5c: {  	_ =	shalt  }
0x5d: {  	_ =	shalt  }
0x5e: {  	_ =	shalt  }
0x5f: {  	_ =	shalt  }
0x60: {  	_ =	shalt  }
0x61: {  	_ =	shalt  }
0x62: {  	_ =	shalt  }
0x63: {  	_ =	shalt  }
0x64: {  	_ =	shalt  }
0x65: {  	_ =	shalt  }
0x66: {  	_ =	shalt  }
0x67: {  	_ =	shalt  }
0x68: {  	_ =	shalt  }
0x69: {  	_ =	shalt  }
0x6a: {  	_ =	shalt  }
0x6b: {  	_ =	shalt  }
0x6c: {  	_ =	shalt  }
0x6d: {  	_ =	shalt  }
0x6e: {  	_ =	shalt  }
0x6f: {  	_ =	shalt  }
0x70: {  	_ =	shalt  }
0x71: {  	_ =	shalt  }
0x72: {  	_ =	shalt  }
0x73: {  	_ =	shalt  }
0x74: {  	_ =	shalt  }
0x75: {  	_ =	shalt  }
0x76: {  	_ =	shalt  }
0x77: {  	_ =	shalt  }
0x78: {  	_ =	shalt  }
0x79: {  	_ =	shalt  }
0x7a: {  	_ =	shalt  }
0x7b: {  	_ =	shalt  }
0x7c: {  	_ =	shalt  }
0x7d: {  	_ =	shalt  }
0x7e: {  	_ =	shalt  }
0x7f: {  	_ =	shalt  }
0x80: {  	_ =	shalt  }
0x81: {  	_ =	shalt  }
0x82: {  	_ =	shalt  }
0x83: {  	_ =	shalt  }
0x84: {  	_ =	shalt  }
0x85: {  	_ =	shalt  }
0x86: {  	_ =	shalt  }
0x87: {  	_ =	shalt  }
.Lfunc_end0:
.L_simem_size_0:
called_computation_lowered:
.L_overlay_start_0:
0x88: {  	s2 =	sld [smem:$0x3FD9]  }
0x89: {  	s3 =	sld [smem:$0x3FFE];
	_ =	sdelay $0x1  }
0x8a: {  	s1 =	srdreg.scid  }
0x8b: {  	s0 =	sand.u32 $0x1, s1  }
0x8c: {  	s17 =	sshll.u32 s0, $0xA;
	s2 =	sadd.s32 s3, s2  }
0x8d: {  	s2 =	sadd.s32 s2, s17  }
0x8e: {  	[smem:$0x3FBC] =	sst s2  }
0x8f: {  	_ = 	snop  }
0x90: {  	s2 =	sld [smem:$0x3FD0];
	(tm) =	ssettm $0x1  }
0x91: {  	s18 =	sld [smem:$0x3FFB];
	_ =	sdelay $0x3  }
0x92: {  	_ =	strace s18  }
0x93: {  	s3 =	sld [smem:$0x3FFC];
	_ =	sdelay $0x3  }
0x94: {  	_ =	strace s3  }
0x95: {  	s3 =	sld [smem:$0x3FFD];
	_ =	sdelay $0x3  }
0x96: {  	_ =	strace s3  }
0x97: {  	_ =	strace $0x8FFFFFFF  }
0x98: {  	s19 =	sld [smem:$0x3FDB];
	_ =	sdelay $0x1  }
0x99: {  	s4 =	simm.s32 $_scs_section_size  }
0x9a: {  	s5 =	simm.s32 $_size__tile_overlayer_lowered;
	s6 =	simm.s32 $_tile_overlayer_lowered  }
0x9b: {  	s22 =	simm.s32 $0x1BFF;
	s21 =	sshll.u32 s6, $0x1;
	s3 =	sadd.s32 s4, s19  }
0x9c: {  	s7 =	simm.s32 $0x0;
	s20 =	sshll.u32 s5, $0x1;
	s5 =	sadd.s32 s21, s3  }
0x9d: {  	[timem:s7], [sflag:s22] =	dma.local [hbm:s5], s20  }
0x9e: {  	_ =	swait.ge [sflag:s22], s20  }
0x9f: {  	s4 =	ssub.s32 $0x0, s20;
	[sflag:s22] =	ssyncset.done $0x0  }
0xa0: {  	[sflag:s22] =	ssyncadd.s32 s4;
	_ =	sdelay $0x1  }
0xa1: {  	s23 =	simm.s32 $0x1B8B  }
0xa2: {  	_ =	swait.ge [sflag:s23], $0x1  }
0xa3: {  	[sflag:s23] =	ssyncset.done $0x0  }
0xa4: {  	s25 =	simm.s32 $0x1B8E;
	s24 =	sld [smem:$0x3FFE];
	[sflag:s23] =	ssyncadd.s32 $0xFFFFFFFF  }
0xa5: {  	s26 =	simm.s32 $execute0_lowered;
	[smem:$0x3FD2] =	sst s25  }
0xa6: {  	s5 =	sshll.u32 s26, $0x1;
	_ =	strace $0x80000046;
	[dreg:$0x1] =	wrdreg $0xFFFFFFFF  }
0xa7: {  	s28 =	simm.s32 $_size_execute0_lowered;
	s3 =	sadd.s32 s3, s5;
	[dreg:$0x0] =	wrdreg $0x0  }
0xa8: {  	s5 =	sshll.u32 s28, $0x1;
	[dreg:$0x2] =	wrdreg s3  }
0xa9: {  	[dreg:$0x3] =	wrdreg s5  }
0xaa: {  	[dreg:$0x4] =	wrdreg $0xC0  }
0xab: {  	_ =	task [dreg:s7], $0x5FFFF  }
0xac: {  	[dreg:$0x1] =	wrdreg $0xFFFFFFFF  }
0xad: {  	[dreg:$0x0] =	wrdreg $0x60  }
0xae: {  	[dreg:$0x2] =	wrdreg s24  }
0xaf: {  	[dreg:$0x3] =	wrdreg s2  }
0xb0: {  	[dreg:$0x4] =	wrdreg $0x8AC00  }
0xb1: {  	[dreg:$0x5] =	wrdreg $0x1CAC00  }
0xb2: {  	[dreg:$0x6] =	wrdreg $0x9  }
0xb3: {  	_ =	task.clear_ibuf [dreg:s7], $0x7FFFF;
	_ =	strace $0x90000046  }
0xb4: {  	s29 =	simm.s32 $0x9;
	_ =	strace $0x80000048  }
0xb5: {  	_ =	swait.ge [sflag:s29], $0x1  }
0xb6: {  	[sflag:s29] =	ssyncadd.s32 $0xFFFFFFFF  }
0xb7: {  	_ =	strace $0x90000048  }
0xb8: {  	_ =	sfence  }
0xb9: {  	s30 =	sld [smem:$0x0];
	_ =	sdelay $0x2  }
0xba: {  	s31 =	sshll.u32 s1, $0xD;
	s1 =	sshrl.u32 s1, $0x2  }
0xbb: {  	s3 =	sand.u32 $0x4000, s31;
	s1 =	sadd.s32 s1, s30  }
0xbc: {  	s0 =	sor.u32 s3, s0;
	s1 =	sshll.u32 s1, $0x11  }
0xbd: {  	s0 =	sor.u32 s1, s0  }
0xbe: {  	s0 =	sadd.s32 $0x8F2B, s0  }
0xbf: {  	[sflag:s0] =	ssyncadd.remote.s32 $0x1  }
0xc0: {  	_ =	sfence.sel $0xFFFF  }
0xc1: {  	[dreg:$0x0] =	wrdreg $0xFFFFFFFF;
	(pc) =	sbr.abs _section_cstart, $3  }
0xc2: {  	[dreg:$0x1] =	wrdreg $0xFFFFFFFF  }
0xc3: {  	_ =	task.clear_ibuf [dreg:s7], $0x2FFFF;
	_ =	strace $0x9FFFFFFF  }
0xc4: {  	(tm) =	ssettm $0x7FFFFFFF  }
0xc5: {  	_ =	shalt  }
tec
execute0_lowered:
.L_overlay_start_1:
0x0: {  	(tag) =	ssettag $0x1  }
0x1: {  	s0 =	rddreg [dreg:$0x0]  }
0x2: {  	s1 =	rddreg [dreg:$0x1]  }
0x3: {  	s2 =	rddreg [dreg:$0x2]  }
0x4: {  	s3 =	rddreg [dreg:$0x3]  }
0x5: {  	s5 =	srdreg.scid;
	s17 =	stileid.u32  }
0x6: {  	s4 =	simm.s32 $0x0;
	s29 =	simm.s32 $0x85C0;
	s11 =	smul.u32 $0x14000, s17  }
0x7: {  	s10 =	sand.u32 $0x1, s5;
	[smem:$0x7FF] =	sst s4;
	s13 =	smul.u32 $0x280, s17  }
0x8: {  	s5 =	sadd.s32 $0xCE00, s0;
	s6 =	sadd.s32 $0x3000, s0;
	s16 =	smul.u32 $0x2800, s17  }
0x9: {  	s7 =	sadd.s32 $0x16C00, s0;
	s9 =	sadd.s32 $0x3E400, s0;
	s8 =	smul.u32 $0x140000, s10  }
0xa: {  	_ =	strace $0x80000047;
	s18 =	ssub.s32 $0x2, s10;
	s15 =	sshll.u32 s10, $0x4  }
0xb: {  	s10 =	smul.u32 $0x28000, s10;
	s14 =	sshrl.u32 s18, $0x1;
	s19 =	sor.u32 $0x50, s13  }
0xc: {  	s20 =	sadd.s32 s16, s3;
	s23 =	sadd.s32 $0xA0, s13;
	s26 =	sadd.s32 $0xF0, s13  }
0xd: {  	s30 =	sadd.s32 $0x140, s13;
	s12 =	sadd.s32 s11, s8;
	s8 =	sadd.s32 $0x3DE00, s0  }
0xe: {  	s14 =	ssub.s32 s18, s14;
	s11 =	sadd.s32 s11, s2;
	[dreg:$0x6] =	wrdreg s20  }
0xf: {  	s21 =	sshll.u32 s19, $0x7;
	s22 =	sshll.u32 s19, $0x4;
	s24 =	sshll.u32 s23, $0x7  }
0x10: {  	s28 =	sshll.u32 s26, $0x7;
	s10 =	sadd.s32 s16, s10;
	s31 =	sshll.u32 s30, $0x7  }
0x11: {  	s16 =	sadd.s32 $0x1E0, s13;
	s12 =	sshrl.u32 s12, $0x3;
	[dreg:$0x5] =	wrdreg s11  }
0x12: {  	s11 =	sadd.s32 s21, s2;
	s10 =	sshrl.u32 s10, $0x3;
	s18 =	sshll.u32 s16, $0x7  }
0x13: {  	s20 =	sshll.u32 s16, $0x4;
	s21 =	sadd.s32 $0x230, s13;
	s16 =	simm.s32 $0x50  }
0x14: {  	s12 =	sadd.s32 s12, s0;
	s0 =	sor.u32 s17, s15;
	[dreg:$0x7] =	wrdreg s11  }
0x15: {  	s11 =	sadd.s32 s22, s3;
	s15 =	sshll.u32 s23, $0x4;
	s1 =	sadd.s32 s1, s10  }
0x16: {  	s19 =	sadd.s32 s18, s2;
	s22 =	sshll.u32 s21, $0x7;
	[dreg:$0x8] =	wrdreg s11  }
0x17: {  	s10 =	sshll.u32 s21, $0x4;
	s18 =	simm.s32 $0x2E90;
	[dreg:$0xf] =	wrdreg s1  }
0x18: {  	s21 =	simm.s32 $0x3;
	s11 =	sadd.s32 s24, s2;
	[dreg:$0x12] =	wrdreg s19  }
0x19: {  	s25 =	sadd.s32 s15, s3;
	s15 =	sadd.s32 s28, s2;
	[dreg:$0x9] =	wrdreg s11  }
0x1a: {  	s0 =	smul.u32 $0x2710, s0;
	s23 =	sadd.s32 s10, s3;
	[dreg:$0xa] =	wrdreg s25  }
0x1b: {  	s19 =	simm.s32 $0x1;
	s11 =	sshll.u32 s26, $0x4;
	[dreg:$0xb] =	wrdreg s15  }
0x1c: {  	s15 =	sadd.s32 s31, s2;
	[dreg:$0x15] =	wrdreg s23;
	s31 =	smax.u32 s14, $0x1  }
0x1d: {  	s14 =	simm.s32 $0x7;
	s23 =	simm.s32 $0x56E0;
	s11 =	sadd.s32 s11, s3  }
0x1e: {  	[dreg:$0xd] =	wrdreg s15;
	s15 =	sadd.s32 $0x190, s13;
	s24 =	sshrl.u32 s0, $0x3  }
0x1f: {  	s0 =	sadd.s32 $0xA0, s0;
	[dreg:$0x1b] =	wrdreg s31;
	s13 =	simm.s32 $0xA0  }
0x20: {  	[dreg:$0xc] =	wrdreg s11;
	s11 =	sshll.u32 s30, $0x4;
	s25 =	sadd.s32 s5, s24  }
0x21: {  	s17 =	sshll.u32 s15, $0x7;
	s26 =	sadd.s32 s6, s24;
	[dreg:$0x16] =	wrdreg s25  }
0x22: {  	s1 =	sshll.u32 s15, $0x4;
	s30 =	sadd.s32 $0x3EA00, s12;
	[dreg:$0x17] =	wrdreg s26  }
0x23: {  	s15 =	simm.s32 $0x2940;
	s11 =	sadd.s32 s11, s3;
	[dreg:$0x1a] =	wrdreg s30  }
0x24: {  	s12 =	simm.s32 $0x5780;
	s1 =	sadd.s32 s1, s3;
	[dreg:$0xe] =	wrdreg s11  }
0x25: {  	s25 =	simm.s32 $0x8520;
	[dreg:$0x11] =	wrdreg s1;
	s1 =	sadd.s32 s20, s3  }
.Ltmp0:
0x26: {  	[dreg:$0x13] =	wrdreg s1;
	s1 =	sadd.s32 s22, s2;
	(pc) =	sbr.rel .LBB2_1-.Ltmp0, $4  }
0x27: {  	s11 =	sadd.s32 s17, s2;
	[dreg:$0x14] =	wrdreg s1;
	s1 =	sadd.s32 $0xA, s24  }
0x28: {  	s26 =	simm.s32 $0x5CD0;
	[dreg:$0x10] =	wrdreg s11;
	s28 =	sadd.s32 s5, s1  }
0x29: {  	s20 =	simm.s32 $0x28A0;
	s1 =	sadd.s32 s6, s1;
	[dreg:$0x18] =	wrdreg s28  }
0x2a: {  	v0 =	vimm.f32 $0.0e+00;
	s22 =	simm.s32 $0x2EE0;
	s24 =	simm.s32 $0x5;
	[dreg:$0x19] =	wrdreg s1  }
.LBB2_16:
0x2b: {  	s1 =	simm.s32 $0x2  }
0x2c: {  	_ =	swait.ge [sflag:s1], $0x2800  }
0x2d: {  	[sflag:s1] =	ssyncset.done $0x0  }
0x2e: {  	[sflag:s1] =	ssyncadd.s32 $0xFFFFD800  }
0x2f: {  	_ =	swait.ge [sflag:s1], $0x500  }
0x30: {  	[sflag:s1] =	ssyncset.done $0x0  }
0x31: {  	s10 =	simm.s32 $0x4;
	[sflag:s1] =	ssyncadd.s32 $0xFFFFFB00  }
0x32: {  	_ =	swait.ge [sflag:s10], $0x2800  }
0x33: {  	[sflag:s10] =	ssyncset.done $0x0  }
0x34: {  	[sflag:s10] =	ssyncadd.s32 $0xFFFFD800  }
0x35: {  	_ =	swait.ge [sflag:s10], $0x500  }
0x36: {  	[sflag:s10] =	ssyncset.done $0x0  }
0x37: {  	s11 =	simm.s32 $0x6;
	[sflag:s10] =	ssyncadd.s32 $0xFFFFFB00  }
0x38: {  	_ =	swait.ge [sflag:s11], $0x2800  }
0x39: {  	[sflag:s11] =	ssyncset.done $0x0  }
0x3a: {  	[sflag:s11] =	ssyncadd.s32 $0xFFFFD800  }
0x3b: {  	_ =	swait.ge [sflag:s11], $0x500  }
0x3c: {  	[sflag:s11] =	ssyncset.done $0x0  }
0x3d: {  	[sflag:s11] =	ssyncadd.s32 $0xFFFFFB00  }
0x3e: {  	s17 =	stileid.u32;
	[bflag:$0x0] =	sbarrier.arrive $0xFFFF  }
0x3f: {  	s1 =	sshll.u32 s17, $0x6;
	s10 =	rddreg [dreg:$0x5]  }
0x40: {  	s1 =	sor.u32 $0x1C07, s1;
	s11 =	rddreg [dreg:$0x1a];
	s10 =	sshrl.u32 s10, $0x3  }
0x41: {  	[hbm:s11], [sflag:s1] =	dma.local [spmem:s10], $0x2800  }
0x42: {  	_ =	swait.ge [sflag:s14], $0x2800  }
0x43: {  	[sflag:s14] =	ssyncset.done $0x0;
	s28 =	rddreg [dreg:$0x6]  }
0x44: {  	s30 =	rddreg [dreg:$0xf];
	[sflag:s14] =	ssyncadd.s32 $0xFFFFD800;
	s10 =	sshrl.u32 s28, $0x3  }
0x45: {  	[hbm:s30], [sflag:s1] =	dma.local [spmem:s10], $0x500  }
0x46: {  	_ =	swait.ge [sflag:s14], $0x500  }
0x47: {  	s4 =	sadd.s32 $0x1, s4;
	s31 =	rddreg [dreg:$0x1b]  }
0x48: {  	p0 =	sne.s32 s4, s31  }
.Ltmp1:
0x49: {  	_ = 	snop;
	(pc) =	sbr.rel @!p0 .LBB2_17-.Ltmp1, $3  }
0x4a: {  	_ =	sdelay $0x1  }
0x4b: {  	[sflag:s14] =	ssyncset.done $0x0  }
0x4c: {  	[sflag:s14] =	ssyncadd.s32 $0xFFFFFB00  }
.LBB2_1:
0x4d: {  	s10 =	simm.s32 $0xE0  }
0x4e: {  	[tilespmem:s10+$0xFFFFFFD0] =	vst v0  }
0x4f: {  	[tilespmem:s10+$0xFFFFFFE0] =	vst v0  }
0x50: {  	[tilespmem:s10+$0xFFFFFFF0] =	vst v0  }
0x51: {  	[tilespmem:s10+$0x0] =	vst v0  }
0x52: {  	[tilespmem:s10+$0x10] =	vst v0  }
0x53: {  	[tilespmem:s10+$0x20] =	vst v0  }
0x54: {  	[tilespmem:s10+$0x30] =	vst v0  }
0x55: {  	s17 =	simm.s32 $0x0;
	s11 =	simm.s32 $0x40;
	[tilespmem:s10+$0xFFFFFFC0] =	vst v0  }
.LBB2_2:
0x56: {  	p0 =	sne.s32 s11, $0x13C0;
	[tilespmem:s17+$0x2940] =	vst v0;
	s10 =	sadd.s32 $0x80, s10  }
0x57: {  	[tilespmem:s10+$0xFFFFFFD0] =	vst v0  }
0x58: {  	[tilespmem:s10+$0xFFFFFFE0] =	vst v0  }
0x59: {  	[tilespmem:s10+$0xFFFFFFF0] =	vst v0  }
.Ltmp2:
0x5a: {  	[tilespmem:s10+$0x0] =	vst v0;
	(pc) =	sbr.rel @p0 .LBB2_2-.Ltmp2, $4  }
0x5b: {  	[tilespmem:s10+$0x10] =	vst v0  }
0x5c: {  	[tilespmem:s10+$0x20] =	vst v0  }
0x5d: {  	[tilespmem:s10+$0x30] =	vst v0  }
0x5e: {  	s17 =	sshra.s32 s11, $0x2;
	s11 =	sadd.s32 $0x40, s11;
	[tilespmem:s10+$0xFFFFFFC0] =	vst v0  }
0x5f: {  	[tilespmem:s17+$0x2940] =	vst v0;
	s1 =	rddreg [dreg:$0x5]  }
0x60: {  	[spmem:s1] =	stream.linear.scatter [tilespmem:s13], [sflag:$0x7], $0x2800, $0x38;
	[tilespmem:$0x1F2C0] =	vst v63  }
0x61: {  	_ =	swait.ge [sflag:s14], $0x2800  }
0x62: {  	[sflag:s14] =	ssyncset.done $0x0  }
0x63: {  	s17 =	rddreg [dreg:$0x6];
	[sflag:s14] =	ssyncadd.s32 $0xFFFFD800  }
0x64: {  	[spmem:s17] =	stream.linear.scatter [tilespmem:s15], [sflag:$0x7], $0x500, $0x38;
	[tilespmem:$0x1F2C0] =	vst v63  }
0x65: {  	_ =	swait.ge [sflag:s14], $0x500  }
0x66: {  	[sflag:s14] =	ssyncset.done $0x0  }
0x67: {  	s28 =	rddreg [dreg:$0x7];
	[sflag:s14] =	ssyncadd.s32 $0xFFFFFB00  }
0x68: {  	[spmem:s28] =	stream.linear.scatter [tilespmem:s13], [sflag:$0x7], $0x2800, $0x38;
	[tilespmem:$0x1F2C0] =	vst v63  }
0x69: {  	_ =	swait.ge [sflag:s14], $0x2800  }
0x6a: {  	[sflag:s14] =	ssyncset.done $0x0  }
0x6b: {  	s30 =	rddreg [dreg:$0x8];
	[sflag:s14] =	ssyncadd.s32 $0xFFFFD800  }
0x6c: {  	[spmem:s30] =	stream.linear.scatter [tilespmem:s15], [sflag:$0x7], $0x500, $0x38;
	[tilespmem:$0x1F2C0] =	vst v63  }
0x6d: {  	_ =	swait.ge [sflag:s14], $0x500  }
0x6e: {  	[sflag:s14] =	ssyncset.done $0x0  }
0x6f: {  	s31 =	rddreg [dreg:$0x9];
	[sflag:s14] =	ssyncadd.s32 $0xFFFFFB00  }
0x70: {  	[spmem:s31] =	stream.linear.scatter [tilespmem:s13], [sflag:$0x7], $0x2800, $0x38;
	[tilespmem:$0x1F2C0] =	vst v63  }
0x71: {  	_ =	swait.ge [sflag:s14], $0x2800  }
0x72: {  	[sflag:s14] =	ssyncset.done $0x0  }
0x73: {  	s10 =	rddreg [dreg:$0xa];
	[sflag:s14] =	ssyncadd.s32 $0xFFFFD800  }
0x74: {  	[spmem:s10] =	stream.linear.scatter [tilespmem:s15], [sflag:$0x7], $0x500, $0x38;
	[tilespmem:$0x1F2C0] =	vst v63  }
0x75: {  	_ =	swait.ge [sflag:s14], $0x500  }
0x76: {  	[sflag:s14] =	ssyncset.done $0x0  }
0x77: {  	s11 =	rddreg [dreg:$0xb];
	[sflag:s14] =	ssyncadd.s32 $0xFFFFFB00  }
0x78: {  	[spmem:s11] =	stream.linear.scatter [tilespmem:s13], [sflag:$0x7], $0x2800, $0x38;
	[tilespmem:$0x1F2C0] =	vst v63  }
0x79: {  	_ =	swait.ge [sflag:s14], $0x2800  }
0x7a: {  	[sflag:s14] =	ssyncset.done $0x0  }
0x7b: {  	s17 =	rddreg [dreg:$0xc];
	[sflag:s14] =	ssyncadd.s32 $0xFFFFD800  }
0x7c: {  	[spmem:s17] =	stream.linear.scatter [tilespmem:s15], [sflag:$0x7], $0x500, $0x38;
	[tilespmem:$0x1F2C0] =	vst v63  }
0x7d: {  	_ =	swait.ge [sflag:s14], $0x500  }
0x7e: {  	[sflag:s14] =	ssyncset.done $0x0  }
0x7f: {  	s28 =	rddreg [dreg:$0xd];
	[sflag:s14] =	ssyncadd.s32 $0xFFFFFB00  }
0x80: {  	[spmem:s28] =	stream.linear.scatter [tilespmem:s13], [sflag:$0x7], $0x2800, $0x38;
	[tilespmem:$0x1F2C0] =	vst v63  }
0x81: {  	_ =	swait.ge [sflag:s14], $0x2800  }
0x82: {  	[sflag:s14] =	ssyncset.done $0x0  }
0x83: {  	s30 =	rddreg [dreg:$0xe];
	[sflag:s14] =	ssyncadd.s32 $0xFFFFD800  }
0x84: {  	[spmem:s30] =	stream.linear.scatter [tilespmem:s15], [sflag:$0x7], $0x500, $0x38;
	[tilespmem:$0x1F2C0] =	vst v63  }
0x85: {  	_ =	swait.ge [sflag:s14], $0x500  }
0x86: {  	[sflag:s14] =	ssyncset.done $0x0  }
0x87: {  	s31 =	rddreg [dreg:$0x10];
	[sflag:s14] =	ssyncadd.s32 $0xFFFFFB00  }
0x88: {  	[spmem:s31] =	stream.linear.scatter [tilespmem:s13], [sflag:$0x7], $0x2800, $0x38;
	[tilespmem:$0x1F2C0] =	vst v63  }
0x89: {  	_ =	swait.ge [sflag:s14], $0x2800  }
0x8a: {  	[sflag:s14] =	ssyncset.done $0x0  }
0x8b: {  	s10 =	rddreg [dreg:$0x11];
	[sflag:s14] =	ssyncadd.s32 $0xFFFFD800  }
0x8c: {  	[spmem:s10] =	stream.linear.scatter [tilespmem:s15], [sflag:$0x7], $0x500, $0x38;
	[tilespmem:$0x1F2C0] =	vst v63  }
0x8d: {  	_ =	swait.ge [sflag:s14], $0x500  }
0x8e: {  	[sflag:s14] =	ssyncset.done $0x0  }
0x8f: {  	s11 =	rddreg [dreg:$0x12];
	[sflag:s14] =	ssyncadd.s32 $0xFFFFFB00  }
0x90: {  	[spmem:s11] =	stream.linear.scatter [tilespmem:s13], [sflag:$0x7], $0x2800, $0x38;
	[tilespmem:$0x1F2C0] =	vst v63  }
0x91: {  	_ =	swait.ge [sflag:s14], $0x2800  }
0x92: {  	[sflag:s14] =	ssyncset.done $0x0  }
0x93: {  	s17 =	rddreg [dreg:$0x13];
	[sflag:s14] =	ssyncadd.s32 $0xFFFFD800  }
0x94: {  	[spmem:s17] =	stream.linear.scatter [tilespmem:s15], [sflag:$0x7], $0x500, $0x38;
	[tilespmem:$0x1F2C0] =	vst v63  }
0x95: {  	_ =	swait.ge [sflag:s14], $0x500  }
0x96: {  	[sflag:s14] =	ssyncset.done $0x0  }
0x97: {  	s28 =	rddreg [dreg:$0x14];
	[sflag:s14] =	ssyncadd.s32 $0xFFFFFB00  }
0x98: {  	[spmem:s28] =	stream.linear.scatter [tilespmem:s13], [sflag:$0x7], $0x2800, $0x38;
	[tilespmem:$0x1F2C0] =	vst v63  }
0x99: {  	_ =	swait.ge [sflag:s14], $0x2800  }
0x9a: {  	[sflag:s14] =	ssyncset.done $0x0  }
0x9b: {  	s30 =	rddreg [dreg:$0x15];
	[sflag:s14] =	ssyncadd.s32 $0xFFFFD800  }
0x9c: {  	[spmem:s30] =	stream.linear.scatter [tilespmem:s15], [sflag:$0x7], $0x500, $0x38;
	[tilespmem:$0x1F2C0] =	vst v63  }
0x9d: {  	_ =	swait.ge [sflag:s14], $0x500  }
0x9e: {  	[sflag:s14] =	ssyncset.done $0x0  }
0x9f: {  	[sflag:s14] =	ssyncadd.s32 $0xFFFFFB00  }
0xa0: {  	[bflag:$0x0] =	sbarrier.arrive $0xFFFF  }
0xa1: {  	s17 =	simm.s32 $0x0;
	s31 =	rddreg [dreg:$0x16]  }
0xa2: {  	[tilespmem:s17], [sflag:$0x1] =	stream.linear.gather [hbm4b:s31+s17], $0x50, $0x38;
	[tilespmem:$0x1F2C0] =	vst v63  }
0xa3: {  	s10 =	rddreg [dreg:$0x17]  }
0xa4: {  	[tilespmem:s16], [sflag:$0x1] =	stream.linear.gather [hbm4b:s10+s17], $0x50, $0x38;
	[tilespmem:$0x1F2C0] =	vst v63  }
0xa5: {  	s11 =	rddreg [dreg:$0x18];
	s10 =	simm.s32 $0x2E40  }
0xa6: {  	[tilespmem:s10], [sflag:$0x3] =	stream.linear.gather [hbm4b:s11+s17], $0x50, $0x38;
	[tilespmem:$0x1F2C0] =	vst v63  }
0xa7: {  	s28 =	rddreg [dreg:$0x19]  }
0xa8: {  	[tilespmem:s18], [sflag:$0x3] =	stream.linear.gather [hbm4b:s28+s17], $0x50, $0x38;
	[tilespmem:$0x1F2C0] =	vst v63  }
0xa9: {  	_ =	swait.ge [sflag:s19], $0x50  }
0xaa: {  	[sflag:s19] =	ssyncset.done $0x0  }
0xab: {  	[sflag:s19] =	ssyncadd.s32 $0xFFFFFFB0  }
0xac: {  	_ =	swait.ge [sflag:s19], $0x50  }
0xad: {  	[sflag:s19] =	ssyncset.done $0x0  }
0xae: {  	[sflag:s19] =	ssyncadd.s32 $0xFFFFFFB0  }
0xaf: {  	[tilespmem:s13], [sflag:$0x1] =	stream.indirect.gather [hbm4b:s7+s16], $0x80, s17, s16, $0xb8;
	[tilespmem:$0x1F2C0] =	vst v63  }
0xb0: {  	_ = 	snop  }
0xb1: {  	[tilespmem:s20], [sflag:$0x1] =	stream.indirect.gather [hbm4b:s8+s16], $0x1, s17, s16, $0xb8;
	[tilespmem:$0x1F2C0] =	vst v63  }
0xb2: {  	s30 =	simm.s32 $0x28F0  }
0xb3: {  	[tilespmem:s30], [sflag:$0x1] =	stream.indirect.gather [hbm4b:s9+s16], $0x1, s16, s16, $0xb8;
	[tilespmem:$0x1F2C0] =	vst v63  }
0xb4: {  	_ =	swait.ge [sflag:s21], $0x50  }
0xb5: {  	[sflag:s21] =	ssyncset.done $0x0  }
0xb6: {  	[sflag:s21] =	ssyncadd.s32 $0xFFFFFFB0  }
0xb7: {  	_ =	swait.ge [sflag:s21], $0x50  }
0xb8: {  	[sflag:s21] =	ssyncset.done $0x0  }
0xb9: {  	[sflag:s21] =	ssyncadd.s32 $0xFFFFFFB0  }
0xba: {  	[tilespmem:s22], [sflag:$0x3] =	stream.indirect.gather [hbm4b:s7+s16], $0x80, s10, s16, $0xb8;
	[tilespmem:$0x1F2C0] =	vst v63  }
.Ltmp3:
0xbb: {  	_ = 	snop;
	(pc) =	sbr.rel .LBB2_4-.Ltmp3, $4  }
0xbc: {  	_ = 	snop  }
0xbd: {  	[tilespmem:s23], [sflag:$0x3] =	stream.indirect.gather [hbm4b:s8+s16], $0x1, s10, s16, $0xb8;
	[tilespmem:$0x1F2C0] =	vst v63  }
0xbe: {  	s31 =	simm.s32 $0x5730  }
0xbf: {  	[tilespmem:s31], [sflag:$0x3] =	stream.indirect.gather [hbm4b:s9+s16], $0x1, s18, s16, $0xb8;
	[tilespmem:$0x1F2C0] =	vst v63  }
.LBB2_15:
0xc0: {  	s17 =	sadd.s32 $0x1, s17  }
0xc1: {  	p0 =	sne.s32 s17, $0x7D  }
.Ltmp4:
0xc2: {  	_ = 	snop;
	(pc) =	sbr.rel @!p0 .LBB2_16-.Ltmp4, $1  }
0xc3: {  	_ =	sdelay $0x3  }
.LBB2_4:
0xc4: {  	s10 =	smul.u32 $0xAB, s17;
	_ =	sdelay $0x1  }
0xc5: {  	s10 =	sshrl.u32 s10, $0x9  }
0xc6: {  	s10 =	sand.u32 $0x7F, s10  }
0xc7: {  	s10 =	smul.u32 $0x3, s10;
	_ =	sdelay $0x1  }
0xc8: {  	s10 =	ssub.s32 s17, s10  }
0xc9: {  	s10 =	sand.u32 $0xFF, s10  }
0xca: {  	p0 =	seq.s32 s10, $0x2  }
.Ltmp5:
0xcb: {  	_ = 	snop;
	(pc) =	sbr.rel @p0 .LBB2_12-.Ltmp5, $1  }
0xcc: {  	_ =	sdelay $0x3  }
0xcd: {  	p0 =	seq.s32 s10, $0x1  }
.Ltmp6:
0xce: {  	_ = 	snop;
	(pc) =	sbr.rel @!p0 .LBB2_6-.Ltmp6, $1  }
0xcf: {  	_ =	sdelay $0x3  }
0xd0: {  	_ =	swait.ge [sflag:s21], $0x2800  }
0xd1: {  	[sflag:s21] =	ssyncset.done $0x0  }
0xd2: {  	[sflag:s21] =	ssyncadd.s32 $0xFFFFD800  }
0xd3: {  	_ =	swait.ge [sflag:s21], $0x50  }
0xd4: {  	[sflag:s21] =	ssyncset.done $0x0  }
0xd5: {  	[sflag:s21] =	ssyncadd.s32 $0xFFFFFFB0  }
0xd6: {  	_ =	swait.ge [sflag:s21], $0x50  }
0xd7: {  	[sflag:s21] =	ssyncset.done $0x0  }
0xd8: {  	[sflag:s21] =	ssyncadd.s32 $0xFFFFFFB0  }
0xd9: {  	v1 =	vld [tilespmem:$0x56E0]  }
0xda: {  	v2 =	vld [tilespmem:$0x5730]  }
0xdb: {  	v3 =	vld [tilespmem:$0x56F0]  }
0xdc: {  	v4 =	vld [tilespmem:$0x5740]  }
0xdd: {  	v5 =	vld [tilespmem:$0x5700]  }
0xde: {  	v6 =	vld [tilespmem:$0x5750]  }
0xdf: {  	v7 =	vld [tilespmem:$0x5760];
	v1 =	vadd.f32 v2, v1  }
0xe0: {  	v9 =	vld [tilespmem:$0x5720]  }
0xe1: {  	v2 =	vld [tilespmem:$0x5710];
	v8 =	vmul.f32 $2.000000030e-01, v1  }
0xe2: {  	v10 =	vld [tilespmem:$0x5770];
	vm0 =	vge.f32 v1, $0.0e+00  }
0xe3: {  	v3 =	vadd.f32 v4, v3;
	v1 =	vsel vm0, v1, v8  }
0xe4: {  	v1 =	vmul.f32 $1.442695020e+00, v1  }
0xe5: {  	v5 =	vadd.f32 v6, v5;
	v4 =	vmul.f32 $2.000000030e-01, v3  }
0xe6: {  	vm12 =	vge.f32 v3, $0.0e+00;
	(erf) = vpow2.f32 v1;
	v1 =	vadd.f32 v7, v2  }
0xe7: {  	v2 =	vsel vm12, v3, v4;
	v3 =	vmul.f32 $2.000000030e-01, v5;
	v4 =	vadd.f32 v10, v9  }
0xe8: {  	vm13 =	vge.f32 v5, $0.0e+00;
	v2 =	vmul.f32 $1.442695020e+00, v2;
	v6 =	vmul.f32 $2.000000030e-01, v1  }
0xe9: {  	v3 =	vsel vm13, v5, v3;
	vm14 =	vge.f32 v1, $0.0e+00;
	v5 =	vmul.f32 $2.000000030e-01, v4  }
0xea: {  	vm15 =	vge.f32 v4, $0.0e+00;
	v3 =	vmul.f32 $1.442695020e+00, v3;
	v1 =	vsel vm14, v1, v6  }
0xeb: {  	(erf) = vpow2.f32 v2;
	v2 =	vsel vm15, v4, v5;
	v1 =	vmul.f32 $1.442695020e+00, v1  }
0xec: {  	(erf) = vpow2.f32 v3;
	v2 =	vmul.f32 $1.442695020e+00, v2  }
0xed: {  	(erf) = vpow2.f32 v1  }
0xee: {  	(erf) = vpow2.f32 v2;
	_ =	sdelay $0x1  }
0xef: {  	s1 =	simm.s32 $0x0  }
0xf0: {  	s10 =	simm.s32 $0x2;
	v1 =	vmov s1  }
0xf1: {  	v1 =	vand.u32 $0xFFFFFFFC, v1;
	v2 =	vmov s10  }
0xf2: {  	v3 =	vpop (erf);
	v1 =	vbroadcast v1, $0x0;
	v2 =	vand.u32 $0xFFFFFFFE, v2  }
0xf3: {  	[tilespmem:$0x56E0] =	vst v3;
	v2 =	vbroadcast v2, $0x0;
	v4 =	vpop (erf)  }
0xf4: {  	[tilespmem:$0x56F0] =	vst v4;
	v3 =	vpop (erf)  }
0xf5: {  	[tilespmem:$0x5700] =	vst v3;
	v4 =	vpop (erf)  }
0xf6: {  	[tilespmem:$0x5710] =	vst v4;
	v3 =	vpop (erf)  }
0xf7: {  	[tilespmem:$0x5720] =	vst v3  }
0xf8: {  	v11 =	vld.idx.msk [tilespmem:v1+s23+$0x0], $0xffff  }
0xf9: {  	s10 =	simm.s32 $0x2FE0;
	v2 =	vld.idx.msk [tilespmem:v2+s23+$0x0], $0xffff  }
0xfa: {  	v3 =	vld [tilespmem:s10+$0x0]  }
0xfb: {  	v4 =	vld [tilespmem:s10+$0x10]  }
0xfc: {  	v5 =	vld [tilespmem:s10+$0x20]  }
0xfd: {  	v6 =	vld [tilespmem:s10+$0x30]  }
0xfe: {  	s11 =	simm.s32 $0x1;
	v7 =	vld [tilespmem:s10+$0x40]  }
0xff: {  	v1 =	vmov s11;
	v8 =	vld [tilespmem:s10+$0x50]  }
0x100: {  	v9 =	vld [tilespmem:s10+$0x60];
	v1 =	vand.u32 $0xFFFFFFFD, v1  }
0x101: {  	v10 =	vld [tilespmem:s10+$0xFFFFFF00];
	v1 =	vbroadcast v1, $0x0;
	v3 =	vmul.f32 v3, v2  }
0x102: {  	v12 =	vld [tilespmem:s10+$0xFFFFFF70];
	v5 =	vmul.f32 v5, v2  }
0x103: {  	v13 =	vld [tilespmem:s10+$0xFFFFFFA0];
	[tilespmem:s10+$0x0] =	vst v3;
	v3 =	vmul.f32 v4, v2  }
0x104: {  	v4 =	vld [tilespmem:s10+$0x70];
	[tilespmem:s10+$0x20] =	vst v5;
	v5 =	vmul.f32 v7, v2  }
0x105: {  	v7 =	vld [tilespmem:s10+$0xFFFFFF20];
	[tilespmem:s10+$0x10] =	vst v3;
	v3 =	vmul.f32 v6, v2  }
0x106: {  	v6 =	vld [tilespmem:s10+$0xFFFFFF10];
	[tilespmem:s10+$0x40] =	vst v5;
	v5 =	vmul.f32 v9, v2  }
0x107: {  	v1 =	vld.idx.msk [tilespmem:v1+s23+$0x0], $0xffff;
	[tilespmem:s10+$0x30] =	vst v3;
	v3 =	vmul.f32 v8, v2  }
0x108: {  	v10 =	vmul.f32 v10, v11;
	v8 =	vld [tilespmem:s10+$0xFFFFFF30];
	[tilespmem:s10+$0x60] =	vst v5  }
0x109: {  	v5 =	vld [tilespmem:s10+$0xFFFFFF60];
	[tilespmem:s10+$0x50] =	vst v3;
	v3 =	vmul.f32 v4, v2  }
0x10a: {  	[tilespmem:s10+$0xFFFFFF00] =	vst v10;
	v9 =	vld [tilespmem:s10+$0xFFFFFF40]  }
0x10b: {  	s11 =	simm.s32 $0x57A0;
	v4 =	vld [tilespmem:s10+$0xFFFFFF50];
	[tilespmem:s10+$0x70] =	vst v3;
	v3 =	vmul.f32 v6, v11  }
0x10c: {  	v6 =	vmul.f32 v7, v11;
	[tilespmem:s11+$0x0] =	vst v2;
	v2 =	vld [tilespmem:s10+$0xFFFFFF80]  }
0x10d: {  	v7 =	vld [tilespmem:s10+$0xFFFFFF90];
	v8 =	vmul.f32 v8, v11;
	[tilespmem:s10+$0xFFFFFF10] =	vst v3  }
0x10e: {  	s28 =	simm.s32 $0x3;
	v5 =	vmul.f32 v5, v11;
	[tilespmem:s10+$0xFFFFFF20] =	vst v6;
	v6 =	vld [tilespmem:s10+$0xFFFFFFB0]  }
0x10f: {  	v10 =	vmov s28;
	v3 =	vmul.f32 v9, v11;
	v9 =	vld [tilespmem:s10+$0xFFFFFFD0];
	[tilespmem:s10+$0xFFFFFF30] =	vst v8  }
0x110: {  	v4 =	vmul.f32 v4, v11;
	v8 =	vld [tilespmem:s10+$0xFFFFFFC0];
	[tilespmem:s10+$0xFFFFFF60] =	vst v5  }
0x111: {  	v5 =	vld [tilespmem:s10+$0xFFFFFFF0];
	[tilespmem:s10+$0xFFFFFF40] =	vst v3;
	v2 =	vmul.f32 v2, v1  }
0x112: {  	[tilespmem:s10+$0xFFFFFF50] =	vst v4;
	v4 =	vld [tilespmem:s10+$0xFFFFFFE0];
	v7 =	vmul.f32 v7, v1  }
0x113: {  	s1 =	simm.s32 $0x7;
	v16 =	vld [tilespmem:s10+$0xB0];
	s28 =	simm.s32 $0x4;
	[tilespmem:s10+$0xFFFFFF80] =	vst v2;
	v2 =	vmul.f32 v13, v1  }
0x114: {  	v14 =	vmov s1;
	v3 =	vld.idx.msk [tilespmem:v10+s23+$0x0], $0xffff;
	v10 =	vmov s28;
	s28 =	simm.s32 $0x5;
	[tilespmem:s10+$0xFFFFFF90] =	vst v7;
	v6 =	vmul.f32 v6, v1  }
0x115: {  	v18 =	vld [tilespmem:s10+$0xC0];
	v7 =	vand.u32 $0xFFFFFFFC, v10;
	v10 =	vmov s28;
	[tilespmem:s10+$0xFFFFFFA0] =	vst v2;
	v2 =	vmul.f32 v8, v1  }
0x116: {  	s28 =	simm.s32 $0x6;
	v13 =	vld [tilespmem:s10+$0x80];
	v15 =	vbroadcast v7, $0x0;
	v7 =	vand.u32 $0xFFFFFFFD, v10;
	[tilespmem:s10+$0xFFFFFFB0] =	vst v6;
	v6 =	vmul.f32 v9, v1  }
0x117: {  	v8 =	vld [tilespmem:s10+$0x90];
	[tilespmem:s10+$0xFFFFFFC0] =	vst v2;
	v2 =	vmul.f32 v4, v1;
	v4 =	vmul.f32 v5, v1;
	v5 =	vmov s28  }
0x118: {  	v9 =	vld [tilespmem:s10+$0xA0];
	v17 =	vbroadcast v7, $0x0;
	[tilespmem:s10+$0xFFFFFFD0] =	vst v6;
	v5 =	vand.u32 $0xFFFFFFFE, v5  }
0x119: {  	v19 =	vld [tilespmem:s10+$0xD0];
	[tilespmem:s10+$0xFFFFFFE0] =	vst v2;
	v7 =	vbroadcast v5, $0x0  }
0x11a: {  	v6 =	vld [tilespmem:s10+$0xE0];
	v2 =	vmul.f32 v12, v11;
	[tilespmem:s10+$0xFFFFFFF0] =	vst v4  }
0x11b: {  	v5 =	vld [tilespmem:s10+$0xF0];
	v12 =	vmul.f32 v13, v3;
	[tilespmem:s11+$0xFFFFFFF0] =	vst v1  }
0x11c: {  	v4 =	vld.idx.msk [tilespmem:v14+s23+$0x0], $0xffff;
	v10 =	vmul.f32 v8, v3;
	[tilespmem:s10+$0xFFFFFF70] =	vst v2  }
0x11d: {  	v8 =	vmul.f32 v9, v3;
	v9 =	vmul.f32 v16, v3;
	v1 =	vld.idx.msk [tilespmem:v15+s23+$0x0], $0xffff;
	[tilespmem:s10+$0x80] =	vst v12  }
0x11e: {  	s31 =	simm.s32 $0x8;
	s30 =	simm.s32 $0x2FE0;
	v2 =	vld.idx.msk [tilespmem:v17+s23+$0x0], $0xffff;
	v12 =	vmul.f32 v19, v3;
	[tilespmem:s11+$0xFFFFFFE0] =	vst v11;
	v11 =	vmul.f32 v18, v3  }
.LBB2_10:
0x11f: {  	p0 =	slt.u32 s31, $0x4C;
	v7 =	vld.idx.msk [tilespmem:v7+s23+$0x0], $0xffff;
	[tilespmem:s10+$0x90] =	vst v10;
	v6 =	vmul.f32 v6, v3;
	s30 =	sadd.s32 $0x200, s30  }
0x120: {  	v10 =	vld [tilespmem:s30+$0x0];
	[tilespmem:s10+$0xA0] =	vst v8;
	v5 =	vmul.f32 v5, v3  }
0x121: {  	v8 =	vld [tilespmem:s30+$0x10];
	[tilespmem:s10+$0xB0] =	vst v9  }
0x122: {  	v9 =	vld [tilespmem:s30+$0x20];
	[tilespmem:s10+$0xC0] =	vst v11  }
0x123: {  	v11 =	vld [tilespmem:s30+$0x30];
	[tilespmem:s10+$0xD0] =	vst v12  }
0x124: {  	v12 =	vld [tilespmem:s30+$0x40];
	[tilespmem:s10+$0xE0] =	vst v6  }
0x125: {  	v6 =	vmul.f32 v10, v7;
	v10 =	vld [tilespmem:s30+$0x50];
	[tilespmem:s10+$0xF0] =	vst v5;
	s10 =	smov.u32 s30  }
0x126: {  	v5 =	vmul.f32 v8, v7;
	v8 =	vld [tilespmem:s30+$0x60];
	[tilespmem:s11+$0x10] =	vst v3;
	v3 =	vmov v4  }
0x127: {  	[tilespmem:s30+$0x0] =	vst v6;
	v4 =	vmul.f32 v9, v7;
	v6 =	vld [tilespmem:s30+$0x70]  }
0x128: {  	v9 =	vld [tilespmem:s30+$0xFFFFFF00];
	[tilespmem:s30+$0x10] =	vst v5;
	v5 =	vmul.f32 v11, v7  }
0x129: {  	v11 =	vld [tilespmem:s30+$0xFFFFFF10];
	[tilespmem:s30+$0x20] =	vst v4;
	v4 =	vmul.f32 v12, v7  }
0x12a: {  	v12 =	vld [tilespmem:s30+$0xFFFFFF20];
	[tilespmem:s30+$0x30] =	vst v5;
	v5 =	vmul.f32 v10, v7  }
0x12b: {  	v10 =	vld [tilespmem:s30+$0xFFFFFF30];
	[tilespmem:s30+$0x40] =	vst v4;
	v4 =	vmul.f32 v8, v7  }
0x12c: {  	v8 =	vld [tilespmem:s30+$0xFFFFFF40];
	[tilespmem:s30+$0x50] =	vst v5;
	v5 =	vmul.f32 v6, v7  }
0x12d: {  	v6 =	vmul.f32 v9, v1;
	v9 =	vld [tilespmem:s30+$0xFFFFFF50];
	[tilespmem:s30+$0x60] =	vst v4  }
0x12e: {  	s11 =	sadd.s32 $0x40, s11;
	v4 =	vmul.f32 v11, v1;
	v11 =	vld [tilespmem:s30+$0xFFFFFF60];
	[tilespmem:s30+$0x70] =	vst v5  }
0x12f: {  	v5 =	vmul.f32 v12, v1;
	v12 =	vld [tilespmem:s30+$0xFFFFFF70];
	[tilespmem:s11+$0x0] =	vst v7  }
0x130: {  	[tilespmem:s30+$0xFFFFFF00] =	vst v6;
	v6 =	vmul.f32 v10, v1;
	v7 =	vld [tilespmem:s30+$0xFFFFFF80]  }
0x131: {  	[tilespmem:s30+$0xFFFFFF10] =	vst v4;
	v4 =	vmul.f32 v8, v1;
	v8 =	vld [tilespmem:s30+$0xFFFFFF90]  }
0x132: {  	[tilespmem:s30+$0xFFFFFF20] =	vst v5;
	v5 =	vmul.f32 v9, v1;
	v9 =	vld [tilespmem:s30+$0xFFFFFFA0]  }
0x133: {  	[tilespmem:s30+$0xFFFFFF30] =	vst v6;
	v6 =	vmul.f32 v11, v1;
	v10 =	vld [tilespmem:s30+$0xFFFFFFB0]  }
0x134: {  	[tilespmem:s30+$0xFFFFFF40] =	vst v4;
	v11 =	vmul.f32 v12, v1;
	v4 =	vld [tilespmem:s30+$0xFFFFFFC0]  }
0x135: {  	[tilespmem:s30+$0xFFFFFF50] =	vst v5;
	v5 =	vmul.f32 v7, v2;
	v7 =	vld [tilespmem:s30+$0xFFFFFFD0]  }
0x136: {  	[tilespmem:s30+$0xFFFFFF60] =	vst v6;
	v6 =	vmul.f32 v8, v2;
	v8 =	vld [tilespmem:s30+$0xFFFFFFE0]  }
0x137: {  	[tilespmem:s30+$0xFFFFFF80] =	vst v5;
	v5 =	vmul.f32 v9, v2;
	v9 =	vld [tilespmem:s30+$0xFFFFFFF0]  }
0x138: {  	s1 =	sadd.s32 $0x3, s31;
	v12 =	vmov s31;
	[tilespmem:s30+$0xFFFFFF90] =	vst v6;
	v6 =	vmul.f32 v10, v2;
	v10 =	vld [tilespmem:s30+$0x80]  }
0x139: {  	s28 =	sadd.s32 $0x1, s31;
	v13 =	vmov s1;
	v12 =	vand.u32 $0xFFFFFFFC, v12;
	[tilespmem:s30+$0xFFFFFFA0] =	vst v5;
	v4 =	vmul.f32 v4, v2;
	v5 =	vld [tilespmem:s30+$0x90]  }
0x13a: {  	v14 =	vmov s28;
	s1 =	sadd.s32 $0x2, s31;
	v12 =	vbroadcast v12, $0x0;
	[tilespmem:s30+$0xFFFFFFB0] =	vst v6;
	v6 =	vmul.f32 v7, v2;
	v15 =	vld [tilespmem:s30+$0xA0]  }
0x13b: {  	v7 =	vand.u32 $0xFFFFFFFD, v14;
	v14 =	vmov s1;
	[tilespmem:s30+$0xFFFFFFC0] =	vst v4;
	v4 =	vmul.f32 v8, v2;
	v16 =	vld [tilespmem:s30+$0xB0]  }
0x13c: {  	v17 =	vbroadcast v7, $0x0;
	v7 =	vand.u32 $0xFFFFFFFE, v14;
	[tilespmem:s30+$0xFFFFFFD0] =	vst v6;
	v6 =	vmul.f32 v9, v2;
	v14 =	vld [tilespmem:s30+$0xC0]  }
0x13d: {  	v7 =	vbroadcast v7, $0x0;
	[tilespmem:s30+$0xFFFFFFE0] =	vst v4;
	v18 =	vmul.f32 v10, v3;
	v19 =	vld [tilespmem:s30+$0xD0]  }
.Ltmp7:
0x13e: {  	[tilespmem:s30+$0xFFFFFFF0] =	vst v6;
	v10 =	vmul.f32 v5, v3;
	v6 =	vld [tilespmem:s30+$0xE0];
	(pc) =	sbr.rel @p0 .LBB2_10-.Ltmp7, $4  }
0x13f: {  	[tilespmem:s11+$0xFFFFFFF0] =	vst v2;
	v8 =	vmul.f32 v15, v3;
	v5 =	vld [tilespmem:s30+$0xF0]  }
0x140: {  	v4 =	vld.idx.msk [tilespmem:v13+s23+$0x0], $0xffff;
	[tilespmem:s30+$0xFFFFFF70] =	vst v11;
	v9 =	vmul.f32 v16, v3  }
0x141: {  	[tilespmem:s11+$0xFFFFFFE0] =	vst v1;
	v1 =	vld.idx.msk [tilespmem:v12+s23+$0x0], $0xffff;
	v11 =	vmul.f32 v14, v3  }
0x142: {  	s31 =	sadd.s32 $0x4, s31;
	v2 =	vld.idx.msk [tilespmem:v17+s23+$0x0], $0xffff;
	[tilespmem:s30+$0x80] =	vst v18;
	v12 =	vmul.f32 v19, v3  }
0x143: {  	_ =	sdelay $0x3  }
0x144: {  	v7 =	vld.idx.msk [tilespmem:v7+s23+$0x0], $0xffff;
	[tilespmem:s10+$0x90] =	vst v10;
	s30 =	sadd.s32 $0x200, s30  }
0x145: {  	[tilespmem:s10+$0xA0] =	vst v8;
	v22 =	vld [tilespmem:s30+$0x0]  }
0x146: {  	[tilespmem:s10+$0xB0] =	vst v9;
	v23 =	vld [tilespmem:s30+$0x10]  }
0x147: {  	v6 =	vmul.f32 v6, v3;
	[tilespmem:s10+$0xC0] =	vst v11;
	v24 =	vld [tilespmem:s30+$0x20]  }
0x148: {  	v5 =	vmul.f32 v5, v3;
	v25 =	vld [tilespmem:s30+$0x30];
	[tilespmem:s10+$0xD0] =	vst v12  }
0x149: {  	v28 =	vld [tilespmem:s30+$0x50];
	[tilespmem:s10+$0xE0] =	vst v6  }
0x14a: {  	v31 =	vld [tilespmem:s30+$0x70];
	[tilespmem:s10+$0xF0] =	vst v5;
	v27 =	vmul.f32 v22, v7  }
0x14b: {  	v26 =	vld [tilespmem:s30+$0x40];
	[tilespmem:s11+$0x10] =	vst v3;
	v29 =	vmul.f32 v23, v7  }
0x14c: {  	v34 =	vld [tilespmem:s30+$0xFFFFFF10];
	v3 =	vmul.f32 v24, v7;
	[tilespmem:s30+$0x0] =	vst v27  }
0x14d: {  	v30 =	vld [tilespmem:s30+$0x60];
	v32 =	vmul.f32 v25, v7;
	[tilespmem:s30+$0x10] =	vst v29  }
0x14e: {  	v36 =	vld [tilespmem:s30+$0xFFFFFF20];
	v35 =	vmul.f32 v28, v7;
	[tilespmem:s30+$0x20] =	vst v3  }
0x14f: {  	v33 =	vld [tilespmem:s30+$0xFFFFFF00];
	v38 =	vmul.f32 v31, v7;
	[tilespmem:s30+$0x30] =	vst v32  }
0x150: {  	v37 =	vld [tilespmem:s30+$0xFFFFFF30];
	v3 =	vmul.f32 v26, v7;
	[tilespmem:s30+$0x50] =	vst v35  }
0x151: {  	v39 =	vld [tilespmem:s30+$0xFFFFFF40];
	v41 =	vmul.f32 v34, v1;
	[tilespmem:s30+$0x70] =	vst v38  }
0x152: {  	v40 =	vld [tilespmem:s30+$0xFFFFFF50];
	[tilespmem:s30+$0x40] =	vst v3;
	v3 =	vmul.f32 v30, v7  }
0x153: {  	v42 =	vld [tilespmem:s30+$0xFFFFFF60];
	v43 =	vmul.f32 v36, v1;
	[tilespmem:s30+$0xFFFFFF10] =	vst v41  }
0x154: {  	v44 =	vld [tilespmem:s30+$0xFFFFFF90];
	[tilespmem:s30+$0x60] =	vst v3;
	v3 =	vmul.f32 v33, v1  }
0x155: {  	v46 =	vld [tilespmem:s30+$0xFFFFFFB0];
	v8 =	vmul.f32 v37, v1;
	[tilespmem:s30+$0xFFFFFF20] =	vst v43  }
0x156: {  	v6 =	vmul.f32 v39, v1;
	[tilespmem:s30+$0xFFFFFF00] =	vst v3;
	v3 =	vld [tilespmem:s30+$0xFFFFFF80]  }
0x157: {  	v49 =	vld [tilespmem:s30+$0xFFFFFFD0];
	v9 =	vmul.f32 v40, v1;
	[tilespmem:s30+$0xFFFFFF30] =	vst v8  }
0x158: {  	v45 =	vld [tilespmem:s30+$0xFFFFFFA0];
	v47 =	vmul.f32 v42, v1;
	[tilespmem:s30+$0xFFFFFF40] =	vst v6  }
0x159: {  	v51 =	vld [tilespmem:s30+$0xFFFFFFF0];
	v5 =	vmul.f32 v44, v2;
	[tilespmem:s30+$0xFFFFFF50] =	vst v9  }
0x15a: {  	v48 =	vld [tilespmem:s30+$0xFFFFFFC0];
	v52 =	vmul.f32 v46, v2;
	[tilespmem:s30+$0xFFFFFF60] =	vst v47  }
0x15b: {  	[tilespmem:s30+$0xFFFFFF90] =	vst v5;
	v3 =	vmul.f32 v3, v2  }
0x15c: {  	v50 =	vld [tilespmem:s30+$0xFFFFFFE0];
	v54 =	vmul.f32 v49, v2;
	[tilespmem:s30+$0xFFFFFFB0] =	vst v52  }
0x15d: {  	[tilespmem:s30+$0xFFFFFF80] =	vst v3;
	v3 =	vmul.f32 v45, v2  }
0x15e: {  	v53 =	vld [tilespmem:s30+$0xFFFFFF70];
	v57 =	vmul.f32 v51, v2;
	[tilespmem:s30+$0xFFFFFFD0] =	vst v54  }
0x15f: {  	[tilespmem:s30+$0xFFFFFFA0] =	vst v3;
	v3 =	vmul.f32 v48, v2  }
0x160: {  	v55 =	vld [tilespmem:s30+$0x80];
	[tilespmem:s30+$0xFFFFFFF0] =	vst v57  }
0x161: {  	s31 =	sadd.s32 $0x40, s11;
	v56 =	vld [tilespmem:s30+$0x90];
	[tilespmem:s30+$0xFFFFFFC0] =	vst v3;
	v3 =	vmul.f32 v50, v2  }
0x162: {  	v58 =	vld [tilespmem:s30+$0xA0];
	[tilespmem:s31+$0x0] =	vst v7  }
0x163: {  	v59 =	vld [tilespmem:s30+$0xB0];
	[tilespmem:s30+$0xFFFFFFE0] =	vst v3;
	v3 =	vmul.f32 v53, v1  }
0x164: {  	v60 =	vld [tilespmem:s30+$0xC0];
	[tilespmem:s31+$0xFFFFFFF0] =	vst v2  }
0x165: {  	v61 =	vld [tilespmem:s30+$0xD0];
	v2 =	vmul.f32 v55, v4;
	[tilespmem:s30+$0xFFFFFF70] =	vst v3  }
0x166: {  	v62 =	vld [tilespmem:s30+$0xE0];
	v3 =	vmul.f32 v56, v4;
	[tilespmem:s31+$0xFFFFFFE0] =	vst v1  }
0x167: {  	v63 =	vld [tilespmem:s30+$0xF0];
	v1 =	vmul.f32 v58, v4;
	[tilespmem:s30+$0x80] =	vst v2  }
0x168: {  	v2 =	vmul.f32 v59, v4;
	[tilespmem:s30+$0x90] =	vst v3  }
0x169: {  	v3 =	vmul.f32 v60, v4;
	[tilespmem:s30+$0xA0] =	vst v1  }
0x16a: {  	v1 =	vmul.f32 v61, v4;
	[tilespmem:s30+$0xB0] =	vst v2  }
0x16b: {  	v2 =	vmul.f32 v62, v4;
	[tilespmem:s30+$0xC0] =	vst v3  }
0x16c: {  	v3 =	vmul.f32 v63, v4;
	[tilespmem:s30+$0xD0] =	vst v1  }
0x16d: {  	[tilespmem:s30+$0xE0] =	vst v2  }
0x16e: {  	[tilespmem:s30+$0xF0] =	vst v3  }
0x16f: {  	p0 =	sgt.u32 s17, $0x7A;
	[tilespmem:s31+$0x10] =	vst v4  }
0x170: {  	[spmem:s2] =	stream.indirect.scatter.add.f32 [tilespmem:s22], [sflag:$0x4], $0x80, s18, s16, $0xb8;
	[tilespmem:$0x1F2C0] =	vst v63  }
0x171: {  	s1 =	simm.s32 @!p0 $0x2  }
0x172: {  	[spmem:s3] =	stream.indirect.scatter.add.f32 [tilespmem:s12], [sflag:$0x4], $0x10, s18, s16, $0xb8;
	[tilespmem:$0x1F2C0] =	vst v63  }
0x173: {  	_ =	swait.ge @!p0 [sflag:s1], $0x2800  }
0x174: {  	s10 =	smul.u32 @!p0 $0x50, s17;
	[sflag:s1] =	ssyncset.done @!p0 $0x0  }
0x175: {  	[sflag:s1] =	ssyncadd.s32 @!p0 $0xFFFFD800  }
0x176: {  	s10 =	sadd.s32 @!p0 s10, s0;
	_ =	swait.ge @!p0 [sflag:s1], $0x500  }
0x177: {  	s10 =	sshrl.u32 @!p0 s10, $0x3;
	[sflag:s1] =	ssyncset.done @!p0 $0x0  }
0x178: {  	s11 =	simm.s32 @!p0 $0x0;
	[sflag:s1] =	ssyncadd.s32 @!p0 $0xFFFFFB00;
	s1 =	sadd.s32 @!p0 s5, s10  }
0x179: {  	[tilespmem:s11], [sflag:$0x1] =	stream.linear.gather @!p0 [hbm4b:s1+s11], $0x50, $0x38;
	[tilespmem:$0x1F2C0] =	vst v63  }
0x17a: {  	s1 =	sadd.s32 @!p0 s6, s10;
	s10 =	simm.s32 @!p0 $0x50  }
0x17b: {  	[tilespmem:s10], [sflag:$0x1] =	stream.linear.gather @!p0 [hbm4b:s1+s11], $0x50, $0x38;
	[tilespmem:$0x1F2C0] =	vst v63  }
0x17c: {  	s1 =	simm.s32 @!p0 $0x1  }
0x17d: {  	_ =	swait.ge @!p0 [sflag:s1], $0x50  }
0x17e: {  	[sflag:s1] =	ssyncset.done @!p0 $0x0  }
0x17f: {  	[sflag:s1] =	ssyncadd.s32 @!p0 $0xFFFFFFB0  }
0x180: {  	_ =	swait.ge @!p0 [sflag:s1], $0x50  }
0x181: {  	[sflag:s1] =	ssyncset.done @!p0 $0x0  }
0x182: {  	[sflag:s1] =	ssyncadd.s32 @!p0 $0xFFFFFFB0;
	s1 =	simm.s32 @!p0 $0xA0  }
0x183: {  	[tilespmem:s1], [sflag:$0x1] =	stream.indirect.gather @!p0 [hbm4b:s7+s10], $0x80, s11, s10, $0xb8;
	[tilespmem:$0x1F2C0] =	vst v63  }
.Ltmp8:
0x184: {  	_ = 	snop;
	(pc) =	sbr.rel .LBB2_15-.Ltmp8, $4  }
0x185: {  	s1 =	simm.s32 @!p0 $0x28A0  }
0x186: {  	[tilespmem:s1], [sflag:$0x1] =	stream.indirect.gather @!p0 [hbm4b:s8+s10], $0x1, s11, s10, $0xb8;
	[tilespmem:$0x1F2C0] =	vst v63  }
0x187: {  	s1 =	simm.s32 @!p0 $0x28F0  }
0x188: {  	[tilespmem:s1], [sflag:$0x1] =	stream.indirect.gather @!p0 [hbm4b:s9+s10], $0x1, s10, s10, $0xb8;
	[tilespmem:$0x1F2C0] =	vst v63  }
.LBB2_12:
0x189: {  	_ =	swait.ge [sflag:s24], $0x2800  }
0x18a: {  	[sflag:s24] =	ssyncset.done $0x0  }
0x18b: {  	[sflag:s24] =	ssyncadd.s32 $0xFFFFD800  }
0x18c: {  	_ =	swait.ge [sflag:s24], $0x50  }
0x18d: {  	[sflag:s24] =	ssyncset.done $0x0  }
0x18e: {  	[sflag:s24] =	ssyncadd.s32 $0xFFFFFFB0  }
0x18f: {  	_ =	swait.ge [sflag:s24], $0x50  }
0x190: {  	[sflag:s24] =	ssyncset.done $0x0  }
0x191: {  	[sflag:s24] =	ssyncadd.s32 $0xFFFFFFB0  }
0x192: {  	v1 =	vld [tilespmem:$0x8520]  }
0x193: {  	v2 =	vld [tilespmem:$0x8570]  }
0x194: {  	v3 =	vld [tilespmem:$0x8530]  }
0x195: {  	v4 =	vld [tilespmem:$0x8580]  }
0x196: {  	v5 =	vld [tilespmem:$0x8540]  }
0x197: {  	v6 =	vld [tilespmem:$0x8590]  }
0x198: {  	v7 =	vld [tilespmem:$0x85A0];
	v1 =	vadd.f32 v2, v1  }
0x199: {  	v9 =	vld [tilespmem:$0x8560]  }
0x19a: {  	v2 =	vld [tilespmem:$0x8550];
	v8 =	vmul.f32 $2.000000030e-01, v1  }
0x19b: {  	v10 =	vld [tilespmem:$0x85B0];
	vm0 =	vge.f32 v1, $0.0e+00  }
0x19c: {  	v3 =	vadd.f32 v4, v3;
	v1 =	vsel vm0, v1, v8  }
0x19d: {  	v1 =	vmul.f32 $1.442695020e+00, v1  }
0x19e: {  	v5 =	vadd.f32 v6, v5;
	v4 =	vmul.f32 $2.000000030e-01, v3  }
0x19f: {  	vm12 =	vge.f32 v3, $0.0e+00;
	(erf) = vpow2.f32 v1;
	v1 =	vadd.f32 v7, v2  }
0x1a0: {  	v2 =	vsel vm12, v3, v4;
	v3 =	vmul.f32 $2.000000030e-01, v5;
	v4 =	vadd.f32 v10, v9  }
0x1a1: {  	vm13 =	vge.f32 v5, $0.0e+00;
	v2 =	vmul.f32 $1.442695020e+00, v2;
	v6 =	vmul.f32 $2.000000030e-01, v1  }
0x1a2: {  	v3 =	vsel vm13, v5, v3;
	vm14 =	vge.f32 v1, $0.0e+00;
	v5 =	vmul.f32 $2.000000030e-01, v4  }
0x1a3: {  	vm15 =	vge.f32 v4, $0.0e+00;
	v3 =	vmul.f32 $1.442695020e+00, v3;
	v1 =	vsel vm14, v1, v6  }
0x1a4: {  	(erf) = vpow2.f32 v2;
	v2 =	vsel vm15, v4, v5;
	v1 =	vmul.f32 $1.442695020e+00, v1  }
0x1a5: {  	(erf) = vpow2.f32 v3;
	v2 =	vmul.f32 $1.442695020e+00, v2  }
0x1a6: {  	(erf) = vpow2.f32 v1  }
0x1a7: {  	(erf) = vpow2.f32 v2;
	_ =	sdelay $0x1  }
0x1a8: {  	s1 =	simm.s32 $0x0  }
0x1a9: {  	s10 =	simm.s32 $0x2;
	v1 =	vmov s1  }
0x1aa: {  	v1 =	vand.u32 $0xFFFFFFFC, v1;
	v2 =	vmov s10  }
0x1ab: {  	v3 =	vpop (erf);
	v1 =	vbroadcast v1, $0x0;
	v2 =	vand.u32 $0xFFFFFFFE, v2  }
0x1ac: {  	[tilespmem:$0x8520] =	vst v3;
	v2 =	vbroadcast v2, $0x0;
	v4 =	vpop (erf)  }
0x1ad: {  	[tilespmem:$0x8530] =	vst v4;
	v3 =	vpop (erf)  }
0x1ae: {  	[tilespmem:$0x8540] =	vst v3;
	v4 =	vpop (erf)  }
0x1af: {  	[tilespmem:$0x8550] =	vst v4;
	v3 =	vpop (erf)  }
0x1b0: {  	[tilespmem:$0x8560] =	vst v3  }
0x1b1: {  	v11 =	vld.idx.msk [tilespmem:v1+s25+$0x0], $0xffff  }
0x1b2: {  	s10 =	simm.s32 $0x5E20;
	v2 =	vld.idx.msk [tilespmem:v2+s25+$0x0], $0xffff  }
0x1b3: {  	v3 =	vld [tilespmem:s10+$0x0]  }
0x1b4: {  	v4 =	vld [tilespmem:s10+$0x10]  }
0x1b5: {  	v5 =	vld [tilespmem:s10+$0x20]  }
0x1b6: {  	v6 =	vld [tilespmem:s10+$0x30]  }
0x1b7: {  	s11 =	simm.s32 $0x1;
	v7 =	vld [tilespmem:s10+$0x40]  }
0x1b8: {  	v1 =	vmov s11;
	v8 =	vld [tilespmem:s10+$0x50]  }
0x1b9: {  	v9 =	vld [tilespmem:s10+$0x60];
	v1 =	vand.u32 $0xFFFFFFFD, v1  }
0x1ba: {  	v10 =	vld [tilespmem:s10+$0xFFFFFF00];
	v1 =	vbroadcast v1, $0x0;
	v3 =	vmul.f32 v3, v2  }
0x1bb: {  	v12 =	vld [tilespmem:s10+$0xFFFFFF70];
	v5 =	vmul.f32 v5, v2  }
0x1bc: {  	v13 =	vld [tilespmem:s10+$0xFFFFFFA0];
	[tilespmem:s10+$0x0] =	vst v3;
	v3 =	vmul.f32 v4, v2  }
0x1bd: {  	v4 =	vld [tilespmem:s10+$0x70];
	[tilespmem:s10+$0x20] =	vst v5;
	v5 =	vmul.f32 v7, v2  }
0x1be: {  	v7 =	vld [tilespmem:s10+$0xFFFFFF20];
	[tilespmem:s10+$0x10] =	vst v3;
	v3 =	vmul.f32 v6, v2  }
0x1bf: {  	v6 =	vld [tilespmem:s10+$0xFFFFFF10];
	[tilespmem:s10+$0x40] =	vst v5;
	v5 =	vmul.f32 v9, v2  }
0x1c0: {  	v1 =	vld.idx.msk [tilespmem:v1+s25+$0x0], $0xffff;
	[tilespmem:s10+$0x30] =	vst v3;
	v3 =	vmul.f32 v8, v2  }
0x1c1: {  	v10 =	vmul.f32 v10, v11;
	v8 =	vld [tilespmem:s10+$0xFFFFFF30];
	[tilespmem:s10+$0x60] =	vst v5  }
0x1c2: {  	v5 =	vld [tilespmem:s10+$0xFFFFFF60];
	[tilespmem:s10+$0x50] =	vst v3;
	v3 =	vmul.f32 v4, v2  }
0x1c3: {  	[tilespmem:s10+$0xFFFFFF00] =	vst v10;
	v9 =	vld [tilespmem:s10+$0xFFFFFF40]  }
0x1c4: {  	s11 =	simm.s32 $0x85E0;
	v4 =	vld [tilespmem:s10+$0xFFFFFF50];
	[tilespmem:s10+$0x70] =	vst v3;
	v3 =	vmul.f32 v6, v11  }
0x1c5: {  	v6 =	vmul.f32 v7, v11;
	[tilespmem:s11+$0x0] =	vst v2;
	v2 =	vld [tilespmem:s10+$0xFFFFFF80]  }
0x1c6: {  	v7 =	vld [tilespmem:s10+$0xFFFFFF90];
	v8 =	vmul.f32 v8, v11;
	[tilespmem:s10+$0xFFFFFF10] =	vst v3  }
0x1c7: {  	s28 =	simm.s32 $0x3;
	v5 =	vmul.f32 v5, v11;
	[tilespmem:s10+$0xFFFFFF20] =	vst v6;
	v6 =	vld [tilespmem:s10+$0xFFFFFFB0]  }
0x1c8: {  	v10 =	vmov s28;
	v3 =	vmul.f32 v9, v11;
	v9 =	vld [tilespmem:s10+$0xFFFFFFD0];
	[tilespmem:s10+$0xFFFFFF30] =	vst v8  }
0x1c9: {  	v4 =	vmul.f32 v4, v11;
	v8 =	vld [tilespmem:s10+$0xFFFFFFC0];
	[tilespmem:s10+$0xFFFFFF60] =	vst v5  }
0x1ca: {  	v5 =	vld [tilespmem:s10+$0xFFFFFFF0];
	[tilespmem:s10+$0xFFFFFF40] =	vst v3;
	v2 =	vmul.f32 v2, v1  }
0x1cb: {  	[tilespmem:s10+$0xFFFFFF50] =	vst v4;
	v4 =	vld [tilespmem:s10+$0xFFFFFFE0];
	v7 =	vmul.f32 v7, v1  }
0x1cc: {  	s1 =	simm.s32 $0x7;
	v16 =	vld [tilespmem:s10+$0xB0];
	s28 =	simm.s32 $0x4;
	[tilespmem:s10+$0xFFFFFF80] =	vst v2;
	v2 =	vmul.f32 v13, v1  }
0x1cd: {  	v14 =	vmov s1;
	v3 =	vld.idx.msk [tilespmem:v10+s25+$0x0], $0xffff;
	v10 =	vmov s28;
	s28 =	simm.s32 $0x5;
	[tilespmem:s10+$0xFFFFFF90] =	vst v7;
	v6 =	vmul.f32 v6, v1  }
0x1ce: {  	v18 =	vld [tilespmem:s10+$0xC0];
	v7 =	vand.u32 $0xFFFFFFFC, v10;
	v10 =	vmov s28;
	[tilespmem:s10+$0xFFFFFFA0] =	vst v2;
	v2 =	vmul.f32 v8, v1  }
0x1cf: {  	s28 =	simm.s32 $0x6;
	v13 =	vld [tilespmem:s10+$0x80];
	v15 =	vbroadcast v7, $0x0;
	v7 =	vand.u32 $0xFFFFFFFD, v10;
	[tilespmem:s10+$0xFFFFFFB0] =	vst v6;
	v6 =	vmul.f32 v9, v1  }
0x1d0: {  	v8 =	vld [tilespmem:s10+$0x90];
	[tilespmem:s10+$0xFFFFFFC0] =	vst v2;
	v2 =	vmul.f32 v4, v1;
	v4 =	vmul.f32 v5, v1;
	v5 =	vmov s28  }
0x1d1: {  	v9 =	vld [tilespmem:s10+$0xA0];
	v17 =	vbroadcast v7, $0x0;
	[tilespmem:s10+$0xFFFFFFD0] =	vst v6;
	v5 =	vand.u32 $0xFFFFFFFE, v5  }
0x1d2: {  	v19 =	vld [tilespmem:s10+$0xD0];
	[tilespmem:s10+$0xFFFFFFE0] =	vst v2;
	v7 =	vbroadcast v5, $0x0  }
0x1d3: {  	v6 =	vld [tilespmem:s10+$0xE0];
	v2 =	vmul.f32 v12, v11;
	[tilespmem:s10+$0xFFFFFFF0] =	vst v4  }
0x1d4: {  	v5 =	vld [tilespmem:s10+$0xF0];
	v12 =	vmul.f32 v13, v3;
	[tilespmem:s11+$0xFFFFFFF0] =	vst v1  }
0x1d5: {  	v4 =	vld.idx.msk [tilespmem:v14+s25+$0x0], $0xffff;
	v10 =	vmul.f32 v8, v3;
	[tilespmem:s10+$0xFFFFFF70] =	vst v2  }
0x1d6: {  	v8 =	vmul.f32 v9, v3;
	v9 =	vmul.f32 v16, v3;
	v1 =	vld.idx.msk [tilespmem:v15+s25+$0x0], $0xffff;
	[tilespmem:s10+$0x80] =	vst v12  }
0x1d7: {  	s31 =	simm.s32 $0x8;
	s30 =	simm.s32 $0x5E20;
	v2 =	vld.idx.msk [tilespmem:v17+s25+$0x0], $0xffff;
	v12 =	vmul.f32 v19, v3;
	[tilespmem:s11+$0xFFFFFFE0] =	vst v11;
	v11 =	vmul.f32 v18, v3  }
.LBB2_13:
0x1d8: {  	p0 =	slt.u32 s31, $0x4C;
	v7 =	vld.idx.msk [tilespmem:v7+s25+$0x0], $0xffff;
	[tilespmem:s10+$0x90] =	vst v10;
	v6 =	vmul.f32 v6, v3;
	s30 =	sadd.s32 $0x200, s30  }
0x1d9: {  	v10 =	vld [tilespmem:s30+$0x0];
	[tilespmem:s10+$0xA0] =	vst v8;
	v5 =	vmul.f32 v5, v3  }
0x1da: {  	v8 =	vld [tilespmem:s30+$0x10];
	[tilespmem:s10+$0xB0] =	vst v9  }
0x1db: {  	v9 =	vld [tilespmem:s30+$0x20];
	[tilespmem:s10+$0xC0] =	vst v11  }
0x1dc: {  	v11 =	vld [tilespmem:s30+$0x30];
	[tilespmem:s10+$0xD0] =	vst v12  }
0x1dd: {  	v12 =	vld [tilespmem:s30+$0x40];
	[tilespmem:s10+$0xE0] =	vst v6  }
0x1de: {  	v6 =	vmul.f32 v10, v7;
	v10 =	vld [tilespmem:s30+$0x50];
	[tilespmem:s10+$0xF0] =	vst v5;
	s10 =	smov.u32 s30  }
0x1df: {  	v5 =	vmul.f32 v8, v7;
	v8 =	vld [tilespmem:s30+$0x60];
	[tilespmem:s11+$0x10] =	vst v3;
	v3 =	vmov v4  }
0x1e0: {  	[tilespmem:s30+$0x0] =	vst v6;
	v4 =	vmul.f32 v9, v7;
	v6 =	vld [tilespmem:s30+$0x70]  }
0x1e1: {  	v9 =	vld [tilespmem:s30+$0xFFFFFF00];
	[tilespmem:s30+$0x10] =	vst v5;
	v5 =	vmul.f32 v11, v7  }
0x1e2: {  	v11 =	vld [tilespmem:s30+$0xFFFFFF10];
	[tilespmem:s30+$0x20] =	vst v4;
	v4 =	vmul.f32 v12, v7  }
0x1e3: {  	v12 =	vld [tilespmem:s30+$0xFFFFFF20];
	[tilespmem:s30+$0x30] =	vst v5;
	v5 =	vmul.f32 v10, v7  }
0x1e4: {  	v10 =	vld [tilespmem:s30+$0xFFFFFF30];
	[tilespmem:s30+$0x40] =	vst v4;
	v4 =	vmul.f32 v8, v7  }
0x1e5: {  	v8 =	vld [tilespmem:s30+$0xFFFFFF40];
	[tilespmem:s30+$0x50] =	vst v5;
	v5 =	vmul.f32 v6, v7  }
0x1e6: {  	v6 =	vmul.f32 v9, v1;
	v9 =	vld [tilespmem:s30+$0xFFFFFF50];
	[tilespmem:s30+$0x60] =	vst v4  }
0x1e7: {  	s11 =	sadd.s32 $0x40, s11;
	v4 =	vmul.f32 v11, v1;
	v11 =	vld [tilespmem:s30+$0xFFFFFF60];
	[tilespmem:s30+$0x70] =	vst v5  }
0x1e8: {  	v5 =	vmul.f32 v12, v1;
	v12 =	vld [tilespmem:s30+$0xFFFFFF70];
	[tilespmem:s11+$0x0] =	vst v7  }
0x1e9: {  	[tilespmem:s30+$0xFFFFFF00] =	vst v6;
	v6 =	vmul.f32 v10, v1;
	v7 =	vld [tilespmem:s30+$0xFFFFFF80]  }
0x1ea: {  	[tilespmem:s30+$0xFFFFFF10] =	vst v4;
	v4 =	vmul.f32 v8, v1;
	v8 =	vld [tilespmem:s30+$0xFFFFFF90]  }
0x1eb: {  	[tilespmem:s30+$0xFFFFFF20] =	vst v5;
	v5 =	vmul.f32 v9, v1;
	v9 =	vld [tilespmem:s30+$0xFFFFFFA0]  }
0x1ec: {  	[tilespmem:s30+$0xFFFFFF30] =	vst v6;
	v6 =	vmul.f32 v11, v1;
	v10 =	vld [tilespmem:s30+$0xFFFFFFB0]  }
0x1ed: {  	[tilespmem:s30+$0xFFFFFF40] =	vst v4;
	v11 =	vmul.f32 v12, v1;
	v4 =	vld [tilespmem:s30+$0xFFFFFFC0]  }
0x1ee: {  	[tilespmem:s30+$0xFFFFFF50] =	vst v5;
	v5 =	vmul.f32 v7, v2;
	v7 =	vld [tilespmem:s30+$0xFFFFFFD0]  }
0x1ef: {  	[tilespmem:s30+$0xFFFFFF60] =	vst v6;
	v6 =	vmul.f32 v8, v2;
	v8 =	vld [tilespmem:s30+$0xFFFFFFE0]  }
0x1f0: {  	[tilespmem:s30+$0xFFFFFF80] =	vst v5;
	v5 =	vmul.f32 v9, v2;
	v9 =	vld [tilespmem:s30+$0xFFFFFFF0]  }
0x1f1: {  	s1 =	sadd.s32 $0x3, s31;
	v12 =	vmov s31;
	[tilespmem:s30+$0xFFFFFF90] =	vst v6;
	v6 =	vmul.f32 v10, v2;
	v10 =	vld [tilespmem:s30+$0x80]  }
0x1f2: {  	s28 =	sadd.s32 $0x1, s31;
	v13 =	vmov s1;
	v12 =	vand.u32 $0xFFFFFFFC, v12;
	[tilespmem:s30+$0xFFFFFFA0] =	vst v5;
	v4 =	vmul.f32 v4, v2;
	v5 =	vld [tilespmem:s30+$0x90]  }
0x1f3: {  	v14 =	vmov s28;
	s1 =	sadd.s32 $0x2, s31;
	v12 =	vbroadcast v12, $0x0;
	[tilespmem:s30+$0xFFFFFFB0] =	vst v6;
	v6 =	vmul.f32 v7, v2;
	v15 =	vld [tilespmem:s30+$0xA0]  }
0x1f4: {  	v7 =	vand.u32 $0xFFFFFFFD, v14;
	v14 =	vmov s1;
	[tilespmem:s30+$0xFFFFFFC0] =	vst v4;
	v4 =	vmul.f32 v8, v2;
	v16 =	vld [tilespmem:s30+$0xB0]  }
0x1f5: {  	v17 =	vbroadcast v7, $0x0;
	v7 =	vand.u32 $0xFFFFFFFE, v14;
	[tilespmem:s30+$0xFFFFFFD0] =	vst v6;
	v6 =	vmul.f32 v9, v2;
	v14 =	vld [tilespmem:s30+$0xC0]  }
0x1f6: {  	v7 =	vbroadcast v7, $0x0;
	[tilespmem:s30+$0xFFFFFFE0] =	vst v4;
	v18 =	vmul.f32 v10, v3;
	v19 =	vld [tilespmem:s30+$0xD0]  }
.Ltmp9:
0x1f7: {  	[tilespmem:s30+$0xFFFFFFF0] =	vst v6;
	v10 =	vmul.f32 v5, v3;
	v6 =	vld [tilespmem:s30+$0xE0];
	(pc) =	sbr.rel @p0 .LBB2_13-.Ltmp9, $4  }
0x1f8: {  	[tilespmem:s11+$0xFFFFFFF0] =	vst v2;
	v8 =	vmul.f32 v15, v3;
	v5 =	vld [tilespmem:s30+$0xF0]  }
0x1f9: {  	v4 =	vld.idx.msk [tilespmem:v13+s25+$0x0], $0xffff;
	[tilespmem:s30+$0xFFFFFF70] =	vst v11;
	v9 =	vmul.f32 v16, v3  }
0x1fa: {  	[tilespmem:s11+$0xFFFFFFE0] =	vst v1;
	v1 =	vld.idx.msk [tilespmem:v12+s25+$0x0], $0xffff;
	v11 =	vmul.f32 v14, v3  }
0x1fb: {  	s31 =	sadd.s32 $0x4, s31;
	v2 =	vld.idx.msk [tilespmem:v17+s25+$0x0], $0xffff;
	[tilespmem:s30+$0x80] =	vst v18;
	v12 =	vmul.f32 v19, v3  }
0x1fc: {  	_ =	sdelay $0x3  }
0x1fd: {  	v7 =	vld.idx.msk [tilespmem:v7+s25+$0x0], $0xffff;
	[tilespmem:s10+$0x90] =	vst v10;
	s30 =	sadd.s32 $0x200, s30  }
0x1fe: {  	[tilespmem:s10+$0xA0] =	vst v8;
	v22 =	vld [tilespmem:s30+$0x0]  }
0x1ff: {  	[tilespmem:s10+$0xB0] =	vst v9;
	v23 =	vld [tilespmem:s30+$0x10]  }
0x200: {  	v6 =	vmul.f32 v6, v3;
	[tilespmem:s10+$0xC0] =	vst v11;
	v24 =	vld [tilespmem:s30+$0x20]  }
0x201: {  	v5 =	vmul.f32 v5, v3;
	v25 =	vld [tilespmem:s30+$0x30];
	[tilespmem:s10+$0xD0] =	vst v12  }
0x202: {  	v28 =	vld [tilespmem:s30+$0x50];
	[tilespmem:s10+$0xE0] =	vst v6  }
0x203: {  	v31 =	vld [tilespmem:s30+$0x70];
	[tilespmem:s10+$0xF0] =	vst v5;
	v27 =	vmul.f32 v22, v7  }
0x204: {  	v26 =	vld [tilespmem:s30+$0x40];
	[tilespmem:s11+$0x10] =	vst v3;
	v29 =	vmul.f32 v23, v7  }
0x205: {  	v34 =	vld [tilespmem:s30+$0xFFFFFF10];
	v3 =	vmul.f32 v24, v7;
	[tilespmem:s30+$0x0] =	vst v27  }
0x206: {  	v30 =	vld [tilespmem:s30+$0x60];
	v32 =	vmul.f32 v25, v7;
	[tilespmem:s30+$0x10] =	vst v29  }
0x207: {  	v36 =	vld [tilespmem:s30+$0xFFFFFF20];
	v35 =	vmul.f32 v28, v7;
	[tilespmem:s30+$0x20] =	vst v3  }
0x208: {  	v33 =	vld [tilespmem:s30+$0xFFFFFF00];
	v38 =	vmul.f32 v31, v7;
	[tilespmem:s30+$0x30] =	vst v32  }
0x209: {  	v37 =	vld [tilespmem:s30+$0xFFFFFF30];
	v3 =	vmul.f32 v26, v7;
	[tilespmem:s30+$0x50] =	vst v35  }
0x20a: {  	v39 =	vld [tilespmem:s30+$0xFFFFFF40];
	v41 =	vmul.f32 v34, v1;
	[tilespmem:s30+$0x70] =	vst v38  }
0x20b: {  	v40 =	vld [tilespmem:s30+$0xFFFFFF50];
	[tilespmem:s30+$0x40] =	vst v3;
	v3 =	vmul.f32 v30, v7  }
0x20c: {  	v42 =	vld [tilespmem:s30+$0xFFFFFF60];
	v43 =	vmul.f32 v36, v1;
	[tilespmem:s30+$0xFFFFFF10] =	vst v41  }
0x20d: {  	v44 =	vld [tilespmem:s30+$0xFFFFFF90];
	[tilespmem:s30+$0x60] =	vst v3;
	v3 =	vmul.f32 v33, v1  }
0x20e: {  	v46 =	vld [tilespmem:s30+$0xFFFFFFB0];
	v8 =	vmul.f32 v37, v1;
	[tilespmem:s30+$0xFFFFFF20] =	vst v43  }
0x20f: {  	v6 =	vmul.f32 v39, v1;
	[tilespmem:s30+$0xFFFFFF00] =	vst v3;
	v3 =	vld [tilespmem:s30+$0xFFFFFF80]  }
0x210: {  	v49 =	vld [tilespmem:s30+$0xFFFFFFD0];
	v9 =	vmul.f32 v40, v1;
	[tilespmem:s30+$0xFFFFFF30] =	vst v8  }
0x211: {  	v45 =	vld [tilespmem:s30+$0xFFFFFFA0];
	v47 =	vmul.f32 v42, v1;
	[tilespmem:s30+$0xFFFFFF40] =	vst v6  }
0x212: {  	v51 =	vld [tilespmem:s30+$0xFFFFFFF0];
	v5 =	vmul.f32 v44, v2;
	[tilespmem:s30+$0xFFFFFF50] =	vst v9  }
0x213: {  	v48 =	vld [tilespmem:s30+$0xFFFFFFC0];
	v52 =	vmul.f32 v46, v2;
	[tilespmem:s30+$0xFFFFFF60] =	vst v47  }
0x214: {  	[tilespmem:s30+$0xFFFFFF90] =	vst v5;
	v3 =	vmul.f32 v3, v2  }
0x215: {  	v50 =	vld [tilespmem:s30+$0xFFFFFFE0];
	v54 =	vmul.f32 v49, v2;
	[tilespmem:s30+$0xFFFFFFB0] =	vst v52  }
0x216: {  	[tilespmem:s30+$0xFFFFFF80] =	vst v3;
	v3 =	vmul.f32 v45, v2  }
0x217: {  	v53 =	vld [tilespmem:s30+$0xFFFFFF70];
	v57 =	vmul.f32 v51, v2;
	[tilespmem:s30+$0xFFFFFFD0] =	vst v54  }
0x218: {  	[tilespmem:s30+$0xFFFFFFA0] =	vst v3;
	v3 =	vmul.f32 v48, v2  }
0x219: {  	v55 =	vld [tilespmem:s30+$0x80];
	[tilespmem:s30+$0xFFFFFFF0] =	vst v57  }
0x21a: {  	s31 =	sadd.s32 $0x40, s11;
	v56 =	vld [tilespmem:s30+$0x90];
	[tilespmem:s30+$0xFFFFFFC0] =	vst v3;
	v3 =	vmul.f32 v50, v2  }
0x21b: {  	v58 =	vld [tilespmem:s30+$0xA0];
	[tilespmem:s31+$0x0] =	vst v7  }
0x21c: {  	v59 =	vld [tilespmem:s30+$0xB0];
	[tilespmem:s30+$0xFFFFFFE0] =	vst v3;
	v3 =	vmul.f32 v53, v1  }
0x21d: {  	v60 =	vld [tilespmem:s30+$0xC0];
	[tilespmem:s31+$0xFFFFFFF0] =	vst v2  }
0x21e: {  	v61 =	vld [tilespmem:s30+$0xD0];
	v2 =	vmul.f32 v55, v4;
	[tilespmem:s30+$0xFFFFFF70] =	vst v3  }
0x21f: {  	v62 =	vld [tilespmem:s30+$0xE0];
	v3 =	vmul.f32 v56, v4;
	[tilespmem:s31+$0xFFFFFFE0] =	vst v1  }
0x220: {  	v63 =	vld [tilespmem:s30+$0xF0];
	v1 =	vmul.f32 v58, v4;
	[tilespmem:s30+$0x80] =	vst v2  }
0x221: {  	v2 =	vmul.f32 v59, v4;
	[tilespmem:s30+$0x90] =	vst v3  }
0x222: {  	v3 =	vmul.f32 v60, v4;
	[tilespmem:s30+$0xA0] =	vst v1  }
0x223: {  	v1 =	vmul.f32 v61, v4;
	[tilespmem:s30+$0xB0] =	vst v2  }
0x224: {  	v2 =	vmul.f32 v62, v4;
	[tilespmem:s30+$0xC0] =	vst v3  }
0x225: {  	v3 =	vmul.f32 v63, v4;
	[tilespmem:s30+$0xD0] =	vst v1  }
0x226: {  	p0 =	sgt.u32 s17, $0x7A;
	[tilespmem:s30+$0xE0] =	vst v2  }
0x227: {  	p1 =	seq.s32 @!p0 s17, $0x0;
	[tilespmem:s30+$0xF0] =	vst v3  }
0x228: {  	s1 =	simm.s32 $0x5D20;
	p1 =	por p1, p0;
	[tilespmem:s31+$0x10] =	vst v4  }
0x229: {  	[spmem:s2] =	stream.indirect.scatter.add.f32 [tilespmem:s1], [sflag:$0x6], $0x80, s26, s16, $0xb8;
	[tilespmem:$0x1F2C0] =	vst v63  }
0x22a: {  	s1 =	simm.s32 @!p1 $0x4  }
0x22b: {  	[spmem:s3] =	stream.indirect.scatter.add.f32 [tilespmem:s29], [sflag:$0x6], $0x10, s26, s16, $0xb8;
	[tilespmem:$0x1F2C0] =	vst v63  }
0x22c: {  	_ =	swait.ge @!p1 [sflag:s1], $0x2800  }
0x22d: {  	[sflag:s1] =	ssyncset.done @!p1 $0x0  }
0x22e: {  	s10 =	smul.u32 @!p0 $0x50, s17;
	[sflag:s1] =	ssyncadd.s32 @!p1 $0xFFFFD800  }
0x22f: {  	_ =	swait.ge @!p1 [sflag:s1], $0x500  }
0x230: {  	s10 =	sadd.s32 @!p0 s10, s0;
	[sflag:s1] =	ssyncset.done @!p1 $0x0  }
0x231: {  	[sflag:s1] =	ssyncadd.s32 @!p1 $0xFFFFFB00;
	s1 =	sshrl.u32 @!p0 s10, $0x3  }
0x232: {  	s28 =	simm.s32 @!p0 $0x2E40;
	s11 =	simm.s32 @!p0 $0x0;
	s10 =	sadd.s32 @!p0 s5, s1  }
0x233: {  	[tilespmem:s28], [sflag:$0x3] =	stream.linear.gather @!p0 [hbm4b:s10+s11], $0x50, $0x38;
	[tilespmem:$0x1F2C0] =	vst v63  }
0x234: {  	s1 =	sadd.s32 @!p0 s6, s1;
	s10 =	simm.s32 @!p0 $0x2E90  }
0x235: {  	[tilespmem:s10], [sflag:$0x3] =	stream.linear.gather @!p0 [hbm4b:s1+s11], $0x50, $0x38;
	[tilespmem:$0x1F2C0] =	vst v63  }
0x236: {  	s1 =	simm.s32 @!p0 $0x3  }
0x237: {  	_ =	swait.ge @!p0 [sflag:s1], $0x50  }
0x238: {  	[sflag:s1] =	ssyncset.done @!p0 $0x0  }
0x239: {  	[sflag:s1] =	ssyncadd.s32 @!p0 $0xFFFFFFB0  }
0x23a: {  	_ =	swait.ge @!p0 [sflag:s1], $0x50  }
0x23b: {  	[sflag:s1] =	ssyncset.done @!p0 $0x0  }
0x23c: {  	s11 =	simm.s32 @!p0 $0x2EE0;
	[sflag:s1] =	ssyncadd.s32 @!p0 $0xFFFFFFB0;
	s1 =	simm.s32 @!p0 $0x50  }
0x23d: {  	[tilespmem:s11], [sflag:$0x3] =	stream.indirect.gather @!p0 [hbm4b:s7+s1], $0x80, s28, s1, $0xb8;
	[tilespmem:$0x1F2C0] =	vst v63  }
.Ltmp10:
0x23e: {  	_ = 	snop;
	(pc) =	sbr.rel .LBB2_15-.Ltmp10, $4  }
0x23f: {  	s11 =	simm.s32 @!p0 $0x56E0  }
0x240: {  	[tilespmem:s11], [sflag:$0x3] =	stream.indirect.gather @!p0 [hbm4b:s8+s1], $0x1, s28, s1, $0xb8;
	[tilespmem:$0x1F2C0] =	vst v63  }
0x241: {  	s11 =	simm.s32 @!p0 $0x5730  }
0x242: {  	[tilespmem:s11], [sflag:$0x3] =	stream.indirect.gather @!p0 [hbm4b:s9+s1], $0x1, s10, s1, $0xb8;
	[tilespmem:$0x1F2C0] =	vst v63  }
.LBB2_6:
0x243: {  	_ =	swait.ge [sflag:s19], $0x2800  }
0x244: {  	[sflag:s19] =	ssyncset.done $0x0  }
0x245: {  	[sflag:s19] =	ssyncadd.s32 $0xFFFFD800  }
0x246: {  	_ =	swait.ge [sflag:s19], $0x50  }
0x247: {  	[sflag:s19] =	ssyncset.done $0x0  }
0x248: {  	[sflag:s19] =	ssyncadd.s32 $0xFFFFFFB0  }
0x249: {  	_ =	swait.ge [sflag:s19], $0x50  }
0x24a: {  	[sflag:s19] =	ssyncset.done $0x0  }
0x24b: {  	[sflag:s19] =	ssyncadd.s32 $0xFFFFFFB0  }
0x24c: {  	v1 =	vld [tilespmem:$0x28A0]  }
0x24d: {  	v2 =	vld [tilespmem:$0x28F0]  }
0x24e: {  	v3 =	vld [tilespmem:$0x28B0]  }
0x24f: {  	v4 =	vld [tilespmem:$0x2900]  }
0x250: {  	v5 =	vld [tilespmem:$0x28C0]  }
0x251: {  	v6 =	vld [tilespmem:$0x2910]  }
0x252: {  	v7 =	vld [tilespmem:$0x2920];
	v1 =	vadd.f32 v2, v1  }
0x253: {  	v9 =	vld [tilespmem:$0x28E0]  }
0x254: {  	v2 =	vld [tilespmem:$0x28D0];
	v8 =	vmul.f32 $2.000000030e-01, v1  }
0x255: {  	v10 =	vld [tilespmem:$0x2930];
	vm0 =	vge.f32 v1, $0.0e+00  }
0x256: {  	v3 =	vadd.f32 v4, v3;
	v1 =	vsel vm0, v1, v8  }
0x257: {  	v1 =	vmul.f32 $1.442695020e+00, v1  }
0x258: {  	v5 =	vadd.f32 v6, v5;
	v4 =	vmul.f32 $2.000000030e-01, v3  }
0x259: {  	vm12 =	vge.f32 v3, $0.0e+00;
	(erf) = vpow2.f32 v1;
	v1 =	vadd.f32 v7, v2  }
0x25a: {  	v2 =	vsel vm12, v3, v4;
	v3 =	vmul.f32 $2.000000030e-01, v5;
	v4 =	vadd.f32 v10, v9  }
0x25b: {  	vm13 =	vge.f32 v5, $0.0e+00;
	v2 =	vmul.f32 $1.442695020e+00, v2;
	v6 =	vmul.f32 $2.000000030e-01, v1  }
0x25c: {  	v3 =	vsel vm13, v5, v3;
	vm14 =	vge.f32 v1, $0.0e+00;
	v5 =	vmul.f32 $2.000000030e-01, v4  }
0x25d: {  	vm15 =	vge.f32 v4, $0.0e+00;
	v3 =	vmul.f32 $1.442695020e+00, v3;
	v1 =	vsel vm14, v1, v6  }
0x25e: {  	(erf) = vpow2.f32 v2;
	v2 =	vsel vm15, v4, v5;
	v1 =	vmul.f32 $1.442695020e+00, v1  }
0x25f: {  	(erf) = vpow2.f32 v3;
	v2 =	vmul.f32 $1.442695020e+00, v2  }
0x260: {  	(erf) = vpow2.f32 v1  }
0x261: {  	(erf) = vpow2.f32 v2;
	_ =	sdelay $0x1  }
0x262: {  	s10 =	simm.s32 $0x0  }
0x263: {  	s28 =	simm.s32 $0x2;
	v1 =	vmov s10  }
0x264: {  	v1 =	vand.u32 $0xFFFFFFFC, v1;
	v2 =	vmov s28  }
0x265: {  	v3 =	vpop (erf);
	v1 =	vbroadcast v1, $0x0;
	v2 =	vand.u32 $0xFFFFFFFE, v2  }
0x266: {  	[tilespmem:$0x28A0] =	vst v3;
	v2 =	vbroadcast v2, $0x0;
	v4 =	vpop (erf)  }
0x267: {  	[tilespmem:$0x28B0] =	vst v4;
	v3 =	vpop (erf)  }
0x268: {  	[tilespmem:$0x28C0] =	vst v3;
	v4 =	vpop (erf)  }
0x269: {  	[tilespmem:$0x28D0] =	vst v4;
	v3 =	vpop (erf)  }
0x26a: {  	[tilespmem:$0x28E0] =	vst v3  }
0x26b: {  	v11 =	vld.idx.msk [tilespmem:v1+s20+$0x0], $0xffff  }
0x26c: {  	s10 =	simm.s32 $0x1A0;
	v2 =	vld.idx.msk [tilespmem:v2+s20+$0x0], $0xffff  }
0x26d: {  	v3 =	vld [tilespmem:s10+$0x0]  }
0x26e: {  	v4 =	vld [tilespmem:s10+$0x10]  }
0x26f: {  	v5 =	vld [tilespmem:s10+$0x20]  }
0x270: {  	v6 =	vld [tilespmem:s10+$0x30]  }
0x271: {  	s11 =	simm.s32 $0x1;
	v7 =	vld [tilespmem:s10+$0x40]  }
0x272: {  	v1 =	vmov s11;
	v8 =	vld [tilespmem:s10+$0x50]  }
0x273: {  	v9 =	vld [tilespmem:s10+$0x60];
	v1 =	vand.u32 $0xFFFFFFFD, v1  }
0x274: {  	v10 =	vld [tilespmem:s10+$0xFFFFFF00];
	v1 =	vbroadcast v1, $0x0;
	v3 =	vmul.f32 v3, v2  }
0x275: {  	v12 =	vld [tilespmem:s10+$0xFFFFFF70];
	v5 =	vmul.f32 v5, v2  }
0x276: {  	v13 =	vld [tilespmem:s10+$0xFFFFFFA0];
	[tilespmem:s10+$0x0] =	vst v3;
	v3 =	vmul.f32 v4, v2  }
0x277: {  	v4 =	vld [tilespmem:s10+$0x70];
	[tilespmem:s10+$0x20] =	vst v5;
	v5 =	vmul.f32 v7, v2  }
0x278: {  	v7 =	vld [tilespmem:s10+$0xFFFFFF20];
	[tilespmem:s10+$0x10] =	vst v3;
	v3 =	vmul.f32 v6, v2  }
0x279: {  	v6 =	vld [tilespmem:s10+$0xFFFFFF10];
	[tilespmem:s10+$0x40] =	vst v5;
	v5 =	vmul.f32 v9, v2  }
0x27a: {  	v1 =	vld.idx.msk [tilespmem:v1+s20+$0x0], $0xffff;
	[tilespmem:s10+$0x30] =	vst v3;
	v3 =	vmul.f32 v8, v2  }
0x27b: {  	v10 =	vmul.f32 v10, v11;
	v8 =	vld [tilespmem:s10+$0xFFFFFF30];
	[tilespmem:s10+$0x60] =	vst v5  }
0x27c: {  	v5 =	vld [tilespmem:s10+$0xFFFFFF60];
	[tilespmem:s10+$0x50] =	vst v3;
	v3 =	vmul.f32 v4, v2  }
0x27d: {  	[tilespmem:s10+$0xFFFFFF00] =	vst v10;
	v9 =	vld [tilespmem:s10+$0xFFFFFF40]  }
0x27e: {  	s11 =	simm.s32 $0x2960;
	v4 =	vld [tilespmem:s10+$0xFFFFFF50];
	[tilespmem:s10+$0x70] =	vst v3;
	v3 =	vmul.f32 v6, v11  }
0x27f: {  	v6 =	vmul.f32 v7, v11;
	[tilespmem:s11+$0x0] =	vst v2;
	v2 =	vld [tilespmem:s10+$0xFFFFFF80]  }
0x280: {  	s30 =	simm.s32 $0x3;
	v7 =	vld [tilespmem:s10+$0xFFFFFF90];
	v8 =	vmul.f32 v8, v11;
	[tilespmem:s10+$0xFFFFFF10] =	vst v3  }
0x281: {  	v10 =	vmov s30;
	v5 =	vmul.f32 v5, v11;
	[tilespmem:s10+$0xFFFFFF20] =	vst v6;
	v6 =	vld [tilespmem:s10+$0xFFFFFFB0]  }
0x282: {  	v3 =	vmul.f32 v9, v11;
	v9 =	vld [tilespmem:s10+$0xFFFFFFD0];
	[tilespmem:s10+$0xFFFFFF30] =	vst v8  }
0x283: {  	v4 =	vmul.f32 v4, v11;
	v8 =	vld [tilespmem:s10+$0xFFFFFFC0];
	[tilespmem:s10+$0xFFFFFF60] =	vst v5  }
0x284: {  	v5 =	vld [tilespmem:s10+$0xFFFFFFF0];
	[tilespmem:s10+$0xFFFFFF40] =	vst v3;
	v2 =	vmul.f32 v2, v1  }
0x285: {  	s30 =	simm.s32 $0x4;
	[tilespmem:s10+$0xFFFFFF50] =	vst v4;
	v4 =	vld [tilespmem:s10+$0xFFFFFFE0];
	v7 =	vmul.f32 v7, v1  }
0x286: {  	v3 =	vld.idx.msk [tilespmem:v10+s20+$0x0], $0xffff;
	v10 =	vmov s30;
	s30 =	simm.s32 $0x7;
	[tilespmem:s10+$0xFFFFFF80] =	vst v2;
	v2 =	vmul.f32 v13, v1  }
0x287: {  	s31 =	simm.s32 $0x5;
	v16 =	vld [tilespmem:s10+$0xB0];
	v14 =	vmov s30;
	[tilespmem:s10+$0xFFFFFF90] =	vst v7;
	v6 =	vmul.f32 v6, v1  }
0x288: {  	v18 =	vld [tilespmem:s10+$0xC0];
	v7 =	vand.u32 $0xFFFFFFFC, v10;
	v10 =	vmov s31;
	[tilespmem:s10+$0xFFFFFFA0] =	vst v2;
	v2 =	vmul.f32 v8, v1  }
0x289: {  	s30 =	simm.s32 $0x6;
	v13 =	vld [tilespmem:s10+$0x80];
	v15 =	vbroadcast v7, $0x0;
	v7 =	vand.u32 $0xFFFFFFFD, v10;
	[tilespmem:s10+$0xFFFFFFB0] =	vst v6;
	v6 =	vmul.f32 v9, v1  }
0x28a: {  	v8 =	vld [tilespmem:s10+$0x90];
	[tilespmem:s10+$0xFFFFFFC0] =	vst v2;
	v2 =	vmul.f32 v4, v1;
	v4 =	vmul.f32 v5, v1;
	v5 =	vmov s30  }
0x28b: {  	v9 =	vld [tilespmem:s10+$0xA0];
	v17 =	vbroadcast v7, $0x0;
	[tilespmem:s10+$0xFFFFFFD0] =	vst v6;
	v5 =	vand.u32 $0xFFFFFFFE, v5  }
0x28c: {  	v19 =	vld [tilespmem:s10+$0xD0];
	[tilespmem:s10+$0xFFFFFFE0] =	vst v2;
	v7 =	vbroadcast v5, $0x0  }
0x28d: {  	v6 =	vld [tilespmem:s10+$0xE0];
	v2 =	vmul.f32 v12, v11;
	[tilespmem:s10+$0xFFFFFFF0] =	vst v4  }
0x28e: {  	v5 =	vld [tilespmem:s10+$0xF0];
	v12 =	vmul.f32 v13, v3;
	[tilespmem:s11+$0xFFFFFFF0] =	vst v1  }
0x28f: {  	v4 =	vld.idx.msk [tilespmem:v14+s20+$0x0], $0xffff;
	v10 =	vmul.f32 v8, v3;
	[tilespmem:s10+$0xFFFFFF70] =	vst v2  }
0x290: {  	v8 =	vmul.f32 v9, v3;
	v9 =	vmul.f32 v16, v3;
	v1 =	vld.idx.msk [tilespmem:v15+s20+$0x0], $0xffff;
	[tilespmem:s10+$0x80] =	vst v12  }
0x291: {  	s31 =	simm.s32 $0x8;
	s30 =	simm.s32 $0x1A0;
	v2 =	vld.idx.msk [tilespmem:v17+s20+$0x0], $0xffff;
	v12 =	vmul.f32 v19, v3;
	[tilespmem:s11+$0xFFFFFFE0] =	vst v11;
	v11 =	vmul.f32 v18, v3  }
.LBB2_7:
0x292: {  	p0 =	slt.u32 s31, $0x4C;
	v7 =	vld.idx.msk [tilespmem:v7+s20+$0x0], $0xffff;
	[tilespmem:s10+$0x90] =	vst v10;
	v6 =	vmul.f32 v6, v3;
	s30 =	sadd.s32 $0x200, s30  }
0x293: {  	v10 =	vld [tilespmem:s30+$0x0];
	[tilespmem:s10+$0xA0] =	vst v8;
	v5 =	vmul.f32 v5, v3  }
0x294: {  	v8 =	vld [tilespmem:s30+$0x10];
	[tilespmem:s10+$0xB0] =	vst v9  }
0x295: {  	v9 =	vld [tilespmem:s30+$0x20];
	[tilespmem:s10+$0xC0] =	vst v11  }
0x296: {  	v11 =	vld [tilespmem:s30+$0x30];
	[tilespmem:s10+$0xD0] =	vst v12  }
0x297: {  	v12 =	vld [tilespmem:s30+$0x40];
	[tilespmem:s10+$0xE0] =	vst v6  }
0x298: {  	v6 =	vmul.f32 v10, v7;
	v10 =	vld [tilespmem:s30+$0x50];
	[tilespmem:s10+$0xF0] =	vst v5;
	s10 =	smov.u32 s30  }
0x299: {  	v5 =	vmul.f32 v8, v7;
	v8 =	vld [tilespmem:s30+$0x60];
	[tilespmem:s11+$0x10] =	vst v3;
	v3 =	vmov v4  }
0x29a: {  	[tilespmem:s30+$0x0] =	vst v6;
	v4 =	vmul.f32 v9, v7;
	v6 =	vld [tilespmem:s30+$0x70]  }
0x29b: {  	v9 =	vld [tilespmem:s30+$0xFFFFFF00];
	[tilespmem:s30+$0x10] =	vst v5;
	v5 =	vmul.f32 v11, v7  }
0x29c: {  	v11 =	vld [tilespmem:s30+$0xFFFFFF10];
	[tilespmem:s30+$0x20] =	vst v4;
	v4 =	vmul.f32 v12, v7  }
0x29d: {  	v12 =	vld [tilespmem:s30+$0xFFFFFF20];
	[tilespmem:s30+$0x30] =	vst v5;
	v5 =	vmul.f32 v10, v7  }
0x29e: {  	v10 =	vld [tilespmem:s30+$0xFFFFFF30];
	[tilespmem:s30+$0x40] =	vst v4;
	v4 =	vmul.f32 v8, v7  }
0x29f: {  	v8 =	vld [tilespmem:s30+$0xFFFFFF40];
	[tilespmem:s30+$0x50] =	vst v5;
	v5 =	vmul.f32 v6, v7  }
0x2a0: {  	v6 =	vmul.f32 v9, v1;
	v9 =	vld [tilespmem:s30+$0xFFFFFF50];
	[tilespmem:s30+$0x60] =	vst v4  }
0x2a1: {  	s11 =	sadd.s32 $0x40, s11;
	v4 =	vmul.f32 v11, v1;
	v11 =	vld [tilespmem:s30+$0xFFFFFF60];
	[tilespmem:s30+$0x70] =	vst v5  }
0x2a2: {  	v5 =	vmul.f32 v12, v1;
	v12 =	vld [tilespmem:s30+$0xFFFFFF70];
	[tilespmem:s11+$0x0] =	vst v7  }
0x2a3: {  	[tilespmem:s30+$0xFFFFFF00] =	vst v6;
	v6 =	vmul.f32 v10, v1;
	v7 =	vld [tilespmem:s30+$0xFFFFFF80]  }
0x2a4: {  	[tilespmem:s30+$0xFFFFFF10] =	vst v4;
	v4 =	vmul.f32 v8, v1;
	v8 =	vld [tilespmem:s30+$0xFFFFFF90]  }
0x2a5: {  	[tilespmem:s30+$0xFFFFFF20] =	vst v5;
	v5 =	vmul.f32 v9, v1;
	v9 =	vld [tilespmem:s30+$0xFFFFFFA0]  }
0x2a6: {  	[tilespmem:s30+$0xFFFFFF30] =	vst v6;
	v6 =	vmul.f32 v11, v1;
	v10 =	vld [tilespmem:s30+$0xFFFFFFB0]  }
0x2a7: {  	[tilespmem:s30+$0xFFFFFF40] =	vst v4;
	v11 =	vmul.f32 v12, v1;
	v4 =	vld [tilespmem:s30+$0xFFFFFFC0]  }
0x2a8: {  	[tilespmem:s30+$0xFFFFFF50] =	vst v5;
	v5 =	vmul.f32 v7, v2;
	v7 =	vld [tilespmem:s30+$0xFFFFFFD0]  }
0x2a9: {  	[tilespmem:s30+$0xFFFFFF60] =	vst v6;
	v6 =	vmul.f32 v8, v2;
	v8 =	vld [tilespmem:s30+$0xFFFFFFE0]  }
0x2aa: {  	[tilespmem:s30+$0xFFFFFF80] =	vst v5;
	v5 =	vmul.f32 v9, v2;
	v9 =	vld [tilespmem:s30+$0xFFFFFFF0]  }
0x2ab: {  	s1 =	sadd.s32 $0x3, s31;
	v12 =	vmov s31;
	[tilespmem:s30+$0xFFFFFF90] =	vst v6;
	v6 =	vmul.f32 v10, v2;
	v10 =	vld [tilespmem:s30+$0x80]  }
0x2ac: {  	s28 =	sadd.s32 $0x1, s31;
	v13 =	vmov s1;
	v12 =	vand.u32 $0xFFFFFFFC, v12;
	[tilespmem:s30+$0xFFFFFFA0] =	vst v5;
	v4 =	vmul.f32 v4, v2;
	v5 =	vld [tilespmem:s30+$0x90]  }
0x2ad: {  	v14 =	vmov s28;
	s1 =	sadd.s32 $0x2, s31;
	v12 =	vbroadcast v12, $0x0;
	[tilespmem:s30+$0xFFFFFFB0] =	vst v6;
	v6 =	vmul.f32 v7, v2;
	v15 =	vld [tilespmem:s30+$0xA0]  }
0x2ae: {  	v7 =	vand.u32 $0xFFFFFFFD, v14;
	v14 =	vmov s1;
	[tilespmem:s30+$0xFFFFFFC0] =	vst v4;
	v4 =	vmul.f32 v8, v2;
	v16 =	vld [tilespmem:s30+$0xB0]  }
0x2af: {  	v17 =	vbroadcast v7, $0x0;
	v7 =	vand.u32 $0xFFFFFFFE, v14;
	[tilespmem:s30+$0xFFFFFFD0] =	vst v6;
	v6 =	vmul.f32 v9, v2;
	v14 =	vld [tilespmem:s30+$0xC0]  }
0x2b0: {  	v7 =	vbroadcast v7, $0x0;
	[tilespmem:s30+$0xFFFFFFE0] =	vst v4;
	v18 =	vmul.f32 v10, v3;
	v19 =	vld [tilespmem:s30+$0xD0]  }
.Ltmp11:
0x2b1: {  	[tilespmem:s30+$0xFFFFFFF0] =	vst v6;
	v10 =	vmul.f32 v5, v3;
	v6 =	vld [tilespmem:s30+$0xE0];
	(pc) =	sbr.rel @p0 .LBB2_7-.Ltmp11, $4  }
0x2b2: {  	[tilespmem:s11+$0xFFFFFFF0] =	vst v2;
	v8 =	vmul.f32 v15, v3;
	v5 =	vld [tilespmem:s30+$0xF0]  }
0x2b3: {  	v4 =	vld.idx.msk [tilespmem:v13+s20+$0x0], $0xffff;
	[tilespmem:s30+$0xFFFFFF70] =	vst v11;
	v9 =	vmul.f32 v16, v3  }
0x2b4: {  	[tilespmem:s11+$0xFFFFFFE0] =	vst v1;
	v1 =	vld.idx.msk [tilespmem:v12+s20+$0x0], $0xffff;
	v11 =	vmul.f32 v14, v3  }
0x2b5: {  	s31 =	sadd.s32 $0x4, s31;
	v2 =	vld.idx.msk [tilespmem:v17+s20+$0x0], $0xffff;
	[tilespmem:s30+$0x80] =	vst v18;
	v12 =	vmul.f32 v19, v3  }
0x2b6: {  	_ =	sdelay $0x3  }
0x2b7: {  	v7 =	vld.idx.msk [tilespmem:v7+s20+$0x0], $0xffff;
	[tilespmem:s10+$0x90] =	vst v10;
	s30 =	sadd.s32 $0x200, s30  }
0x2b8: {  	[tilespmem:s10+$0xA0] =	vst v8;
	v22 =	vld [tilespmem:s30+$0x0]  }
0x2b9: {  	[tilespmem:s10+$0xB0] =	vst v9;
	v23 =	vld [tilespmem:s30+$0x10]  }
0x2ba: {  	v6 =	vmul.f32 v6, v3;
	[tilespmem:s10+$0xC0] =	vst v11;
	v24 =	vld [tilespmem:s30+$0x20]  }
0x2bb: {  	v5 =	vmul.f32 v5, v3;
	v25 =	vld [tilespmem:s30+$0x30];
	[tilespmem:s10+$0xD0] =	vst v12  }
0x2bc: {  	v28 =	vld [tilespmem:s30+$0x50];
	[tilespmem:s10+$0xE0] =	vst v6  }
0x2bd: {  	v31 =	vld [tilespmem:s30+$0x70];
	[tilespmem:s10+$0xF0] =	vst v5;
	v27 =	vmul.f32 v22, v7  }
0x2be: {  	v26 =	vld [tilespmem:s30+$0x40];
	[tilespmem:s11+$0x10] =	vst v3;
	v29 =	vmul.f32 v23, v7  }
0x2bf: {  	v34 =	vld [tilespmem:s30+$0xFFFFFF10];
	v3 =	vmul.f32 v24, v7;
	[tilespmem:s30+$0x0] =	vst v27  }
0x2c0: {  	v30 =	vld [tilespmem:s30+$0x60];
	v32 =	vmul.f32 v25, v7;
	[tilespmem:s30+$0x10] =	vst v29  }
0x2c1: {  	v36 =	vld [tilespmem:s30+$0xFFFFFF20];
	v35 =	vmul.f32 v28, v7;
	[tilespmem:s30+$0x20] =	vst v3  }
0x2c2: {  	v33 =	vld [tilespmem:s30+$0xFFFFFF00];
	v38 =	vmul.f32 v31, v7;
	[tilespmem:s30+$0x30] =	vst v32  }
0x2c3: {  	v37 =	vld [tilespmem:s30+$0xFFFFFF30];
	v3 =	vmul.f32 v26, v7;
	[tilespmem:s30+$0x50] =	vst v35  }
0x2c4: {  	v39 =	vld [tilespmem:s30+$0xFFFFFF40];
	v41 =	vmul.f32 v34, v1;
	[tilespmem:s30+$0x70] =	vst v38  }
0x2c5: {  	v40 =	vld [tilespmem:s30+$0xFFFFFF50];
	[tilespmem:s30+$0x40] =	vst v3;
	v3 =	vmul.f32 v30, v7  }
0x2c6: {  	v42 =	vld [tilespmem:s30+$0xFFFFFF60];
	v43 =	vmul.f32 v36, v1;
	[tilespmem:s30+$0xFFFFFF10] =	vst v41  }
0x2c7: {  	v44 =	vld [tilespmem:s30+$0xFFFFFF90];
	[tilespmem:s30+$0x60] =	vst v3;
	v3 =	vmul.f32 v33, v1  }
0x2c8: {  	v46 =	vld [tilespmem:s30+$0xFFFFFFB0];
	v8 =	vmul.f32 v37, v1;
	[tilespmem:s30+$0xFFFFFF20] =	vst v43  }
0x2c9: {  	v6 =	vmul.f32 v39, v1;
	[tilespmem:s30+$0xFFFFFF00] =	vst v3;
	v3 =	vld [tilespmem:s30+$0xFFFFFF80]  }
0x2ca: {  	v49 =	vld [tilespmem:s30+$0xFFFFFFD0];
	v9 =	vmul.f32 v40, v1;
	[tilespmem:s30+$0xFFFFFF30] =	vst v8  }
0x2cb: {  	v45 =	vld [tilespmem:s30+$0xFFFFFFA0];
	v47 =	vmul.f32 v42, v1;
	[tilespmem:s30+$0xFFFFFF40] =	vst v6  }
0x2cc: {  	v51 =	vld [tilespmem:s30+$0xFFFFFFF0];
	v5 =	vmul.f32 v44, v2;
	[tilespmem:s30+$0xFFFFFF50] =	vst v9  }
0x2cd: {  	v48 =	vld [tilespmem:s30+$0xFFFFFFC0];
	v52 =	vmul.f32 v46, v2;
	[tilespmem:s30+$0xFFFFFF60] =	vst v47  }
0x2ce: {  	[tilespmem:s30+$0xFFFFFF90] =	vst v5;
	v3 =	vmul.f32 v3, v2  }
0x2cf: {  	v50 =	vld [tilespmem:s30+$0xFFFFFFE0];
	v54 =	vmul.f32 v49, v2;
	[tilespmem:s30+$0xFFFFFFB0] =	vst v52  }
0x2d0: {  	[tilespmem:s30+$0xFFFFFF80] =	vst v3;
	v3 =	vmul.f32 v45, v2  }
0x2d1: {  	v53 =	vld [tilespmem:s30+$0xFFFFFF70];
	v57 =	vmul.f32 v51, v2;
	[tilespmem:s30+$0xFFFFFFD0] =	vst v54  }
0x2d2: {  	[tilespmem:s30+$0xFFFFFFA0] =	vst v3;
	v3 =	vmul.f32 v48, v2  }
0x2d3: {  	v55 =	vld [tilespmem:s30+$0x80];
	[tilespmem:s30+$0xFFFFFFF0] =	vst v57  }
0x2d4: {  	s31 =	sadd.s32 $0x40, s11;
	v56 =	vld [tilespmem:s30+$0x90];
	[tilespmem:s30+$0xFFFFFFC0] =	vst v3;
	v3 =	vmul.f32 v50, v2  }
0x2d5: {  	v58 =	vld [tilespmem:s30+$0xA0];
	[tilespmem:s31+$0x0] =	vst v7  }
0x2d6: {  	v59 =	vld [tilespmem:s30+$0xB0];
	[tilespmem:s30+$0xFFFFFFE0] =	vst v3;
	v3 =	vmul.f32 v53, v1  }
0x2d7: {  	v60 =	vld [tilespmem:s30+$0xC0];
	[tilespmem:s31+$0xFFFFFFF0] =	vst v2  }
0x2d8: {  	v61 =	vld [tilespmem:s30+$0xD0];
	v2 =	vmul.f32 v55, v4;
	[tilespmem:s30+$0xFFFFFF70] =	vst v3  }
0x2d9: {  	v62 =	vld [tilespmem:s30+$0xE0];
	v3 =	vmul.f32 v56, v4;
	[tilespmem:s31+$0xFFFFFFE0] =	vst v1  }
0x2da: {  	v63 =	vld [tilespmem:s30+$0xF0];
	v1 =	vmul.f32 v58, v4;
	[tilespmem:s30+$0x80] =	vst v2  }
0x2db: {  	v2 =	vmul.f32 v59, v4;
	[tilespmem:s30+$0x90] =	vst v3  }
0x2dc: {  	v3 =	vmul.f32 v60, v4;
	[tilespmem:s30+$0xA0] =	vst v1  }
0x2dd: {  	v1 =	vmul.f32 v61, v4;
	[tilespmem:s30+$0xB0] =	vst v2  }
0x2de: {  	v2 =	vmul.f32 v62, v4;
	[tilespmem:s30+$0xC0] =	vst v3  }
0x2df: {  	v3 =	vmul.f32 v63, v4;
	[tilespmem:s30+$0xD0] =	vst v1  }
0x2e0: {  	p0 =	sgt.u32 s17, $0x7A;
	[tilespmem:s30+$0xE0] =	vst v2  }
0x2e1: {  	p1 =	seq.s32 @!p0 s17, $0x0;
	[tilespmem:s30+$0xF0] =	vst v3  }
0x2e2: {  	p1 =	por p1, p0;
	[tilespmem:s31+$0x10] =	vst v4  }
0x2e3: {  	[spmem:s2] =	stream.indirect.scatter.add.f32 [tilespmem:s13], [sflag:$0x2], $0x80, s16, s16, $0xb8;
	[tilespmem:$0x1F2C0] =	vst v63  }
0x2e4: {  	s1 =	simm.s32 @!p1 $0x6  }
0x2e5: {  	[spmem:s3] =	stream.indirect.scatter.add.f32 [tilespmem:s15], [sflag:$0x2], $0x10, s16, s16, $0xb8;
	[tilespmem:$0x1F2C0] =	vst v63  }
0x2e6: {  	_ =	swait.ge @!p1 [sflag:s1], $0x2800  }
0x2e7: {  	[sflag:s1] =	ssyncset.done @!p1 $0x0  }
0x2e8: {  	s10 =	smul.u32 @!p0 $0x50, s17;
	[sflag:s1] =	ssyncadd.s32 @!p1 $0xFFFFD800  }
0x2e9: {  	_ =	swait.ge @!p1 [sflag:s1], $0x500  }
0x2ea: {  	s10 =	sadd.s32 @!p0 s10, s0;
	[sflag:s1] =	ssyncset.done @!p1 $0x0  }
0x2eb: {  	[sflag:s1] =	ssyncadd.s32 @!p1 $0xFFFFFB00;
	s1 =	sshrl.u32 @!p0 s10, $0x3  }
0x2ec: {  	s28 =	simm.s32 @!p0 $0x5C80;
	s11 =	simm.s32 @!p0 $0x0;
	s10 =	sadd.s32 @!p0 s5, s1  }
0x2ed: {  	[tilespmem:s28], [sflag:$0x5] =	stream.linear.gather @!p0 [hbm4b:s10+s11], $0x50, $0x38;
	[tilespmem:$0x1F2C0] =	vst v63  }
0x2ee: {  	s1 =	sadd.s32 @!p0 s6, s1;
	s10 =	simm.s32 @!p0 $0x5CD0  }
0x2ef: {  	[tilespmem:s10], [sflag:$0x5] =	stream.linear.gather @!p0 [hbm4b:s1+s11], $0x50, $0x38;
	[tilespmem:$0x1F2C0] =	vst v63  }
0x2f0: {  	s1 =	simm.s32 @!p0 $0x5  }
0x2f1: {  	_ =	swait.ge @!p0 [sflag:s1], $0x50  }
0x2f2: {  	[sflag:s1] =	ssyncset.done @!p0 $0x0  }
0x2f3: {  	[sflag:s1] =	ssyncadd.s32 @!p0 $0xFFFFFFB0  }
0x2f4: {  	_ =	swait.ge @!p0 [sflag:s1], $0x50  }
0x2f5: {  	[sflag:s1] =	ssyncset.done @!p0 $0x0  }
0x2f6: {  	s11 =	simm.s32 @!p0 $0x5D20;
	[sflag:s1] =	ssyncadd.s32 @!p0 $0xFFFFFFB0;
	s1 =	simm.s32 @!p0 $0x50  }
0x2f7: {  	[tilespmem:s11], [sflag:$0x5] =	stream.indirect.gather @!p0 [hbm4b:s7+s1], $0x80, s28, s1, $0xb8;
	[tilespmem:$0x1F2C0] =	vst v63  }
.Ltmp12:
0x2f8: {  	_ = 	snop;
	(pc) =	sbr.rel .LBB2_15-.Ltmp12, $4  }
0x2f9: {  	s11 =	simm.s32 @!p0 $0x8520  }
0x2fa: {  	[tilespmem:s11], [sflag:$0x5] =	stream.indirect.gather @!p0 [hbm4b:s8+s1], $0x1, s28, s1, $0xb8;
	[tilespmem:$0x1F2C0] =	vst v63  }
0x2fb: {  	s11 =	simm.s32 @!p0 $0x8570  }
0x2fc: {  	[tilespmem:s11], [sflag:$0x5] =	stream.indirect.gather @!p0 [hbm4b:s9+s1], $0x1, s10, s1, $0xb8;
	[tilespmem:$0x1F2C0] =	vst v63  }
.LBB2_17:
0x2fd: {  	_ =	sfence.sel $0x180000  }
0x2fe: {  	[bflag:$0x0] =	sbarrier.arrive $0xFFFF  }
0x2ff: {  	_ =	strace $0x90000047  }
0x300: {  	s0 =	stileid.u32;
	[bflag:$0x2] =	sbarrier.arrive $0xFFFF  }
0x301: {  	p0 =	sne.s32 s0, $0x0;
	s0 =	rddreg [dreg:$0x4]  }
0x302: {  	s0 =	sadd.s32 @!p0 $0x100000, s0  }
0x303: {  	[sflag:s0] =	ssyncadd.tile.s32 @!p0 $0x1;
	_ =	shalt  }
.Lfunc_end2:
_tile_overlayer_lowered:
.L_overlay_start_2:
0x304: {  	(tag) =	ssettag $0x2  }
0x305: {  	s0 =	rddreg [dreg:$0x0];
	s2 =	stileid.u32  }
0x306: {  	s1 =	rddreg [dreg:$0x1];
	p0 =	sne.s32 s2, $0x0  }
0x307: {  	s3 =	rddreg [dreg:$0x2];
	[bflag:$0x3] =	sbarrier.arrive $0xFFFF;
	s2 =	simm.s32 @!p0 $0x1C07  }
0x308: {  	[timem:s3], [sflag:s2] =	dma.local @!p0 [hbm:s0], s1  }
0x309: {  	s0 =	simm.s32 @!p0 $0x7  }
0x30a: {  	_ =	swait.ge @!p0 [sflag:s0], s1  }
0x30b: {  	s1 =	ssub.s32 @!p0 $0x0, s1;
	[sflag:s0] =	ssyncset.done @!p0 $0x0  }
0x30c: {  	[sflag:s0] =	ssyncadd.s32 @!p0 s1  }
0x30d: {  	[bflag:$0x3] =	sbarrier.arrive $0xFFFF  }
0x30e: {  	_ =	shalt  }

</sc_bundles>
